<compile_context>
chip_gen: v7x
topology: tpu7x:2x2x1
jax: 0.10.2.dev20260603
libtpu: 0.0.44.dev20260713+nightly
codegen_flags: <defaults>
</compile_context>

<pallas_src>
import functools

import jax
import jax.numpy as jnp
from jax import lax
from jax.experimental import pallas as pl
from jax.experimental.pallas import tpu as pltpu
from jax.experimental.pallas import tpu_sc as plsc

_N = 10000
_NPAD = 10240
_FIN = 128
_FOUT = 64
_E_RAW = 320000
_E_TOT = _E_RAW + _N
_CHUNK = 128
_ROWS_TOTAL = 2592
_EPAD = _ROWS_TOTAL * _CHUNK
_ROWS_PER_TILE = _ROWS_TOTAL // 32
_RPT = _ROWS_PER_TILE
_NSLOT = 5
_WRING = 8


def _pre_body(x_ref, w_ref, a2_ref, h_ref, ae_ref):
    h = jnp.dot(x_ref[...], w_ref[...], preferred_element_type=jnp.float32)
    h_ref[...] = h
    wa = jnp.dot(w_ref[...], a2_ref[...], preferred_element_type=jnp.float32)
    ae_ref[...] = jnp.dot(x_ref[...], wa, preferred_element_type=jnp.float32)


_pre_call = pl.pallas_call(
    _pre_body,
    out_shape=[
        jax.ShapeDtypeStruct((_N, _FOUT), jnp.float32),
        jax.ShapeDtypeStruct((_N, 2), jnp.float32),
    ],
)


_mesh = plsc.VectorSubcoreMesh(core_axis_name="c", subcore_axis_name="s")


@functools.partial(
    pl.kernel,
    out_type=[
        jax.ShapeDtypeStruct((2, _NPAD, _FOUT), jnp.float32),
        jax.ShapeDtypeStruct((2, _NPAD), jnp.float32),
    ],
    mesh=_mesh,
    scratch_types=(
        [
            pltpu.VMEM((_RPT, _CHUNK), jnp.int32),
            pltpu.VMEM((_RPT, _CHUNK), jnp.int32),
            pltpu.VMEM((2 * _N,), jnp.float32),
            pltpu.VMEM((_WRING, _CHUNK), jnp.float32),
            pltpu.VMEM((_NPAD // 16,), jnp.float32),
        ]
        + [pltpu.VMEM((_CHUNK, _FOUT), jnp.float32)] * _NSLOT
        + [
            pltpu.VMEM_SHARED((_NPAD, _FOUT), jnp.float32),
            pltpu.VMEM_SHARED((_NPAD,), jnp.float32),
        ]
        + [pltpu.SemaphoreType.DMA] * (2 * _NSLOT + 1)
    ),
    compiler_params=pltpu.CompilerParams(
        needs_layout_passes=False, use_tc_tiling_on_sc=False
    ),
)
def _edge_call(src_ref, dst_ref, ae_ref, h_ref,
               num_out, den_out,
               src_v, dst_v, ae_v, w_v, z_v,
               r0, r1, r2, r3, r4,
               num_acc, den_acc,
               g0, g1, g2, g3, g4, s0, s1, s2, s3, s4, dsem):
    cid = lax.axis_index("c")
    sid = lax.axis_index("s")
    wid = sid * 2 + cid
    base_row = wid * _RPT

    pltpu.sync_copy(src_ref.at[wid], src_v)
    pltpu.sync_copy(dst_ref.at[wid], dst_v)
    pltpu.sync_copy(ae_ref, ae_v)

    rows_per_sub = _NPAD // 16
    o = sid * rows_per_sub

    def _zrow(r, _):
        for f in range(_FOUT // 16):
            r0[r, pl.ds(f * 16, 16)] = jnp.zeros((16,), jnp.float32)
        return 0

    lax.fori_loop(0, _CHUNK, _zrow, 0)

    def _zden(i, _):
        z_v[pl.ds(i * 16, 16)] = jnp.zeros((16,), jnp.float32)
        return 0

    lax.fori_loop(0, rows_per_sub // 16, _zden, 0)

    for blk in range(rows_per_sub // _CHUNK):
        pltpu.sync_copy(r0, num_acc.at[pl.ds(o + blk * _CHUNK, _CHUNK)])
    pltpu.sync_copy(z_v, den_acc.at[pl.ds(o, rows_per_sub)])

    lane = lax.iota(jnp.int32, 16)
    zeros16 = lane * 0
    ones16 = zeros16 + 1
    ebase = base_row * _CHUNK

    def _wchunk(jj):
        def _wvec(i, _):
            off = i * 16
            sv = src_v[jj, pl.ds(off, 16)]
            dv = dst_v[jj, pl.ds(off, 16)]
            e = (plsc.load_gather(ae_v, [sv + sv])
                 + plsc.load_gather(ae_v, [dv + dv + ones16]))
            e = jnp.maximum(e, 0.2 * e)
            w = jnp.exp(e)
            gid = ebase + jj * _CHUNK + off + lane
            w = jnp.where(gid < _E_TOT, w, 0.0)
            w_v[jj % _WRING, pl.ds(off, 16)] = w
            return 0

        lax.fori_loop(0, _CHUNK // 16, _wvec, 0)

    plsc.subcore_barrier()

    bufs = (r0, r1, r2, r3, r4)
    gsems = (g0, g1, g2, g3, g4)
    ssems = (s0, s1, s2, s3, s4)
    _PF = _NSLOT - 2

    def _chunk_body(j, k):
        buf, gs, ss = bufs[k], gsems[k], ssems[k]
        kp = (k + _PF) % _NSLOT
        pltpu.make_async_copy(h_ref.at[src_v.at[j]], buf, gs).wait()

        @pl.when(j >= 2)
        def _():
            pltpu.make_async_copy(
                bufs[kp], num_acc.at[dst_v.at[j - 2]], ssems[kp]).wait()

        @pl.when(j + _PF < _RPT)
        def _():
            pltpu.async_copy(h_ref.at[src_v.at[j + _PF]], bufs[kp], gsems[kp])
            _wchunk(j + _PF)

        jv = zeros16 + (j % _WRING)

        def _s(r, rvec):
            wb = plsc.load_gather(w_v, [jv, rvec])
            for f in range(_FOUT // 16):
                sl = pl.ds(f * 16, 16)
                buf[r, sl] = buf[r, sl] * wb
            return rvec + 1

        lax.fori_loop(0, _CHUNK, _s, zeros16, unroll=4)
        pltpu.async_copy(buf, num_acc.at[dst_v.at[j]], ss, add=True)
        pltpu.async_copy(w_v.at[j % _WRING], den_acc.at[dst_v.at[j]], dsem,
                         add=True)

        @pl.when(j >= 4)
        def _():
            pltpu.make_async_copy(
                w_v.at[(j - 4) % _WRING], den_acc.at[dst_v.at[j - 4]],
                dsem).wait()

    for jj in range(_PF):
        pltpu.async_copy(h_ref.at[src_v.at[jj]], bufs[jj], gsems[jj])
    for jj in range(_PF):
        _wchunk(jj)

    def _grow(p, _):
        for k in range(_NSLOT):
            _chunk_body(_NSLOT * p + k, k)
        return 0

    lax.fori_loop(0, _RPT // _NSLOT, _grow, 0)
    for j in range(_RPT - _RPT % _NSLOT, _RPT):
        _chunk_body(j, j % _NSLOT)

    for j in range(_RPT - 2, _RPT):
        pltpu.make_async_copy(
            bufs[j % _NSLOT], num_acc.at[dst_v.at[j]], ssems[j % _NSLOT]).wait()

    for j in range(_RPT - 4, _RPT):
        pltpu.make_async_copy(
            w_v.at[j % _WRING], den_acc.at[dst_v.at[j]], dsem).wait()

    plsc.subcore_barrier()

    pltpu.sync_copy(num_acc.at[pl.ds(o, rows_per_sub)],
                    num_out.at[cid, pl.ds(o, rows_per_sub)])
    pltpu.sync_copy(den_acc.at[pl.ds(o, rows_per_sub)],
                    den_out.at[cid, pl.ds(o, rows_per_sub)])


def _post_body(num_ref, den_ref, b_ref, o_ref):
    n = num_ref[0, : _N, :] + num_ref[1, : _N, :]
    d = den_ref[0, : _N] + den_ref[1, : _N]
    o_ref[...] = jnp.maximum(n / d[:, None] + b_ref[...][None, :], 0.0)


_post_call = pl.pallas_call(
    _post_body,
    out_shape=jax.ShapeDtypeStruct((_N, _FOUT), jnp.float32),
)


def kernel(x, adj, W, att_src, att_dst, b):
    src = adj[0]
    dst = adj[1]
    loop = jnp.arange(_N, dtype=src.dtype)
    pad = jnp.zeros((_EPAD - _E_TOT,), src.dtype)
    src2 = jnp.concatenate([src, loop, pad]).reshape(32, _RPT, _CHUNK)
    dst2 = jnp.concatenate([dst, loop, pad]).reshape(32, _RPT, _CHUNK)

    a2 = jnp.stack([att_src, att_dst], axis=1)
    h, ae = _pre_call(x, W, a2)
    num, den = _edge_call(src2, dst2, ae.reshape(-1), h)
    return _post_call(num, den, b)

# --- scband reference (transcript-rebuilt; emitter-appended) ---
"""Pipeline reference for scband-stand-gat1-15839839387780 (READ-ONLY COPY).

The authoritative reference and input builder live on the scoring server;
editing this copy changes nothing except your own understanding.
"""

import jax, jax.numpy as jnp
import numpy as np

N = 10000
E = 320000
F_IN = 128
F_OUT = 64


def setup_inputs(seed: int = 0) -> dict:
    key = jax.random.key(seed)
    k1, k2, k3, k4, k5, k6 = jax.random.split(key, 6)
    x = jax.random.normal(k1, (N, F_IN), dtype=jnp.float32)
    edge_index = jax.random.randint(k2, (2, E), 0, N, dtype=jnp.int32)
    # GATConv(nfeat=128, nclass=64, heads=1) parameters
    glorot = float(np.sqrt(6.0 / (F_IN + F_OUT)))
    W = jax.random.uniform(k3, (F_IN, F_OUT), dtype=jnp.float32, minval=-glorot, maxval=glorot)
    ga = float(np.sqrt(6.0 / (F_OUT + 1)))
    att_src = jax.random.uniform(k4, (F_OUT,), dtype=jnp.float32, minval=-ga, maxval=ga)
    att_dst = jax.random.uniform(k5, (F_OUT,), dtype=jnp.float32, minval=-ga, maxval=ga)
    b = jnp.zeros((F_OUT,), dtype=jnp.float32)
    return {"x": x, "adj": edge_index, "W": W, "att_src": att_src, "att_dst": att_dst, "b": b}


def gat_conv(x, src, dst, W, att_src, att_dst, b):
    n = x.shape[0]
    # add self loops (PyG GATConv default add_self_loops=True)
    loop = jnp.arange(n, dtype=src.dtype)
    src = jnp.concatenate([src, loop])
    dst = jnp.concatenate([dst, loop])
    # linear projection (heads=1)
    h = x @ W  # [N, F_OUT]
    # attention logits per node
    a_src = jnp.sum(h * att_src, axis=-1)  # [N]
    a_dst = jnp.sum(h * att_dst, axis=-1)  # [N]
    # per-edge logits: gather
    e = a_src[src] + a_dst[dst]
    e = jax.nn.leaky_relu(e, negative_slope=0.2)
    # softmax over incoming edges of each dst node
    e_max = jax.ops.segment_max(e, dst, num_segments=n)
    e_exp = jnp.exp(e - e_max[dst])
    denom = jax.ops.segment_sum(e_exp, dst, num_segments=n)
    alpha = e_exp / denom[dst]
    # weighted scatter-add message passing
    msg = alpha[:, None] * h[src]
    out = jax.ops.segment_sum(msg, dst, num_segments=n)
    out = out + b
    return out


def reference(x, adj, W, att_src, att_dst, b):
    src = adj[0]
    dst = adj[1]
    out = gat_conv(x, src, dst, W, att_src, att_dst, b)
    return jax.nn.relu(out)

if __name__ == "__main__":
    import jax
    _d = setup_inputs()
    print(jax.jit(kernel)(*tuple(_d.values())))

</pallas_src>

<mosaic_0001>
#map = affine_map<(d0, d1) -> (0, 0, 0)>
#map1 = affine_map<(d0, d1) -> (0)>
#map2 = affine_map<(d0, d1) -> (0, 0)>
module attributes {stable_mosaic.version = 14 : i64} {
  func.func @_edge_call(%arg0: i32, %arg1: i32, %arg2: memref<32x81x128xi32, #tpu.memory_space<hbm>>, %arg3: memref<32x81x128xi32, #tpu.memory_space<hbm>>, %arg4: memref<20000xf32, #tpu.memory_space<hbm>>, %arg5: memref<10000x64xf32, #tpu.memory_space<hbm>>, %arg6: memref<2x10240x64xf32, #tpu.memory_space<hbm>>, %arg7: memref<2x10240xf32, #tpu.memory_space<hbm>>, %arg8: memref<81x128xi32, #tpu.memory_space<vmem>>, %arg9: memref<81x128xi32, #tpu.memory_space<vmem>>, %arg10: memref<20000xf32, #tpu.memory_space<vmem>>, %arg11: memref<8x128xf32, #tpu.memory_space<vmem>>, %arg12: memref<640xf32, #tpu.memory_space<vmem>>, %arg13: memref<128x64xf32, #tpu.memory_space<vmem>>, %arg14: memref<128x64xf32, #tpu.memory_space<vmem>>, %arg15: memref<128x64xf32, #tpu.memory_space<vmem>>, %arg16: memref<128x64xf32, #tpu.memory_space<vmem>>, %arg17: memref<128x64xf32, #tpu.memory_space<vmem>>, %arg18: memref<10240x64xf32, #tpu.memory_space<vmem_shared>>, %arg19: memref<10240xf32, #tpu.memory_space<vmem_shared>>, %arg20: memref<!tpu.dma_semaphore, #tpu.memory_space<semaphore_mem>>, %arg21: memref<!tpu.dma_semaphore, #tpu.memory_space<semaphore_mem>>, %arg22: memref<!tpu.dma_semaphore, #tpu.memory_space<semaphore_mem>>, %arg23: memref<!tpu.dma_semaphore, #tpu.memory_space<semaphore_mem>>, %arg24: memref<!tpu.dma_semaphore, #tpu.memory_space<semaphore_mem>>, %arg25: memref<!tpu.dma_semaphore, #tpu.memory_space<semaphore_mem>>, %arg26: memref<!tpu.dma_semaphore, #tpu.memory_space<semaphore_mem>>, %arg27: memref<!tpu.dma_semaphore, #tpu.memory_space<semaphore_mem>>, %arg28: memref<!tpu.dma_semaphore, #tpu.memory_space<semaphore_mem>>, %arg29: memref<!tpu.dma_semaphore, #tpu.memory_space<semaphore_mem>>, %arg30: memref<!tpu.dma_semaphore, #tpu.memory_space<semaphore_mem>>) attributes {dimension_semantics = [#tpu.dimension_semantics<core_parallel>, #tpu.dimension_semantics<subcore_parallel>], iteration_bounds = array<i64: 2, 16>, scalar_prefetch = 0 : i64, scratch_operands = 23 : i64, tpu.core_type = #tpu.core_type<sc_vector_subcore>, window_params = [{transform_indices = #map}, {transform_indices = #map}, {transform_indices = #map1}, {transform_indices = #map2}, {transform_indices = #map}, {transform_indices = #map2}]} {
    %mul3A = arith.constant 2 : i32
    %mul3A_0 = arith.muli %arg1, %mul3A : i32
    %add3A = arith.addi %mul3A_0, %arg0 : i32
    %mul3A_1 = arith.constant 81 : i32
    %mul3A_2 = arith.muli %add3A, %mul3A_1 : i32
    "tpu.region"() ({
      %run_scoped3A = tpu.sem_alloc : memref<!tpu.dma_semaphore, #tpu.memory_space<semaphore_mem>>
      %dma_start3A_188 = arith.constant 0 : i32
      %dma_start3A_189 = arith.constant 0 : i32
      %dma_start3A_190 = tpu.memref_slice %arg2[%add3A, %dma_start3A_188, %dma_start3A_189] : memref<32x81x128xi32, #tpu.memory_space<hbm>> -> memref<1x81x128xi32, #tpu.memory_space<hbm>>
      %dma_start3A_191 = tpu.memref_squeeze %dma_start3A_190 : memref<1x81x128xi32, #tpu.memory_space<hbm>> -> memref<81x128xi32, #tpu.memory_space<hbm>>
      %dma_start3A_192 = arith.constant 0 : i32
      %dma_start3A_193 = arith.constant 0 : i32
      %dma_start3A_194 = tpu.memref_slice %arg2[%add3A, %dma_start3A_192, %dma_start3A_193] : memref<32x81x128xi32, #tpu.memory_space<hbm>> -> memref<1x81x128xi32, #tpu.memory_space<hbm>>
      %dma_start3A_195 = tpu.memref_squeeze %dma_start3A_194 : memref<1x81x128xi32, #tpu.memory_space<hbm>> -> memref<81x128xi32, #tpu.memory_space<hbm>>
      tpu.enqueue_dma source(%dma_start3A_195 : memref<81x128xi32, #tpu.memory_space<hbm>>) target(%arg8 : memref<81x128xi32, #tpu.memory_space<vmem>>) target_semaphore(%run_scoped3A : memref<!tpu.dma_semaphore, #tpu.memory_space<semaphore_mem>>)
      %dma_wait3A_196 = arith.constant 0 : i32
      %dma_wait3A_197 = arith.constant 0 : i32
      %dma_wait3A_198 = tpu.memref_slice %arg2[%add3A, %dma_wait3A_196, %dma_wait3A_197] : memref<32x81x128xi32, #tpu.memory_space<hbm>> -> memref<1x81x128xi32, #tpu.memory_space<hbm>>
      %dma_wait3A_199 = tpu.memref_squeeze %dma_wait3A_198 : memref<1x81x128xi32, #tpu.memory_space<hbm>> -> memref<81x128xi32, #tpu.memory_space<hbm>>
      %dma_wait3A_200 = arith.constant 0 : i32
      %dma_wait3A_201 = arith.constant 0 : i32
      %dma_wait3A_202 = tpu.memref_slice %arg2[%add3A, %dma_wait3A_200, %dma_wait3A_201] : memref<32x81x128xi32, #tpu.memory_space<hbm>> -> memref<1x81x128xi32, #tpu.memory_space<hbm>>
      %dma_wait3A_203 = tpu.memref_squeeze %dma_wait3A_202 : memref<1x81x128xi32, #tpu.memory_space<hbm>> -> memref<81x128xi32, #tpu.memory_space<hbm>>
      tpu.wait_dma2 semaphore(%run_scoped3A : memref<!tpu.dma_semaphore, #tpu.memory_space<semaphore_mem>>) src(%dma_wait3A_203 : memref<81x128xi32, #tpu.memory_space<hbm>>) dst(%arg8 : memref<81x128xi32, #tpu.memory_space<vmem>>)
      tpu.yield
    }) : () -> ()
    "tpu.region"() ({
      %run_scoped3A = tpu.sem_alloc : memref<!tpu.dma_semaphore, #tpu.memory_space<semaphore_mem>>
      %dma_start3A_188 = arith.constant 0 : i32
      %dma_start3A_189 = arith.constant 0 : i32
      %dma_start3A_190 = tpu.memref_slice %arg3[%add3A, %dma_start3A_188, %dma_start3A_189] : memref<32x81x128xi32, #tpu.memory_space<hbm>> -> memref<1x81x128xi32, #tpu.memory_space<hbm>>
      %dma_start3A_191 = tpu.memref_squeeze %dma_start3A_190 : memref<1x81x128xi32, #tpu.memory_space<hbm>> -> memref<81x128xi32, #tpu.memory_space<hbm>>
      %dma_start3A_192 = arith.constant 0 : i32
      %dma_start3A_193 = arith.constant 0 : i32
      %dma_start3A_194 = tpu.memref_slice %arg3[%add3A, %dma_start3A_192, %dma_start3A_193] : memref<32x81x128xi32, #tpu.memory_space<hbm>> -> memref<1x81x128xi32, #tpu.memory_space<hbm>>
      %dma_start3A_195 = tpu.memref_squeeze %dma_start3A_194 : memref<1x81x128xi32, #tpu.memory_space<hbm>> -> memref<81x128xi32, #tpu.memory_space<hbm>>
      tpu.enqueue_dma source(%dma_start3A_195 : memref<81x128xi32, #tpu.memory_space<hbm>>) target(%arg9 : memref<81x128xi32, #tpu.memory_space<vmem>>) target_semaphore(%run_scoped3A : memref<!tpu.dma_semaphore, #tpu.memory_space<semaphore_mem>>)
      %dma_wait3A_196 = arith.constant 0 : i32
      %dma_wait3A_197 = arith.constant 0 : i32
      %dma_wait3A_198 = tpu.memref_slice %arg3[%add3A, %dma_wait3A_196, %dma_wait3A_197] : memref<32x81x128xi32, #tpu.memory_space<hbm>> -> memref<1x81x128xi32, #tpu.memory_space<hbm>>
      %dma_wait3A_199 = tpu.memref_squeeze %dma_wait3A_198 : memref<1x81x128xi32, #tpu.memory_space<hbm>> -> memref<81x128xi32, #tpu.memory_space<hbm>>
      %dma_wait3A_200 = arith.constant 0 : i32
      %dma_wait3A_201 = arith.constant 0 : i32
      %dma_wait3A_202 = tpu.memref_slice %arg3[%add3A, %dma_wait3A_200, %dma_wait3A_201] : memref<32x81x128xi32, #tpu.memory_space<hbm>> -> memref<1x81x128xi32, #tpu.memory_space<hbm>>
      %dma_wait3A_203 = tpu.memref_squeeze %dma_wait3A_202 : memref<1x81x128xi32, #tpu.memory_space<hbm>> -> memref<81x128xi32, #tpu.memory_space<hbm>>
      tpu.wait_dma2 semaphore(%run_scoped3A : memref<!tpu.dma_semaphore, #tpu.memory_space<semaphore_mem>>) src(%dma_wait3A_203 : memref<81x128xi32, #tpu.memory_space<hbm>>) dst(%arg9 : memref<81x128xi32, #tpu.memory_space<vmem>>)
      tpu.yield
    }) : () -> ()
    "tpu.region"() ({
      %run_scoped3A = tpu.sem_alloc : memref<!tpu.dma_semaphore, #tpu.memory_space<semaphore_mem>>
      tpu.enqueue_dma source(%arg4 : memref<20000xf32, #tpu.memory_space<hbm>>) target(%arg10 : memref<20000xf32, #tpu.memory_space<vmem>>) target_semaphore(%run_scoped3A : memref<!tpu.dma_semaphore, #tpu.memory_space<semaphore_mem>>)
      tpu.wait_dma2 semaphore(%run_scoped3A : memref<!tpu.dma_semaphore, #tpu.memory_space<semaphore_mem>>) src(%arg4 : memref<20000xf32, #tpu.memory_space<hbm>>) dst(%arg10 : memref<20000xf32, #tpu.memory_space<vmem>>)
      tpu.yield
    }) : () -> ()
    %mul3A_3 = arith.constant 640 : i32
    %mul3A_4 = arith.muli %arg1, %mul3A_3 : i32
    %scan3A = arith.constant 0 : i32
    %scan3A_5 = arith.constant 0 : i32
    %scan3A_6 = arith.constant 128 : i32
    %scan3A_7 = arith.addi %scan3A_5, %scan3A_6 : i32
    %scan3A_8 = arith.constant 1 : i32
    %scan3A_9 = scf.for %scan3A_188 = %scan3A_5 to %scan3A_7 step %scan3A_8 iter_args(%scan3A_189 = %scan3A) -> (i32)  : i32 {
      %broadcast_in_dim3A = arith.constant 0.000000e+00 : f32
      %broadcast_in_dim3A_190 = vector.broadcast %broadcast_in_dim3A : f32 to vector<16xf32>
      %swap3A = arith.index_cast %scan3A_188 : i32 to index
      %swap3A_191 = arith.constant 0 : index
      %swap3A_192 = tpu.vector_load %arg13[%swap3A, %swap3A_191] {strides = array<i32>} : memref<128x64xf32, #tpu.memory_space<vmem>>, vector<16xf32>,
      tpu.vector_store %arg13[%swap3A, %swap3A_191], %broadcast_in_dim3A_190 {strides = array<i32>} : memref<128x64xf32, #tpu.memory_space<vmem>>, vector<16xf32>,
      %broadcast_in_dim3A_193 = arith.constant 0.000000e+00 : f32
      %broadcast_in_dim3A_194 = vector.broadcast %broadcast_in_dim3A_193 : f32 to vector<16xf32>
      %swap3A_195 = arith.index_cast %scan3A_188 : i32 to index
      %swap3A_196 = arith.constant 16 : index
      %swap3A_197 = tpu.vector_load %arg13[%swap3A_195, %swap3A_196] {strides = array<i32>} : memref<128x64xf32, #tpu.memory_space<vmem>>, vector<16xf32>,
      tpu.vector_store %arg13[%swap3A_195, %swap3A_196], %broadcast_in_dim3A_194 {strides = array<i32>} : memref<128x64xf32, #tpu.memory_space<vmem>>, vector<16xf32>,
      %broadcast_in_dim3A_198 = arith.constant 0.000000e+00 : f32
      %broadcast_in_dim3A_199 = vector.broadcast %broadcast_in_dim3A_198 : f32 to vector<16xf32>
      %swap3A_200 = arith.index_cast %scan3A_188 : i32 to index
      %swap3A_201 = arith.constant 32 : index
      %swap3A_202 = tpu.vector_load %arg13[%swap3A_200, %swap3A_201] {strides = array<i32>} : memref<128x64xf32, #tpu.memory_space<vmem>>, vector<16xf32>,
      tpu.vector_store %arg13[%swap3A_200, %swap3A_201], %broadcast_in_dim3A_199 {strides = array<i32>} : memref<128x64xf32, #tpu.memory_space<vmem>>, vector<16xf32>,
      %broadcast_in_dim3A_203 = arith.constant 0.000000e+00 : f32
      %broadcast_in_dim3A_204 = vector.broadcast %broadcast_in_dim3A_203 : f32 to vector<16xf32>
      %swap3A_205 = arith.index_cast %scan3A_188 : i32 to index
      %swap3A_206 = arith.constant 48 : index
      %swap3A_207 = tpu.vector_load %arg13[%swap3A_205, %swap3A_206] {strides = array<i32>} : memref<128x64xf32, #tpu.memory_space<vmem>>, vector<16xf32>,
      tpu.vector_store %arg13[%swap3A_205, %swap3A_206], %broadcast_in_dim3A_204 {strides = array<i32>} : memref<128x64xf32, #tpu.memory_space<vmem>>, vector<16xf32>,
      %scan3A_208 = arith.constant 0 : i32
      scf.yield %scan3A_208 : i32
    }
    %scan3A_10 = arith.constant 128 : i32
    %scan3A_11 = arith.constant 0 : i32
    %scan3A_12 = arith.constant 0 : i32
    %scan3A_13 = arith.constant 40 : i32
    %scan3A_14 = arith.addi %scan3A_12, %scan3A_13 : i32
    %scan3A_15 = arith.constant 1 : i32
    %scan3A_16 = scf.for %scan3A_188 = %scan3A_12 to %scan3A_14 step %scan3A_15 iter_args(%scan3A_189 = %scan3A_11) -> (i32)  : i32 {
      %broadcast_in_dim3A = arith.constant 0.000000e+00 : f32
      %broadcast_in_dim3A_190 = vector.broadcast %broadcast_in_dim3A : f32 to vector<16xf32>
      %mul3A_191 = arith.constant 16 : i32
      %mul3A_192 = arith.muli %scan3A_188, %mul3A_191 : i32
      %swap3A = arith.index_cast %mul3A_192 : i32 to index
      %swap3A_193 = tpu.vector_load %arg12[%swap3A] {strides = array<i32>} : memref<640xf32, #tpu.memory_space<vmem>>, vector<16xf32>,
      tpu.vector_store %arg12[%swap3A], %broadcast_in_dim3A_190 {strides = array<i32>} : memref<640xf32, #tpu.memory_space<vmem>>, vector<16xf32>,
      %scan3A_194 = arith.constant 0 : i32
      scf.yield %scan3A_194 : i32
    }
    %scan3A_17 = arith.constant 40 : i32
    %add3A_18 = arith.constant 0 : i32
    %add3A_19 = arith.addi %mul3A_4, %add3A_18 : i32
    "tpu.region"() ({
      %run_scoped3A = tpu.sem_alloc : memref<!tpu.dma_semaphore, #tpu.memory_space<semaphore_mem>>
      %dma_start3A_188 = arith.constant 0 : i32
      %dma_start3A_189 = tpu.memref_slice %arg18[%add3A_19, %dma_start3A_188] : memref<10240x64xf32, #tpu.memory_space<vmem_shared>> -> memref<128x64xf32, #tpu.memory_space<vmem_shared>>
      %dma_start3A_190 = arith.constant 0 : i32
      %dma_start3A_191 = tpu.memref_slice %arg18[%add3A_19, %dma_start3A_190] : memref<10240x64xf32, #tpu.memory_space<vmem_shared>> -> memref<128x64xf32, #tpu.memory_space<vmem_shared>>
      tpu.enqueue_dma source(%arg13 : memref<128x64xf32, #tpu.memory_space<vmem>>) target(%dma_start3A_191 : memref<128x64xf32, #tpu.memory_space<vmem_shared>>) target_semaphore(%run_scoped3A : memref<!tpu.dma_semaphore, #tpu.memory_space<semaphore_mem>>)
      %dma_wait3A_192 = arith.constant 0 : i32
      %dma_wait3A_193 = tpu.memref_slice %arg18[%add3A_19, %dma_wait3A_192] : memref<10240x64xf32, #tpu.memory_space<vmem_shared>> -> memref<128x64xf32, #tpu.memory_space<vmem_shared>>
      %dma_wait3A_194 = arith.constant 0 : i32
      %dma_wait3A_195 = tpu.memref_slice %arg18[%add3A_19, %dma_wait3A_194] : memref<10240x64xf32, #tpu.memory_space<vmem_shared>> -> memref<128x64xf32, #tpu.memory_space<vmem_shared>>
      tpu.wait_dma2 semaphore(%run_scoped3A : memref<!tpu.dma_semaphore, #tpu.memory_space<semaphore_mem>>) src(%arg13 : memref<128x64xf32, #tpu.memory_space<vmem>>) dst(%dma_wait3A_195 : memref<128x64xf32, #tpu.memory_space<vmem_shared>>)
      tpu.yield
    }) : () -> ()
    %add3A_20 = arith.constant 128 : i32
    %add3A_21 = arith.addi %mul3A_4, %add3A_20 : i32
    "tpu.region"() ({
      %run_scoped3A = tpu.sem_alloc : memref<!tpu.dma_semaphore, #tpu.memory_space<semaphore_mem>>
      %dma_start3A_188 = arith.constant 0 : i32
      %dma_start3A_189 = tpu.memref_slice %arg18[%add3A_21, %dma_start3A_188] : memref<10240x64xf32, #tpu.memory_space<vmem_shared>> -> memref<128x64xf32, #tpu.memory_space<vmem_shared>>
      %dma_start3A_190 = arith.constant 0 : i32
      %dma_start3A_191 = tpu.memref_slice %arg18[%add3A_21, %dma_start3A_190] : memref<10240x64xf32, #tpu.memory_space<vmem_shared>> -> memref<128x64xf32, #tpu.memory_space<vmem_shared>>
      tpu.enqueue_dma source(%arg13 : memref<128x64xf32, #tpu.memory_space<vmem>>) target(%dma_start3A_191 : memref<128x64xf32, #tpu.memory_space<vmem_shared>>) target_semaphore(%run_scoped3A : memref<!tpu.dma_semaphore, #tpu.memory_space<semaphore_mem>>)
      %dma_wait3A_192 = arith.constant 0 : i32
      %dma_wait3A_193 = tpu.memref_slice %arg18[%add3A_21, %dma_wait3A_192] : memref<10240x64xf32, #tpu.memory_space<vmem_shared>> -> memref<128x64xf32, #tpu.memory_space<vmem_shared>>
      %dma_wait3A_194 = arith.constant 0 : i32
      %dma_wait3A_195 = tpu.memref_slice %arg18[%add3A_21, %dma_wait3A_194] : memref<10240x64xf32, #tpu.memory_space<vmem_shared>> -> memref<128x64xf32, #tpu.memory_space<vmem_shared>>
      tpu.wait_dma2 semaphore(%run_scoped3A : memref<!tpu.dma_semaphore, #tpu.memory_space<semaphore_mem>>) src(%arg13 : memref<128x64xf32, #tpu.memory_space<vmem>>) dst(%dma_wait3A_195 : memref<128x64xf32, #tpu.memory_space<vmem_shared>>)
      tpu.yield
    }) : () -> ()
    %add3A_22 = arith.constant 256 : i32
    %add3A_23 = arith.addi %mul3A_4, %add3A_22 : i32
    "tpu.region"() ({
      %run_scoped3A = tpu.sem_alloc : memref<!tpu.dma_semaphore, #tpu.memory_space<semaphore_mem>>
      %dma_start3A_188 = arith.constant 0 : i32
      %dma_start3A_189 = tpu.memref_slice %arg18[%add3A_23, %dma_start3A_188] : memref<10240x64xf32, #tpu.memory_space<vmem_shared>> -> memref<128x64xf32, #tpu.memory_space<vmem_shared>>
      %dma_start3A_190 = arith.constant 0 : i32
      %dma_start3A_191 = tpu.memref_slice %arg18[%add3A_23, %dma_start3A_190] : memref<10240x64xf32, #tpu.memory_space<vmem_shared>> -> memref<128x64xf32, #tpu.memory_space<vmem_shared>>
      tpu.enqueue_dma source(%arg13 : memref<128x64xf32, #tpu.memory_space<vmem>>) target(%dma_start3A_191 : memref<128x64xf32, #tpu.memory_space<vmem_shared>>) target_semaphore(%run_scoped3A : memref<!tpu.dma_semaphore, #tpu.memory_space<semaphore_mem>>)
      %dma_wait3A_192 = arith.constant 0 : i32
      %dma_wait3A_193 = tpu.memref_slice %arg18[%add3A_23, %dma_wait3A_192] : memref<10240x64xf32, #tpu.memory_space<vmem_shared>> -> memref<128x64xf32, #tpu.memory_space<vmem_shared>>
      %dma_wait3A_194 = arith.constant 0 : i32
      %dma_wait3A_195 = tpu.memref_slice %arg18[%add3A_23, %dma_wait3A_194] : memref<10240x64xf32, #tpu.memory_space<vmem_shared>> -> memref<128x64xf32, #tpu.memory_space<vmem_shared>>
      tpu.wait_dma2 semaphore(%run_scoped3A : memref<!tpu.dma_semaphore, #tpu.memory_space<semaphore_mem>>) src(%arg13 : memref<128x64xf32, #tpu.memory_space<vmem>>) dst(%dma_wait3A_195 : memref<128x64xf32, #tpu.memory_space<vmem_shared>>)
      tpu.yield
    }) : () -> ()
    %add3A_24 = arith.constant 384 : i32
    %add3A_25 = arith.addi %mul3A_4, %add3A_24 : i32
    "tpu.region"() ({
      %run_scoped3A = tpu.sem_alloc : memref<!tpu.dma_semaphore, #tpu.memory_space<semaphore_mem>>
      %dma_start3A_188 = arith.constant 0 : i32
      %dma_start3A_189 = tpu.memref_slice %arg18[%add3A_25, %dma_start3A_188] : memref<10240x64xf32, #tpu.memory_space<vmem_shared>> -> memref<128x64xf32, #tpu.memory_space<vmem_shared>>
      %dma_start3A_190 = arith.constant 0 : i32
      %dma_start3A_191 = tpu.memref_slice %arg18[%add3A_25, %dma_start3A_190] : memref<10240x64xf32, #tpu.memory_space<vmem_shared>> -> memref<128x64xf32, #tpu.memory_space<vmem_shared>>
      tpu.enqueue_dma source(%arg13 : memref<128x64xf32, #tpu.memory_space<vmem>>) target(%dma_start3A_191 : memref<128x64xf32, #tpu.memory_space<vmem_shared>>) target_semaphore(%run_scoped3A : memref<!tpu.dma_semaphore, #tpu.memory_space<semaphore_mem>>)
      %dma_wait3A_192 = arith.constant 0 : i32
      %dma_wait3A_193 = tpu.memref_slice %arg18[%add3A_25, %dma_wait3A_192] : memref<10240x64xf32, #tpu.memory_space<vmem_shared>> -> memref<128x64xf32, #tpu.memory_space<vmem_shared>>
      %dma_wait3A_194 = arith.constant 0 : i32
      %dma_wait3A_195 = tpu.memref_slice %arg18[%add3A_25, %dma_wait3A_194] : memref<10240x64xf32, #tpu.memory_space<vmem_shared>> -> memref<128x64xf32, #tpu.memory_space<vmem_shared>>
      tpu.wait_dma2 semaphore(%run_scoped3A : memref<!tpu.dma_semaphore, #tpu.memory_space<semaphore_mem>>) src(%arg13 : memref<128x64xf32, #tpu.memory_space<vmem>>) dst(%dma_wait3A_195 : memref<128x64xf32, #tpu.memory_space<vmem_shared>>)
      tpu.yield
    }) : () -> ()
    %add3A_26 = arith.constant 512 : i32
    %add3A_27 = arith.addi %mul3A_4, %add3A_26 : i32
    "tpu.region"() ({
      %run_scoped3A = tpu.sem_alloc : memref<!tpu.dma_semaphore, #tpu.memory_space<semaphore_mem>>
      %dma_start3A_188 = arith.constant 0 : i32
      %dma_start3A_189 = tpu.memref_slice %arg18[%add3A_27, %dma_start3A_188] : memref<10240x64xf32, #tpu.memory_space<vmem_shared>> -> memref<128x64xf32, #tpu.memory_space<vmem_shared>>
      %dma_start3A_190 = arith.constant 0 : i32
      %dma_start3A_191 = tpu.memref_slice %arg18[%add3A_27, %dma_start3A_190] : memref<10240x64xf32, #tpu.memory_space<vmem_shared>> -> memref<128x64xf32, #tpu.memory_space<vmem_shared>>
      tpu.enqueue_dma source(%arg13 : memref<128x64xf32, #tpu.memory_space<vmem>>) target(%dma_start3A_191 : memref<128x64xf32, #tpu.memory_space<vmem_shared>>) target_semaphore(%run_scoped3A : memref<!tpu.dma_semaphore, #tpu.memory_space<semaphore_mem>>)
      %dma_wait3A_192 = arith.constant 0 : i32
      %dma_wait3A_193 = tpu.memref_slice %arg18[%add3A_27, %dma_wait3A_192] : memref<10240x64xf32, #tpu.memory_space<vmem_shared>> -> memref<128x64xf32, #tpu.memory_space<vmem_shared>>
      %dma_wait3A_194 = arith.constant 0 : i32
      %dma_wait3A_195 = tpu.memref_slice %arg18[%add3A_27, %dma_wait3A_194] : memref<10240x64xf32, #tpu.memory_space<vmem_shared>> -> memref<128x64xf32, #tpu.memory_space<vmem_shared>>
      tpu.wait_dma2 semaphore(%run_scoped3A : memref<!tpu.dma_semaphore, #tpu.memory_space<semaphore_mem>>) src(%arg13 : memref<128x64xf32, #tpu.memory_space<vmem>>) dst(%dma_wait3A_195 : memref<128x64xf32, #tpu.memory_space<vmem_shared>>)
      tpu.yield
    }) : () -> ()
    "tpu.region"() ({
      %run_scoped3A = tpu.sem_alloc : memref<!tpu.dma_semaphore, #tpu.memory_space<semaphore_mem>>
      %dma_start3A_188 = tpu.memref_slice %arg19[%mul3A_4] : memref<10240xf32, #tpu.memory_space<vmem_shared>> -> memref<640xf32, #tpu.memory_space<vmem_shared>>
      %dma_start3A_189 = tpu.memref_slice %arg19[%mul3A_4] : memref<10240xf32, #tpu.memory_space<vmem_shared>> -> memref<640xf32, #tpu.memory_space<vmem_shared>>
      tpu.enqueue_dma source(%arg12 : memref<640xf32, #tpu.memory_space<vmem>>) target(%dma_start3A_189 : memref<640xf32, #tpu.memory_space<vmem_shared>>) target_semaphore(%run_scoped3A : memref<!tpu.dma_semaphore, #tpu.memory_space<semaphore_mem>>)
      %dma_wait3A_190 = tpu.memref_slice %arg19[%mul3A_4] : memref<10240xf32, #tpu.memory_space<vmem_shared>> -> memref<640xf32, #tpu.memory_space<vmem_shared>>
      %dma_wait3A_191 = tpu.memref_slice %arg19[%mul3A_4] : memref<10240xf32, #tpu.memory_space<vmem_shared>> -> memref<640xf32, #tpu.memory_space<vmem_shared>>
      tpu.wait_dma2 semaphore(%run_scoped3A : memref<!tpu.dma_semaphore, #tpu.memory_space<semaphore_mem>>) src(%arg12 : memref<640xf32, #tpu.memory_space<vmem>>) dst(%dma_wait3A_191 : memref<640xf32, #tpu.memory_space<vmem_shared>>)
      tpu.yield
    }) : () -> ()
    %iota3A = tpu.iota {dimensions = array<i32: 0>} : vector<16xi32>
    %mul3A_28 = arith.constant 0 : i32
    %mul3A_29 = vector.broadcast %mul3A_28 : i32 to vector<16xi32>
    %mul3A_30 = arith.muli %iota3A, %mul3A_29 : vector<16xi32>
    %add3A_31 = arith.constant 1 : i32
    %add3A_32 = vector.broadcast %add3A_31 : i32 to vector<16xi32>
    %add3A_33 = arith.addi %mul3A_30, %add3A_32 : vector<16xi32>
    %mul3A_34 = arith.constant 128 : i32
    %mul3A_35 = arith.muli %mul3A_2, %mul3A_34 : i32
    %barrier3A = arith.constant 0 : index
    tpu.barrier barrier_id(%barrier3A)
    %dma_start3A = arith.constant 0 : i32
    %dma_start3A_36 = arith.constant 0 : i32
    %dma_start3A_37 = tpu.memref_slice %arg8[%dma_start3A, %dma_start3A_36] : memref<81x128xi32, #tpu.memory_space<vmem>> -> memref<1x128xi32, #tpu.memory_space<vmem>>
    %dma_start3A_38 = tpu.memref_squeeze %dma_start3A_37 : memref<1x128xi32, #tpu.memory_space<vmem>> -> memref<128xi32, #tpu.memory_space<vmem>>
    %dma_start3A_39 = arith.constant 0 : i32
    %dma_start3A_40 = arith.constant 0 : i32
    %dma_start3A_41 = tpu.memref_slice %arg5[%dma_start3A_39, %dma_start3A_40] : memref<10000x64xf32, #tpu.memory_space<hbm>> -> memref<10000x64xf32, #tpu.memory_space<hbm>>
    tpu.enqueue_indirect_dma source(%dma_start3A_41 : memref<10000x64xf32, #tpu.memory_space<hbm>>) target(%arg13 : memref<128x64xf32, #tpu.memory_space<vmem>>) offsets(%dma_start3A_38 : memref<128xi32, #tpu.memory_space<vmem>>) semaphore(%arg20 : memref<!tpu.dma_semaphore, #tpu.memory_space<semaphore_mem>>)
    %dma_start3A_42 = arith.constant 1 : i32
    %dma_start3A_43 = arith.constant 0 : i32
    %dma_start3A_44 = tpu.memref_slice %arg8[%dma_start3A_42, %dma_start3A_43] : memref<81x128xi32, #tpu.memory_space<vmem>> -> memref<1x128xi32, #tpu.memory_space<vmem>>
    %dma_start3A_45 = tpu.memref_squeeze %dma_start3A_44 : memref<1x128xi32, #tpu.memory_space<vmem>> -> memref<128xi32, #tpu.memory_space<vmem>>
    %dma_start3A_46 = arith.constant 0 : i32
    %dma_start3A_47 = arith.constant 0 : i32
    %dma_start3A_48 = tpu.memref_slice %arg5[%dma_start3A_46, %dma_start3A_47] : memref<10000x64xf32, #tpu.memory_space<hbm>> -> memref<10000x64xf32, #tpu.memory_space<hbm>>
    tpu.enqueue_indirect_dma source(%dma_start3A_48 : memref<10000x64xf32, #tpu.memory_space<hbm>>) target(%arg14 : memref<128x64xf32, #tpu.memory_space<vmem>>) offsets(%dma_start3A_45 : memref<128xi32, #tpu.memory_space<vmem>>) semaphore(%arg21 : memref<!tpu.dma_semaphore, #tpu.memory_space<semaphore_mem>>)
    %dma_start3A_49 = arith.constant 2 : i32
    %dma_start3A_50 = arith.constant 0 : i32
    %dma_start3A_51 = tpu.memref_slice %arg8[%dma_start3A_49, %dma_start3A_50] : memref<81x128xi32, #tpu.memory_space<vmem>> -> memref<1x128xi32, #tpu.memory_space<vmem>>
    %dma_start3A_52 = tpu.memref_squeeze %dma_start3A_51 : memref<1x128xi32, #tpu.memory_space<vmem>> -> memref<128xi32, #tpu.memory_space<vmem>>
    %dma_start3A_53 = arith.constant 0 : i32
    %dma_start3A_54 = arith.constant 0 : i32
    %dma_start3A_55 = tpu.memref_slice %arg5[%dma_start3A_53, %dma_start3A_54] : memref<10000x64xf32, #tpu.memory_space<hbm>> -> memref<10000x64xf32, #tpu.memory_space<hbm>>
    tpu.enqueue_indirect_dma source(%dma_start3A_55 : memref<10000x64xf32, #tpu.memory_space<hbm>>) target(%arg15 : memref<128x64xf32, #tpu.memory_space<vmem>>) offsets(%dma_start3A_52 : memref<128xi32, #tpu.memory_space<vmem>>) semaphore(%arg22 : memref<!tpu.dma_semaphore, #tpu.memory_space<semaphore_mem>>)
    %scan3A_56 = arith.constant 0 : i32
    %scan3A_57 = arith.constant 0 : i32
    %scan3A_58 = arith.constant 8 : i32
    %scan3A_59 = arith.addi %scan3A_57, %scan3A_58 : i32
    %scan3A_60 = arith.constant 1 : i32
    %scan3A_61 = scf.for %scan3A_188 = %scan3A_57 to %scan3A_59 step %scan3A_60 iter_args(%scan3A_189 = %scan3A_56) -> (i32)  : i32 {
      %mul3A_190 = arith.constant 16 : i32
      %mul3A_191 = arith.muli %scan3A_188, %mul3A_190 : i32
      %get3A = arith.constant 0 : i32
      %get3A_192 = arith.index_cast %get3A : i32 to index
      %get3A_193 = arith.index_cast %mul3A_191 : i32 to index
      %get3A_194 = tpu.vector_load %arg8[%get3A_192, %get3A_193] {strides = array<i32>} : memref<81x128xi32, #tpu.memory_space<vmem>>, vector<16xi32>,
      %get3A_195 = arith.constant 0 : i32
      %get3A_196 = arith.index_cast %get3A_195 : i32 to index
      %get3A_197 = arith.index_cast %mul3A_191 : i32 to index
      %get3A_198 = tpu.vector_load %arg9[%get3A_196, %get3A_197] {strides = array<i32>} : memref<81x128xi32, #tpu.memory_space<vmem>>, vector<16xi32>,
      %add3A_199 = arith.addi %get3A_194, %get3A_194 : vector<16xi32>
      %gather3A = tpu.vector_load_idx %arg10[%add3A_199] : memref<20000xf32, #tpu.memory_space<vmem>>[vector<16xi32>], vector<16xf32>,
      %add3A_200 = arith.addi %get3A_198, %get3A_198 : vector<16xi32>
      %add3A_201 = arith.addi %add3A_200, %add3A_33 : vector<16xi32>
      %gather3A_202 = tpu.vector_load_idx %arg10[%add3A_201] : memref<20000xf32, #tpu.memory_space<vmem>>[vector<16xi32>], vector<16xf32>,
      %add3A_203 = arith.addf %gather3A, %gather3A_202 : vector<16xf32>
      %mul3A_204 = arith.constant 2.000000e-01 : f32
      %mul3A_205 = vector.broadcast %mul3A_204 : f32 to vector<16xf32>
      %mul3A_206 = arith.mulf %mul3A_205, %add3A_203 : vector<16xf32>
      %max3A = arith.maximumf %add3A_203, %mul3A_206 : vector<16xf32>
      %exp3A = math.exp %max3A : vector<16xf32>
      %add3A_207 = arith.constant 0 : i32
      %add3A_208 = arith.addi %mul3A_35, %add3A_207 : i32
      %add3A_209 = arith.addi %add3A_208, %mul3A_191 : i32
      %add3A_210 = vector.broadcast %add3A_209 : i32 to vector<16xi32>
      %add3A_211 = arith.addi %add3A_210, %iota3A : vector<16xi32>
      %lt3A = arith.constant 330000 : i32
      %lt3A_212 = vector.broadcast %lt3A : i32 to vector<16xi32>
      %lt3A_213 = arith.cmpi slt, %add3A_211, %lt3A_212 : vector<16xi32>
      %jit3A = arith.constant 0.000000e+00 : f32
      %broadcast_in_dim3A = vector.broadcast %jit3A : f32 to vector<16xf32>
      %select_n3A = arith.select %lt3A_213, %exp3A, %broadcast_in_dim3A : vector<16xi1>, vector<16xf32>
      %swap3A = arith.constant 0 : i32
      %swap3A_214 = arith.index_cast %swap3A : i32 to index
      %swap3A_215 = arith.index_cast %mul3A_191 : i32 to index
      %swap3A_216 = tpu.vector_load %arg11[%swap3A_214, %swap3A_215] {strides = array<i32>} : memref<8x128xf32, #tpu.memory_space<vmem>>, vector<16xf32>,
      tpu.vector_store %arg11[%swap3A_214, %swap3A_215], %select_n3A {strides = array<i32>} : memref<8x128xf32, #tpu.memory_space<vmem>>, vector<16xf32>,
      %scan3A_217 = arith.constant 0 : i32
      scf.yield %scan3A_217 : i32
    }
    %scan3A_62 = arith.constant 8 : i32
    %scan3A_63 = arith.constant 0 : i32
    %scan3A_64 = arith.constant 0 : i32
    %scan3A_65 = arith.constant 8 : i32
    %scan3A_66 = arith.addi %scan3A_64, %scan3A_65 : i32
    %scan3A_67 = arith.constant 1 : i32
    %scan3A_68 = scf.for %scan3A_188 = %scan3A_64 to %scan3A_66 step %scan3A_67 iter_args(%scan3A_189 = %scan3A_63) -> (i32)  : i32 {
      %mul3A_190 = arith.constant 16 : i32
      %mul3A_191 = arith.muli %scan3A_188, %mul3A_190 : i32
      %get3A = arith.constant 1 : i32
      %get3A_192 = arith.index_cast %get3A : i32 to index
      %get3A_193 = arith.index_cast %mul3A_191 : i32 to index
      %get3A_194 = tpu.vector_load %arg8[%get3A_192, %get3A_193] {strides = array<i32>} : memref<81x128xi32, #tpu.memory_space<vmem>>, vector<16xi32>,
      %get3A_195 = arith.constant 1 : i32
      %get3A_196 = arith.index_cast %get3A_195 : i32 to index
      %get3A_197 = arith.index_cast %mul3A_191 : i32 to index
      %get3A_198 = tpu.vector_load %arg9[%get3A_196, %get3A_197] {strides = array<i32>} : memref<81x128xi32, #tpu.memory_space<vmem>>, vector<16xi32>,
      %add3A_199 = arith.addi %get3A_194, %get3A_194 : vector<16xi32>
      %gather3A = tpu.vector_load_idx %arg10[%add3A_199] : memref<20000xf32, #tpu.memory_space<vmem>>[vector<16xi32>], vector<16xf32>,
      %add3A_200 = arith.addi %get3A_198, %get3A_198 : vector<16xi32>
      %add3A_201 = arith.addi %add3A_200, %add3A_33 : vector<16xi32>
      %gather3A_202 = tpu.vector_load_idx %arg10[%add3A_201] : memref<20000xf32, #tpu.memory_space<vmem>>[vector<16xi32>], vector<16xf32>,
      %add3A_203 = arith.addf %gather3A, %gather3A_202 : vector<16xf32>
      %mul3A_204 = arith.constant 2.000000e-01 : f32
      %mul3A_205 = vector.broadcast %mul3A_204 : f32 to vector<16xf32>
      %mul3A_206 = arith.mulf %mul3A_205, %add3A_203 : vector<16xf32>
      %max3A = arith.maximumf %add3A_203, %mul3A_206 : vector<16xf32>
      %exp3A = math.exp %max3A : vector<16xf32>
      %add3A_207 = arith.constant 128 : i32
      %add3A_208 = arith.addi %mul3A_35, %add3A_207 : i32
      %add3A_209 = arith.addi %add3A_208, %mul3A_191 : i32
      %add3A_210 = vector.broadcast %add3A_209 : i32 to vector<16xi32>
      %add3A_211 = arith.addi %add3A_210, %iota3A : vector<16xi32>
      %lt3A = arith.constant 330000 : i32
      %lt3A_212 = vector.broadcast %lt3A : i32 to vector<16xi32>
      %lt3A_213 = arith.cmpi slt, %add3A_211, %lt3A_212 : vector<16xi32>
      %jit3A = arith.constant 0.000000e+00 : f32
      %broadcast_in_dim3A = vector.broadcast %jit3A : f32 to vector<16xf32>
      %select_n3A = arith.select %lt3A_213, %exp3A, %broadcast_in_dim3A : vector<16xi1>, vector<16xf32>
      %swap3A = arith.constant 1 : i32
      %swap3A_214 = arith.index_cast %swap3A : i32 to index
      %swap3A_215 = arith.index_cast %mul3A_191 : i32 to index
      %swap3A_216 = tpu.vector_load %arg11[%swap3A_214, %swap3A_215] {strides = array<i32>} : memref<8x128xf32, #tpu.memory_space<vmem>>, vector<16xf32>,
      tpu.vector_store %arg11[%swap3A_214, %swap3A_215], %select_n3A {strides = array<i32>} : memref<8x128xf32, #tpu.memory_space<vmem>>, vector<16xf32>,
      %scan3A_217 = arith.constant 0 : i32
      scf.yield %scan3A_217 : i32
    }
    %scan3A_69 = arith.constant 8 : i32
    %scan3A_70 = arith.constant 0 : i32
    %scan3A_71 = arith.constant 0 : i32
    %scan3A_72 = arith.constant 8 : i32
    %scan3A_73 = arith.addi %scan3A_71, %scan3A_72 : i32
    %scan3A_74 = arith.constant 1 : i32
    %scan3A_75 = scf.for %scan3A_188 = %scan3A_71 to %scan3A_73 step %scan3A_74 iter_args(%scan3A_189 = %scan3A_70) -> (i32)  : i32 {
      %mul3A_190 = arith.constant 16 : i32
      %mul3A_191 = arith.muli %scan3A_188, %mul3A_190 : i32
      %get3A = arith.constant 2 : i32
      %get3A_192 = arith.index_cast %get3A : i32 to index
      %get3A_193 = arith.index_cast %mul3A_191 : i32 to index
      %get3A_194 = tpu.vector_load %arg8[%get3A_192, %get3A_193] {strides = array<i32>} : memref<81x128xi32, #tpu.memory_space<vmem>>, vector<16xi32>,
      %get3A_195 = arith.constant 2 : i32
      %get3A_196 = arith.index_cast %get3A_195 : i32 to index
      %get3A_197 = arith.index_cast %mul3A_191 : i32 to index
      %get3A_198 = tpu.vector_load %arg9[%get3A_196, %get3A_197] {strides = array<i32>} : memref<81x128xi32, #tpu.memory_space<vmem>>, vector<16xi32>,
      %add3A_199 = arith.addi %get3A_194, %get3A_194 : vector<16xi32>
      %gather3A = tpu.vector_load_idx %arg10[%add3A_199] : memref<20000xf32, #tpu.memory_space<vmem>>[vector<16xi32>], vector<16xf32>,
      %add3A_200 = arith.addi %get3A_198, %get3A_198 : vector<16xi32>
      %add3A_201 = arith.addi %add3A_200, %add3A_33 : vector<16xi32>
      %gather3A_202 = tpu.vector_load_idx %arg10[%add3A_201] : memref<20000xf32, #tpu.memory_space<vmem>>[vector<16xi32>], vector<16xf32>,
      %add3A_203 = arith.addf %gather3A, %gather3A_202 : vector<16xf32>
      %mul3A_204 = arith.constant 2.000000e-01 : f32
      %mul3A_205 = vector.broadcast %mul3A_204 : f32 to vector<16xf32>
      %mul3A_206 = arith.mulf %mul3A_205, %add3A_203 : vector<16xf32>
      %max3A = arith.maximumf %add3A_203, %mul3A_206 : vector<16xf32>
      %exp3A = math.exp %max3A : vector<16xf32>
      %add3A_207 = arith.constant 256 : i32
      %add3A_208 = arith.addi %mul3A_35, %add3A_207 : i32
      %add3A_209 = arith.addi %add3A_208, %mul3A_191 : i32
      %add3A_210 = vector.broadcast %add3A_209 : i32 to vector<16xi32>
      %add3A_211 = arith.addi %add3A_210, %iota3A : vector<16xi32>
      %lt3A = arith.constant 330000 : i32
      %lt3A_212 = vector.broadcast %lt3A : i32 to vector<16xi32>
      %lt3A_213 = arith.cmpi slt, %add3A_211, %lt3A_212 : vector<16xi32>
      %jit3A = arith.constant 0.000000e+00 : f32
      %broadcast_in_dim3A = vector.broadcast %jit3A : f32 to vector<16xf32>
      %select_n3A = arith.select %lt3A_213, %exp3A, %broadcast_in_dim3A : vector<16xi1>, vector<16xf32>
      %swap3A = arith.constant 2 : i32
      %swap3A_214 = arith.index_cast %swap3A : i32 to index
      %swap3A_215 = arith.index_cast %mul3A_191 : i32 to index
      %swap3A_216 = tpu.vector_load %arg11[%swap3A_214, %swap3A_215] {strides = array<i32>} : memref<8x128xf32, #tpu.memory_space<vmem>>, vector<16xf32>,
      tpu.vector_store %arg11[%swap3A_214, %swap3A_215], %select_n3A {strides = array<i32>} : memref<8x128xf32, #tpu.memory_space<vmem>>, vector<16xf32>,
      %scan3A_217 = arith.constant 0 : i32
      scf.yield %scan3A_217 : i32
    }
    %scan3A_76 = arith.constant 8 : i32
    %scan3A_77 = arith.constant 0 : i32
    %scan3A_78 = arith.constant 0 : i32
    %scan3A_79 = arith.constant 16 : i32
    %scan3A_80 = arith.addi %scan3A_78, %scan3A_79 : i32
    %scan3A_81 = arith.constant 1 : i32
    %scan3A_82 = scf.for %scan3A_188 = %scan3A_78 to %scan3A_80 step %scan3A_81 iter_args(%scan3A_189 = %scan3A_77) -> (i32)  : i32 {
      %mul3A_190 = arith.constant 5 : i32
      %mul3A_191 = arith.muli %mul3A_190, %scan3A_188 : i32
      %add3A_192 = arith.constant 0 : i32
      %add3A_193 = arith.addi %mul3A_191, %add3A_192 : i32
      %dma_wait3A_194 = arith.constant 0 : i32
      %dma_wait3A_195 = tpu.memref_slice %arg8[%add3A_193, %dma_wait3A_194] : memref<81x128xi32, #tpu.memory_space<vmem>> -> memref<1x128xi32, #tpu.memory_space<vmem>>
      %dma_wait3A_196 = tpu.memref_squeeze %dma_wait3A_195 : memref<1x128xi32, #tpu.memory_space<vmem>> -> memref<128xi32, #tpu.memory_space<vmem>>
      %dma_wait3A_197 = arith.constant 0 : i32
      %dma_wait3A_198 = arith.constant 0 : i32
      %dma_wait3A_199 = tpu.memref_slice %arg5[%dma_wait3A_197, %dma_wait3A_198] : memref<10000x64xf32, #tpu.memory_space<hbm>> -> memref<10000x64xf32, #tpu.memory_space<hbm>>
      tpu.wait_indirect_dma semaphore(%arg20 : memref<!tpu.dma_semaphore, #tpu.memory_space<semaphore_mem>>) src(%dma_wait3A_199 : memref<10000x64xf32, #tpu.memory_space<hbm>>) dst(%arg13 : memref<128x64xf32, #tpu.memory_space<vmem>>)
      %ge3A = arith.constant 2 : i32
      %ge3A_200 = arith.cmpi sge, %add3A_193, %ge3A : i32
      %convert_element_type3A = arith.extui %ge3A_200 : i1 to i32
      %cond3A = arith.constant 0 : i32
      %cond3A_201 = arith.cmpi ne, %convert_element_type3A, %cond3A : i32
      scf.if %cond3A_201 {
        %sub3A = arith.constant 2 : i32
        %sub3A_586 = arith.subi %add3A_193, %sub3A : i32
        %dma_wait3A_587 = arith.constant 0 : i32
        %dma_wait3A_588 = tpu.memref_slice %arg9[%sub3A_586, %dma_wait3A_587] : memref<81x128xi32, #tpu.memory_space<vmem>> -> memref<1x128xi32, #tpu.memory_space<vmem>>
        %dma_wait3A_589 = tpu.memref_squeeze %dma_wait3A_588 : memref<1x128xi32, #tpu.memory_space<vmem>> -> memref<128xi32, #tpu.memory_space<vmem>>
        %dma_wait3A_590 = arith.constant 0 : i32
        %dma_wait3A_591 = arith.constant 0 : i32
        %dma_wait3A_592 = tpu.memref_slice %arg18[%dma_wait3A_590, %dma_wait3A_591] : memref<10240x64xf32, #tpu.memory_space<vmem_shared>> -> memref<10240x64xf32, #tpu.memory_space<vmem_shared>>
        tpu.wait_indirect_dma semaphore(%arg28 : memref<!tpu.dma_semaphore, #tpu.memory_space<semaphore_mem>>) src(%arg16 : memref<128x64xf32, #tpu.memory_space<vmem>>) dst(%dma_wait3A_592 : memref<10240x64xf32, #tpu.memory_space<vmem_shared>>)
      } else {
      }
      %add3A_202 = arith.constant 3 : i32
      %add3A_203 = arith.addi %add3A_193, %add3A_202 : i32
      %lt3A = arith.constant 81 : i32
      %lt3A_204 = arith.cmpi slt, %add3A_203, %lt3A : i32
      %convert_element_type3A_205 = arith.extui %lt3A_204 : i1 to i32
      %cond3A_206 = arith.constant 0 : i32
      %cond3A_207 = arith.cmpi ne, %convert_element_type3A_205, %cond3A_206 : i32
      scf.if %cond3A_207 {
        %add3A_586 = arith.constant 3 : i32
        %add3A_587 = arith.addi %add3A_193, %add3A_586 : i32
        %dma_start3A_588 = arith.constant 0 : i32
        %dma_start3A_589 = tpu.memref_slice %arg8[%add3A_587, %dma_start3A_588] : memref<81x128xi32, #tpu.memory_space<vmem>> -> memref<1x128xi32, #tpu.memory_space<vmem>>
        %dma_start3A_590 = tpu.memref_squeeze %dma_start3A_589 : memref<1x128xi32, #tpu.memory_space<vmem>> -> memref<128xi32, #tpu.memory_space<vmem>>
        %dma_start3A_591 = arith.constant 0 : i32
        %dma_start3A_592 = arith.constant 0 : i32
        %dma_start3A_593 = tpu.memref_slice %arg5[%dma_start3A_591, %dma_start3A_592] : memref<10000x64xf32, #tpu.memory_space<hbm>> -> memref<10000x64xf32, #tpu.memory_space<hbm>>
        tpu.enqueue_indirect_dma source(%dma_start3A_593 : memref<10000x64xf32, #tpu.memory_space<hbm>>) target(%arg16 : memref<128x64xf32, #tpu.memory_space<vmem>>) offsets(%dma_start3A_590 : memref<128xi32, #tpu.memory_space<vmem>>) semaphore(%arg23 : memref<!tpu.dma_semaphore, #tpu.memory_space<semaphore_mem>>)
        %add3A_594 = arith.constant 3 : i32
        %add3A_595 = arith.addi %add3A_193, %add3A_594 : i32
        %scan3A_596 = arith.constant 0 : i32
        %scan3A_597 = arith.constant 0 : i32
        %scan3A_598 = arith.constant 8 : i32
        %scan3A_599 = arith.addi %scan3A_597, %scan3A_598 : i32
        %scan3A_600 = arith.constant 1 : i32
        %scan3A_601 = scf.for %scan3A_603 = %scan3A_597 to %scan3A_599 step %scan3A_600 iter_args(%scan3A_604 = %scan3A_596) -> (i32)  : i32 {
          %mul3A_605 = arith.constant 16 : i32
          %mul3A_606 = arith.muli %scan3A_603, %mul3A_605 : i32
          %get3A = arith.index_cast %add3A_595 : i32 to index
          %get3A_607 = arith.index_cast %mul3A_606 : i32 to index
          %get3A_608 = tpu.vector_load %arg8[%get3A, %get3A_607] {strides = array<i32>} : memref<81x128xi32, #tpu.memory_space<vmem>>, vector<16xi32>,
          %get3A_609 = arith.index_cast %add3A_595 : i32 to index
          %get3A_610 = arith.index_cast %mul3A_606 : i32 to index
          %get3A_611 = tpu.vector_load %arg9[%get3A_609, %get3A_610] {strides = array<i32>} : memref<81x128xi32, #tpu.memory_space<vmem>>, vector<16xi32>,
          %add3A_612 = arith.addi %get3A_608, %get3A_608 : vector<16xi32>
          %gather3A = tpu.vector_load_idx %arg10[%add3A_612] : memref<20000xf32, #tpu.memory_space<vmem>>[vector<16xi32>], vector<16xf32>,
          %add3A_613 = arith.addi %get3A_611, %get3A_611 : vector<16xi32>
          %add3A_614 = arith.addi %add3A_613, %add3A_33 : vector<16xi32>
          %gather3A_615 = tpu.vector_load_idx %arg10[%add3A_614] : memref<20000xf32, #tpu.memory_space<vmem>>[vector<16xi32>], vector<16xf32>,
          %add3A_616 = arith.addf %gather3A, %gather3A_615 : vector<16xf32>
          %mul3A_617 = arith.constant 2.000000e-01 : f32
          %mul3A_618 = vector.broadcast %mul3A_617 : f32 to vector<16xf32>
          %mul3A_619 = arith.mulf %mul3A_618, %add3A_616 : vector<16xf32>
          %max3A = arith.maximumf %add3A_616, %mul3A_619 : vector<16xf32>
          %exp3A = math.exp %max3A : vector<16xf32>
          %mul3A_620 = arith.constant 128 : i32
          %mul3A_621 = arith.muli %add3A_595, %mul3A_620 : i32
          %add3A_622 = arith.addi %mul3A_35, %mul3A_621 : i32
          %add3A_623 = arith.addi %add3A_622, %mul3A_606 : i32
          %add3A_624 = vector.broadcast %add3A_623 : i32 to vector<16xi32>
          %add3A_625 = arith.addi %add3A_624, %iota3A : vector<16xi32>
          %lt3A_626 = arith.constant 330000 : i32
          %lt3A_627 = vector.broadcast %lt3A_626 : i32 to vector<16xi32>
          %lt3A_628 = arith.cmpi slt, %add3A_625, %lt3A_627 : vector<16xi32>
          %jit3A_629 = arith.constant 0.000000e+00 : f32
          %broadcast_in_dim3A = vector.broadcast %jit3A_629 : f32 to vector<16xf32>
          %select_n3A_630 = arith.select %lt3A_628, %exp3A, %broadcast_in_dim3A : vector<16xi1>, vector<16xf32>
          %jit3A_631 = arith.constant 8 : i32
          %eq3A_632 = arith.constant 0 : i32
          %eq3A_633 = arith.cmpi eq, %jit3A_631, %eq3A_632 : i32
          %jit3A_634 = arith.constant 1 : i32
          %select_n3A_635 = arith.select %eq3A_633, %jit3A_634, %jit3A_631 : i32
          %rem3A_636 = arith.remsi %add3A_595, %select_n3A_635 : i32
          %ne3A_637 = arith.constant 0 : i32
          %ne3A_638 = arith.cmpi ne, %rem3A_636, %ne3A_637 : i32
          %lt3A_639 = arith.constant 0 : i32
          %lt3A_640 = arith.cmpi slt, %rem3A_636, %lt3A_639 : i32
          %lt3A_641 = arith.constant 0 : i32
          %lt3A_642 = arith.cmpi slt, %select_n3A_635, %lt3A_641 : i32
          %ne3A_643 = arith.xori %lt3A_640, %lt3A_642 : i1
          %and3A_644 = arith.andi %ne3A_643, %ne3A_638 : i1
          %add3A_645 = arith.addi %rem3A_636, %select_n3A_635 : i32
          %select_n3A_646 = arith.select %and3A_644, %add3A_645, %rem3A_636 : i32
          %swap3A = arith.index_cast %select_n3A_646 : i32 to index
          %swap3A_647 = arith.index_cast %mul3A_606 : i32 to index
          %swap3A_648 = tpu.vector_load %arg11[%swap3A, %swap3A_647] {strides = array<i32>} : memref<8x128xf32, #tpu.memory_space<vmem>>, vector<16xf32>,
          tpu.vector_store %arg11[%swap3A, %swap3A_647], %select_n3A_630 {strides = array<i32>} : memref<8x128xf32, #tpu.memory_space<vmem>>, vector<16xf32>,
          %scan3A_649 = arith.constant 0 : i32
          scf.yield %scan3A_649 : i32
        }
        %scan3A_602 = arith.constant 8 : i32
      } else {
      }
      %jit3A = arith.constant 8 : i32
      %eq3A = arith.constant 0 : i32
      %eq3A_208 = arith.cmpi eq, %jit3A, %eq3A : i32
      %jit3A_209 = arith.constant 1 : i32
      %select_n3A = arith.select %eq3A_208, %jit3A_209, %jit3A : i32
      %rem3A = arith.remsi %add3A_193, %select_n3A : i32
      %ne3A = arith.constant 0 : i32
      %ne3A_210 = arith.cmpi ne, %rem3A, %ne3A : i32
      %lt3A_211 = arith.constant 0 : i32
      %lt3A_212 = arith.cmpi slt, %rem3A, %lt3A_211 : i32
      %lt3A_213 = arith.constant 0 : i32
      %lt3A_214 = arith.cmpi slt, %select_n3A, %lt3A_213 : i32
      %ne3A_215 = arith.xori %lt3A_212, %lt3A_214 : i1
      %and3A = arith.andi %ne3A_215, %ne3A_210 : i1
      %add3A_216 = arith.addi %rem3A, %select_n3A : i32
      %select_n3A_217 = arith.select %and3A, %add3A_216, %rem3A : i32
      %add3A_218 = vector.broadcast %select_n3A_217 : i32 to vector<16xi32>
      %add3A_219 = arith.addi %mul3A_30, %add3A_218 : vector<16xi32>
      %scan3A_220 = arith.constant 0 : i32
      %scan3A_221 = arith.constant 128 : i32
      %scan3A_222 = arith.addi %scan3A_220, %scan3A_221 : i32
      %scan3A_223 = arith.constant 4 : i32
      %scan3A_224 = scf.for %scan3A_586 = %scan3A_220 to %scan3A_222 step %scan3A_223 iter_args(%scan3A_587 = %mul3A_30) -> (vector<16xi32>)  : i32 {
        %gather3A = tpu.vector_load_idx %arg11[%add3A_219, %scan3A_587] : memref<8x128xf32, #tpu.memory_space<vmem>>[vector<16xi32>, vector<16xi32>], vector<16xf32>,
        %get3A = arith.index_cast %scan3A_586 : i32 to index
        %get3A_588 = arith.constant 0 : index
        %get3A_589 = tpu.vector_load %arg13[%get3A, %get3A_588] {strides = array<i32>} : memref<128x64xf32, #tpu.memory_space<vmem>>, vector<16xf32>,
        %mul3A_590 = arith.mulf %get3A_589, %gather3A : vector<16xf32>
        %swap3A = arith.index_cast %scan3A_586 : i32 to index
        %swap3A_591 = arith.constant 0 : index
        %swap3A_592 = tpu.vector_load %arg13[%swap3A, %swap3A_591] {strides = array<i32>} : memref<128x64xf32, #tpu.memory_space<vmem>>, vector<16xf32>,
        tpu.vector_store %arg13[%swap3A, %swap3A_591], %mul3A_590 {strides = array<i32>} : memref<128x64xf32, #tpu.memory_space<vmem>>, vector<16xf32>,
        %get3A_593 = arith.index_cast %scan3A_586 : i32 to index
        %get3A_594 = arith.constant 16 : index
        %get3A_595 = tpu.vector_load %arg13[%get3A_593, %get3A_594] {strides = array<i32>} : memref<128x64xf32, #tpu.memory_space<vmem>>, vector<16xf32>,
        %mul3A_596 = arith.mulf %get3A_595, %gather3A : vector<16xf32>
        %swap3A_597 = arith.index_cast %scan3A_586 : i32 to index
        %swap3A_598 = arith.constant 16 : index
        %swap3A_599 = tpu.vector_load %arg13[%swap3A_597, %swap3A_598] {strides = array<i32>} : memref<128x64xf32, #tpu.memory_space<vmem>>, vector<16xf32>,
        tpu.vector_store %arg13[%swap3A_597, %swap3A_598], %mul3A_596 {strides = array<i32>} : memref<128x64xf32, #tpu.memory_space<vmem>>, vector<16xf32>,
        %get3A_600 = arith.index_cast %scan3A_586 : i32 to index
        %get3A_601 = arith.constant 32 : index
        %get3A_602 = tpu.vector_load %arg13[%get3A_600, %get3A_601] {strides = array<i32>} : memref<128x64xf32, #tpu.memory_space<vmem>>, vector<16xf32>,
        %mul3A_603 = arith.mulf %get3A_602, %gather3A : vector<16xf32>
        %swap3A_604 = arith.index_cast %scan3A_586 : i32 to index
        %swap3A_605 = arith.constant 32 : index
        %swap3A_606 = tpu.vector_load %arg13[%swap3A_604, %swap3A_605] {strides = array<i32>} : memref<128x64xf32, #tpu.memory_space<vmem>>, vector<16xf32>,
        tpu.vector_store %arg13[%swap3A_604, %swap3A_605], %mul3A_603 {strides = array<i32>} : memref<128x64xf32, #tpu.memory_space<vmem>>, vector<16xf32>,
        %get3A_607 = arith.index_cast %scan3A_586 : i32 to index
        %get3A_608 = arith.constant 48 : index
        %get3A_609 = tpu.vector_load %arg13[%get3A_607, %get3A_608] {strides = array<i32>} : memref<128x64xf32, #tpu.memory_space<vmem>>, vector<16xf32>,
        %mul3A_610 = arith.mulf %get3A_609, %gather3A : vector<16xf32>
        %swap3A_611 = arith.index_cast %scan3A_586 : i32 to index
        %swap3A_612 = arith.constant 48 : index
        %swap3A_613 = tpu.vector_load %arg13[%swap3A_611, %swap3A_612] {strides = array<i32>} : memref<128x64xf32, #tpu.memory_space<vmem>>, vector<16xf32>,
        tpu.vector_store %arg13[%swap3A_611, %swap3A_612], %mul3A_610 {strides = array<i32>} : memref<128x64xf32, #tpu.memory_space<vmem>>, vector<16xf32>,
        %add3A_614 = arith.constant 1 : i32
        %add3A_615 = vector.broadcast %add3A_614 : i32 to vector<16xi32>
        %add3A_616 = arith.addi %scan3A_587, %add3A_615 : vector<16xi32>
        %scan3A_617 = arith.constant 1 : i32
        %scan3A_618 = arith.addi %scan3A_586, %scan3A_617 : i32
        %gather3A_619 = tpu.vector_load_idx %arg11[%add3A_219, %add3A_616] : memref<8x128xf32, #tpu.memory_space<vmem>>[vector<16xi32>, vector<16xi32>], vector<16xf32>,
        %get3A_620 = arith.index_cast %scan3A_618 : i32 to index
        %get3A_621 = arith.constant 0 : index
        %get3A_622 = tpu.vector_load %arg13[%get3A_620, %get3A_621] {strides = array<i32>} : memref<128x64xf32, #tpu.memory_space<vmem>>, vector<16xf32>,
        %mul3A_623 = arith.mulf %get3A_622, %gather3A_619 : vector<16xf32>
        %swap3A_624 = arith.index_cast %scan3A_618 : i32 to index
        %swap3A_625 = arith.constant 0 : index
        %swap3A_626 = tpu.vector_load %arg13[%swap3A_624, %swap3A_625] {strides = array<i32>} : memref<128x64xf32, #tpu.memory_space<vmem>>, vector<16xf32>,
        tpu.vector_store %arg13[%swap3A_624, %swap3A_625], %mul3A_623 {strides = array<i32>} : memref<128x64xf32, #tpu.memory_space<vmem>>, vector<16xf32>,
        %get3A_627 = arith.index_cast %scan3A_618 : i32 to index
        %get3A_628 = arith.constant 16 : index
        %get3A_629 = tpu.vector_load %arg13[%get3A_627, %get3A_628] {strides = array<i32>} : memref<128x64xf32, #tpu.memory_space<vmem>>, vector<16xf32>,
        %mul3A_630 = arith.mulf %get3A_629, %gather3A_619 : vector<16xf32>
        %swap3A_631 = arith.index_cast %scan3A_618 : i32 to index
        %swap3A_632 = arith.constant 16 : index
        %swap3A_633 = tpu.vector_load %arg13[%swap3A_631, %swap3A_632] {strides = array<i32>} : memref<128x64xf32, #tpu.memory_space<vmem>>, vector<16xf32>,
        tpu.vector_store %arg13[%swap3A_631, %swap3A_632], %mul3A_630 {strides = array<i32>} : memref<128x64xf32, #tpu.memory_space<vmem>>, vector<16xf32>,
        %get3A_634 = arith.index_cast %scan3A_618 : i32 to index
        %get3A_635 = arith.constant 32 : index
        %get3A_636 = tpu.vector_load %arg13[%get3A_634, %get3A_635] {strides = array<i32>} : memref<128x64xf32, #tpu.memory_space<vmem>>, vector<16xf32>,
        %mul3A_637 = arith.mulf %get3A_636, %gather3A_619 : vector<16xf32>
        %swap3A_638 = arith.index_cast %scan3A_618 : i32 to index
        %swap3A_639 = arith.constant 32 : index
        %swap3A_640 = tpu.vector_load %arg13[%swap3A_638, %swap3A_639] {strides = array<i32>} : memref<128x64xf32, #tpu.memory_space<vmem>>, vector<16xf32>,
        tpu.vector_store %arg13[%swap3A_638, %swap3A_639], %mul3A_637 {strides = array<i32>} : memref<128x64xf32, #tpu.memory_space<vmem>>, vector<16xf32>,
        %get3A_641 = arith.index_cast %scan3A_618 : i32 to index
        %get3A_642 = arith.constant 48 : index
        %get3A_643 = tpu.vector_load %arg13[%get3A_641, %get3A_642] {strides = array<i32>} : memref<128x64xf32, #tpu.memory_space<vmem>>, vector<16xf32>,
        %mul3A_644 = arith.mulf %get3A_643, %gather3A_619 : vector<16xf32>
        %swap3A_645 = arith.index_cast %scan3A_618 : i32 to index
        %swap3A_646 = arith.constant 48 : index
        %swap3A_647 = tpu.vector_load %arg13[%swap3A_645, %swap3A_646] {strides = array<i32>} : memref<128x64xf32, #tpu.memory_space<vmem>>, vector<16xf32>,
        tpu.vector_store %arg13[%swap3A_645, %swap3A_646], %mul3A_644 {strides = array<i32>} : memref<128x64xf32, #tpu.memory_space<vmem>>, vector<16xf32>,
        %add3A_648 = arith.constant 1 : i32
        %add3A_649 = vector.broadcast %add3A_648 : i32 to vector<16xi32>
        %add3A_650 = arith.addi %add3A_616, %add3A_649 : vector<16xi32>
        %scan3A_651 = arith.constant 2 : i32
        %scan3A_652 = arith.addi %scan3A_586, %scan3A_651 : i32
        %gather3A_653 = tpu.vector_load_idx %arg11[%add3A_219, %add3A_650] : memref<8x128xf32, #tpu.memory_space<vmem>>[vector<16xi32>, vector<16xi32>], vector<16xf32>,
        %get3A_654 = arith.index_cast %scan3A_652 : i32 to index
        %get3A_655 = arith.constant 0 : index
        %get3A_656 = tpu.vector_load %arg13[%get3A_654, %get3A_655] {strides = array<i32>} : memref<128x64xf32, #tpu.memory_space<vmem>>, vector<16xf32>,
        %mul3A_657 = arith.mulf %get3A_656, %gather3A_653 : vector<16xf32>
        %swap3A_658 = arith.index_cast %scan3A_652 : i32 to index
        %swap3A_659 = arith.constant 0 : index
        %swap3A_660 = tpu.vector_load %arg13[%swap3A_658, %swap3A_659] {strides = array<i32>} : memref<128x64xf32, #tpu.memory_space<vmem>>, vector<16xf32>,
        tpu.vector_store %arg13[%swap3A_658, %swap3A_659], %mul3A_657 {strides = array<i32>} : memref<128x64xf32, #tpu.memory_space<vmem>>, vector<16xf32>,
        %get3A_661 = arith.index_cast %scan3A_652 : i32 to index
        %get3A_662 = arith.constant 16 : index
        %get3A_663 = tpu.vector_load %arg13[%get3A_661, %get3A_662] {strides = array<i32>} : memref<128x64xf32, #tpu.memory_space<vmem>>, vector<16xf32>,
        %mul3A_664 = arith.mulf %get3A_663, %gather3A_653 : vector<16xf32>
        %swap3A_665 = arith.index_cast %scan3A_652 : i32 to index
        %swap3A_666 = arith.constant 16 : index
        %swap3A_667 = tpu.vector_load %arg13[%swap3A_665, %swap3A_666] {strides = array<i32>} : memref<128x64xf32, #tpu.memory_space<vmem>>, vector<16xf32>,
        tpu.vector_store %arg13[%swap3A_665, %swap3A_666], %mul3A_664 {strides = array<i32>} : memref<128x64xf32, #tpu.memory_space<vmem>>, vector<16xf32>,
        %get3A_668 = arith.index_cast %scan3A_652 : i32 to index
        %get3A_669 = arith.constant 32 : index
        %get3A_670 = tpu.vector_load %arg13[%get3A_668, %get3A_669] {strides = array<i32>} : memref<128x64xf32, #tpu.memory_space<vmem>>, vector<16xf32>,
        %mul3A_671 = arith.mulf %get3A_670, %gather3A_653 : vector<16xf32>
        %swap3A_672 = arith.index_cast %scan3A_652 : i32 to index
        %swap3A_673 = arith.constant 32 : index
        %swap3A_674 = tpu.vector_load %arg13[%swap3A_672, %swap3A_673] {strides = array<i32>} : memref<128x64xf32, #tpu.memory_space<vmem>>, vector<16xf32>,
        tpu.vector_store %arg13[%swap3A_672, %swap3A_673], %mul3A_671 {strides = array<i32>} : memref<128x64xf32, #tpu.memory_space<vmem>>, vector<16xf32>,
        %get3A_675 = arith.index_cast %scan3A_652 : i32 to index
        %get3A_676 = arith.constant 48 : index
        %get3A_677 = tpu.vector_load %arg13[%get3A_675, %get3A_676] {strides = array<i32>} : memref<128x64xf32, #tpu.memory_space<vmem>>, vector<16xf32>,
        %mul3A_678 = arith.mulf %get3A_677, %gather3A_653 : vector<16xf32>
        %swap3A_679 = arith.index_cast %scan3A_652 : i32 to index
        %swap3A_680 = arith.constant 48 : index
        %swap3A_681 = tpu.vector_load %arg13[%swap3A_679, %swap3A_680] {strides = array<i32>} : memref<128x64xf32, #tpu.memory_space<vmem>>, vector<16xf32>,
        tpu.vector_store %arg13[%swap3A_679, %swap3A_680], %mul3A_678 {strides = array<i32>} : memref<128x64xf32, #tpu.memory_space<vmem>>, vector<16xf32>,
        %add3A_682 = arith.constant 1 : i32
        %add3A_683 = vector.broadcast %add3A_682 : i32 to vector<16xi32>
        %add3A_684 = arith.addi %add3A_650, %add3A_683 : vector<16xi32>
        %scan3A_685 = arith.constant 3 : i32
        %scan3A_686 = arith.addi %scan3A_586, %scan3A_685 : i32
        %gather3A_687 = tpu.vector_load_idx %arg11[%add3A_219, %add3A_684] : memref<8x128xf32, #tpu.memory_space<vmem>>[vector<16xi32>, vector<16xi32>], vector<16xf32>,
        %get3A_688 = arith.index_cast %scan3A_686 : i32 to index
        %get3A_689 = arith.constant 0 : index
        %get3A_690 = tpu.vector_load %arg13[%get3A_688, %get3A_689] {strides = array<i32>} : memref<128x64xf32, #tpu.memory_space<vmem>>, vector<16xf32>,
        %mul3A_691 = arith.mulf %get3A_690, %gather3A_687 : vector<16xf32>
        %swap3A_692 = arith.index_cast %scan3A_686 : i32 to index
        %swap3A_693 = arith.constant 0 : index
        %swap3A_694 = tpu.vector_load %arg13[%swap3A_692, %swap3A_693] {strides = array<i32>} : memref<128x64xf32, #tpu.memory_space<vmem>>, vector<16xf32>,
        tpu.vector_store %arg13[%swap3A_692, %swap3A_693], %mul3A_691 {strides = array<i32>} : memref<128x64xf32, #tpu.memory_space<vmem>>, vector<16xf32>,
        %get3A_695 = arith.index_cast %scan3A_686 : i32 to index
        %get3A_696 = arith.constant 16 : index
        %get3A_697 = tpu.vector_load %arg13[%get3A_695, %get3A_696] {strides = array<i32>} : memref<128x64xf32, #tpu.memory_space<vmem>>, vector<16xf32>,
        %mul3A_698 = arith.mulf %get3A_697, %gather3A_687 : vector<16xf32>
        %swap3A_699 = arith.index_cast %scan3A_686 : i32 to index
        %swap3A_700 = arith.constant 16 : index
        %swap3A_701 = tpu.vector_load %arg13[%swap3A_699, %swap3A_700] {strides = array<i32>} : memref<128x64xf32, #tpu.memory_space<vmem>>, vector<16xf32>,
        tpu.vector_store %arg13[%swap3A_699, %swap3A_700], %mul3A_698 {strides = array<i32>} : memref<128x64xf32, #tpu.memory_space<vmem>>, vector<16xf32>,
        %get3A_702 = arith.index_cast %scan3A_686 : i32 to index
        %get3A_703 = arith.constant 32 : index
        %get3A_704 = tpu.vector_load %arg13[%get3A_702, %get3A_703] {strides = array<i32>} : memref<128x64xf32, #tpu.memory_space<vmem>>, vector<16xf32>,
        %mul3A_705 = arith.mulf %get3A_704, %gather3A_687 : vector<16xf32>
        %swap3A_706 = arith.index_cast %scan3A_686 : i32 to index
        %swap3A_707 = arith.constant 32 : index
        %swap3A_708 = tpu.vector_load %arg13[%swap3A_706, %swap3A_707] {strides = array<i32>} : memref<128x64xf32, #tpu.memory_space<vmem>>, vector<16xf32>,
        tpu.vector_store %arg13[%swap3A_706, %swap3A_707], %mul3A_705 {strides = array<i32>} : memref<128x64xf32, #tpu.memory_space<vmem>>, vector<16xf32>,
        %get3A_709 = arith.index_cast %scan3A_686 : i32 to index
        %get3A_710 = arith.constant 48 : index
        %get3A_711 = tpu.vector_load %arg13[%get3A_709, %get3A_710] {strides = array<i32>} : memref<128x64xf32, #tpu.memory_space<vmem>>, vector<16xf32>,
        %mul3A_712 = arith.mulf %get3A_711, %gather3A_687 : vector<16xf32>
        %swap3A_713 = arith.index_cast %scan3A_686 : i32 to index
        %swap3A_714 = arith.constant 48 : index
        %swap3A_715 = tpu.vector_load %arg13[%swap3A_713, %swap3A_714] {strides = array<i32>} : memref<128x64xf32, #tpu.memory_space<vmem>>, vector<16xf32>,
        tpu.vector_store %arg13[%swap3A_713, %swap3A_714], %mul3A_712 {strides = array<i32>} : memref<128x64xf32, #tpu.memory_space<vmem>>, vector<16xf32>,
        %add3A_716 = arith.constant 1 : i32
        %add3A_717 = vector.broadcast %add3A_716 : i32 to vector<16xi32>
        %add3A_718 = arith.addi %add3A_684, %add3A_717 : vector<16xi32>
        scf.yield %add3A_718 : vector<16xi32>
      }
      %scan3A_225 = arith.constant 128 : i32
      %dma_start3A_226 = arith.constant 0 : i32
      %dma_start3A_227 = tpu.memref_slice %arg9[%add3A_193, %dma_start3A_226] : memref<81x128xi32, #tpu.memory_space<vmem>> -> memref<1x128xi32, #tpu.memory_space<vmem>>
      %dma_start3A_228 = tpu.memref_squeeze %dma_start3A_227 : memref<1x128xi32, #tpu.memory_space<vmem>> -> memref<128xi32, #tpu.memory_space<vmem>>
      %dma_start3A_229 = arith.constant 0 : i32
      %dma_start3A_230 = arith.constant 0 : i32
      %dma_start3A_231 = tpu.memref_slice %arg18[%dma_start3A_229, %dma_start3A_230] : memref<10240x64xf32, #tpu.memory_space<vmem_shared>> -> memref<10240x64xf32, #tpu.memory_space<vmem_shared>>
      tpu.enqueue_indirect_dma source(%arg13 : memref<128x64xf32, #tpu.memory_space<vmem>>) target(%dma_start3A_231 : memref<10240x64xf32, #tpu.memory_space<vmem_shared>>) offsets(%dma_start3A_228 : memref<128xi32, #tpu.memory_space<vmem>>) semaphore(%arg25 : memref<!tpu.dma_semaphore, #tpu.memory_space<semaphore_mem>>) {add = true}
      %jit3A_232 = arith.constant 8 : i32
      %eq3A_233 = arith.constant 0 : i32
      %eq3A_234 = arith.cmpi eq, %jit3A_232, %eq3A_233 : i32
      %jit3A_235 = arith.constant 1 : i32
      %select_n3A_236 = arith.select %eq3A_234, %jit3A_235, %jit3A_232 : i32
      %rem3A_237 = arith.remsi %add3A_193, %select_n3A_236 : i32
      %ne3A_238 = arith.constant 0 : i32
      %ne3A_239 = arith.cmpi ne, %rem3A_237, %ne3A_238 : i32
      %lt3A_240 = arith.constant 0 : i32
      %lt3A_241 = arith.cmpi slt, %rem3A_237, %lt3A_240 : i32
      %lt3A_242 = arith.constant 0 : i32
      %lt3A_243 = arith.cmpi slt, %select_n3A_236, %lt3A_242 : i32
      %ne3A_244 = arith.xori %lt3A_241, %lt3A_243 : i1
      %and3A_245 = arith.andi %ne3A_244, %ne3A_239 : i1
      %add3A_246 = arith.addi %rem3A_237, %select_n3A_236 : i32
      %select_n3A_247 = arith.select %and3A_245, %add3A_246, %rem3A_237 : i32
      %dma_start3A_248 = arith.constant 0 : i32
      %dma_start3A_249 = tpu.memref_slice %arg11[%select_n3A_247, %dma_start3A_248] : memref<8x128xf32, #tpu.memory_space<vmem>> -> memref<1x128xf32, #tpu.memory_space<vmem>>
      %dma_start3A_250 = tpu.memref_squeeze %dma_start3A_249 : memref<1x128xf32, #tpu.memory_space<vmem>> -> memref<128xf32, #tpu.memory_space<vmem>>
      %dma_start3A_251 = arith.constant 0 : i32
      %dma_start3A_252 = tpu.memref_slice %arg9[%add3A_193, %dma_start3A_251] : memref<81x128xi32, #tpu.memory_space<vmem>> -> memref<1x128xi32, #tpu.memory_space<vmem>>
      %dma_start3A_253 = tpu.memref_squeeze %dma_start3A_252 : memref<1x128xi32, #tpu.memory_space<vmem>> -> memref<128xi32, #tpu.memory_space<vmem>>
      %dma_start3A_254 = arith.constant 0 : i32
      %dma_start3A_255 = tpu.memref_slice %arg19[%dma_start3A_254] : memref<10240xf32, #tpu.memory_space<vmem_shared>> -> memref<10240xf32, #tpu.memory_space<vmem_shared>>
      tpu.enqueue_indirect_dma source(%dma_start3A_250 : memref<128xf32, #tpu.memory_space<vmem>>) target(%dma_start3A_255 : memref<10240xf32, #tpu.memory_space<vmem_shared>>) offsets(%dma_start3A_253 : memref<128xi32, #tpu.memory_space<vmem>>) semaphore(%arg30 : memref<!tpu.dma_semaphore, #tpu.memory_space<semaphore_mem>>) {add = true}
      %ge3A_256 = arith.constant 4 : i32
      %ge3A_257 = arith.cmpi sge, %add3A_193, %ge3A_256 : i32
      %convert_element_type3A_258 = arith.extui %ge3A_257 : i1 to i32
      %cond3A_259 = arith.constant 0 : i32
      %cond3A_260 = arith.cmpi ne, %convert_element_type3A_258, %cond3A_259 : i32
      scf.if %cond3A_260 {
        %sub3A = arith.constant 4 : i32
        %sub3A_586 = arith.subi %add3A_193, %sub3A : i32
        %jit3A_587 = arith.constant 8 : i32
        %eq3A_588 = arith.constant 0 : i32
        %eq3A_589 = arith.cmpi eq, %jit3A_587, %eq3A_588 : i32
        %jit3A_590 = arith.constant 1 : i32
        %select_n3A_591 = arith.select %eq3A_589, %jit3A_590, %jit3A_587 : i32
        %rem3A_592 = arith.remsi %sub3A_586, %select_n3A_591 : i32
        %ne3A_593 = arith.constant 0 : i32
        %ne3A_594 = arith.cmpi ne, %rem3A_592, %ne3A_593 : i32
        %lt3A_595 = arith.constant 0 : i32
        %lt3A_596 = arith.cmpi slt, %rem3A_592, %lt3A_595 : i32
        %lt3A_597 = arith.constant 0 : i32
        %lt3A_598 = arith.cmpi slt, %select_n3A_591, %lt3A_597 : i32
        %ne3A_599 = arith.xori %lt3A_596, %lt3A_598 : i1
        %and3A_600 = arith.andi %ne3A_599, %ne3A_594 : i1
        %add3A_601 = arith.addi %rem3A_592, %select_n3A_591 : i32
        %select_n3A_602 = arith.select %and3A_600, %add3A_601, %rem3A_592 : i32
        %sub3A_603 = arith.constant 4 : i32
        %sub3A_604 = arith.subi %add3A_193, %sub3A_603 : i32
        %dma_wait3A_605 = arith.constant 0 : i32
        %dma_wait3A_606 = tpu.memref_slice %arg11[%select_n3A_602, %dma_wait3A_605] : memref<8x128xf32, #tpu.memory_space<vmem>> -> memref<1x128xf32, #tpu.memory_space<vmem>>
        %dma_wait3A_607 = tpu.memref_squeeze %dma_wait3A_606 : memref<1x128xf32, #tpu.memory_space<vmem>> -> memref<128xf32, #tpu.memory_space<vmem>>
        %dma_wait3A_608 = arith.constant 0 : i32
        %dma_wait3A_609 = tpu.memref_slice %arg9[%sub3A_604, %dma_wait3A_608] : memref<81x128xi32, #tpu.memory_space<vmem>> -> memref<1x128xi32, #tpu.memory_space<vmem>>
        %dma_wait3A_610 = tpu.memref_squeeze %dma_wait3A_609 : memref<1x128xi32, #tpu.memory_space<vmem>> -> memref<128xi32, #tpu.memory_space<vmem>>
        %dma_wait3A_611 = arith.constant 0 : i32
        %dma_wait3A_612 = tpu.memref_slice %arg19[%dma_wait3A_611] : memref<10240xf32, #tpu.memory_space<vmem_shared>> -> memref<10240xf32, #tpu.memory_space<vmem_shared>>
        tpu.wait_indirect_dma semaphore(%arg30 : memref<!tpu.dma_semaphore, #tpu.memory_space<semaphore_mem>>) src(%dma_wait3A_607 : memref<128xf32, #tpu.memory_space<vmem>>) dst(%dma_wait3A_612 : memref<10240xf32, #tpu.memory_space<vmem_shared>>)
      } else {
      }
      %mul3A_261 = arith.constant 5 : i32
      %mul3A_262 = arith.muli %mul3A_261, %scan3A_188 : i32
      %add3A_263 = arith.constant 1 : i32
      %add3A_264 = arith.addi %mul3A_262, %add3A_263 : i32
      %dma_wait3A_265 = arith.constant 0 : i32
      %dma_wait3A_266 = tpu.memref_slice %arg8[%add3A_264, %dma_wait3A_265] : memref<81x128xi32, #tpu.memory_space<vmem>> -> memref<1x128xi32, #tpu.memory_space<vmem>>
      %dma_wait3A_267 = tpu.memref_squeeze %dma_wait3A_266 : memref<1x128xi32, #tpu.memory_space<vmem>> -> memref<128xi32, #tpu.memory_space<vmem>>
      %dma_wait3A_268 = arith.constant 0 : i32
      %dma_wait3A_269 = arith.constant 0 : i32
      %dma_wait3A_270 = tpu.memref_slice %arg5[%dma_wait3A_268, %dma_wait3A_269] : memref<10000x64xf32, #tpu.memory_space<hbm>> -> memref<10000x64xf32, #tpu.memory_space<hbm>>
      tpu.wait_indirect_dma semaphore(%arg21 : memref<!tpu.dma_semaphore, #tpu.memory_space<semaphore_mem>>) src(%dma_wait3A_270 : memref<10000x64xf32, #tpu.memory_space<hbm>>) dst(%arg14 : memref<128x64xf32, #tpu.memory_space<vmem>>)
      %ge3A_271 = arith.constant 2 : i32
      %ge3A_272 = arith.cmpi sge, %add3A_264, %ge3A_271 : i32
      %convert_element_type3A_273 = arith.extui %ge3A_272 : i1 to i32
      %cond3A_274 = arith.constant 0 : i32
      %cond3A_275 = arith.cmpi ne, %convert_element_type3A_273, %cond3A_274 : i32
      scf.if %cond3A_275 {
        %sub3A = arith.constant 2 : i32
        %sub3A_586 = arith.subi %add3A_264, %sub3A : i32
        %dma_wait3A_587 = arith.constant 0 : i32
        %dma_wait3A_588 = tpu.memref_slice %arg9[%sub3A_586, %dma_wait3A_587] : memref<81x128xi32, #tpu.memory_space<vmem>> -> memref<1x128xi32, #tpu.memory_space<vmem>>
        %dma_wait3A_589 = tpu.memref_squeeze %dma_wait3A_588 : memref<1x128xi32, #tpu.memory_space<vmem>> -> memref<128xi32, #tpu.memory_space<vmem>>
        %dma_wait3A_590 = arith.constant 0 : i32
        %dma_wait3A_591 = arith.constant 0 : i32
        %dma_wait3A_592 = tpu.memref_slice %arg18[%dma_wait3A_590, %dma_wait3A_591] : memref<10240x64xf32, #tpu.memory_space<vmem_shared>> -> memref<10240x64xf32, #tpu.memory_space<vmem_shared>>
        tpu.wait_indirect_dma semaphore(%arg29 : memref<!tpu.dma_semaphore, #tpu.memory_space<semaphore_mem>>) src(%arg17 : memref<128x64xf32, #tpu.memory_space<vmem>>) dst(%dma_wait3A_592 : memref<10240x64xf32, #tpu.memory_space<vmem_shared>>)
      } else {
      }
      %add3A_276 = arith.constant 3 : i32
      %add3A_277 = arith.addi %add3A_264, %add3A_276 : i32
      %lt3A_278 = arith.constant 81 : i32
      %lt3A_279 = arith.cmpi slt, %add3A_277, %lt3A_278 : i32
      %convert_element_type3A_280 = arith.extui %lt3A_279 : i1 to i32
      %cond3A_281 = arith.constant 0 : i32
      %cond3A_282 = arith.cmpi ne, %convert_element_type3A_280, %cond3A_281 : i32
      scf.if %cond3A_282 {
        %add3A_586 = arith.constant 3 : i32
        %add3A_587 = arith.addi %add3A_264, %add3A_586 : i32
        %dma_start3A_588 = arith.constant 0 : i32
        %dma_start3A_589 = tpu.memref_slice %arg8[%add3A_587, %dma_start3A_588] : memref<81x128xi32, #tpu.memory_space<vmem>> -> memref<1x128xi32, #tpu.memory_space<vmem>>
        %dma_start3A_590 = tpu.memref_squeeze %dma_start3A_589 : memref<1x128xi32, #tpu.memory_space<vmem>> -> memref<128xi32, #tpu.memory_space<vmem>>
        %dma_start3A_591 = arith.constant 0 : i32
        %dma_start3A_592 = arith.constant 0 : i32
        %dma_start3A_593 = tpu.memref_slice %arg5[%dma_start3A_591, %dma_start3A_592] : memref<10000x64xf32, #tpu.memory_space<hbm>> -> memref<10000x64xf32, #tpu.memory_space<hbm>>
        tpu.enqueue_indirect_dma source(%dma_start3A_593 : memref<10000x64xf32, #tpu.memory_space<hbm>>) target(%arg17 : memref<128x64xf32, #tpu.memory_space<vmem>>) offsets(%dma_start3A_590 : memref<128xi32, #tpu.memory_space<vmem>>) semaphore(%arg24 : memref<!tpu.dma_semaphore, #tpu.memory_space<semaphore_mem>>)
        %add3A_594 = arith.constant 3 : i32
        %add3A_595 = arith.addi %add3A_264, %add3A_594 : i32
        %scan3A_596 = arith.constant 0 : i32
        %scan3A_597 = arith.constant 0 : i32
        %scan3A_598 = arith.constant 8 : i32
        %scan3A_599 = arith.addi %scan3A_597, %scan3A_598 : i32
        %scan3A_600 = arith.constant 1 : i32
        %scan3A_601 = scf.for %scan3A_603 = %scan3A_597 to %scan3A_599 step %scan3A_600 iter_args(%scan3A_604 = %scan3A_596) -> (i32)  : i32 {
          %mul3A_605 = arith.constant 16 : i32
          %mul3A_606 = arith.muli %scan3A_603, %mul3A_605 : i32
          %get3A = arith.index_cast %add3A_595 : i32 to index
          %get3A_607 = arith.index_cast %mul3A_606 : i32 to index
          %get3A_608 = tpu.vector_load %arg8[%get3A, %get3A_607] {strides = array<i32>} : memref<81x128xi32, #tpu.memory_space<vmem>>, vector<16xi32>,
          %get3A_609 = arith.index_cast %add3A_595 : i32 to index
          %get3A_610 = arith.index_cast %mul3A_606 : i32 to index
          %get3A_611 = tpu.vector_load %arg9[%get3A_609, %get3A_610] {strides = array<i32>} : memref<81x128xi32, #tpu.memory_space<vmem>>, vector<16xi32>,
          %add3A_612 = arith.addi %get3A_608, %get3A_608 : vector<16xi32>
          %gather3A = tpu.vector_load_idx %arg10[%add3A_612] : memref<20000xf32, #tpu.memory_space<vmem>>[vector<16xi32>], vector<16xf32>,
          %add3A_613 = arith.addi %get3A_611, %get3A_611 : vector<16xi32>
          %add3A_614 = arith.addi %add3A_613, %add3A_33 : vector<16xi32>
          %gather3A_615 = tpu.vector_load_idx %arg10[%add3A_614] : memref<20000xf32, #tpu.memory_space<vmem>>[vector<16xi32>], vector<16xf32>,
          %add3A_616 = arith.addf %gather3A, %gather3A_615 : vector<16xf32>
          %mul3A_617 = arith.constant 2.000000e-01 : f32
          %mul3A_618 = vector.broadcast %mul3A_617 : f32 to vector<16xf32>
          %mul3A_619 = arith.mulf %mul3A_618, %add3A_616 : vector<16xf32>
          %max3A = arith.maximumf %add3A_616, %mul3A_619 : vector<16xf32>
          %exp3A = math.exp %max3A : vector<16xf32>
          %mul3A_620 = arith.constant 128 : i32
          %mul3A_621 = arith.muli %add3A_595, %mul3A_620 : i32
          %add3A_622 = arith.addi %mul3A_35, %mul3A_621 : i32
          %add3A_623 = arith.addi %add3A_622, %mul3A_606 : i32
          %add3A_624 = vector.broadcast %add3A_623 : i32 to vector<16xi32>
          %add3A_625 = arith.addi %add3A_624, %iota3A : vector<16xi32>
          %lt3A_626 = arith.constant 330000 : i32
          %lt3A_627 = vector.broadcast %lt3A_626 : i32 to vector<16xi32>
          %lt3A_628 = arith.cmpi slt, %add3A_625, %lt3A_627 : vector<16xi32>
          %jit3A_629 = arith.constant 0.000000e+00 : f32
          %broadcast_in_dim3A = vector.broadcast %jit3A_629 : f32 to vector<16xf32>
          %select_n3A_630 = arith.select %lt3A_628, %exp3A, %broadcast_in_dim3A : vector<16xi1>, vector<16xf32>
          %jit3A_631 = arith.constant 8 : i32
          %eq3A_632 = arith.constant 0 : i32
          %eq3A_633 = arith.cmpi eq, %jit3A_631, %eq3A_632 : i32
          %jit3A_634 = arith.constant 1 : i32
          %select_n3A_635 = arith.select %eq3A_633, %jit3A_634, %jit3A_631 : i32
          %rem3A_636 = arith.remsi %add3A_595, %select_n3A_635 : i32
          %ne3A_637 = arith.constant 0 : i32
          %ne3A_638 = arith.cmpi ne, %rem3A_636, %ne3A_637 : i32
          %lt3A_639 = arith.constant 0 : i32
          %lt3A_640 = arith.cmpi slt, %rem3A_636, %lt3A_639 : i32
          %lt3A_641 = arith.constant 0 : i32
          %lt3A_642 = arith.cmpi slt, %select_n3A_635, %lt3A_641 : i32
          %ne3A_643 = arith.xori %lt3A_640, %lt3A_642 : i1
          %and3A_644 = arith.andi %ne3A_643, %ne3A_638 : i1
          %add3A_645 = arith.addi %rem3A_636, %select_n3A_635 : i32
          %select_n3A_646 = arith.select %and3A_644, %add3A_645, %rem3A_636 : i32
          %swap3A = arith.index_cast %select_n3A_646 : i32 to index
          %swap3A_647 = arith.index_cast %mul3A_606 : i32 to index
          %swap3A_648 = tpu.vector_load %arg11[%swap3A, %swap3A_647] {strides = array<i32>} : memref<8x128xf32, #tpu.memory_space<vmem>>, vector<16xf32>,
          tpu.vector_store %arg11[%swap3A, %swap3A_647], %select_n3A_630 {strides = array<i32>} : memref<8x128xf32, #tpu.memory_space<vmem>>, vector<16xf32>,
          %scan3A_649 = arith.constant 0 : i32
          scf.yield %scan3A_649 : i32
        }
        %scan3A_602 = arith.constant 8 : i32
      } else {
      }
      %jit3A_283 = arith.constant 8 : i32
      %eq3A_284 = arith.constant 0 : i32
      %eq3A_285 = arith.cmpi eq, %jit3A_283, %eq3A_284 : i32
      %jit3A_286 = arith.constant 1 : i32
      %select_n3A_287 = arith.select %eq3A_285, %jit3A_286, %jit3A_283 : i32
      %rem3A_288 = arith.remsi %add3A_264, %select_n3A_287 : i32
      %ne3A_289 = arith.constant 0 : i32
      %ne3A_290 = arith.cmpi ne, %rem3A_288, %ne3A_289 : i32
      %lt3A_291 = arith.constant 0 : i32
      %lt3A_292 = arith.cmpi slt, %rem3A_288, %lt3A_291 : i32
      %lt3A_293 = arith.constant 0 : i32
      %lt3A_294 = arith.cmpi slt, %select_n3A_287, %lt3A_293 : i32
      %ne3A_295 = arith.xori %lt3A_292, %lt3A_294 : i1
      %and3A_296 = arith.andi %ne3A_295, %ne3A_290 : i1
      %add3A_297 = arith.addi %rem3A_288, %select_n3A_287 : i32
      %select_n3A_298 = arith.select %and3A_296, %add3A_297, %rem3A_288 : i32
      %add3A_299 = vector.broadcast %select_n3A_298 : i32 to vector<16xi32>
      %add3A_300 = arith.addi %mul3A_30, %add3A_299 : vector<16xi32>
      %scan3A_301 = arith.constant 0 : i32
      %scan3A_302 = arith.constant 128 : i32
      %scan3A_303 = arith.addi %scan3A_301, %scan3A_302 : i32
      %scan3A_304 = arith.constant 4 : i32
      %scan3A_305 = scf.for %scan3A_586 = %scan3A_301 to %scan3A_303 step %scan3A_304 iter_args(%scan3A_587 = %mul3A_30) -> (vector<16xi32>)  : i32 {
        %gather3A = tpu.vector_load_idx %arg11[%add3A_300, %scan3A_587] : memref<8x128xf32, #tpu.memory_space<vmem>>[vector<16xi32>, vector<16xi32>], vector<16xf32>,
        %get3A = arith.index_cast %scan3A_586 : i32 to index
        %get3A_588 = arith.constant 0 : index
        %get3A_589 = tpu.vector_load %arg14[%get3A, %get3A_588] {strides = array<i32>} : memref<128x64xf32, #tpu.memory_space<vmem>>, vector<16xf32>,
        %mul3A_590 = arith.mulf %get3A_589, %gather3A : vector<16xf32>
        %swap3A = arith.index_cast %scan3A_586 : i32 to index
        %swap3A_591 = arith.constant 0 : index
        %swap3A_592 = tpu.vector_load %arg14[%swap3A, %swap3A_591] {strides = array<i32>} : memref<128x64xf32, #tpu.memory_space<vmem>>, vector<16xf32>,
        tpu.vector_store %arg14[%swap3A, %swap3A_591], %mul3A_590 {strides = array<i32>} : memref<128x64xf32, #tpu.memory_space<vmem>>, vector<16xf32>,
        %get3A_593 = arith.index_cast %scan3A_586 : i32 to index
        %get3A_594 = arith.constant 16 : index
        %get3A_595 = tpu.vector_load %arg14[%get3A_593, %get3A_594] {strides = array<i32>} : memref<128x64xf32, #tpu.memory_space<vmem>>, vector<16xf32>,
        %mul3A_596 = arith.mulf %get3A_595, %gather3A : vector<16xf32>
        %swap3A_597 = arith.index_cast %scan3A_586 : i32 to index
        %swap3A_598 = arith.constant 16 : index
        %swap3A_599 = tpu.vector_load %arg14[%swap3A_597, %swap3A_598] {strides = array<i32>} : memref<128x64xf32, #tpu.memory_space<vmem>>, vector<16xf32>,
        tpu.vector_store %arg14[%swap3A_597, %swap3A_598], %mul3A_596 {strides = array<i32>} : memref<128x64xf32, #tpu.memory_space<vmem>>, vector<16xf32>,
        %get3A_600 = arith.index_cast %scan3A_586 : i32 to index
        %get3A_601 = arith.constant 32 : index
        %get3A_602 = tpu.vector_load %arg14[%get3A_600, %get3A_601] {strides = array<i32>} : memref<128x64xf32, #tpu.memory_space<vmem>>, vector<16xf32>,
        %mul3A_603 = arith.mulf %get3A_602, %gather3A : vector<16xf32>
        %swap3A_604 = arith.index_cast %scan3A_586 : i32 to index
        %swap3A_605 = arith.constant 32 : index
        %swap3A_606 = tpu.vector_load %arg14[%swap3A_604, %swap3A_605] {strides = array<i32>} : memref<128x64xf32, #tpu.memory_space<vmem>>, vector<16xf32>,
        tpu.vector_store %arg14[%swap3A_604, %swap3A_605], %mul3A_603 {strides = array<i32>} : memref<128x64xf32, #tpu.memory_space<vmem>>, vector<16xf32>,
        %get3A_607 = arith.index_cast %scan3A_586 : i32 to index
        %get3A_608 = arith.constant 48 : index
        %get3A_609 = tpu.vector_load %arg14[%get3A_607, %get3A_608] {strides = array<i32>} : memref<128x64xf32, #tpu.memory_space<vmem>>, vector<16xf32>,
        %mul3A_610 = arith.mulf %get3A_609, %gather3A : vector<16xf32>
        %swap3A_611 = arith.index_cast %scan3A_586 : i32 to index
        %swap3A_612 = arith.constant 48 : index
        %swap3A_613 = tpu.vector_load %arg14[%swap3A_611, %swap3A_612] {strides = array<i32>} : memref<128x64xf32, #tpu.memory_space<vmem>>, vector<16xf32>,
        tpu.vector_store %arg14[%swap3A_611, %swap3A_612], %mul3A_610 {strides = array<i32>} : memref<128x64xf32, #tpu.memory_space<vmem>>, vector<16xf32>,
        %add3A_614 = arith.constant 1 : i32
        %add3A_615 = vector.broadcast %add3A_614 : i32 to vector<16xi32>
        %add3A_616 = arith.addi %scan3A_587, %add3A_615 : vector<16xi32>
        %scan3A_617 = arith.constant 1 : i32
        %scan3A_618 = arith.addi %scan3A_586, %scan3A_617 : i32
        %gather3A_619 = tpu.vector_load_idx %arg11[%add3A_300, %add3A_616] : memref<8x128xf32, #tpu.memory_space<vmem>>[vector<16xi32>, vector<16xi32>], vector<16xf32>,
        %get3A_620 = arith.index_cast %scan3A_618 : i32 to index
        %get3A_621 = arith.constant 0 : index
        %get3A_622 = tpu.vector_load %arg14[%get3A_620, %get3A_621] {strides = array<i32>} : memref<128x64xf32, #tpu.memory_space<vmem>>, vector<16xf32>,
        %mul3A_623 = arith.mulf %get3A_622, %gather3A_619 : vector<16xf32>
        %swap3A_624 = arith.index_cast %scan3A_618 : i32 to index
        %swap3A_625 = arith.constant 0 : index
        %swap3A_626 = tpu.vector_load %arg14[%swap3A_624, %swap3A_625] {strides = array<i32>} : memref<128x64xf32, #tpu.memory_space<vmem>>, vector<16xf32>,
        tpu.vector_store %arg14[%swap3A_624, %swap3A_625], %mul3A_623 {strides = array<i32>} : memref<128x64xf32, #tpu.memory_space<vmem>>, vector<16xf32>,
        %get3A_627 = arith.index_cast %scan3A_618 : i32 to index
        %get3A_628 = arith.constant 16 : index
        %get3A_629 = tpu.vector_load %arg14[%get3A_627, %get3A_628] {strides = array<i32>} : memref<128x64xf32, #tpu.memory_space<vmem>>, vector<16xf32>,
        %mul3A_630 = arith.mulf %get3A_629, %gather3A_619 : vector<16xf32>
        %swap3A_631 = arith.index_cast %scan3A_618 : i32 to index
        %swap3A_632 = arith.constant 16 : index
        %swap3A_633 = tpu.vector_load %arg14[%swap3A_631, %swap3A_632] {strides = array<i32>} : memref<128x64xf32, #tpu.memory_space<vmem>>, vector<16xf32>,
        tpu.vector_store %arg14[%swap3A_631, %swap3A_632], %mul3A_630 {strides = array<i32>} : memref<128x64xf32, #tpu.memory_space<vmem>>, vector<16xf32>,
        %get3A_634 = arith.index_cast %scan3A_618 : i32 to index
        %get3A_635 = arith.constant 32 : index
        %get3A_636 = tpu.vector_load %arg14[%get3A_634, %get3A_635] {strides = array<i32>} : memref<128x64xf32, #tpu.memory_space<vmem>>, vector<16xf32>,
        %mul3A_637 = arith.mulf %get3A_636, %gather3A_619 : vector<16xf32>
        %swap3A_638 = arith.index_cast %scan3A_618 : i32 to index
        %swap3A_639 = arith.constant 32 : index
        %swap3A_640 = tpu.vector_load %arg14[%swap3A_638, %swap3A_639] {strides = array<i32>} : memref<128x64xf32, #tpu.memory_space<vmem>>, vector<16xf32>,
        tpu.vector_store %arg14[%swap3A_638, %swap3A_639], %mul3A_637 {strides = array<i32>} : memref<128x64xf32, #tpu.memory_space<vmem>>, vector<16xf32>,
        %get3A_641 = arith.index_cast %scan3A_618 : i32 to index
        %get3A_642 = arith.constant 48 : index
        %get3A_643 = tpu.vector_load %arg14[%get3A_641, %get3A_642] {strides = array<i32>} : memref<128x64xf32, #tpu.memory_space<vmem>>, vector<16xf32>,
        %mul3A_644 = arith.mulf %get3A_643, %gather3A_619 : vector<16xf32>
        %swap3A_645 = arith.index_cast %scan3A_618 : i32 to index
        %swap3A_646 = arith.constant 48 : index
        %swap3A_647 = tpu.vector_load %arg14[%swap3A_645, %swap3A_646] {strides = array<i32>} : memref<128x64xf32, #tpu.memory_space<vmem>>, vector<16xf32>,
        tpu.vector_store %arg14[%swap3A_645, %swap3A_646], %mul3A_644 {strides = array<i32>} : memref<128x64xf32, #tpu.memory_space<vmem>>, vector<16xf32>,
        %add3A_648 = arith.constant 1 : i32
        %add3A_649 = vector.broadcast %add3A_648 : i32 to vector<16xi32>
        %add3A_650 = arith.addi %add3A_616, %add3A_649 : vector<16xi32>
        %scan3A_651 = arith.constant 2 : i32
        %scan3A_652 = arith.addi %scan3A_586, %scan3A_651 : i32
        %gather3A_653 = tpu.vector_load_idx %arg11[%add3A_300, %add3A_650] : memref<8x128xf32, #tpu.memory_space<vmem>>[vector<16xi32>, vector<16xi32>], vector<16xf32>,
        %get3A_654 = arith.index_cast %scan3A_652 : i32 to index
        %get3A_655 = arith.constant 0 : index
        %get3A_656 = tpu.vector_load %arg14[%get3A_654, %get3A_655] {strides = array<i32>} : memref<128x64xf32, #tpu.memory_space<vmem>>, vector<16xf32>,
        %mul3A_657 = arith.mulf %get3A_656, %gather3A_653 : vector<16xf32>
        %swap3A_658 = arith.index_cast %scan3A_652 : i32 to index
        %swap3A_659 = arith.constant 0 : index
        %swap3A_660 = tpu.vector_load %arg14[%swap3A_658, %swap3A_659] {strides = array<i32>} : memref<128x64xf32, #tpu.memory_space<vmem>>, vector<16xf32>,
        tpu.vector_store %arg14[%swap3A_658, %swap3A_659], %mul3A_657 {strides = array<i32>} : memref<128x64xf32, #tpu.memory_space<vmem>>, vector<16xf32>,
        %get3A_661 = arith.index_cast %scan3A_652 : i32 to index
        %get3A_662 = arith.constant 16 : index
        %get3A_663 = tpu.vector_load %arg14[%get3A_661, %get3A_662] {strides = array<i32>} : memref<128x64xf32, #tpu.memory_space<vmem>>, vector<16xf32>,
        %mul3A_664 = arith.mulf %get3A_663, %gather3A_653 : vector<16xf32>
        %swap3A_665 = arith.index_cast %scan3A_652 : i32 to index
        %swap3A_666 = arith.constant 16 : index
        %swap3A_667 = tpu.vector_load %arg14[%swap3A_665, %swap3A_666] {strides = array<i32>} : memref<128x64xf32, #tpu.memory_space<vmem>>, vector<16xf32>,
        tpu.vector_store %arg14[%swap3A_665, %swap3A_666], %mul3A_664 {strides = array<i32>} : memref<128x64xf32, #tpu.memory_space<vmem>>, vector<16xf32>,
        %get3A_668 = arith.index_cast %scan3A_652 : i32 to index
        %get3A_669 = arith.constant 32 : index
        %get3A_670 = tpu.vector_load %arg14[%get3A_668, %get3A_669] {strides = array<i32>} : memref<128x64xf32, #tpu.memory_space<vmem>>, vector<16xf32>,
        %mul3A_671 = arith.mulf %get3A_670, %gather3A_653 : vector<16xf32>
        %swap3A_672 = arith.index_cast %scan3A_652 : i32 to index
        %swap3A_673 = arith.constant 32 : index
        %swap3A_674 = tpu.vector_load %arg14[%swap3A_672, %swap3A_673] {strides = array<i32>} : memref<128x64xf32, #tpu.memory_space<vmem>>, vector<16xf32>,
        tpu.vector_store %arg14[%swap3A_672, %swap3A_673], %mul3A_671 {strides = array<i32>} : memref<128x64xf32, #tpu.memory_space<vmem>>, vector<16xf32>,
        %get3A_675 = arith.index_cast %scan3A_652 : i32 to index
        %get3A_676 = arith.constant 48 : index
        %get3A_677 = tpu.vector_load %arg14[%get3A_675, %get3A_676] {strides = array<i32>} : memref<128x64xf32, #tpu.memory_space<vmem>>, vector<16xf32>,
        %mul3A_678 = arith.mulf %get3A_677, %gather3A_653 : vector<16xf32>
        %swap3A_679 = arith.index_cast %scan3A_652 : i32 to index
        %swap3A_680 = arith.constant 48 : index
        %swap3A_681 = tpu.vector_load %arg14[%swap3A_679, %swap3A_680] {strides = array<i32>} : memref<128x64xf32, #tpu.memory_space<vmem>>, vector<16xf32>,
        tpu.vector_store %arg14[%swap3A_679, %swap3A_680], %mul3A_678 {strides = array<i32>} : memref<128x64xf32, #tpu.memory_space<vmem>>, vector<16xf32>,
        %add3A_682 = arith.constant 1 : i32
        %add3A_683 = vector.broadcast %add3A_682 : i32 to vector<16xi32>
        %add3A_684 = arith.addi %add3A_650, %add3A_683 : vector<16xi32>
        %scan3A_685 = arith.constant 3 : i32
        %scan3A_686 = arith.addi %scan3A_586, %scan3A_685 : i32
        %gather3A_687 = tpu.vector_load_idx %arg11[%add3A_300, %add3A_684] : memref<8x128xf32, #tpu.memory_space<vmem>>[vector<16xi32>, vector<16xi32>], vector<16xf32>,
        %get3A_688 = arith.index_cast %scan3A_686 : i32 to index
        %get3A_689 = arith.constant 0 : index
        %get3A_690 = tpu.vector_load %arg14[%get3A_688, %get3A_689] {strides = array<i32>} : memref<128x64xf32, #tpu.memory_space<vmem>>, vector<16xf32>,
        %mul3A_691 = arith.mulf %get3A_690, %gather3A_687 : vector<16xf32>
        %swap3A_692 = arith.index_cast %scan3A_686 : i32 to index
        %swap3A_693 = arith.constant 0 : index
        %swap3A_694 = tpu.vector_load %arg14[%swap3A_692, %swap3A_693] {strides = array<i32>} : memref<128x64xf32, #tpu.memory_space<vmem>>, vector<16xf32>,
        tpu.vector_store %arg14[%swap3A_692, %swap3A_693], %mul3A_691 {strides = array<i32>} : memref<128x64xf32, #tpu.memory_space<vmem>>, vector<16xf32>,
        %get3A_695 = arith.index_cast %scan3A_686 : i32 to index
        %get3A_696 = arith.constant 16 : index
        %get3A_697 = tpu.vector_load %arg14[%get3A_695, %get3A_696] {strides = array<i32>} : memref<128x64xf32, #tpu.memory_space<vmem>>, vector<16xf32>,
        %mul3A_698 = arith.mulf %get3A_697, %gather3A_687 : vector<16xf32>
        %swap3A_699 = arith.index_cast %scan3A_686 : i32 to index
        %swap3A_700 = arith.constant 16 : index
        %swap3A_701 = tpu.vector_load %arg14[%swap3A_699, %swap3A_700] {strides = array<i32>} : memref<128x64xf32, #tpu.memory_space<vmem>>, vector<16xf32>,
        tpu.vector_store %arg14[%swap3A_699, %swap3A_700], %mul3A_698 {strides = array<i32>} : memref<128x64xf32, #tpu.memory_space<vmem>>, vector<16xf32>,
        %get3A_702 = arith.index_cast %scan3A_686 : i32 to index
        %get3A_703 = arith.constant 32 : index
        %get3A_704 = tpu.vector_load %arg14[%get3A_702, %get3A_703] {strides = array<i32>} : memref<128x64xf32, #tpu.memory_space<vmem>>, vector<16xf32>,
        %mul3A_705 = arith.mulf %get3A_704, %gather3A_687 : vector<16xf32>
        %swap3A_706 = arith.index_cast %scan3A_686 : i32 to index
        %swap3A_707 = arith.constant 32 : index
        %swap3A_708 = tpu.vector_load %arg14[%swap3A_706, %swap3A_707] {strides = array<i32>} : memref<128x64xf32, #tpu.memory_space<vmem>>, vector<16xf32>,
        tpu.vector_store %arg14[%swap3A_706, %swap3A_707], %mul3A_705 {strides = array<i32>} : memref<128x64xf32, #tpu.memory_space<vmem>>, vector<16xf32>,
        %get3A_709 = arith.index_cast %scan3A_686 : i32 to index
        %get3A_710 = arith.constant 48 : index
        %get3A_711 = tpu.vector_load %arg14[%get3A_709, %get3A_710] {strides = array<i32>} : memref<128x64xf32, #tpu.memory_space<vmem>>, vector<16xf32>,
        %mul3A_712 = arith.mulf %get3A_711, %gather3A_687 : vector<16xf32>
        %swap3A_713 = arith.index_cast %scan3A_686 : i32 to index
        %swap3A_714 = arith.constant 48 : index
        %swap3A_715 = tpu.vector_load %arg14[%swap3A_713, %swap3A_714] {strides = array<i32>} : memref<128x64xf32, #tpu.memory_space<vmem>>, vector<16xf32>,
        tpu.vector_store %arg14[%swap3A_713, %swap3A_714], %mul3A_712 {strides = array<i32>} : memref<128x64xf32, #tpu.memory_space<vmem>>, vector<16xf32>,
        %add3A_716 = arith.constant 1 : i32
        %add3A_717 = vector.broadcast %add3A_716 : i32 to vector<16xi32>
        %add3A_718 = arith.addi %add3A_684, %add3A_717 : vector<16xi32>
        scf.yield %add3A_718 : vector<16xi32>
      }
      %scan3A_306 = arith.constant 128 : i32
      %dma_start3A_307 = arith.constant 0 : i32
      %dma_start3A_308 = tpu.memref_slice %arg9[%add3A_264, %dma_start3A_307] : memref<81x128xi32, #tpu.memory_space<vmem>> -> memref<1x128xi32, #tpu.memory_space<vmem>>
      %dma_start3A_309 = tpu.memref_squeeze %dma_start3A_308 : memref<1x128xi32, #tpu.memory_space<vmem>> -> memref<128xi32, #tpu.memory_space<vmem>>
      %dma_start3A_310 = arith.constant 0 : i32
      %dma_start3A_311 = arith.constant 0 : i32
      %dma_start3A_312 = tpu.memref_slice %arg18[%dma_start3A_310, %dma_start3A_311] : memref<10240x64xf32, #tpu.memory_space<vmem_shared>> -> memref<10240x64xf32, #tpu.memory_space<vmem_shared>>
      tpu.enqueue_indirect_dma source(%arg14 : memref<128x64xf32, #tpu.memory_space<vmem>>) target(%dma_start3A_312 : memref<10240x64xf32, #tpu.memory_space<vmem_shared>>) offsets(%dma_start3A_309 : memref<128xi32, #tpu.memory_space<vmem>>) semaphore(%arg26 : memref<!tpu.dma_semaphore, #tpu.memory_space<semaphore_mem>>) {add = true}
      %jit3A_313 = arith.constant 8 : i32
      %eq3A_314 = arith.constant 0 : i32
      %eq3A_315 = arith.cmpi eq, %jit3A_313, %eq3A_314 : i32
      %jit3A_316 = arith.constant 1 : i32
      %select_n3A_317 = arith.select %eq3A_315, %jit3A_316, %jit3A_313 : i32
      %rem3A_318 = arith.remsi %add3A_264, %select_n3A_317 : i32
      %ne3A_319 = arith.constant 0 : i32
      %ne3A_320 = arith.cmpi ne, %rem3A_318, %ne3A_319 : i32
      %lt3A_321 = arith.constant 0 : i32
      %lt3A_322 = arith.cmpi slt, %rem3A_318, %lt3A_321 : i32
      %lt3A_323 = arith.constant 0 : i32
      %lt3A_324 = arith.cmpi slt, %select_n3A_317, %lt3A_323 : i32
      %ne3A_325 = arith.xori %lt3A_322, %lt3A_324 : i1
      %and3A_326 = arith.andi %ne3A_325, %ne3A_320 : i1
      %add3A_327 = arith.addi %rem3A_318, %select_n3A_317 : i32
      %select_n3A_328 = arith.select %and3A_326, %add3A_327, %rem3A_318 : i32
      %dma_start3A_329 = arith.constant 0 : i32
      %dma_start3A_330 = tpu.memref_slice %arg11[%select_n3A_328, %dma_start3A_329] : memref<8x128xf32, #tpu.memory_space<vmem>> -> memref<1x128xf32, #tpu.memory_space<vmem>>
      %dma_start3A_331 = tpu.memref_squeeze %dma_start3A_330 : memref<1x128xf32, #tpu.memory_space<vmem>> -> memref<128xf32, #tpu.memory_space<vmem>>
      %dma_start3A_332 = arith.constant 0 : i32
      %dma_start3A_333 = tpu.memref_slice %arg9[%add3A_264, %dma_start3A_332] : memref<81x128xi32, #tpu.memory_space<vmem>> -> memref<1x128xi32, #tpu.memory_space<vmem>>
      %dma_start3A_334 = tpu.memref_squeeze %dma_start3A_333 : memref<1x128xi32, #tpu.memory_space<vmem>> -> memref<128xi32, #tpu.memory_space<vmem>>
      %dma_start3A_335 = arith.constant 0 : i32
      %dma_start3A_336 = tpu.memref_slice %arg19[%dma_start3A_335] : memref<10240xf32, #tpu.memory_space<vmem_shared>> -> memref<10240xf32, #tpu.memory_space<vmem_shared>>
      tpu.enqueue_indirect_dma source(%dma_start3A_331 : memref<128xf32, #tpu.memory_space<vmem>>) target(%dma_start3A_336 : memref<10240xf32, #tpu.memory_space<vmem_shared>>) offsets(%dma_start3A_334 : memref<128xi32, #tpu.memory_space<vmem>>) semaphore(%arg30 : memref<!tpu.dma_semaphore, #tpu.memory_space<semaphore_mem>>) {add = true}
      %ge3A_337 = arith.constant 4 : i32
      %ge3A_338 = arith.cmpi sge, %add3A_264, %ge3A_337 : i32
      %convert_element_type3A_339 = arith.extui %ge3A_338 : i1 to i32
      %cond3A_340 = arith.constant 0 : i32
      %cond3A_341 = arith.cmpi ne, %convert_element_type3A_339, %cond3A_340 : i32
      scf.if %cond3A_341 {
        %sub3A = arith.constant 4 : i32
        %sub3A_586 = arith.subi %add3A_264, %sub3A : i32
        %jit3A_587 = arith.constant 8 : i32
        %eq3A_588 = arith.constant 0 : i32
        %eq3A_589 = arith.cmpi eq, %jit3A_587, %eq3A_588 : i32
        %jit3A_590 = arith.constant 1 : i32
        %select_n3A_591 = arith.select %eq3A_589, %jit3A_590, %jit3A_587 : i32
        %rem3A_592 = arith.remsi %sub3A_586, %select_n3A_591 : i32
        %ne3A_593 = arith.constant 0 : i32
        %ne3A_594 = arith.cmpi ne, %rem3A_592, %ne3A_593 : i32
        %lt3A_595 = arith.constant 0 : i32
        %lt3A_596 = arith.cmpi slt, %rem3A_592, %lt3A_595 : i32
        %lt3A_597 = arith.constant 0 : i32
        %lt3A_598 = arith.cmpi slt, %select_n3A_591, %lt3A_597 : i32
        %ne3A_599 = arith.xori %lt3A_596, %lt3A_598 : i1
        %and3A_600 = arith.andi %ne3A_599, %ne3A_594 : i1
        %add3A_601 = arith.addi %rem3A_592, %select_n3A_591 : i32
        %select_n3A_602 = arith.select %and3A_600, %add3A_601, %rem3A_592 : i32
        %sub3A_603 = arith.constant 4 : i32
        %sub3A_604 = arith.subi %add3A_264, %sub3A_603 : i32
        %dma_wait3A_605 = arith.constant 0 : i32
        %dma_wait3A_606 = tpu.memref_slice %arg11[%select_n3A_602, %dma_wait3A_605] : memref<8x128xf32, #tpu.memory_space<vmem>> -> memref<1x128xf32, #tpu.memory_space<vmem>>
        %dma_wait3A_607 = tpu.memref_squeeze %dma_wait3A_606 : memref<1x128xf32, #tpu.memory_space<vmem>> -> memref<128xf32, #tpu.memory_space<vmem>>
        %dma_wait3A_608 = arith.constant 0 : i32
        %dma_wait3A_609 = tpu.memref_slice %arg9[%sub3A_604, %dma_wait3A_608] : memref<81x128xi32, #tpu.memory_space<vmem>> -> memref<1x128xi32, #tpu.memory_space<vmem>>
        %dma_wait3A_610 = tpu.memref_squeeze %dma_wait3A_609 : memref<1x128xi32, #tpu.memory_space<vmem>> -> memref<128xi32, #tpu.memory_space<vmem>>
        %dma_wait3A_611 = arith.constant 0 : i32
        %dma_wait3A_612 = tpu.memref_slice %arg19[%dma_wait3A_611] : memref<10240xf32, #tpu.memory_space<vmem_shared>> -> memref<10240xf32, #tpu.memory_space<vmem_shared>>
        tpu.wait_indirect_dma semaphore(%arg30 : memref<!tpu.dma_semaphore, #tpu.memory_space<semaphore_mem>>) src(%dma_wait3A_607 : memref<128xf32, #tpu.memory_space<vmem>>) dst(%dma_wait3A_612 : memref<10240xf32, #tpu.memory_space<vmem_shared>>)
      } else {
      }
      %mul3A_342 = arith.constant 5 : i32
      %mul3A_343 = arith.muli %mul3A_342, %scan3A_188 : i32
      %add3A_344 = arith.constant 2 : i32
      %add3A_345 = arith.addi %mul3A_343, %add3A_344 : i32
      %dma_wait3A_346 = arith.constant 0 : i32
      %dma_wait3A_347 = tpu.memref_slice %arg8[%add3A_345, %dma_wait3A_346] : memref<81x128xi32, #tpu.memory_space<vmem>> -> memref<1x128xi32, #tpu.memory_space<vmem>>
      %dma_wait3A_348 = tpu.memref_squeeze %dma_wait3A_347 : memref<1x128xi32, #tpu.memory_space<vmem>> -> memref<128xi32, #tpu.memory_space<vmem>>
      %dma_wait3A_349 = arith.constant 0 : i32
      %dma_wait3A_350 = arith.constant 0 : i32
      %dma_wait3A_351 = tpu.memref_slice %arg5[%dma_wait3A_349, %dma_wait3A_350] : memref<10000x64xf32, #tpu.memory_space<hbm>> -> memref<10000x64xf32, #tpu.memory_space<hbm>>
      tpu.wait_indirect_dma semaphore(%arg22 : memref<!tpu.dma_semaphore, #tpu.memory_space<semaphore_mem>>) src(%dma_wait3A_351 : memref<10000x64xf32, #tpu.memory_space<hbm>>) dst(%arg15 : memref<128x64xf32, #tpu.memory_space<vmem>>)
      %ge3A_352 = arith.constant 2 : i32
      %ge3A_353 = arith.cmpi sge, %add3A_345, %ge3A_352 : i32
      %convert_element_type3A_354 = arith.extui %ge3A_353 : i1 to i32
      %cond3A_355 = arith.constant 0 : i32
      %cond3A_356 = arith.cmpi ne, %convert_element_type3A_354, %cond3A_355 : i32
      scf.if %cond3A_356 {
        %sub3A = arith.constant 2 : i32
        %sub3A_586 = arith.subi %add3A_345, %sub3A : i32
        %dma_wait3A_587 = arith.constant 0 : i32
        %dma_wait3A_588 = tpu.memref_slice %arg9[%sub3A_586, %dma_wait3A_587] : memref<81x128xi32, #tpu.memory_space<vmem>> -> memref<1x128xi32, #tpu.memory_space<vmem>>
        %dma_wait3A_589 = tpu.memref_squeeze %dma_wait3A_588 : memref<1x128xi32, #tpu.memory_space<vmem>> -> memref<128xi32, #tpu.memory_space<vmem>>
        %dma_wait3A_590 = arith.constant 0 : i32
        %dma_wait3A_591 = arith.constant 0 : i32
        %dma_wait3A_592 = tpu.memref_slice %arg18[%dma_wait3A_590, %dma_wait3A_591] : memref<10240x64xf32, #tpu.memory_space<vmem_shared>> -> memref<10240x64xf32, #tpu.memory_space<vmem_shared>>
        tpu.wait_indirect_dma semaphore(%arg25 : memref<!tpu.dma_semaphore, #tpu.memory_space<semaphore_mem>>) src(%arg13 : memref<128x64xf32, #tpu.memory_space<vmem>>) dst(%dma_wait3A_592 : memref<10240x64xf32, #tpu.memory_space<vmem_shared>>)
      } else {
      }
      %add3A_357 = arith.constant 3 : i32
      %add3A_358 = arith.addi %add3A_345, %add3A_357 : i32
      %lt3A_359 = arith.constant 81 : i32
      %lt3A_360 = arith.cmpi slt, %add3A_358, %lt3A_359 : i32
      %convert_element_type3A_361 = arith.extui %lt3A_360 : i1 to i32
      %cond3A_362 = arith.constant 0 : i32
      %cond3A_363 = arith.cmpi ne, %convert_element_type3A_361, %cond3A_362 : i32
      scf.if %cond3A_363 {
        %add3A_586 = arith.constant 3 : i32
        %add3A_587 = arith.addi %add3A_345, %add3A_586 : i32
        %dma_start3A_588 = arith.constant 0 : i32
        %dma_start3A_589 = tpu.memref_slice %arg8[%add3A_587, %dma_start3A_588] : memref<81x128xi32, #tpu.memory_space<vmem>> -> memref<1x128xi32, #tpu.memory_space<vmem>>
        %dma_start3A_590 = tpu.memref_squeeze %dma_start3A_589 : memref<1x128xi32, #tpu.memory_space<vmem>> -> memref<128xi32, #tpu.memory_space<vmem>>
        %dma_start3A_591 = arith.constant 0 : i32
        %dma_start3A_592 = arith.constant 0 : i32
        %dma_start3A_593 = tpu.memref_slice %arg5[%dma_start3A_591, %dma_start3A_592] : memref<10000x64xf32, #tpu.memory_space<hbm>> -> memref<10000x64xf32, #tpu.memory_space<hbm>>
        tpu.enqueue_indirect_dma source(%dma_start3A_593 : memref<10000x64xf32, #tpu.memory_space<hbm>>) target(%arg13 : memref<128x64xf32, #tpu.memory_space<vmem>>) offsets(%dma_start3A_590 : memref<128xi32, #tpu.memory_space<vmem>>) semaphore(%arg20 : memref<!tpu.dma_semaphore, #tpu.memory_space<semaphore_mem>>)
        %add3A_594 = arith.constant 3 : i32
        %add3A_595 = arith.addi %add3A_345, %add3A_594 : i32
        %scan3A_596 = arith.constant 0 : i32
        %scan3A_597 = arith.constant 0 : i32
        %scan3A_598 = arith.constant 8 : i32
        %scan3A_599 = arith.addi %scan3A_597, %scan3A_598 : i32
        %scan3A_600 = arith.constant 1 : i32
        %scan3A_601 = scf.for %scan3A_603 = %scan3A_597 to %scan3A_599 step %scan3A_600 iter_args(%scan3A_604 = %scan3A_596) -> (i32)  : i32 {
          %mul3A_605 = arith.constant 16 : i32
          %mul3A_606 = arith.muli %scan3A_603, %mul3A_605 : i32
          %get3A = arith.index_cast %add3A_595 : i32 to index
          %get3A_607 = arith.index_cast %mul3A_606 : i32 to index
          %get3A_608 = tpu.vector_load %arg8[%get3A, %get3A_607] {strides = array<i32>} : memref<81x128xi32, #tpu.memory_space<vmem>>, vector<16xi32>,
          %get3A_609 = arith.index_cast %add3A_595 : i32 to index
          %get3A_610 = arith.index_cast %mul3A_606 : i32 to index
          %get3A_611 = tpu.vector_load %arg9[%get3A_609, %get3A_610] {strides = array<i32>} : memref<81x128xi32, #tpu.memory_space<vmem>>, vector<16xi32>,
          %add3A_612 = arith.addi %get3A_608, %get3A_608 : vector<16xi32>
          %gather3A = tpu.vector_load_idx %arg10[%add3A_612] : memref<20000xf32, #tpu.memory_space<vmem>>[vector<16xi32>], vector<16xf32>,
          %add3A_613 = arith.addi %get3A_611, %get3A_611 : vector<16xi32>
          %add3A_614 = arith.addi %add3A_613, %add3A_33 : vector<16xi32>
          %gather3A_615 = tpu.vector_load_idx %arg10[%add3A_614] : memref<20000xf32, #tpu.memory_space<vmem>>[vector<16xi32>], vector<16xf32>,
          %add3A_616 = arith.addf %gather3A, %gather3A_615 : vector<16xf32>
          %mul3A_617 = arith.constant 2.000000e-01 : f32
          %mul3A_618 = vector.broadcast %mul3A_617 : f32 to vector<16xf32>
          %mul3A_619 = arith.mulf %mul3A_618, %add3A_616 : vector<16xf32>
          %max3A = arith.maximumf %add3A_616, %mul3A_619 : vector<16xf32>
          %exp3A = math.exp %max3A : vector<16xf32>
          %mul3A_620 = arith.constant 128 : i32
          %mul3A_621 = arith.muli %add3A_595, %mul3A_620 : i32
          %add3A_622 = arith.addi %mul3A_35, %mul3A_621 : i32
          %add3A_623 = arith.addi %add3A_622, %mul3A_606 : i32
          %add3A_624 = vector.broadcast %add3A_623 : i32 to vector<16xi32>
          %add3A_625 = arith.addi %add3A_624, %iota3A : vector<16xi32>
          %lt3A_626 = arith.constant 330000 : i32
          %lt3A_627 = vector.broadcast %lt3A_626 : i32 to vector<16xi32>
          %lt3A_628 = arith.cmpi slt, %add3A_625, %lt3A_627 : vector<16xi32>
          %jit3A_629 = arith.constant 0.000000e+00 : f32
          %broadcast_in_dim3A = vector.broadcast %jit3A_629 : f32 to vector<16xf32>
          %select_n3A_630 = arith.select %lt3A_628, %exp3A, %broadcast_in_dim3A : vector<16xi1>, vector<16xf32>
          %jit3A_631 = arith.constant 8 : i32
          %eq3A_632 = arith.constant 0 : i32
          %eq3A_633 = arith.cmpi eq, %jit3A_631, %eq3A_632 : i32
          %jit3A_634 = arith.constant 1 : i32
          %select_n3A_635 = arith.select %eq3A_633, %jit3A_634, %jit3A_631 : i32
          %rem3A_636 = arith.remsi %add3A_595, %select_n3A_635 : i32
          %ne3A_637 = arith.constant 0 : i32
          %ne3A_638 = arith.cmpi ne, %rem3A_636, %ne3A_637 : i32
          %lt3A_639 = arith.constant 0 : i32
          %lt3A_640 = arith.cmpi slt, %rem3A_636, %lt3A_639 : i32
          %lt3A_641 = arith.constant 0 : i32
          %lt3A_642 = arith.cmpi slt, %select_n3A_635, %lt3A_641 : i32
          %ne3A_643 = arith.xori %lt3A_640, %lt3A_642 : i1
          %and3A_644 = arith.andi %ne3A_643, %ne3A_638 : i1
          %add3A_645 = arith.addi %rem3A_636, %select_n3A_635 : i32
          %select_n3A_646 = arith.select %and3A_644, %add3A_645, %rem3A_636 : i32
          %swap3A = arith.index_cast %select_n3A_646 : i32 to index
          %swap3A_647 = arith.index_cast %mul3A_606 : i32 to index
          %swap3A_648 = tpu.vector_load %arg11[%swap3A, %swap3A_647] {strides = array<i32>} : memref<8x128xf32, #tpu.memory_space<vmem>>, vector<16xf32>,
          tpu.vector_store %arg11[%swap3A, %swap3A_647], %select_n3A_630 {strides = array<i32>} : memref<8x128xf32, #tpu.memory_space<vmem>>, vector<16xf32>,
          %scan3A_649 = arith.constant 0 : i32
          scf.yield %scan3A_649 : i32
        }
        %scan3A_602 = arith.constant 8 : i32
      } else {
      }
      %jit3A_364 = arith.constant 8 : i32
      %eq3A_365 = arith.constant 0 : i32
      %eq3A_366 = arith.cmpi eq, %jit3A_364, %eq3A_365 : i32
      %jit3A_367 = arith.constant 1 : i32
      %select_n3A_368 = arith.select %eq3A_366, %jit3A_367, %jit3A_364 : i32
      %rem3A_369 = arith.remsi %add3A_345, %select_n3A_368 : i32
      %ne3A_370 = arith.constant 0 : i32
      %ne3A_371 = arith.cmpi ne, %rem3A_369, %ne3A_370 : i32
      %lt3A_372 = arith.constant 0 : i32
      %lt3A_373 = arith.cmpi slt, %rem3A_369, %lt3A_372 : i32
      %lt3A_374 = arith.constant 0 : i32
      %lt3A_375 = arith.cmpi slt, %select_n3A_368, %lt3A_374 : i32
      %ne3A_376 = arith.xori %lt3A_373, %lt3A_375 : i1
      %and3A_377 = arith.andi %ne3A_376, %ne3A_371 : i1
      %add3A_378 = arith.addi %rem3A_369, %select_n3A_368 : i32
      %select_n3A_379 = arith.select %and3A_377, %add3A_378, %rem3A_369 : i32
      %add3A_380 = vector.broadcast %select_n3A_379 : i32 to vector<16xi32>
      %add3A_381 = arith.addi %mul3A_30, %add3A_380 : vector<16xi32>
      %scan3A_382 = arith.constant 0 : i32
      %scan3A_383 = arith.constant 128 : i32
      %scan3A_384 = arith.addi %scan3A_382, %scan3A_383 : i32
      %scan3A_385 = arith.constant 4 : i32
      %scan3A_386 = scf.for %scan3A_586 = %scan3A_382 to %scan3A_384 step %scan3A_385 iter_args(%scan3A_587 = %mul3A_30) -> (vector<16xi32>)  : i32 {
        %gather3A = tpu.vector_load_idx %arg11[%add3A_381, %scan3A_587] : memref<8x128xf32, #tpu.memory_space<vmem>>[vector<16xi32>, vector<16xi32>], vector<16xf32>,
        %get3A = arith.index_cast %scan3A_586 : i32 to index
        %get3A_588 = arith.constant 0 : index
        %get3A_589 = tpu.vector_load %arg15[%get3A, %get3A_588] {strides = array<i32>} : memref<128x64xf32, #tpu.memory_space<vmem>>, vector<16xf32>,
        %mul3A_590 = arith.mulf %get3A_589, %gather3A : vector<16xf32>
        %swap3A = arith.index_cast %scan3A_586 : i32 to index
        %swap3A_591 = arith.constant 0 : index
        %swap3A_592 = tpu.vector_load %arg15[%swap3A, %swap3A_591] {strides = array<i32>} : memref<128x64xf32, #tpu.memory_space<vmem>>, vector<16xf32>,
        tpu.vector_store %arg15[%swap3A, %swap3A_591], %mul3A_590 {strides = array<i32>} : memref<128x64xf32, #tpu.memory_space<vmem>>, vector<16xf32>,
        %get3A_593 = arith.index_cast %scan3A_586 : i32 to index
        %get3A_594 = arith.constant 16 : index
        %get3A_595 = tpu.vector_load %arg15[%get3A_593, %get3A_594] {strides = array<i32>} : memref<128x64xf32, #tpu.memory_space<vmem>>, vector<16xf32>,
        %mul3A_596 = arith.mulf %get3A_595, %gather3A : vector<16xf32>
        %swap3A_597 = arith.index_cast %scan3A_586 : i32 to index
        %swap3A_598 = arith.constant 16 : index
        %swap3A_599 = tpu.vector_load %arg15[%swap3A_597, %swap3A_598] {strides = array<i32>} : memref<128x64xf32, #tpu.memory_space<vmem>>, vector<16xf32>,
        tpu.vector_store %arg15[%swap3A_597, %swap3A_598], %mul3A_596 {strides = array<i32>} : memref<128x64xf32, #tpu.memory_space<vmem>>, vector<16xf32>,
        %get3A_600 = arith.index_cast %scan3A_586 : i32 to index
        %get3A_601 = arith.constant 32 : index
        %get3A_602 = tpu.vector_load %arg15[%get3A_600, %get3A_601] {strides = array<i32>} : memref<128x64xf32, #tpu.memory_space<vmem>>, vector<16xf32>,
        %mul3A_603 = arith.mulf %get3A_602, %gather3A : vector<16xf32>
        %swap3A_604 = arith.index_cast %scan3A_586 : i32 to index
        %swap3A_605 = arith.constant 32 : index
        %swap3A_606 = tpu.vector_load %arg15[%swap3A_604, %swap3A_605] {strides = array<i32>} : memref<128x64xf32, #tpu.memory_space<vmem>>, vector<16xf32>,
        tpu.vector_store %arg15[%swap3A_604, %swap3A_605], %mul3A_603 {strides = array<i32>} : memref<128x64xf32, #tpu.memory_space<vmem>>, vector<16xf32>,
        %get3A_607 = arith.index_cast %scan3A_586 : i32 to index
        %get3A_608 = arith.constant 48 : index
        %get3A_609 = tpu.vector_load %arg15[%get3A_607, %get3A_608] {strides = array<i32>} : memref<128x64xf32, #tpu.memory_space<vmem>>, vector<16xf32>,
        %mul3A_610 = arith.mulf %get3A_609, %gather3A : vector<16xf32>
        %swap3A_611 = arith.index_cast %scan3A_586 : i32 to index
        %swap3A_612 = arith.constant 48 : index
        %swap3A_613 = tpu.vector_load %arg15[%swap3A_611, %swap3A_612] {strides = array<i32>} : memref<128x64xf32, #tpu.memory_space<vmem>>, vector<16xf32>,
        tpu.vector_store %arg15[%swap3A_611, %swap3A_612], %mul3A_610 {strides = array<i32>} : memref<128x64xf32, #tpu.memory_space<vmem>>, vector<16xf32>,
        %add3A_614 = arith.constant 1 : i32
        %add3A_615 = vector.broadcast %add3A_614 : i32 to vector<16xi32>
        %add3A_616 = arith.addi %scan3A_587, %add3A_615 : vector<16xi32>
        %scan3A_617 = arith.constant 1 : i32
        %scan3A_618 = arith.addi %scan3A_586, %scan3A_617 : i32
        %gather3A_619 = tpu.vector_load_idx %arg11[%add3A_381, %add3A_616] : memref<8x128xf32, #tpu.memory_space<vmem>>[vector<16xi32>, vector<16xi32>], vector<16xf32>,
        %get3A_620 = arith.index_cast %scan3A_618 : i32 to index
        %get3A_621 = arith.constant 0 : index
        %get3A_622 = tpu.vector_load %arg15[%get3A_620, %get3A_621] {strides = array<i32>} : memref<128x64xf32, #tpu.memory_space<vmem>>, vector<16xf32>,
        %mul3A_623 = arith.mulf %get3A_622, %gather3A_619 : vector<16xf32>
        %swap3A_624 = arith.index_cast %scan3A_618 : i32 to index
        %swap3A_625 = arith.constant 0 : index
        %swap3A_626 = tpu.vector_load %arg15[%swap3A_624, %swap3A_625] {strides = array<i32>} : memref<128x64xf32, #tpu.memory_space<vmem>>, vector<16xf32>,
        tpu.vector_store %arg15[%swap3A_624, %swap3A_625], %mul3A_623 {strides = array<i32>} : memref<128x64xf32, #tpu.memory_space<vmem>>, vector<16xf32>,
        %get3A_627 = arith.index_cast %scan3A_618 : i32 to index
        %get3A_628 = arith.constant 16 : index
        %get3A_629 = tpu.vector_load %arg15[%get3A_627, %get3A_628] {strides = array<i32>} : memref<128x64xf32, #tpu.memory_space<vmem>>, vector<16xf32>,
        %mul3A_630 = arith.mulf %get3A_629, %gather3A_619 : vector<16xf32>
        %swap3A_631 = arith.index_cast %scan3A_618 : i32 to index
        %swap3A_632 = arith.constant 16 : index
        %swap3A_633 = tpu.vector_load %arg15[%swap3A_631, %swap3A_632] {strides = array<i32>} : memref<128x64xf32, #tpu.memory_space<vmem>>, vector<16xf32>,
        tpu.vector_store %arg15[%swap3A_631, %swap3A_632], %mul3A_630 {strides = array<i32>} : memref<128x64xf32, #tpu.memory_space<vmem>>, vector<16xf32>,
        %get3A_634 = arith.index_cast %scan3A_618 : i32 to index
        %get3A_635 = arith.constant 32 : index
        %get3A_636 = tpu.vector_load %arg15[%get3A_634, %get3A_635] {strides = array<i32>} : memref<128x64xf32, #tpu.memory_space<vmem>>, vector<16xf32>,
        %mul3A_637 = arith.mulf %get3A_636, %gather3A_619 : vector<16xf32>
        %swap3A_638 = arith.index_cast %scan3A_618 : i32 to index
        %swap3A_639 = arith.constant 32 : index
        %swap3A_640 = tpu.vector_load %arg15[%swap3A_638, %swap3A_639] {strides = array<i32>} : memref<128x64xf32, #tpu.memory_space<vmem>>, vector<16xf32>,
        tpu.vector_store %arg15[%swap3A_638, %swap3A_639], %mul3A_637 {strides = array<i32>} : memref<128x64xf32, #tpu.memory_space<vmem>>, vector<16xf32>,
        %get3A_641 = arith.index_cast %scan3A_618 : i32 to index
        %get3A_642 = arith.constant 48 : index
        %get3A_643 = tpu.vector_load %arg15[%get3A_641, %get3A_642] {strides = array<i32>} : memref<128x64xf32, #tpu.memory_space<vmem>>, vector<16xf32>,
        %mul3A_644 = arith.mulf %get3A_643, %gather3A_619 : vector<16xf32>
        %swap3A_645 = arith.index_cast %scan3A_618 : i32 to index
        %swap3A_646 = arith.constant 48 : index
        %swap3A_647 = tpu.vector_load %arg15[%swap3A_645, %swap3A_646] {strides = array<i32>} : memref<128x64xf32, #tpu.memory_space<vmem>>, vector<16xf32>,
        tpu.vector_store %arg15[%swap3A_645, %swap3A_646], %mul3A_644 {strides = array<i32>} : memref<128x64xf32, #tpu.memory_space<vmem>>, vector<16xf32>,
        %add3A_648 = arith.constant 1 : i32
        %add3A_649 = vector.broadcast %add3A_648 : i32 to vector<16xi32>
        %add3A_650 = arith.addi %add3A_616, %add3A_649 : vector<16xi32>
        %scan3A_651 = arith.constant 2 : i32
        %scan3A_652 = arith.addi %scan3A_586, %scan3A_651 : i32
        %gather3A_653 = tpu.vector_load_idx %arg11[%add3A_381, %add3A_650] : memref<8x128xf32, #tpu.memory_space<vmem>>[vector<16xi32>, vector<16xi32>], vector<16xf32>,
        %get3A_654 = arith.index_cast %scan3A_652 : i32 to index
        %get3A_655 = arith.constant 0 : index
        %get3A_656 = tpu.vector_load %arg15[%get3A_654, %get3A_655] {strides = array<i32>} : memref<128x64xf32, #tpu.memory_space<vmem>>, vector<16xf32>,
        %mul3A_657 = arith.mulf %get3A_656, %gather3A_653 : vector<16xf32>
        %swap3A_658 = arith.index_cast %scan3A_652 : i32 to index
        %swap3A_659 = arith.constant 0 : index
        %swap3A_660 = tpu.vector_load %arg15[%swap3A_658, %swap3A_659] {strides = array<i32>} : memref<128x64xf32, #tpu.memory_space<vmem>>, vector<16xf32>,
        tpu.vector_store %arg15[%swap3A_658, %swap3A_659], %mul3A_657 {strides = array<i32>} : memref<128x64xf32, #tpu.memory_space<vmem>>, vector<16xf32>,
        %get3A_661 = arith.index_cast %scan3A_652 : i32 to index
        %get3A_662 = arith.constant 16 : index
        %get3A_663 = tpu.vector_load %arg15[%get3A_661, %get3A_662] {strides = array<i32>} : memref<128x64xf32, #tpu.memory_space<vmem>>, vector<16xf32>,
        %mul3A_664 = arith.mulf %get3A_663, %gather3A_653 : vector<16xf32>
        %swap3A_665 = arith.index_cast %scan3A_652 : i32 to index
        %swap3A_666 = arith.constant 16 : index
        %swap3A_667 = tpu.vector_load %arg15[%swap3A_665, %swap3A_666] {strides = array<i32>} : memref<128x64xf32, #tpu.memory_space<vmem>>, vector<16xf32>,
        tpu.vector_store %arg15[%swap3A_665, %swap3A_666], %mul3A_664 {strides = array<i32>} : memref<128x64xf32, #tpu.memory_space<vmem>>, vector<16xf32>,
        %get3A_668 = arith.index_cast %scan3A_652 : i32 to index
        %get3A_669 = arith.constant 32 : index
        %get3A_670 = tpu.vector_load %arg15[%get3A_668, %get3A_669] {strides = array<i32>} : memref<128x64xf32, #tpu.memory_space<vmem>>, vector<16xf32>,
        %mul3A_671 = arith.mulf %get3A_670, %gather3A_653 : vector<16xf32>
        %swap3A_672 = arith.index_cast %scan3A_652 : i32 to index
        %swap3A_673 = arith.constant 32 : index
        %swap3A_674 = tpu.vector_load %arg15[%swap3A_672, %swap3A_673] {strides = array<i32>} : memref<128x64xf32, #tpu.memory_space<vmem>>, vector<16xf32>,
        tpu.vector_store %arg15[%swap3A_672, %swap3A_673], %mul3A_671 {strides = array<i32>} : memref<128x64xf32, #tpu.memory_space<vmem>>, vector<16xf32>,
        %get3A_675 = arith.index_cast %scan3A_652 : i32 to index
        %get3A_676 = arith.constant 48 : index
        %get3A_677 = tpu.vector_load %arg15[%get3A_675, %get3A_676] {strides = array<i32>} : memref<128x64xf32, #tpu.memory_space<vmem>>, vector<16xf32>,
        %mul3A_678 = arith.mulf %get3A_677, %gather3A_653 : vector<16xf32>
        %swap3A_679 = arith.index_cast %scan3A_652 : i32 to index
        %swap3A_680 = arith.constant 48 : index
        %swap3A_681 = tpu.vector_load %arg15[%swap3A_679, %swap3A_680] {strides = array<i32>} : memref<128x64xf32, #tpu.memory_space<vmem>>, vector<16xf32>,
        tpu.vector_store %arg15[%swap3A_679, %swap3A_680], %mul3A_678 {strides = array<i32>} : memref<128x64xf32, #tpu.memory_space<vmem>>, vector<16xf32>,
        %add3A_682 = arith.constant 1 : i32
        %add3A_683 = vector.broadcast %add3A_682 : i32 to vector<16xi32>
        %add3A_684 = arith.addi %add3A_650, %add3A_683 : vector<16xi32>
        %scan3A_685 = arith.constant 3 : i32
        %scan3A_686 = arith.addi %scan3A_586, %scan3A_685 : i32
        %gather3A_687 = tpu.vector_load_idx %arg11[%add3A_381, %add3A_684] : memref<8x128xf32, #tpu.memory_space<vmem>>[vector<16xi32>, vector<16xi32>], vector<16xf32>,
        %get3A_688 = arith.index_cast %scan3A_686 : i32 to index
        %get3A_689 = arith.constant 0 : index
        %get3A_690 = tpu.vector_load %arg15[%get3A_688, %get3A_689] {strides = array<i32>} : memref<128x64xf32, #tpu.memory_space<vmem>>, vector<16xf32>,
        %mul3A_691 = arith.mulf %get3A_690, %gather3A_687 : vector<16xf32>
        %swap3A_692 = arith.index_cast %scan3A_686 : i32 to index
        %swap3A_693 = arith.constant 0 : index
        %swap3A_694 = tpu.vector_load %arg15[%swap3A_692, %swap3A_693] {strides = array<i32>} : memref<128x64xf32, #tpu.memory_space<vmem>>, vector<16xf32>,
        tpu.vector_store %arg15[%swap3A_692, %swap3A_693], %mul3A_691 {strides = array<i32>} : memref<128x64xf32, #tpu.memory_space<vmem>>, vector<16xf32>,
        %get3A_695 = arith.index_cast %scan3A_686 : i32 to index
        %get3A_696 = arith.constant 16 : index
        %get3A_697 = tpu.vector_load %arg15[%get3A_695, %get3A_696] {strides = array<i32>} : memref<128x64xf32, #tpu.memory_space<vmem>>, vector<16xf32>,
        %mul3A_698 = arith.mulf %get3A_697, %gather3A_687 : vector<16xf32>
        %swap3A_699 = arith.index_cast %scan3A_686 : i32 to index
        %swap3A_700 = arith.constant 16 : index
        %swap3A_701 = tpu.vector_load %arg15[%swap3A_699, %swap3A_700] {strides = array<i32>} : memref<128x64xf32, #tpu.memory_space<vmem>>, vector<16xf32>,
        tpu.vector_store %arg15[%swap3A_699, %swap3A_700], %mul3A_698 {strides = array<i32>} : memref<128x64xf32, #tpu.memory_space<vmem>>, vector<16xf32>,
        %get3A_702 = arith.index_cast %scan3A_686 : i32 to index
        %get3A_703 = arith.constant 32 : index
        %get3A_704 = tpu.vector_load %arg15[%get3A_702, %get3A_703] {strides = array<i32>} : memref<128x64xf32, #tpu.memory_space<vmem>>, vector<16xf32>,
        %mul3A_705 = arith.mulf %get3A_704, %gather3A_687 : vector<16xf32>
        %swap3A_706 = arith.index_cast %scan3A_686 : i32 to index
        %swap3A_707 = arith.constant 32 : index
        %swap3A_708 = tpu.vector_load %arg15[%swap3A_706, %swap3A_707] {strides = array<i32>} : memref<128x64xf32, #tpu.memory_space<vmem>>, vector<16xf32>,
        tpu.vector_store %arg15[%swap3A_706, %swap3A_707], %mul3A_705 {strides = array<i32>} : memref<128x64xf32, #tpu.memory_space<vmem>>, vector<16xf32>,
        %get3A_709 = arith.index_cast %scan3A_686 : i32 to index
        %get3A_710 = arith.constant 48 : index
        %get3A_711 = tpu.vector_load %arg15[%get3A_709, %get3A_710] {strides = array<i32>} : memref<128x64xf32, #tpu.memory_space<vmem>>, vector<16xf32>,
        %mul3A_712 = arith.mulf %get3A_711, %gather3A_687 : vector<16xf32>
        %swap3A_713 = arith.index_cast %scan3A_686 : i32 to index
        %swap3A_714 = arith.constant 48 : index
        %swap3A_715 = tpu.vector_load %arg15[%swap3A_713, %swap3A_714] {strides = array<i32>} : memref<128x64xf32, #tpu.memory_space<vmem>>, vector<16xf32>,
        tpu.vector_store %arg15[%swap3A_713, %swap3A_714], %mul3A_712 {strides = array<i32>} : memref<128x64xf32, #tpu.memory_space<vmem>>, vector<16xf32>,
        %add3A_716 = arith.constant 1 : i32
        %add3A_717 = vector.broadcast %add3A_716 : i32 to vector<16xi32>
        %add3A_718 = arith.addi %add3A_684, %add3A_717 : vector<16xi32>
        scf.yield %add3A_718 : vector<16xi32>
      }
      %scan3A_387 = arith.constant 128 : i32
      %dma_start3A_388 = arith.constant 0 : i32
      %dma_start3A_389 = tpu.memref_slice %arg9[%add3A_345, %dma_start3A_388] : memref<81x128xi32, #tpu.memory_space<vmem>> -> memref<1x128xi32, #tpu.memory_space<vmem>>
      %dma_start3A_390 = tpu.memref_squeeze %dma_start3A_389 : memref<1x128xi32, #tpu.memory_space<vmem>> -> memref<128xi32, #tpu.memory_space<vmem>>
      %dma_start3A_391 = arith.constant 0 : i32
      %dma_start3A_392 = arith.constant 0 : i32
      %dma_start3A_393 = tpu.memref_slice %arg18[%dma_start3A_391, %dma_start3A_392] : memref<10240x64xf32, #tpu.memory_space<vmem_shared>> -> memref<10240x64xf32, #tpu.memory_space<vmem_shared>>
      tpu.enqueue_indirect_dma source(%arg15 : memref<128x64xf32, #tpu.memory_space<vmem>>) target(%dma_start3A_393 : memref<10240x64xf32, #tpu.memory_space<vmem_shared>>) offsets(%dma_start3A_390 : memref<128xi32, #tpu.memory_space<vmem>>) semaphore(%arg27 : memref<!tpu.dma_semaphore, #tpu.memory_space<semaphore_mem>>) {add = true}
      %jit3A_394 = arith.constant 8 : i32
      %eq3A_395 = arith.constant 0 : i32
      %eq3A_396 = arith.cmpi eq, %jit3A_394, %eq3A_395 : i32
      %jit3A_397 = arith.constant 1 : i32
      %select_n3A_398 = arith.select %eq3A_396, %jit3A_397, %jit3A_394 : i32
      %rem3A_399 = arith.remsi %add3A_345, %select_n3A_398 : i32
      %ne3A_400 = arith.constant 0 : i32
      %ne3A_401 = arith.cmpi ne, %rem3A_399, %ne3A_400 : i32
      %lt3A_402 = arith.constant 0 : i32
      %lt3A_403 = arith.cmpi slt, %rem3A_399, %lt3A_402 : i32
      %lt3A_404 = arith.constant 0 : i32
      %lt3A_405 = arith.cmpi slt, %select_n3A_398, %lt3A_404 : i32
      %ne3A_406 = arith.xori %lt3A_403, %lt3A_405 : i1
      %and3A_407 = arith.andi %ne3A_406, %ne3A_401 : i1
      %add3A_408 = arith.addi %rem3A_399, %select_n3A_398 : i32
      %select_n3A_409 = arith.select %and3A_407, %add3A_408, %rem3A_399 : i32
      %dma_start3A_410 = arith.constant 0 : i32
      %dma_start3A_411 = tpu.memref_slice %arg11[%select_n3A_409, %dma_start3A_410] : memref<8x128xf32, #tpu.memory_space<vmem>> -> memref<1x128xf32, #tpu.memory_space<vmem>>
      %dma_start3A_412 = tpu.memref_squeeze %dma_start3A_411 : memref<1x128xf32, #tpu.memory_space<vmem>> -> memref<128xf32, #tpu.memory_space<vmem>>
      %dma_start3A_413 = arith.constant 0 : i32
      %dma_start3A_414 = tpu.memref_slice %arg9[%add3A_345, %dma_start3A_413] : memref<81x128xi32, #tpu.memory_space<vmem>> -> memref<1x128xi32, #tpu.memory_space<vmem>>
      %dma_start3A_415 = tpu.memref_squeeze %dma_start3A_414 : memref<1x128xi32, #tpu.memory_space<vmem>> -> memref<128xi32, #tpu.memory_space<vmem>>
      %dma_start3A_416 = arith.constant 0 : i32
      %dma_start3A_417 = tpu.memref_slice %arg19[%dma_start3A_416] : memref<10240xf32, #tpu.memory_space<vmem_shared>> -> memref<10240xf32, #tpu.memory_space<vmem_shared>>
      tpu.enqueue_indirect_dma source(%dma_start3A_412 : memref<128xf32, #tpu.memory_space<vmem>>) target(%dma_start3A_417 : memref<10240xf32, #tpu.memory_space<vmem_shared>>) offsets(%dma_start3A_415 : memref<128xi32, #tpu.memory_space<vmem>>) semaphore(%arg30 : memref<!tpu.dma_semaphore, #tpu.memory_space<semaphore_mem>>) {add = true}
      %ge3A_418 = arith.constant 4 : i32
      %ge3A_419 = arith.cmpi sge, %add3A_345, %ge3A_418 : i32
      %convert_element_type3A_420 = arith.extui %ge3A_419 : i1 to i32
      %cond3A_421 = arith.constant 0 : i32
      %cond3A_422 = arith.cmpi ne, %convert_element_type3A_420, %cond3A_421 : i32
      scf.if %cond3A_422 {
        %sub3A = arith.constant 4 : i32
        %sub3A_586 = arith.subi %add3A_345, %sub3A : i32
        %jit3A_587 = arith.constant 8 : i32
        %eq3A_588 = arith.constant 0 : i32
        %eq3A_589 = arith.cmpi eq, %jit3A_587, %eq3A_588 : i32
        %jit3A_590 = arith.constant 1 : i32
        %select_n3A_591 = arith.select %eq3A_589, %jit3A_590, %jit3A_587 : i32
        %rem3A_592 = arith.remsi %sub3A_586, %select_n3A_591 : i32
        %ne3A_593 = arith.constant 0 : i32
        %ne3A_594 = arith.cmpi ne, %rem3A_592, %ne3A_593 : i32
        %lt3A_595 = arith.constant 0 : i32
        %lt3A_596 = arith.cmpi slt, %rem3A_592, %lt3A_595 : i32
        %lt3A_597 = arith.constant 0 : i32
        %lt3A_598 = arith.cmpi slt, %select_n3A_591, %lt3A_597 : i32
        %ne3A_599 = arith.xori %lt3A_596, %lt3A_598 : i1
        %and3A_600 = arith.andi %ne3A_599, %ne3A_594 : i1
        %add3A_601 = arith.addi %rem3A_592, %select_n3A_591 : i32
        %select_n3A_602 = arith.select %and3A_600, %add3A_601, %rem3A_592 : i32
        %sub3A_603 = arith.constant 4 : i32
        %sub3A_604 = arith.subi %add3A_345, %sub3A_603 : i32
        %dma_wait3A_605 = arith.constant 0 : i32
        %dma_wait3A_606 = tpu.memref_slice %arg11[%select_n3A_602, %dma_wait3A_605] : memref<8x128xf32, #tpu.memory_space<vmem>> -> memref<1x128xf32, #tpu.memory_space<vmem>>
        %dma_wait3A_607 = tpu.memref_squeeze %dma_wait3A_606 : memref<1x128xf32, #tpu.memory_space<vmem>> -> memref<128xf32, #tpu.memory_space<vmem>>
        %dma_wait3A_608 = arith.constant 0 : i32
        %dma_wait3A_609 = tpu.memref_slice %arg9[%sub3A_604, %dma_wait3A_608] : memref<81x128xi32, #tpu.memory_space<vmem>> -> memref<1x128xi32, #tpu.memory_space<vmem>>
        %dma_wait3A_610 = tpu.memref_squeeze %dma_wait3A_609 : memref<1x128xi32, #tpu.memory_space<vmem>> -> memref<128xi32, #tpu.memory_space<vmem>>
        %dma_wait3A_611 = arith.constant 0 : i32
        %dma_wait3A_612 = tpu.memref_slice %arg19[%dma_wait3A_611] : memref<10240xf32, #tpu.memory_space<vmem_shared>> -> memref<10240xf32, #tpu.memory_space<vmem_shared>>
        tpu.wait_indirect_dma semaphore(%arg30 : memref<!tpu.dma_semaphore, #tpu.memory_space<semaphore_mem>>) src(%dma_wait3A_607 : memref<128xf32, #tpu.memory_space<vmem>>) dst(%dma_wait3A_612 : memref<10240xf32, #tpu.memory_space<vmem_shared>>)
      } else {
      }
      %mul3A_423 = arith.constant 5 : i32
      %mul3A_424 = arith.muli %mul3A_423, %scan3A_188 : i32
      %add3A_425 = arith.constant 3 : i32
      %add3A_426 = arith.addi %mul3A_424, %add3A_425 : i32
      %dma_wait3A_427 = arith.constant 0 : i32
      %dma_wait3A_428 = tpu.memref_slice %arg8[%add3A_426, %dma_wait3A_427] : memref<81x128xi32, #tpu.memory_space<vmem>> -> memref<1x128xi32, #tpu.memory_space<vmem>>
      %dma_wait3A_429 = tpu.memref_squeeze %dma_wait3A_428 : memref<1x128xi32, #tpu.memory_space<vmem>> -> memref<128xi32, #tpu.memory_space<vmem>>
      %dma_wait3A_430 = arith.constant 0 : i32
      %dma_wait3A_431 = arith.constant 0 : i32
      %dma_wait3A_432 = tpu.memref_slice %arg5[%dma_wait3A_430, %dma_wait3A_431] : memref<10000x64xf32, #tpu.memory_space<hbm>> -> memref<10000x64xf32, #tpu.memory_space<hbm>>
      tpu.wait_indirect_dma semaphore(%arg23 : memref<!tpu.dma_semaphore, #tpu.memory_space<semaphore_mem>>) src(%dma_wait3A_432 : memref<10000x64xf32, #tpu.memory_space<hbm>>) dst(%arg16 : memref<128x64xf32, #tpu.memory_space<vmem>>)
      %ge3A_433 = arith.constant 2 : i32
      %ge3A_434 = arith.cmpi sge, %add3A_426, %ge3A_433 : i32
      %convert_element_type3A_435 = arith.extui %ge3A_434 : i1 to i32
      %cond3A_436 = arith.constant 0 : i32
      %cond3A_437 = arith.cmpi ne, %convert_element_type3A_435, %cond3A_436 : i32
      scf.if %cond3A_437 {
        %sub3A = arith.constant 2 : i32
        %sub3A_586 = arith.subi %add3A_426, %sub3A : i32
        %dma_wait3A_587 = arith.constant 0 : i32
        %dma_wait3A_588 = tpu.memref_slice %arg9[%sub3A_586, %dma_wait3A_587] : memref<81x128xi32, #tpu.memory_space<vmem>> -> memref<1x128xi32, #tpu.memory_space<vmem>>
        %dma_wait3A_589 = tpu.memref_squeeze %dma_wait3A_588 : memref<1x128xi32, #tpu.memory_space<vmem>> -> memref<128xi32, #tpu.memory_space<vmem>>
        %dma_wait3A_590 = arith.constant 0 : i32
        %dma_wait3A_591 = arith.constant 0 : i32
        %dma_wait3A_592 = tpu.memref_slice %arg18[%dma_wait3A_590, %dma_wait3A_591] : memref<10240x64xf32, #tpu.memory_space<vmem_shared>> -> memref<10240x64xf32, #tpu.memory_space<vmem_shared>>
        tpu.wait_indirect_dma semaphore(%arg26 : memref<!tpu.dma_semaphore, #tpu.memory_space<semaphore_mem>>) src(%arg14 : memref<128x64xf32, #tpu.memory_space<vmem>>) dst(%dma_wait3A_592 : memref<10240x64xf32, #tpu.memory_space<vmem_shared>>)
      } else {
      }
      %add3A_438 = arith.constant 3 : i32
      %add3A_439 = arith.addi %add3A_426, %add3A_438 : i32
      %lt3A_440 = arith.constant 81 : i32
      %lt3A_441 = arith.cmpi slt, %add3A_439, %lt3A_440 : i32
      %convert_element_type3A_442 = arith.extui %lt3A_441 : i1 to i32
      %cond3A_443 = arith.constant 0 : i32
      %cond3A_444 = arith.cmpi ne, %convert_element_type3A_442, %cond3A_443 : i32
      scf.if %cond3A_444 {
        %add3A_586 = arith.constant 3 : i32
        %add3A_587 = arith.addi %add3A_426, %add3A_586 : i32
        %dma_start3A_588 = arith.constant 0 : i32
        %dma_start3A_589 = tpu.memref_slice %arg8[%add3A_587, %dma_start3A_588] : memref<81x128xi32, #tpu.memory_space<vmem>> -> memref<1x128xi32, #tpu.memory_space<vmem>>
        %dma_start3A_590 = tpu.memref_squeeze %dma_start3A_589 : memref<1x128xi32, #tpu.memory_space<vmem>> -> memref<128xi32, #tpu.memory_space<vmem>>
        %dma_start3A_591 = arith.constant 0 : i32
        %dma_start3A_592 = arith.constant 0 : i32
        %dma_start3A_593 = tpu.memref_slice %arg5[%dma_start3A_591, %dma_start3A_592] : memref<10000x64xf32, #tpu.memory_space<hbm>> -> memref<10000x64xf32, #tpu.memory_space<hbm>>
        tpu.enqueue_indirect_dma source(%dma_start3A_593 : memref<10000x64xf32, #tpu.memory_space<hbm>>) target(%arg14 : memref<128x64xf32, #tpu.memory_space<vmem>>) offsets(%dma_start3A_590 : memref<128xi32, #tpu.memory_space<vmem>>) semaphore(%arg21 : memref<!tpu.dma_semaphore, #tpu.memory_space<semaphore_mem>>)
        %add3A_594 = arith.constant 3 : i32
        %add3A_595 = arith.addi %add3A_426, %add3A_594 : i32
        %scan3A_596 = arith.constant 0 : i32
        %scan3A_597 = arith.constant 0 : i32
        %scan3A_598 = arith.constant 8 : i32
        %scan3A_599 = arith.addi %scan3A_597, %scan3A_598 : i32
        %scan3A_600 = arith.constant 1 : i32
        %scan3A_601 = scf.for %scan3A_603 = %scan3A_597 to %scan3A_599 step %scan3A_600 iter_args(%scan3A_604 = %scan3A_596) -> (i32)  : i32 {
          %mul3A_605 = arith.constant 16 : i32
          %mul3A_606 = arith.muli %scan3A_603, %mul3A_605 : i32
          %get3A = arith.index_cast %add3A_595 : i32 to index
          %get3A_607 = arith.index_cast %mul3A_606 : i32 to index
          %get3A_608 = tpu.vector_load %arg8[%get3A, %get3A_607] {strides = array<i32>} : memref<81x128xi32, #tpu.memory_space<vmem>>, vector<16xi32>,
          %get3A_609 = arith.index_cast %add3A_595 : i32 to index
          %get3A_610 = arith.index_cast %mul3A_606 : i32 to index
          %get3A_611 = tpu.vector_load %arg9[%get3A_609, %get3A_610] {strides = array<i32>} : memref<81x128xi32, #tpu.memory_space<vmem>>, vector<16xi32>,
          %add3A_612 = arith.addi %get3A_608, %get3A_608 : vector<16xi32>
          %gather3A = tpu.vector_load_idx %arg10[%add3A_612] : memref<20000xf32, #tpu.memory_space<vmem>>[vector<16xi32>], vector<16xf32>,
          %add3A_613 = arith.addi %get3A_611, %get3A_611 : vector<16xi32>
          %add3A_614 = arith.addi %add3A_613, %add3A_33 : vector<16xi32>
          %gather3A_615 = tpu.vector_load_idx %arg10[%add3A_614] : memref<20000xf32, #tpu.memory_space<vmem>>[vector<16xi32>], vector<16xf32>,
          %add3A_616 = arith.addf %gather3A, %gather3A_615 : vector<16xf32>
          %mul3A_617 = arith.constant 2.000000e-01 : f32
          %mul3A_618 = vector.broadcast %mul3A_617 : f32 to vector<16xf32>
          %mul3A_619 = arith.mulf %mul3A_618, %add3A_616 : vector<16xf32>
          %max3A = arith.maximumf %add3A_616, %mul3A_619 : vector<16xf32>
          %exp3A = math.exp %max3A : vector<16xf32>
          %mul3A_620 = arith.constant 128 : i32
          %mul3A_621 = arith.muli %add3A_595, %mul3A_620 : i32
          %add3A_622 = arith.addi %mul3A_35, %mul3A_621 : i32
          %add3A_623 = arith.addi %add3A_622, %mul3A_606 : i32
          %add3A_624 = vector.broadcast %add3A_623 : i32 to vector<16xi32>
          %add3A_625 = arith.addi %add3A_624, %iota3A : vector<16xi32>
          %lt3A_626 = arith.constant 330000 : i32
          %lt3A_627 = vector.broadcast %lt3A_626 : i32 to vector<16xi32>
          %lt3A_628 = arith.cmpi slt, %add3A_625, %lt3A_627 : vector<16xi32>
          %jit3A_629 = arith.constant 0.000000e+00 : f32
          %broadcast_in_dim3A = vector.broadcast %jit3A_629 : f32 to vector<16xf32>
          %select_n3A_630 = arith.select %lt3A_628, %exp3A, %broadcast_in_dim3A : vector<16xi1>, vector<16xf32>
          %jit3A_631 = arith.constant 8 : i32
          %eq3A_632 = arith.constant 0 : i32
          %eq3A_633 = arith.cmpi eq, %jit3A_631, %eq3A_632 : i32
          %jit3A_634 = arith.constant 1 : i32
          %select_n3A_635 = arith.select %eq3A_633, %jit3A_634, %jit3A_631 : i32
          %rem3A_636 = arith.remsi %add3A_595, %select_n3A_635 : i32
          %ne3A_637 = arith.constant 0 : i32
          %ne3A_638 = arith.cmpi ne, %rem3A_636, %ne3A_637 : i32
          %lt3A_639 = arith.constant 0 : i32
          %lt3A_640 = arith.cmpi slt, %rem3A_636, %lt3A_639 : i32
          %lt3A_641 = arith.constant 0 : i32
          %lt3A_642 = arith.cmpi slt, %select_n3A_635, %lt3A_641 : i32
          %ne3A_643 = arith.xori %lt3A_640, %lt3A_642 : i1
          %and3A_644 = arith.andi %ne3A_643, %ne3A_638 : i1
          %add3A_645 = arith.addi %rem3A_636, %select_n3A_635 : i32
          %select_n3A_646 = arith.select %and3A_644, %add3A_645, %rem3A_636 : i32
          %swap3A = arith.index_cast %select_n3A_646 : i32 to index
          %swap3A_647 = arith.index_cast %mul3A_606 : i32 to index
          %swap3A_648 = tpu.vector_load %arg11[%swap3A, %swap3A_647] {strides = array<i32>} : memref<8x128xf32, #tpu.memory_space<vmem>>, vector<16xf32>,
          tpu.vector_store %arg11[%swap3A, %swap3A_647], %select_n3A_630 {strides = array<i32>} : memref<8x128xf32, #tpu.memory_space<vmem>>, vector<16xf32>,
          %scan3A_649 = arith.constant 0 : i32
          scf.yield %scan3A_649 : i32
        }
        %scan3A_602 = arith.constant 8 : i32
      } else {
      }
      %jit3A_445 = arith.constant 8 : i32
      %eq3A_446 = arith.constant 0 : i32
      %eq3A_447 = arith.cmpi eq, %jit3A_445, %eq3A_446 : i32
      %jit3A_448 = arith.constant 1 : i32
      %select_n3A_449 = arith.select %eq3A_447, %jit3A_448, %jit3A_445 : i32
      %rem3A_450 = arith.remsi %add3A_426, %select_n3A_449 : i32
      %ne3A_451 = arith.constant 0 : i32
      %ne3A_452 = arith.cmpi ne, %rem3A_450, %ne3A_451 : i32
      %lt3A_453 = arith.constant 0 : i32
      %lt3A_454 = arith.cmpi slt, %rem3A_450, %lt3A_453 : i32
      %lt3A_455 = arith.constant 0 : i32
      %lt3A_456 = arith.cmpi slt, %select_n3A_449, %lt3A_455 : i32
      %ne3A_457 = arith.xori %lt3A_454, %lt3A_456 : i1
      %and3A_458 = arith.andi %ne3A_457, %ne3A_452 : i1
      %add3A_459 = arith.addi %rem3A_450, %select_n3A_449 : i32
      %select_n3A_460 = arith.select %and3A_458, %add3A_459, %rem3A_450 : i32
      %add3A_461 = vector.broadcast %select_n3A_460 : i32 to vector<16xi32>
      %add3A_462 = arith.addi %mul3A_30, %add3A_461 : vector<16xi32>
      %scan3A_463 = arith.constant 0 : i32
      %scan3A_464 = arith.constant 128 : i32
      %scan3A_465 = arith.addi %scan3A_463, %scan3A_464 : i32
      %scan3A_466 = arith.constant 4 : i32
      %scan3A_467 = scf.for %scan3A_586 = %scan3A_463 to %scan3A_465 step %scan3A_466 iter_args(%scan3A_587 = %mul3A_30) -> (vector<16xi32>)  : i32 {
        %gather3A = tpu.vector_load_idx %arg11[%add3A_462, %scan3A_587] : memref<8x128xf32, #tpu.memory_space<vmem>>[vector<16xi32>, vector<16xi32>], vector<16xf32>,
        %get3A = arith.index_cast %scan3A_586 : i32 to index
        %get3A_588 = arith.constant 0 : index
        %get3A_589 = tpu.vector_load %arg16[%get3A, %get3A_588] {strides = array<i32>} : memref<128x64xf32, #tpu.memory_space<vmem>>, vector<16xf32>,
        %mul3A_590 = arith.mulf %get3A_589, %gather3A : vector<16xf32>
        %swap3A = arith.index_cast %scan3A_586 : i32 to index
        %swap3A_591 = arith.constant 0 : index
        %swap3A_592 = tpu.vector_load %arg16[%swap3A, %swap3A_591] {strides = array<i32>} : memref<128x64xf32, #tpu.memory_space<vmem>>, vector<16xf32>,
        tpu.vector_store %arg16[%swap3A, %swap3A_591], %mul3A_590 {strides = array<i32>} : memref<128x64xf32, #tpu.memory_space<vmem>>, vector<16xf32>,
        %get3A_593 = arith.index_cast %scan3A_586 : i32 to index
        %get3A_594 = arith.constant 16 : index
        %get3A_595 = tpu.vector_load %arg16[%get3A_593, %get3A_594] {strides = array<i32>} : memref<128x64xf32, #tpu.memory_space<vmem>>, vector<16xf32>,
        %mul3A_596 = arith.mulf %get3A_595, %gather3A : vector<16xf32>
        %swap3A_597 = arith.index_cast %scan3A_586 : i32 to index
        %swap3A_598 = arith.constant 16 : index
        %swap3A_599 = tpu.vector_load %arg16[%swap3A_597, %swap3A_598] {strides = array<i32>} : memref<128x64xf32, #tpu.memory_space<vmem>>, vector<16xf32>,
        tpu.vector_store %arg16[%swap3A_597, %swap3A_598], %mul3A_596 {strides = array<i32>} : memref<128x64xf32, #tpu.memory_space<vmem>>, vector<16xf32>,
        %get3A_600 = arith.index_cast %scan3A_586 : i32 to index
        %get3A_601 = arith.constant 32 : index
        %get3A_602 = tpu.vector_load %arg16[%get3A_600, %get3A_601] {strides = array<i32>} : memref<128x64xf32, #tpu.memory_space<vmem>>, vector<16xf32>,
        %mul3A_603 = arith.mulf %get3A_602, %gather3A : vector<16xf32>
        %swap3A_604 = arith.index_cast %scan3A_586 : i32 to index
        %swap3A_605 = arith.constant 32 : index
        %swap3A_606 = tpu.vector_load %arg16[%swap3A_604, %swap3A_605] {strides = array<i32>} : memref<128x64xf32, #tpu.memory_space<vmem>>, vector<16xf32>,
        tpu.vector_store %arg16[%swap3A_604, %swap3A_605], %mul3A_603 {strides = array<i32>} : memref<128x64xf32, #tpu.memory_space<vmem>>, vector<16xf32>,
        %get3A_607 = arith.index_cast %scan3A_586 : i32 to index
        %get3A_608 = arith.constant 48 : index
        %get3A_609 = tpu.vector_load %arg16[%get3A_607, %get3A_608] {strides = array<i32>} : memref<128x64xf32, #tpu.memory_space<vmem>>, vector<16xf32>,
        %mul3A_610 = arith.mulf %get3A_609, %gather3A : vector<16xf32>
        %swap3A_611 = arith.index_cast %scan3A_586 : i32 to index
        %swap3A_612 = arith.constant 48 : index
        %swap3A_613 = tpu.vector_load %arg16[%swap3A_611, %swap3A_612] {strides = array<i32>} : memref<128x64xf32, #tpu.memory_space<vmem>>, vector<16xf32>,
        tpu.vector_store %arg16[%swap3A_611, %swap3A_612], %mul3A_610 {strides = array<i32>} : memref<128x64xf32, #tpu.memory_space<vmem>>, vector<16xf32>,
        %add3A_614 = arith.constant 1 : i32
        %add3A_615 = vector.broadcast %add3A_614 : i32 to vector<16xi32>
        %add3A_616 = arith.addi %scan3A_587, %add3A_615 : vector<16xi32>
        %scan3A_617 = arith.constant 1 : i32
        %scan3A_618 = arith.addi %scan3A_586, %scan3A_617 : i32
        %gather3A_619 = tpu.vector_load_idx %arg11[%add3A_462, %add3A_616] : memref<8x128xf32, #tpu.memory_space<vmem>>[vector<16xi32>, vector<16xi32>], vector<16xf32>,
        %get3A_620 = arith.index_cast %scan3A_618 : i32 to index
        %get3A_621 = arith.constant 0 : index
        %get3A_622 = tpu.vector_load %arg16[%get3A_620, %get3A_621] {strides = array<i32>} : memref<128x64xf32, #tpu.memory_space<vmem>>, vector<16xf32>,
        %mul3A_623 = arith.mulf %get3A_622, %gather3A_619 : vector<16xf32>
        %swap3A_624 = arith.index_cast %scan3A_618 : i32 to index
        %swap3A_625 = arith.constant 0 : index
        %swap3A_626 = tpu.vector_load %arg16[%swap3A_624, %swap3A_625] {strides = array<i32>} : memref<128x64xf32, #tpu.memory_space<vmem>>, vector<16xf32>,
        tpu.vector_store %arg16[%swap3A_624, %swap3A_625], %mul3A_623 {strides = array<i32>} : memref<128x64xf32, #tpu.memory_space<vmem>>, vector<16xf32>,
        %get3A_627 = arith.index_cast %scan3A_618 : i32 to index
        %get3A_628 = arith.constant 16 : index
        %get3A_629 = tpu.vector_load %arg16[%get3A_627, %get3A_628] {strides = array<i32>} : memref<128x64xf32, #tpu.memory_space<vmem>>, vector<16xf32>,
        %mul3A_630 = arith.mulf %get3A_629, %gather3A_619 : vector<16xf32>
        %swap3A_631 = arith.index_cast %scan3A_618 : i32 to index
        %swap3A_632 = arith.constant 16 : index
        %swap3A_633 = tpu.vector_load %arg16[%swap3A_631, %swap3A_632] {strides = array<i32>} : memref<128x64xf32, #tpu.memory_space<vmem>>, vector<16xf32>,
        tpu.vector_store %arg16[%swap3A_631, %swap3A_632], %mul3A_630 {strides = array<i32>} : memref<128x64xf32, #tpu.memory_space<vmem>>, vector<16xf32>,
        %get3A_634 = arith.index_cast %scan3A_618 : i32 to index
        %get3A_635 = arith.constant 32 : index
        %get3A_636 = tpu.vector_load %arg16[%get3A_634, %get3A_635] {strides = array<i32>} : memref<128x64xf32, #tpu.memory_space<vmem>>, vector<16xf32>,
        %mul3A_637 = arith.mulf %get3A_636, %gather3A_619 : vector<16xf32>
        %swap3A_638 = arith.index_cast %scan3A_618 : i32 to index
        %swap3A_639 = arith.constant 32 : index
        %swap3A_640 = tpu.vector_load %arg16[%swap3A_638, %swap3A_639] {strides = array<i32>} : memref<128x64xf32, #tpu.memory_space<vmem>>, vector<16xf32>,
        tpu.vector_store %arg16[%swap3A_638, %swap3A_639], %mul3A_637 {strides = array<i32>} : memref<128x64xf32, #tpu.memory_space<vmem>>, vector<16xf32>,
        %get3A_641 = arith.index_cast %scan3A_618 : i32 to index
        %get3A_642 = arith.constant 48 : index
        %get3A_643 = tpu.vector_load %arg16[%get3A_641, %get3A_642] {strides = array<i32>} : memref<128x64xf32, #tpu.memory_space<vmem>>, vector<16xf32>,
        %mul3A_644 = arith.mulf %get3A_643, %gather3A_619 : vector<16xf32>
        %swap3A_645 = arith.index_cast %scan3A_618 : i32 to index
        %swap3A_646 = arith.constant 48 : index
        %swap3A_647 = tpu.vector_load %arg16[%swap3A_645, %swap3A_646] {strides = array<i32>} : memref<128x64xf32, #tpu.memory_space<vmem>>, vector<16xf32>,
        tpu.vector_store %arg16[%swap3A_645, %swap3A_646], %mul3A_644 {strides = array<i32>} : memref<128x64xf32, #tpu.memory_space<vmem>>, vector<16xf32>,
        %add3A_648 = arith.constant 1 : i32
        %add3A_649 = vector.broadcast %add3A_648 : i32 to vector<16xi32>
        %add3A_650 = arith.addi %add3A_616, %add3A_649 : vector<16xi32>
        %scan3A_651 = arith.constant 2 : i32
        %scan3A_652 = arith.addi %scan3A_586, %scan3A_651 : i32
        %gather3A_653 = tpu.vector_load_idx %arg11[%add3A_462, %add3A_650] : memref<8x128xf32, #tpu.memory_space<vmem>>[vector<16xi32>, vector<16xi32>], vector<16xf32>,
        %get3A_654 = arith.index_cast %scan3A_652 : i32 to index
        %get3A_655 = arith.constant 0 : index
        %get3A_656 = tpu.vector_load %arg16[%get3A_654, %get3A_655] {strides = array<i32>} : memref<128x64xf32, #tpu.memory_space<vmem>>, vector<16xf32>,
        %mul3A_657 = arith.mulf %get3A_656, %gather3A_653 : vector<16xf32>
        %swap3A_658 = arith.index_cast %scan3A_652 : i32 to index
        %swap3A_659 = arith.constant 0 : index
        %swap3A_660 = tpu.vector_load %arg16[%swap3A_658, %swap3A_659] {strides = array<i32>} : memref<128x64xf32, #tpu.memory_space<vmem>>, vector<16xf32>,
        tpu.vector_store %arg16[%swap3A_658, %swap3A_659], %mul3A_657 {strides = array<i32>} : memref<128x64xf32, #tpu.memory_space<vmem>>, vector<16xf32>,
        %get3A_661 = arith.index_cast %scan3A_652 : i32 to index
        %get3A_662 = arith.constant 16 : index
        %get3A_663 = tpu.vector_load %arg16[%get3A_661, %get3A_662] {strides = array<i32>} : memref<128x64xf32, #tpu.memory_space<vmem>>, vector<16xf32>,
        %mul3A_664 = arith.mulf %get3A_663, %gather3A_653 : vector<16xf32>
        %swap3A_665 = arith.index_cast %scan3A_652 : i32 to index
        %swap3A_666 = arith.constant 16 : index
        %swap3A_667 = tpu.vector_load %arg16[%swap3A_665, %swap3A_666] {strides = array<i32>} : memref<128x64xf32, #tpu.memory_space<vmem>>, vector<16xf32>,
        tpu.vector_store %arg16[%swap3A_665, %swap3A_666], %mul3A_664 {strides = array<i32>} : memref<128x64xf32, #tpu.memory_space<vmem>>, vector<16xf32>,
        %get3A_668 = arith.index_cast %scan3A_652 : i32 to index
        %get3A_669 = arith.constant 32 : index
        %get3A_670 = tpu.vector_load %arg16[%get3A_668, %get3A_669] {strides = array<i32>} : memref<128x64xf32, #tpu.memory_space<vmem>>, vector<16xf32>,
        %mul3A_671 = arith.mulf %get3A_670, %gather3A_653 : vector<16xf32>
        %swap3A_672 = arith.index_cast %scan3A_652 : i32 to index
        %swap3A_673 = arith.constant 32 : index
        %swap3A_674 = tpu.vector_load %arg16[%swap3A_672, %swap3A_673] {strides = array<i32>} : memref<128x64xf32, #tpu.memory_space<vmem>>, vector<16xf32>,
        tpu.vector_store %arg16[%swap3A_672, %swap3A_673], %mul3A_671 {strides = array<i32>} : memref<128x64xf32, #tpu.memory_space<vmem>>, vector<16xf32>,
        %get3A_675 = arith.index_cast %scan3A_652 : i32 to index
        %get3A_676 = arith.constant 48 : index
        %get3A_677 = tpu.vector_load %arg16[%get3A_675, %get3A_676] {strides = array<i32>} : memref<128x64xf32, #tpu.memory_space<vmem>>, vector<16xf32>,
        %mul3A_678 = arith.mulf %get3A_677, %gather3A_653 : vector<16xf32>
        %swap3A_679 = arith.index_cast %scan3A_652 : i32 to index
        %swap3A_680 = arith.constant 48 : index
        %swap3A_681 = tpu.vector_load %arg16[%swap3A_679, %swap3A_680] {strides = array<i32>} : memref<128x64xf32, #tpu.memory_space<vmem>>, vector<16xf32>,
        tpu.vector_store %arg16[%swap3A_679, %swap3A_680], %mul3A_678 {strides = array<i32>} : memref<128x64xf32, #tpu.memory_space<vmem>>, vector<16xf32>,
        %add3A_682 = arith.constant 1 : i32
        %add3A_683 = vector.broadcast %add3A_682 : i32 to vector<16xi32>
        %add3A_684 = arith.addi %add3A_650, %add3A_683 : vector<16xi32>
        %scan3A_685 = arith.constant 3 : i32
        %scan3A_686 = arith.addi %scan3A_586, %scan3A_685 : i32
        %gather3A_687 = tpu.vector_load_idx %arg11[%add3A_462, %add3A_684] : memref<8x128xf32, #tpu.memory_space<vmem>>[vector<16xi32>, vector<16xi32>], vector<16xf32>,
        %get3A_688 = arith.index_cast %scan3A_686 : i32 to index
        %get3A_689 = arith.constant 0 : index
        %get3A_690 = tpu.vector_load %arg16[%get3A_688, %get3A_689] {strides = array<i32>} : memref<128x64xf32, #tpu.memory_space<vmem>>, vector<16xf32>,
        %mul3A_691 = arith.mulf %get3A_690, %gather3A_687 : vector<16xf32>
        %swap3A_692 = arith.index_cast %scan3A_686 : i32 to index
        %swap3A_693 = arith.constant 0 : index
        %swap3A_694 = tpu.vector_load %arg16[%swap3A_692, %swap3A_693] {strides = array<i32>} : memref<128x64xf32, #tpu.memory_space<vmem>>, vector<16xf32>,
        tpu.vector_store %arg16[%swap3A_692, %swap3A_693], %mul3A_691 {strides = array<i32>} : memref<128x64xf32, #tpu.memory_space<vmem>>, vector<16xf32>,
        %get3A_695 = arith.index_cast %scan3A_686 : i32 to index
        %get3A_696 = arith.constant 16 : index
        %get3A_697 = tpu.vector_load %arg16[%get3A_695, %get3A_696] {strides = array<i32>} : memref<128x64xf32, #tpu.memory_space<vmem>>, vector<16xf32>,
        %mul3A_698 = arith.mulf %get3A_697, %gather3A_687 : vector<16xf32>
        %swap3A_699 = arith.index_cast %scan3A_686 : i32 to index
        %swap3A_700 = arith.constant 16 : index
        %swap3A_701 = tpu.vector_load %arg16[%swap3A_699, %swap3A_700] {strides = array<i32>} : memref<128x64xf32, #tpu.memory_space<vmem>>, vector<16xf32>,
        tpu.vector_store %arg16[%swap3A_699, %swap3A_700], %mul3A_698 {strides = array<i32>} : memref<128x64xf32, #tpu.memory_space<vmem>>, vector<16xf32>,
        %get3A_702 = arith.index_cast %scan3A_686 : i32 to index
        %get3A_703 = arith.constant 32 : index
        %get3A_704 = tpu.vector_load %arg16[%get3A_702, %get3A_703] {strides = array<i32>} : memref<128x64xf32, #tpu.memory_space<vmem>>, vector<16xf32>,
        %mul3A_705 = arith.mulf %get3A_704, %gather3A_687 : vector<16xf32>
        %swap3A_706 = arith.index_cast %scan3A_686 : i32 to index
        %swap3A_707 = arith.constant 32 : index
        %swap3A_708 = tpu.vector_load %arg16[%swap3A_706, %swap3A_707] {strides = array<i32>} : memref<128x64xf32, #tpu.memory_space<vmem>>, vector<16xf32>,
        tpu.vector_store %arg16[%swap3A_706, %swap3A_707], %mul3A_705 {strides = array<i32>} : memref<128x64xf32, #tpu.memory_space<vmem>>, vector<16xf32>,
        %get3A_709 = arith.index_cast %scan3A_686 : i32 to index
        %get3A_710 = arith.constant 48 : index
        %get3A_711 = tpu.vector_load %arg16[%get3A_709, %get3A_710] {strides = array<i32>} : memref<128x64xf32, #tpu.memory_space<vmem>>, vector<16xf32>,
        %mul3A_712 = arith.mulf %get3A_711, %gather3A_687 : vector<16xf32>
        %swap3A_713 = arith.index_cast %scan3A_686 : i32 to index
        %swap3A_714 = arith.constant 48 : index
        %swap3A_715 = tpu.vector_load %arg16[%swap3A_713, %swap3A_714] {strides = array<i32>} : memref<128x64xf32, #tpu.memory_space<vmem>>, vector<16xf32>,
        tpu.vector_store %arg16[%swap3A_713, %swap3A_714], %mul3A_712 {strides = array<i32>} : memref<128x64xf32, #tpu.memory_space<vmem>>, vector<16xf32>,
        %add3A_716 = arith.constant 1 : i32
        %add3A_717 = vector.broadcast %add3A_716 : i32 to vector<16xi32>
        %add3A_718 = arith.addi %add3A_684, %add3A_717 : vector<16xi32>
        scf.yield %add3A_718 : vector<16xi32>
      }
      %scan3A_468 = arith.constant 128 : i32
      %dma_start3A_469 = arith.constant 0 : i32
      %dma_start3A_470 = tpu.memref_slice %arg9[%add3A_426, %dma_start3A_469] : memref<81x128xi32, #tpu.memory_space<vmem>> -> memref<1x128xi32, #tpu.memory_space<vmem>>
      %dma_start3A_471 = tpu.memref_squeeze %dma_start3A_470 : memref<1x128xi32, #tpu.memory_space<vmem>> -> memref<128xi32, #tpu.memory_space<vmem>>
      %dma_start3A_472 = arith.constant 0 : i32
      %dma_start3A_473 = arith.constant 0 : i32
      %dma_start3A_474 = tpu.memref_slice %arg18[%dma_start3A_472, %dma_start3A_473] : memref<10240x64xf32, #tpu.memory_space<vmem_shared>> -> memref<10240x64xf32, #tpu.memory_space<vmem_shared>>
      tpu.enqueue_indirect_dma source(%arg16 : memref<128x64xf32, #tpu.memory_space<vmem>>) target(%dma_start3A_474 : memref<10240x64xf32, #tpu.memory_space<vmem_shared>>) offsets(%dma_start3A_471 : memref<128xi32, #tpu.memory_space<vmem>>) semaphore(%arg28 : memref<!tpu.dma_semaphore, #tpu.memory_space<semaphore_mem>>) {add = true}
      %jit3A_475 = arith.constant 8 : i32
      %eq3A_476 = arith.constant 0 : i32
      %eq3A_477 = arith.cmpi eq, %jit3A_475, %eq3A_476 : i32
      %jit3A_478 = arith.constant 1 : i32
      %select_n3A_479 = arith.select %eq3A_477, %jit3A_478, %jit3A_475 : i32
      %rem3A_480 = arith.remsi %add3A_426, %select_n3A_479 : i32
      %ne3A_481 = arith.constant 0 : i32
      %ne3A_482 = arith.cmpi ne, %rem3A_480, %ne3A_481 : i32
      %lt3A_483 = arith.constant 0 : i32
      %lt3A_484 = arith.cmpi slt, %rem3A_480, %lt3A_483 : i32
      %lt3A_485 = arith.constant 0 : i32
      %lt3A_486 = arith.cmpi slt, %select_n3A_479, %lt3A_485 : i32
      %ne3A_487 = arith.xori %lt3A_484, %lt3A_486 : i1
      %and3A_488 = arith.andi %ne3A_487, %ne3A_482 : i1
      %add3A_489 = arith.addi %rem3A_480, %select_n3A_479 : i32
      %select_n3A_490 = arith.select %and3A_488, %add3A_489, %rem3A_480 : i32
      %dma_start3A_491 = arith.constant 0 : i32
      %dma_start3A_492 = tpu.memref_slice %arg11[%select_n3A_490, %dma_start3A_491] : memref<8x128xf32, #tpu.memory_space<vmem>> -> memref<1x128xf32, #tpu.memory_space<vmem>>
      %dma_start3A_493 = tpu.memref_squeeze %dma_start3A_492 : memref<1x128xf32, #tpu.memory_space<vmem>> -> memref<128xf32, #tpu.memory_space<vmem>>
      %dma_start3A_494 = arith.constant 0 : i32
      %dma_start3A_495 = tpu.memref_slice %arg9[%add3A_426, %dma_start3A_494] : memref<81x128xi32, #tpu.memory_space<vmem>> -> memref<1x128xi32, #tpu.memory_space<vmem>>
      %dma_start3A_496 = tpu.memref_squeeze %dma_start3A_495 : memref<1x128xi32, #tpu.memory_space<vmem>> -> memref<128xi32, #tpu.memory_space<vmem>>
      %dma_start3A_497 = arith.constant 0 : i32
      %dma_start3A_498 = tpu.memref_slice %arg19[%dma_start3A_497] : memref<10240xf32, #tpu.memory_space<vmem_shared>> -> memref<10240xf32, #tpu.memory_space<vmem_shared>>
      tpu.enqueue_indirect_dma source(%dma_start3A_493 : memref<128xf32, #tpu.memory_space<vmem>>) target(%dma_start3A_498 : memref<10240xf32, #tpu.memory_space<vmem_shared>>) offsets(%dma_start3A_496 : memref<128xi32, #tpu.memory_space<vmem>>) semaphore(%arg30 : memref<!tpu.dma_semaphore, #tpu.memory_space<semaphore_mem>>) {add = true}
      %ge3A_499 = arith.constant 4 : i32
      %ge3A_500 = arith.cmpi sge, %add3A_426, %ge3A_499 : i32
      %convert_element_type3A_501 = arith.extui %ge3A_500 : i1 to i32
      %cond3A_502 = arith.constant 0 : i32
      %cond3A_503 = arith.cmpi ne, %convert_element_type3A_501, %cond3A_502 : i32
      scf.if %cond3A_503 {
        %sub3A = arith.constant 4 : i32
        %sub3A_586 = arith.subi %add3A_426, %sub3A : i32
        %jit3A_587 = arith.constant 8 : i32
        %eq3A_588 = arith.constant 0 : i32
        %eq3A_589 = arith.cmpi eq, %jit3A_587, %eq3A_588 : i32
        %jit3A_590 = arith.constant 1 : i32
        %select_n3A_591 = arith.select %eq3A_589, %jit3A_590, %jit3A_587 : i32
        %rem3A_592 = arith.remsi %sub3A_586, %select_n3A_591 : i32
        %ne3A_593 = arith.constant 0 : i32
        %ne3A_594 = arith.cmpi ne, %rem3A_592, %ne3A_593 : i32
        %lt3A_595 = arith.constant 0 : i32
        %lt3A_596 = arith.cmpi slt, %rem3A_592, %lt3A_595 : i32
        %lt3A_597 = arith.constant 0 : i32
        %lt3A_598 = arith.cmpi slt, %select_n3A_591, %lt3A_597 : i32
        %ne3A_599 = arith.xori %lt3A_596, %lt3A_598 : i1
        %and3A_600 = arith.andi %ne3A_599, %ne3A_594 : i1
        %add3A_601 = arith.addi %rem3A_592, %select_n3A_591 : i32
        %select_n3A_602 = arith.select %and3A_600, %add3A_601, %rem3A_592 : i32
        %sub3A_603 = arith.constant 4 : i32
        %sub3A_604 = arith.subi %add3A_426, %sub3A_603 : i32
        %dma_wait3A_605 = arith.constant 0 : i32
        %dma_wait3A_606 = tpu.memref_slice %arg11[%select_n3A_602, %dma_wait3A_605] : memref<8x128xf32, #tpu.memory_space<vmem>> -> memref<1x128xf32, #tpu.memory_space<vmem>>
        %dma_wait3A_607 = tpu.memref_squeeze %dma_wait3A_606 : memref<1x128xf32, #tpu.memory_space<vmem>> -> memref<128xf32, #tpu.memory_space<vmem>>
        %dma_wait3A_608 = arith.constant 0 : i32
        %dma_wait3A_609 = tpu.memref_slice %arg9[%sub3A_604, %dma_wait3A_608] : memref<81x128xi32, #tpu.memory_space<vmem>> -> memref<1x128xi32, #tpu.memory_space<vmem>>
        %dma_wait3A_610 = tpu.memref_squeeze %dma_wait3A_609 : memref<1x128xi32, #tpu.memory_space<vmem>> -> memref<128xi32, #tpu.memory_space<vmem>>
        %dma_wait3A_611 = arith.constant 0 : i32
        %dma_wait3A_612 = tpu.memref_slice %arg19[%dma_wait3A_611] : memref<10240xf32, #tpu.memory_space<vmem_shared>> -> memref<10240xf32, #tpu.memory_space<vmem_shared>>
        tpu.wait_indirect_dma semaphore(%arg30 : memref<!tpu.dma_semaphore, #tpu.memory_space<semaphore_mem>>) src(%dma_wait3A_607 : memref<128xf32, #tpu.memory_space<vmem>>) dst(%dma_wait3A_612 : memref<10240xf32, #tpu.memory_space<vmem_shared>>)
      } else {
      }
      %mul3A_504 = arith.constant 5 : i32
      %mul3A_505 = arith.muli %mul3A_504, %scan3A_188 : i32
      %add3A_506 = arith.constant 4 : i32
      %add3A_507 = arith.addi %mul3A_505, %add3A_506 : i32
      %dma_wait3A_508 = arith.constant 0 : i32
      %dma_wait3A_509 = tpu.memref_slice %arg8[%add3A_507, %dma_wait3A_508] : memref<81x128xi32, #tpu.memory_space<vmem>> -> memref<1x128xi32, #tpu.memory_space<vmem>>
      %dma_wait3A_510 = tpu.memref_squeeze %dma_wait3A_509 : memref<1x128xi32, #tpu.memory_space<vmem>> -> memref<128xi32, #tpu.memory_space<vmem>>
      %dma_wait3A_511 = arith.constant 0 : i32
      %dma_wait3A_512 = arith.constant 0 : i32
      %dma_wait3A_513 = tpu.memref_slice %arg5[%dma_wait3A_511, %dma_wait3A_512] : memref<10000x64xf32, #tpu.memory_space<hbm>> -> memref<10000x64xf32, #tpu.memory_space<hbm>>
      tpu.wait_indirect_dma semaphore(%arg24 : memref<!tpu.dma_semaphore, #tpu.memory_space<semaphore_mem>>) src(%dma_wait3A_513 : memref<10000x64xf32, #tpu.memory_space<hbm>>) dst(%arg17 : memref<128x64xf32, #tpu.memory_space<vmem>>)
      %ge3A_514 = arith.constant 2 : i32
      %ge3A_515 = arith.cmpi sge, %add3A_507, %ge3A_514 : i32
      %convert_element_type3A_516 = arith.extui %ge3A_515 : i1 to i32
      %cond3A_517 = arith.constant 0 : i32
      %cond3A_518 = arith.cmpi ne, %convert_element_type3A_516, %cond3A_517 : i32
      scf.if %cond3A_518 {
        %sub3A = arith.constant 2 : i32
        %sub3A_586 = arith.subi %add3A_507, %sub3A : i32
        %dma_wait3A_587 = arith.constant 0 : i32
        %dma_wait3A_588 = tpu.memref_slice %arg9[%sub3A_586, %dma_wait3A_587] : memref<81x128xi32, #tpu.memory_space<vmem>> -> memref<1x128xi32, #tpu.memory_space<vmem>>
        %dma_wait3A_589 = tpu.memref_squeeze %dma_wait3A_588 : memref<1x128xi32, #tpu.memory_space<vmem>> -> memref<128xi32, #tpu.memory_space<vmem>>
        %dma_wait3A_590 = arith.constant 0 : i32
        %dma_wait3A_591 = arith.constant 0 : i32
        %dma_wait3A_592 = tpu.memref_slice %arg18[%dma_wait3A_590, %dma_wait3A_591] : memref<10240x64xf32, #tpu.memory_space<vmem_shared>> -> memref<10240x64xf32, #tpu.memory_space<vmem_shared>>
        tpu.wait_indirect_dma semaphore(%arg27 : memref<!tpu.dma_semaphore, #tpu.memory_space<semaphore_mem>>) src(%arg15 : memref<128x64xf32, #tpu.memory_space<vmem>>) dst(%dma_wait3A_592 : memref<10240x64xf32, #tpu.memory_space<vmem_shared>>)
      } else {
      }
      %add3A_519 = arith.constant 3 : i32
      %add3A_520 = arith.addi %add3A_507, %add3A_519 : i32
      %lt3A_521 = arith.constant 81 : i32
      %lt3A_522 = arith.cmpi slt, %add3A_520, %lt3A_521 : i32
      %convert_element_type3A_523 = arith.extui %lt3A_522 : i1 to i32
      %cond3A_524 = arith.constant 0 : i32
      %cond3A_525 = arith.cmpi ne, %convert_element_type3A_523, %cond3A_524 : i32
      scf.if %cond3A_525 {
        %add3A_586 = arith.constant 3 : i32
        %add3A_587 = arith.addi %add3A_507, %add3A_586 : i32
        %dma_start3A_588 = arith.constant 0 : i32
        %dma_start3A_589 = tpu.memref_slice %arg8[%add3A_587, %dma_start3A_588] : memref<81x128xi32, #tpu.memory_space<vmem>> -> memref<1x128xi32, #tpu.memory_space<vmem>>
        %dma_start3A_590 = tpu.memref_squeeze %dma_start3A_589 : memref<1x128xi32, #tpu.memory_space<vmem>> -> memref<128xi32, #tpu.memory_space<vmem>>
        %dma_start3A_591 = arith.constant 0 : i32
        %dma_start3A_592 = arith.constant 0 : i32
        %dma_start3A_593 = tpu.memref_slice %arg5[%dma_start3A_591, %dma_start3A_592] : memref<10000x64xf32, #tpu.memory_space<hbm>> -> memref<10000x64xf32, #tpu.memory_space<hbm>>
        tpu.enqueue_indirect_dma source(%dma_start3A_593 : memref<10000x64xf32, #tpu.memory_space<hbm>>) target(%arg15 : memref<128x64xf32, #tpu.memory_space<vmem>>) offsets(%dma_start3A_590 : memref<128xi32, #tpu.memory_space<vmem>>) semaphore(%arg22 : memref<!tpu.dma_semaphore, #tpu.memory_space<semaphore_mem>>)
        %add3A_594 = arith.constant 3 : i32
        %add3A_595 = arith.addi %add3A_507, %add3A_594 : i32
        %scan3A_596 = arith.constant 0 : i32
        %scan3A_597 = arith.constant 0 : i32
        %scan3A_598 = arith.constant 8 : i32
        %scan3A_599 = arith.addi %scan3A_597, %scan3A_598 : i32
        %scan3A_600 = arith.constant 1 : i32
        %scan3A_601 = scf.for %scan3A_603 = %scan3A_597 to %scan3A_599 step %scan3A_600 iter_args(%scan3A_604 = %scan3A_596) -> (i32)  : i32 {
          %mul3A_605 = arith.constant 16 : i32
          %mul3A_606 = arith.muli %scan3A_603, %mul3A_605 : i32
          %get3A = arith.index_cast %add3A_595 : i32 to index
          %get3A_607 = arith.index_cast %mul3A_606 : i32 to index
          %get3A_608 = tpu.vector_load %arg8[%get3A, %get3A_607] {strides = array<i32>} : memref<81x128xi32, #tpu.memory_space<vmem>>, vector<16xi32>,
          %get3A_609 = arith.index_cast %add3A_595 : i32 to index
          %get3A_610 = arith.index_cast %mul3A_606 : i32 to index
          %get3A_611 = tpu.vector_load %arg9[%get3A_609, %get3A_610] {strides = array<i32>} : memref<81x128xi32, #tpu.memory_space<vmem>>, vector<16xi32>,
          %add3A_612 = arith.addi %get3A_608, %get3A_608 : vector<16xi32>
          %gather3A = tpu.vector_load_idx %arg10[%add3A_612] : memref<20000xf32, #tpu.memory_space<vmem>>[vector<16xi32>], vector<16xf32>,
          %add3A_613 = arith.addi %get3A_611, %get3A_611 : vector<16xi32>
          %add3A_614 = arith.addi %add3A_613, %add3A_33 : vector<16xi32>
          %gather3A_615 = tpu.vector_load_idx %arg10[%add3A_614] : memref<20000xf32, #tpu.memory_space<vmem>>[vector<16xi32>], vector<16xf32>,
          %add3A_616 = arith.addf %gather3A, %gather3A_615 : vector<16xf32>
          %mul3A_617 = arith.constant 2.000000e-01 : f32
          %mul3A_618 = vector.broadcast %mul3A_617 : f32 to vector<16xf32>
          %mul3A_619 = arith.mulf %mul3A_618, %add3A_616 : vector<16xf32>
          %max3A = arith.maximumf %add3A_616, %mul3A_619 : vector<16xf32>
          %exp3A = math.exp %max3A : vector<16xf32>
          %mul3A_620 = arith.constant 128 : i32
          %mul3A_621 = arith.muli %add3A_595, %mul3A_620 : i32
          %add3A_622 = arith.addi %mul3A_35, %mul3A_621 : i32
          %add3A_623 = arith.addi %add3A_622, %mul3A_606 : i32
          %add3A_624 = vector.broadcast %add3A_623 : i32 to vector<16xi32>
          %add3A_625 = arith.addi %add3A_624, %iota3A : vector<16xi32>
          %lt3A_626 = arith.constant 330000 : i32
          %lt3A_627 = vector.broadcast %lt3A_626 : i32 to vector<16xi32>
          %lt3A_628 = arith.cmpi slt, %add3A_625, %lt3A_627 : vector<16xi32>
          %jit3A_629 = arith.constant 0.000000e+00 : f32
          %broadcast_in_dim3A = vector.broadcast %jit3A_629 : f32 to vector<16xf32>
          %select_n3A_630 = arith.select %lt3A_628, %exp3A, %broadcast_in_dim3A : vector<16xi1>, vector<16xf32>
          %jit3A_631 = arith.constant 8 : i32
          %eq3A_632 = arith.constant 0 : i32
          %eq3A_633 = arith.cmpi eq, %jit3A_631, %eq3A_632 : i32
          %jit3A_634 = arith.constant 1 : i32
          %select_n3A_635 = arith.select %eq3A_633, %jit3A_634, %jit3A_631 : i32
          %rem3A_636 = arith.remsi %add3A_595, %select_n3A_635 : i32
          %ne3A_637 = arith.constant 0 : i32
          %ne3A_638 = arith.cmpi ne, %rem3A_636, %ne3A_637 : i32
          %lt3A_639 = arith.constant 0 : i32
          %lt3A_640 = arith.cmpi slt, %rem3A_636, %lt3A_639 : i32
          %lt3A_641 = arith.constant 0 : i32
          %lt3A_642 = arith.cmpi slt, %select_n3A_635, %lt3A_641 : i32
          %ne3A_643 = arith.xori %lt3A_640, %lt3A_642 : i1
          %and3A_644 = arith.andi %ne3A_643, %ne3A_638 : i1
          %add3A_645 = arith.addi %rem3A_636, %select_n3A_635 : i32
          %select_n3A_646 = arith.select %and3A_644, %add3A_645, %rem3A_636 : i32
          %swap3A = arith.index_cast %select_n3A_646 : i32 to index
          %swap3A_647 = arith.index_cast %mul3A_606 : i32 to index
          %swap3A_648 = tpu.vector_load %arg11[%swap3A, %swap3A_647] {strides = array<i32>} : memref<8x128xf32, #tpu.memory_space<vmem>>, vector<16xf32>,
          tpu.vector_store %arg11[%swap3A, %swap3A_647], %select_n3A_630 {strides = array<i32>} : memref<8x128xf32, #tpu.memory_space<vmem>>, vector<16xf32>,
          %scan3A_649 = arith.constant 0 : i32
          scf.yield %scan3A_649 : i32
        }
        %scan3A_602 = arith.constant 8 : i32
      } else {
      }
      %jit3A_526 = arith.constant 8 : i32
      %eq3A_527 = arith.constant 0 : i32
      %eq3A_528 = arith.cmpi eq, %jit3A_526, %eq3A_527 : i32
      %jit3A_529 = arith.constant 1 : i32
      %select_n3A_530 = arith.select %eq3A_528, %jit3A_529, %jit3A_526 : i32
      %rem3A_531 = arith.remsi %add3A_507, %select_n3A_530 : i32
      %ne3A_532 = arith.constant 0 : i32
      %ne3A_533 = arith.cmpi ne, %rem3A_531, %ne3A_532 : i32
      %lt3A_534 = arith.constant 0 : i32
      %lt3A_535 = arith.cmpi slt, %rem3A_531, %lt3A_534 : i32
      %lt3A_536 = arith.constant 0 : i32
      %lt3A_537 = arith.cmpi slt, %select_n3A_530, %lt3A_536 : i32
      %ne3A_538 = arith.xori %lt3A_535, %lt3A_537 : i1
      %and3A_539 = arith.andi %ne3A_538, %ne3A_533 : i1
      %add3A_540 = arith.addi %rem3A_531, %select_n3A_530 : i32
      %select_n3A_541 = arith.select %and3A_539, %add3A_540, %rem3A_531 : i32
      %add3A_542 = vector.broadcast %select_n3A_541 : i32 to vector<16xi32>
      %add3A_543 = arith.addi %mul3A_30, %add3A_542 : vector<16xi32>
      %scan3A_544 = arith.constant 0 : i32
      %scan3A_545 = arith.constant 128 : i32
      %scan3A_546 = arith.addi %scan3A_544, %scan3A_545 : i32
      %scan3A_547 = arith.constant 4 : i32
      %scan3A_548 = scf.for %scan3A_586 = %scan3A_544 to %scan3A_546 step %scan3A_547 iter_args(%scan3A_587 = %mul3A_30) -> (vector<16xi32>)  : i32 {
        %gather3A = tpu.vector_load_idx %arg11[%add3A_543, %scan3A_587] : memref<8x128xf32, #tpu.memory_space<vmem>>[vector<16xi32>, vector<16xi32>], vector<16xf32>,
        %get3A = arith.index_cast %scan3A_586 : i32 to index
        %get3A_588 = arith.constant 0 : index
        %get3A_589 = tpu.vector_load %arg17[%get3A, %get3A_588] {strides = array<i32>} : memref<128x64xf32, #tpu.memory_space<vmem>>, vector<16xf32>,
        %mul3A_590 = arith.mulf %get3A_589, %gather3A : vector<16xf32>
        %swap3A = arith.index_cast %scan3A_586 : i32 to index
        %swap3A_591 = arith.constant 0 : index
        %swap3A_592 = tpu.vector_load %arg17[%swap3A, %swap3A_591] {strides = array<i32>} : memref<128x64xf32, #tpu.memory_space<vmem>>, vector<16xf32>,
        tpu.vector_store %arg17[%swap3A, %swap3A_591], %mul3A_590 {strides = array<i32>} : memref<128x64xf32, #tpu.memory_space<vmem>>, vector<16xf32>,
        %get3A_593 = arith.index_cast %scan3A_586 : i32 to index
        %get3A_594 = arith.constant 16 : index
        %get3A_595 = tpu.vector_load %arg17[%get3A_593, %get3A_594] {strides = array<i32>} : memref<128x64xf32, #tpu.memory_space<vmem>>, vector<16xf32>,
        %mul3A_596 = arith.mulf %get3A_595, %gather3A : vector<16xf32>
        %swap3A_597 = arith.index_cast %scan3A_586 : i32 to index
        %swap3A_598 = arith.constant 16 : index
        %swap3A_599 = tpu.vector_load %arg17[%swap3A_597, %swap3A_598] {strides = array<i32>} : memref<128x64xf32, #tpu.memory_space<vmem>>, vector<16xf32>,
        tpu.vector_store %arg17[%swap3A_597, %swap3A_598], %mul3A_596 {strides = array<i32>} : memref<128x64xf32, #tpu.memory_space<vmem>>, vector<16xf32>,
        %get3A_600 = arith.index_cast %scan3A_586 : i32 to index
        %get3A_601 = arith.constant 32 : index
        %get3A_602 = tpu.vector_load %arg17[%get3A_600, %get3A_601] {strides = array<i32>} : memref<128x64xf32, #tpu.memory_space<vmem>>, vector<16xf32>,
        %mul3A_603 = arith.mulf %get3A_602, %gather3A : vector<16xf32>
        %swap3A_604 = arith.index_cast %scan3A_586 : i32 to index
        %swap3A_605 = arith.constant 32 : index
        %swap3A_606 = tpu.vector_load %arg17[%swap3A_604, %swap3A_605] {strides = array<i32>} : memref<128x64xf32, #tpu.memory_space<vmem>>, vector<16xf32>,
        tpu.vector_store %arg17[%swap3A_604, %swap3A_605], %mul3A_603 {strides = array<i32>} : memref<128x64xf32, #tpu.memory_space<vmem>>, vector<16xf32>,
        %get3A_607 = arith.index_cast %scan3A_586 : i32 to index
        %get3A_608 = arith.constant 48 : index
        %get3A_609 = tpu.vector_load %arg17[%get3A_607, %get3A_608] {strides = array<i32>} : memref<128x64xf32, #tpu.memory_space<vmem>>, vector<16xf32>,
        %mul3A_610 = arith.mulf %get3A_609, %gather3A : vector<16xf32>
        %swap3A_611 = arith.index_cast %scan3A_586 : i32 to index
        %swap3A_612 = arith.constant 48 : index
        %swap3A_613 = tpu.vector_load %arg17[%swap3A_611, %swap3A_612] {strides = array<i32>} : memref<128x64xf32, #tpu.memory_space<vmem>>, vector<16xf32>,
        tpu.vector_store %arg17[%swap3A_611, %swap3A_612], %mul3A_610 {strides = array<i32>} : memref<128x64xf32, #tpu.memory_space<vmem>>, vector<16xf32>,
        %add3A_614 = arith.constant 1 : i32
        %add3A_615 = vector.broadcast %add3A_614 : i32 to vector<16xi32>
        %add3A_616 = arith.addi %scan3A_587, %add3A_615 : vector<16xi32>
        %scan3A_617 = arith.constant 1 : i32
        %scan3A_618 = arith.addi %scan3A_586, %scan3A_617 : i32
        %gather3A_619 = tpu.vector_load_idx %arg11[%add3A_543, %add3A_616] : memref<8x128xf32, #tpu.memory_space<vmem>>[vector<16xi32>, vector<16xi32>], vector<16xf32>,
        %get3A_620 = arith.index_cast %scan3A_618 : i32 to index
        %get3A_621 = arith.constant 0 : index
        %get3A_622 = tpu.vector_load %arg17[%get3A_620, %get3A_621] {strides = array<i32>} : memref<128x64xf32, #tpu.memory_space<vmem>>, vector<16xf32>,
        %mul3A_623 = arith.mulf %get3A_622, %gather3A_619 : vector<16xf32>
        %swap3A_624 = arith.index_cast %scan3A_618 : i32 to index
        %swap3A_625 = arith.constant 0 : index
        %swap3A_626 = tpu.vector_load %arg17[%swap3A_624, %swap3A_625] {strides = array<i32>} : memref<128x64xf32, #tpu.memory_space<vmem>>, vector<16xf32>,
        tpu.vector_store %arg17[%swap3A_624, %swap3A_625], %mul3A_623 {strides = array<i32>} : memref<128x64xf32, #tpu.memory_space<vmem>>, vector<16xf32>,
        %get3A_627 = arith.index_cast %scan3A_618 : i32 to index
        %get3A_628 = arith.constant 16 : index
        %get3A_629 = tpu.vector_load %arg17[%get3A_627, %get3A_628] {strides = array<i32>} : memref<128x64xf32, #tpu.memory_space<vmem>>, vector<16xf32>,
        %mul3A_630 = arith.mulf %get3A_629, %gather3A_619 : vector<16xf32>
        %swap3A_631 = arith.index_cast %scan3A_618 : i32 to index
        %swap3A_632 = arith.constant 16 : index
        %swap3A_633 = tpu.vector_load %arg17[%swap3A_631, %swap3A_632] {strides = array<i32>} : memref<128x64xf32, #tpu.memory_space<vmem>>, vector<16xf32>,
        tpu.vector_store %arg17[%swap3A_631, %swap3A_632], %mul3A_630 {strides = array<i32>} : memref<128x64xf32, #tpu.memory_space<vmem>>, vector<16xf32>,
        %get3A_634 = arith.index_cast %scan3A_618 : i32 to index
        %get3A_635 = arith.constant 32 : index
        %get3A_636 = tpu.vector_load %arg17[%get3A_634, %get3A_635] {strides = array<i32>} : memref<128x64xf32, #tpu.memory_space<vmem>>, vector<16xf32>,
        %mul3A_637 = arith.mulf %get3A_636, %gather3A_619 : vector<16xf32>
        %swap3A_638 = arith.index_cast %scan3A_618 : i32 to index
        %swap3A_639 = arith.constant 32 : index
        %swap3A_640 = tpu.vector_load %arg17[%swap3A_638, %swap3A_639] {strides = array<i32>} : memref<128x64xf32, #tpu.memory_space<vmem>>, vector<16xf32>,
        tpu.vector_store %arg17[%swap3A_638, %swap3A_639], %mul3A_637 {strides = array<i32>} : memref<128x64xf32, #tpu.memory_space<vmem>>, vector<16xf32>,
        %get3A_641 = arith.index_cast %scan3A_618 : i32 to index
        %get3A_642 = arith.constant 48 : index
        %get3A_643 = tpu.vector_load %arg17[%get3A_641, %get3A_642] {strides = array<i32>} : memref<128x64xf32, #tpu.memory_space<vmem>>, vector<16xf32>,
        %mul3A_644 = arith.mulf %get3A_643, %gather3A_619 : vector<16xf32>
        %swap3A_645 = arith.index_cast %scan3A_618 : i32 to index
        %swap3A_646 = arith.constant 48 : index
        %swap3A_647 = tpu.vector_load %arg17[%swap3A_645, %swap3A_646] {strides = array<i32>} : memref<128x64xf32, #tpu.memory_space<vmem>>, vector<16xf32>,
        tpu.vector_store %arg17[%swap3A_645, %swap3A_646], %mul3A_644 {strides = array<i32>} : memref<128x64xf32, #tpu.memory_space<vmem>>, vector<16xf32>,
        %add3A_648 = arith.constant 1 : i32
        %add3A_649 = vector.broadcast %add3A_648 : i32 to vector<16xi32>
        %add3A_650 = arith.addi %add3A_616, %add3A_649 : vector<16xi32>
        %scan3A_651 = arith.constant 2 : i32
        %scan3A_652 = arith.addi %scan3A_586, %scan3A_651 : i32
        %gather3A_653 = tpu.vector_load_idx %arg11[%add3A_543, %add3A_650] : memref<8x128xf32, #tpu.memory_space<vmem>>[vector<16xi32>, vector<16xi32>], vector<16xf32>,
        %get3A_654 = arith.index_cast %scan3A_652 : i32 to index
        %get3A_655 = arith.constant 0 : index
        %get3A_656 = tpu.vector_load %arg17[%get3A_654, %get3A_655] {strides = array<i32>} : memref<128x64xf32, #tpu.memory_space<vmem>>, vector<16xf32>,
        %mul3A_657 = arith.mulf %get3A_656, %gather3A_653 : vector<16xf32>
        %swap3A_658 = arith.index_cast %scan3A_652 : i32 to index
        %swap3A_659 = arith.constant 0 : index
        %swap3A_660 = tpu.vector_load %arg17[%swap3A_658, %swap3A_659] {strides = array<i32>} : memref<128x64xf32, #tpu.memory_space<vmem>>, vector<16xf32>,
        tpu.vector_store %arg17[%swap3A_658, %swap3A_659], %mul3A_657 {strides = array<i32>} : memref<128x64xf32, #tpu.memory_space<vmem>>, vector<16xf32>,
        %get3A_661 = arith.index_cast %scan3A_652 : i32 to index
        %get3A_662 = arith.constant 16 : index
        %get3A_663 = tpu.vector_load %arg17[%get3A_661, %get3A_662] {strides = array<i32>} : memref<128x64xf32, #tpu.memory_space<vmem>>, vector<16xf32>,
        %mul3A_664 = arith.mulf %get3A_663, %gather3A_653 : vector<16xf32>
        %swap3A_665 = arith.index_cast %scan3A_652 : i32 to index
        %swap3A_666 = arith.constant 16 : index
        %swap3A_667 = tpu.vector_load %arg17[%swap3A_665, %swap3A_666] {strides = array<i32>} : memref<128x64xf32, #tpu.memory_space<vmem>>, vector<16xf32>,
        tpu.vector_store %arg17[%swap3A_665, %swap3A_666], %mul3A_664 {strides = array<i32>} : memref<128x64xf32, #tpu.memory_space<vmem>>, vector<16xf32>,
        %get3A_668 = arith.index_cast %scan3A_652 : i32 to index
        %get3A_669 = arith.constant 32 : index
        %get3A_670 = tpu.vector_load %arg17[%get3A_668, %get3A_669] {strides = array<i32>} : memref<128x64xf32, #tpu.memory_space<vmem>>, vector<16xf32>,
        %mul3A_671 = arith.mulf %get3A_670, %gather3A_653 : vector<16xf32>
        %swap3A_672 = arith.index_cast %scan3A_652 : i32 to index
        %swap3A_673 = arith.constant 32 : index
        %swap3A_674 = tpu.vector_load %arg17[%swap3A_672, %swap3A_673] {strides = array<i32>} : memref<128x64xf32, #tpu.memory_space<vmem>>, vector<16xf32>,
        tpu.vector_store %arg17[%swap3A_672, %swap3A_673], %mul3A_671 {strides = array<i32>} : memref<128x64xf32, #tpu.memory_space<vmem>>, vector<16xf32>,
        %get3A_675 = arith.index_cast %scan3A_652 : i32 to index
        %get3A_676 = arith.constant 48 : index
        %get3A_677 = tpu.vector_load %arg17[%get3A_675, %get3A_676] {strides = array<i32>} : memref<128x64xf32, #tpu.memory_space<vmem>>, vector<16xf32>,
        %mul3A_678 = arith.mulf %get3A_677, %gather3A_653 : vector<16xf32>
        %swap3A_679 = arith.index_cast %scan3A_652 : i32 to index
        %swap3A_680 = arith.constant 48 : index
        %swap3A_681 = tpu.vector_load %arg17[%swap3A_679, %swap3A_680] {strides = array<i32>} : memref<128x64xf32, #tpu.memory_space<vmem>>, vector<16xf32>,
        tpu.vector_store %arg17[%swap3A_679, %swap3A_680], %mul3A_678 {strides = array<i32>} : memref<128x64xf32, #tpu.memory_space<vmem>>, vector<16xf32>,
        %add3A_682 = arith.constant 1 : i32
        %add3A_683 = vector.broadcast %add3A_682 : i32 to vector<16xi32>
        %add3A_684 = arith.addi %add3A_650, %add3A_683 : vector<16xi32>
        %scan3A_685 = arith.constant 3 : i32
        %scan3A_686 = arith.addi %scan3A_586, %scan3A_685 : i32
        %gather3A_687 = tpu.vector_load_idx %arg11[%add3A_543, %add3A_684] : memref<8x128xf32, #tpu.memory_space<vmem>>[vector<16xi32>, vector<16xi32>], vector<16xf32>,
        %get3A_688 = arith.index_cast %scan3A_686 : i32 to index
        %get3A_689 = arith.constant 0 : index
        %get3A_690 = tpu.vector_load %arg17[%get3A_688, %get3A_689] {strides = array<i32>} : memref<128x64xf32, #tpu.memory_space<vmem>>, vector<16xf32>,
        %mul3A_691 = arith.mulf %get3A_690, %gather3A_687 : vector<16xf32>
        %swap3A_692 = arith.index_cast %scan3A_686 : i32 to index
        %swap3A_693 = arith.constant 0 : index
        %swap3A_694 = tpu.vector_load %arg17[%swap3A_692, %swap3A_693] {strides = array<i32>} : memref<128x64xf32, #tpu.memory_space<vmem>>, vector<16xf32>,
        tpu.vector_store %arg17[%swap3A_692, %swap3A_693], %mul3A_691 {strides = array<i32>} : memref<128x64xf32, #tpu.memory_space<vmem>>, vector<16xf32>,
        %get3A_695 = arith.index_cast %scan3A_686 : i32 to index
        %get3A_696 = arith.constant 16 : index
        %get3A_697 = tpu.vector_load %arg17[%get3A_695, %get3A_696] {strides = array<i32>} : memref<128x64xf32, #tpu.memory_space<vmem>>, vector<16xf32>,
        %mul3A_698 = arith.mulf %get3A_697, %gather3A_687 : vector<16xf32>
        %swap3A_699 = arith.index_cast %scan3A_686 : i32 to index
        %swap3A_700 = arith.constant 16 : index
        %swap3A_701 = tpu.vector_load %arg17[%swap3A_699, %swap3A_700] {strides = array<i32>} : memref<128x64xf32, #tpu.memory_space<vmem>>, vector<16xf32>,
        tpu.vector_store %arg17[%swap3A_699, %swap3A_700], %mul3A_698 {strides = array<i32>} : memref<128x64xf32, #tpu.memory_space<vmem>>, vector<16xf32>,
        %get3A_702 = arith.index_cast %scan3A_686 : i32 to index
        %get3A_703 = arith.constant 32 : index
        %get3A_704 = tpu.vector_load %arg17[%get3A_702, %get3A_703] {strides = array<i32>} : memref<128x64xf32, #tpu.memory_space<vmem>>, vector<16xf32>,
        %mul3A_705 = arith.mulf %get3A_704, %gather3A_687 : vector<16xf32>
        %swap3A_706 = arith.index_cast %scan3A_686 : i32 to index
        %swap3A_707 = arith.constant 32 : index
        %swap3A_708 = tpu.vector_load %arg17[%swap3A_706, %swap3A_707] {strides = array<i32>} : memref<128x64xf32, #tpu.memory_space<vmem>>, vector<16xf32>,
        tpu.vector_store %arg17[%swap3A_706, %swap3A_707], %mul3A_705 {strides = array<i32>} : memref<128x64xf32, #tpu.memory_space<vmem>>, vector<16xf32>,
        %get3A_709 = arith.index_cast %scan3A_686 : i32 to index
        %get3A_710 = arith.constant 48 : index
        %get3A_711 = tpu.vector_load %arg17[%get3A_709, %get3A_710] {strides = array<i32>} : memref<128x64xf32, #tpu.memory_space<vmem>>, vector<16xf32>,
        %mul3A_712 = arith.mulf %get3A_711, %gather3A_687 : vector<16xf32>
        %swap3A_713 = arith.index_cast %scan3A_686 : i32 to index
        %swap3A_714 = arith.constant 48 : index
        %swap3A_715 = tpu.vector_load %arg17[%swap3A_713, %swap3A_714] {strides = array<i32>} : memref<128x64xf32, #tpu.memory_space<vmem>>, vector<16xf32>,
        tpu.vector_store %arg17[%swap3A_713, %swap3A_714], %mul3A_712 {strides = array<i32>} : memref<128x64xf32, #tpu.memory_space<vmem>>, vector<16xf32>,
        %add3A_716 = arith.constant 1 : i32
        %add3A_717 = vector.broadcast %add3A_716 : i32 to vector<16xi32>
        %add3A_718 = arith.addi %add3A_684, %add3A_717 : vector<16xi32>
        scf.yield %add3A_718 : vector<16xi32>
      }
      %scan3A_549 = arith.constant 128 : i32
      %dma_start3A_550 = arith.constant 0 : i32
      %dma_start3A_551 = tpu.memref_slice %arg9[%add3A_507, %dma_start3A_550] : memref<81x128xi32, #tpu.memory_space<vmem>> -> memref<1x128xi32, #tpu.memory_space<vmem>>
      %dma_start3A_552 = tpu.memref_squeeze %dma_start3A_551 : memref<1x128xi32, #tpu.memory_space<vmem>> -> memref<128xi32, #tpu.memory_space<vmem>>
      %dma_start3A_553 = arith.constant 0 : i32
      %dma_start3A_554 = arith.constant 0 : i32
      %dma_start3A_555 = tpu.memref_slice %arg18[%dma_start3A_553, %dma_start3A_554] : memref<10240x64xf32, #tpu.memory_space<vmem_shared>> -> memref<10240x64xf32, #tpu.memory_space<vmem_shared>>
      tpu.enqueue_indirect_dma source(%arg17 : memref<128x64xf32, #tpu.memory_space<vmem>>) target(%dma_start3A_555 : memref<10240x64xf32, #tpu.memory_space<vmem_shared>>) offsets(%dma_start3A_552 : memref<128xi32, #tpu.memory_space<vmem>>) semaphore(%arg29 : memref<!tpu.dma_semaphore, #tpu.memory_space<semaphore_mem>>) {add = true}
      %jit3A_556 = arith.constant 8 : i32
      %eq3A_557 = arith.constant 0 : i32
      %eq3A_558 = arith.cmpi eq, %jit3A_556, %eq3A_557 : i32
      %jit3A_559 = arith.constant 1 : i32
      %select_n3A_560 = arith.select %eq3A_558, %jit3A_559, %jit3A_556 : i32
      %rem3A_561 = arith.remsi %add3A_507, %select_n3A_560 : i32
      %ne3A_562 = arith.constant 0 : i32
      %ne3A_563 = arith.cmpi ne, %rem3A_561, %ne3A_562 : i32
      %lt3A_564 = arith.constant 0 : i32
      %lt3A_565 = arith.cmpi slt, %rem3A_561, %lt3A_564 : i32
      %lt3A_566 = arith.constant 0 : i32
      %lt3A_567 = arith.cmpi slt, %select_n3A_560, %lt3A_566 : i32
      %ne3A_568 = arith.xori %lt3A_565, %lt3A_567 : i1
      %and3A_569 = arith.andi %ne3A_568, %ne3A_563 : i1
      %add3A_570 = arith.addi %rem3A_561, %select_n3A_560 : i32
      %select_n3A_571 = arith.select %and3A_569, %add3A_570, %rem3A_561 : i32
      %dma_start3A_572 = arith.constant 0 : i32
      %dma_start3A_573 = tpu.memref_slice %arg11[%select_n3A_571, %dma_start3A_572] : memref<8x128xf32, #tpu.memory_space<vmem>> -> memref<1x128xf32, #tpu.memory_space<vmem>>
      %dma_start3A_574 = tpu.memref_squeeze %dma_start3A_573 : memref<1x128xf32, #tpu.memory_space<vmem>> -> memref<128xf32, #tpu.memory_space<vmem>>
      %dma_start3A_575 = arith.constant 0 : i32
      %dma_start3A_576 = tpu.memref_slice %arg9[%add3A_507, %dma_start3A_575] : memref<81x128xi32, #tpu.memory_space<vmem>> -> memref<1x128xi32, #tpu.memory_space<vmem>>
      %dma_start3A_577 = tpu.memref_squeeze %dma_start3A_576 : memref<1x128xi32, #tpu.memory_space<vmem>> -> memref<128xi32, #tpu.memory_space<vmem>>
      %dma_start3A_578 = arith.constant 0 : i32
      %dma_start3A_579 = tpu.memref_slice %arg19[%dma_start3A_578] : memref<10240xf32, #tpu.memory_space<vmem_shared>> -> memref<10240xf32, #tpu.memory_space<vmem_shared>>
      tpu.enqueue_indirect_dma source(%dma_start3A_574 : memref<128xf32, #tpu.memory_space<vmem>>) target(%dma_start3A_579 : memref<10240xf32, #tpu.memory_space<vmem_shared>>) offsets(%dma_start3A_577 : memref<128xi32, #tpu.memory_space<vmem>>) semaphore(%arg30 : memref<!tpu.dma_semaphore, #tpu.memory_space<semaphore_mem>>) {add = true}
      %ge3A_580 = arith.constant 4 : i32
      %ge3A_581 = arith.cmpi sge, %add3A_507, %ge3A_580 : i32
      %convert_element_type3A_582 = arith.extui %ge3A_581 : i1 to i32
      %cond3A_583 = arith.constant 0 : i32
      %cond3A_584 = arith.cmpi ne, %convert_element_type3A_582, %cond3A_583 : i32
      scf.if %cond3A_584 {
        %sub3A = arith.constant 4 : i32
        %sub3A_586 = arith.subi %add3A_507, %sub3A : i32
        %jit3A_587 = arith.constant 8 : i32
        %eq3A_588 = arith.constant 0 : i32
        %eq3A_589 = arith.cmpi eq, %jit3A_587, %eq3A_588 : i32
        %jit3A_590 = arith.constant 1 : i32
        %select_n3A_591 = arith.select %eq3A_589, %jit3A_590, %jit3A_587 : i32
        %rem3A_592 = arith.remsi %sub3A_586, %select_n3A_591 : i32
        %ne3A_593 = arith.constant 0 : i32
        %ne3A_594 = arith.cmpi ne, %rem3A_592, %ne3A_593 : i32
        %lt3A_595 = arith.constant 0 : i32
        %lt3A_596 = arith.cmpi slt, %rem3A_592, %lt3A_595 : i32
        %lt3A_597 = arith.constant 0 : i32
        %lt3A_598 = arith.cmpi slt, %select_n3A_591, %lt3A_597 : i32
        %ne3A_599 = arith.xori %lt3A_596, %lt3A_598 : i1
        %and3A_600 = arith.andi %ne3A_599, %ne3A_594 : i1
        %add3A_601 = arith.addi %rem3A_592, %select_n3A_591 : i32
        %select_n3A_602 = arith.select %and3A_600, %add3A_601, %rem3A_592 : i32
        %sub3A_603 = arith.constant 4 : i32
        %sub3A_604 = arith.subi %add3A_507, %sub3A_603 : i32
        %dma_wait3A_605 = arith.constant 0 : i32
        %dma_wait3A_606 = tpu.memref_slice %arg11[%select_n3A_602, %dma_wait3A_605] : memref<8x128xf32, #tpu.memory_space<vmem>> -> memref<1x128xf32, #tpu.memory_space<vmem>>
        %dma_wait3A_607 = tpu.memref_squeeze %dma_wait3A_606 : memref<1x128xf32, #tpu.memory_space<vmem>> -> memref<128xf32, #tpu.memory_space<vmem>>
        %dma_wait3A_608 = arith.constant 0 : i32
        %dma_wait3A_609 = tpu.memref_slice %arg9[%sub3A_604, %dma_wait3A_608] : memref<81x128xi32, #tpu.memory_space<vmem>> -> memref<1x128xi32, #tpu.memory_space<vmem>>
        %dma_wait3A_610 = tpu.memref_squeeze %dma_wait3A_609 : memref<1x128xi32, #tpu.memory_space<vmem>> -> memref<128xi32, #tpu.memory_space<vmem>>
        %dma_wait3A_611 = arith.constant 0 : i32
        %dma_wait3A_612 = tpu.memref_slice %arg19[%dma_wait3A_611] : memref<10240xf32, #tpu.memory_space<vmem_shared>> -> memref<10240xf32, #tpu.memory_space<vmem_shared>>
        tpu.wait_indirect_dma semaphore(%arg30 : memref<!tpu.dma_semaphore, #tpu.memory_space<semaphore_mem>>) src(%dma_wait3A_607 : memref<128xf32, #tpu.memory_space<vmem>>) dst(%dma_wait3A_612 : memref<10240xf32, #tpu.memory_space<vmem_shared>>)
      } else {
      }
      %scan3A_585 = arith.constant 0 : i32
      scf.yield %scan3A_585 : i32
    }
    %scan3A_83 = arith.constant 16 : i32
    %dma_wait3A = arith.constant 80 : i32
    %dma_wait3A_84 = arith.constant 0 : i32
    %dma_wait3A_85 = tpu.memref_slice %arg8[%dma_wait3A, %dma_wait3A_84] : memref<81x128xi32, #tpu.memory_space<vmem>> -> memref<1x128xi32, #tpu.memory_space<vmem>>
    %dma_wait3A_86 = tpu.memref_squeeze %dma_wait3A_85 : memref<1x128xi32, #tpu.memory_space<vmem>> -> memref<128xi32, #tpu.memory_space<vmem>>
    %dma_wait3A_87 = arith.constant 0 : i32
    %dma_wait3A_88 = arith.constant 0 : i32
    %dma_wait3A_89 = tpu.memref_slice %arg5[%dma_wait3A_87, %dma_wait3A_88] : memref<10000x64xf32, #tpu.memory_space<hbm>> -> memref<10000x64xf32, #tpu.memory_space<hbm>>
    tpu.wait_indirect_dma semaphore(%arg20 : memref<!tpu.dma_semaphore, #tpu.memory_space<semaphore_mem>>) src(%dma_wait3A_89 : memref<10000x64xf32, #tpu.memory_space<hbm>>) dst(%arg13 : memref<128x64xf32, #tpu.memory_space<vmem>>)
    %dma_wait3A_90 = arith.constant 78 : i32
    %dma_wait3A_91 = arith.constant 0 : i32
    %dma_wait3A_92 = tpu.memref_slice %arg9[%dma_wait3A_90, %dma_wait3A_91] : memref<81x128xi32, #tpu.memory_space<vmem>> -> memref<1x128xi32, #tpu.memory_space<vmem>>
    %dma_wait3A_93 = tpu.memref_squeeze %dma_wait3A_92 : memref<1x128xi32, #tpu.memory_space<vmem>> -> memref<128xi32, #tpu.memory_space<vmem>>
    %dma_wait3A_94 = arith.constant 0 : i32
    %dma_wait3A_95 = arith.constant 0 : i32
    %dma_wait3A_96 = tpu.memref_slice %arg18[%dma_wait3A_94, %dma_wait3A_95] : memref<10240x64xf32, #tpu.memory_space<vmem_shared>> -> memref<10240x64xf32, #tpu.memory_space<vmem_shared>>
    tpu.wait_indirect_dma semaphore(%arg28 : memref<!tpu.dma_semaphore, #tpu.memory_space<semaphore_mem>>) src(%arg16 : memref<128x64xf32, #tpu.memory_space<vmem>>) dst(%dma_wait3A_96 : memref<10240x64xf32, #tpu.memory_space<vmem_shared>>)
    %add3A_97 = arith.constant 0 : i32
    %add3A_98 = vector.broadcast %add3A_97 : i32 to vector<16xi32>
    %add3A_99 = arith.addi %mul3A_30, %add3A_98 : vector<16xi32>
    %scan3A_100 = arith.constant 0 : i32
    %scan3A_101 = arith.constant 128 : i32
    %scan3A_102 = arith.addi %scan3A_100, %scan3A_101 : i32
    %scan3A_103 = arith.constant 4 : i32
    %scan3A_104 = scf.for %scan3A_188 = %scan3A_100 to %scan3A_102 step %scan3A_103 iter_args(%scan3A_189 = %mul3A_30) -> (vector<16xi32>)  : i32 {
      %gather3A = tpu.vector_load_idx %arg11[%add3A_99, %scan3A_189] : memref<8x128xf32, #tpu.memory_space<vmem>>[vector<16xi32>, vector<16xi32>], vector<16xf32>,
      %get3A = arith.index_cast %scan3A_188 : i32 to index
      %get3A_190 = arith.constant 0 : index
      %get3A_191 = tpu.vector_load %arg13[%get3A, %get3A_190] {strides = array<i32>} : memref<128x64xf32, #tpu.memory_space<vmem>>, vector<16xf32>,
      %mul3A_192 = arith.mulf %get3A_191, %gather3A : vector<16xf32>
      %swap3A = arith.index_cast %scan3A_188 : i32 to index
      %swap3A_193 = arith.constant 0 : index
      %swap3A_194 = tpu.vector_load %arg13[%swap3A, %swap3A_193] {strides = array<i32>} : memref<128x64xf32, #tpu.memory_space<vmem>>, vector<16xf32>,
      tpu.vector_store %arg13[%swap3A, %swap3A_193], %mul3A_192 {strides = array<i32>} : memref<128x64xf32, #tpu.memory_space<vmem>>, vector<16xf32>,
      %get3A_195 = arith.index_cast %scan3A_188 : i32 to index
      %get3A_196 = arith.constant 16 : index
      %get3A_197 = tpu.vector_load %arg13[%get3A_195, %get3A_196] {strides = array<i32>} : memref<128x64xf32, #tpu.memory_space<vmem>>, vector<16xf32>,
      %mul3A_198 = arith.mulf %get3A_197, %gather3A : vector<16xf32>
      %swap3A_199 = arith.index_cast %scan3A_188 : i32 to index
      %swap3A_200 = arith.constant 16 : index
      %swap3A_201 = tpu.vector_load %arg13[%swap3A_199, %swap3A_200] {strides = array<i32>} : memref<128x64xf32, #tpu.memory_space<vmem>>, vector<16xf32>,
      tpu.vector_store %arg13[%swap3A_199, %swap3A_200], %mul3A_198 {strides = array<i32>} : memref<128x64xf32, #tpu.memory_space<vmem>>, vector<16xf32>,
      %get3A_202 = arith.index_cast %scan3A_188 : i32 to index
      %get3A_203 = arith.constant 32 : index
      %get3A_204 = tpu.vector_load %arg13[%get3A_202, %get3A_203] {strides = array<i32>} : memref<128x64xf32, #tpu.memory_space<vmem>>, vector<16xf32>,
      %mul3A_205 = arith.mulf %get3A_204, %gather3A : vector<16xf32>
      %swap3A_206 = arith.index_cast %scan3A_188 : i32 to index
      %swap3A_207 = arith.constant 32 : index
      %swap3A_208 = tpu.vector_load %arg13[%swap3A_206, %swap3A_207] {strides = array<i32>} : memref<128x64xf32, #tpu.memory_space<vmem>>, vector<16xf32>,
      tpu.vector_store %arg13[%swap3A_206, %swap3A_207], %mul3A_205 {strides = array<i32>} : memref<128x64xf32, #tpu.memory_space<vmem>>, vector<16xf32>,
      %get3A_209 = arith.index_cast %scan3A_188 : i32 to index
      %get3A_210 = arith.constant 48 : index
      %get3A_211 = tpu.vector_load %arg13[%get3A_209, %get3A_210] {strides = array<i32>} : memref<128x64xf32, #tpu.memory_space<vmem>>, vector<16xf32>,
      %mul3A_212 = arith.mulf %get3A_211, %gather3A : vector<16xf32>
      %swap3A_213 = arith.index_cast %scan3A_188 : i32 to index
      %swap3A_214 = arith.constant 48 : index
      %swap3A_215 = tpu.vector_load %arg13[%swap3A_213, %swap3A_214] {strides = array<i32>} : memref<128x64xf32, #tpu.memory_space<vmem>>, vector<16xf32>,
      tpu.vector_store %arg13[%swap3A_213, %swap3A_214], %mul3A_212 {strides = array<i32>} : memref<128x64xf32, #tpu.memory_space<vmem>>, vector<16xf32>,
      %add3A_216 = arith.constant 1 : i32
      %add3A_217 = vector.broadcast %add3A_216 : i32 to vector<16xi32>
      %add3A_218 = arith.addi %scan3A_189, %add3A_217 : vector<16xi32>
      %scan3A_219 = arith.constant 1 : i32
      %scan3A_220 = arith.addi %scan3A_188, %scan3A_219 : i32
      %gather3A_221 = tpu.vector_load_idx %arg11[%add3A_99, %add3A_218] : memref<8x128xf32, #tpu.memory_space<vmem>>[vector<16xi32>, vector<16xi32>], vector<16xf32>,
      %get3A_222 = arith.index_cast %scan3A_220 : i32 to index
      %get3A_223 = arith.constant 0 : index
      %get3A_224 = tpu.vector_load %arg13[%get3A_222, %get3A_223] {strides = array<i32>} : memref<128x64xf32, #tpu.memory_space<vmem>>, vector<16xf32>,
      %mul3A_225 = arith.mulf %get3A_224, %gather3A_221 : vector<16xf32>
      %swap3A_226 = arith.index_cast %scan3A_220 : i32 to index
      %swap3A_227 = arith.constant 0 : index
      %swap3A_228 = tpu.vector_load %arg13[%swap3A_226, %swap3A_227] {strides = array<i32>} : memref<128x64xf32, #tpu.memory_space<vmem>>, vector<16xf32>,
      tpu.vector_store %arg13[%swap3A_226, %swap3A_227], %mul3A_225 {strides = array<i32>} : memref<128x64xf32, #tpu.memory_space<vmem>>, vector<16xf32>,
      %get3A_229 = arith.index_cast %scan3A_220 : i32 to index
      %get3A_230 = arith.constant 16 : index
      %get3A_231 = tpu.vector_load %arg13[%get3A_229, %get3A_230] {strides = array<i32>} : memref<128x64xf32, #tpu.memory_space<vmem>>, vector<16xf32>,
      %mul3A_232 = arith.mulf %get3A_231, %gather3A_221 : vector<16xf32>
      %swap3A_233 = arith.index_cast %scan3A_220 : i32 to index
      %swap3A_234 = arith.constant 16 : index
      %swap3A_235 = tpu.vector_load %arg13[%swap3A_233, %swap3A_234] {strides = array<i32>} : memref<128x64xf32, #tpu.memory_space<vmem>>, vector<16xf32>,
      tpu.vector_store %arg13[%swap3A_233, %swap3A_234], %mul3A_232 {strides = array<i32>} : memref<128x64xf32, #tpu.memory_space<vmem>>, vector<16xf32>,
      %get3A_236 = arith.index_cast %scan3A_220 : i32 to index
      %get3A_237 = arith.constant 32 : index
      %get3A_238 = tpu.vector_load %arg13[%get3A_236, %get3A_237] {strides = array<i32>} : memref<128x64xf32, #tpu.memory_space<vmem>>, vector<16xf32>,
      %mul3A_239 = arith.mulf %get3A_238, %gather3A_221 : vector<16xf32>
      %swap3A_240 = arith.index_cast %scan3A_220 : i32 to index
      %swap3A_241 = arith.constant 32 : index
      %swap3A_242 = tpu.vector_load %arg13[%swap3A_240, %swap3A_241] {strides = array<i32>} : memref<128x64xf32, #tpu.memory_space<vmem>>, vector<16xf32>,
      tpu.vector_store %arg13[%swap3A_240, %swap3A_241], %mul3A_239 {strides = array<i32>} : memref<128x64xf32, #tpu.memory_space<vmem>>, vector<16xf32>,
      %get3A_243 = arith.index_cast %scan3A_220 : i32 to index
      %get3A_244 = arith.constant 48 : index
      %get3A_245 = tpu.vector_load %arg13[%get3A_243, %get3A_244] {strides = array<i32>} : memref<128x64xf32, #tpu.memory_space<vmem>>, vector<16xf32>,
      %mul3A_246 = arith.mulf %get3A_245, %gather3A_221 : vector<16xf32>
      %swap3A_247 = arith.index_cast %scan3A_220 : i32 to index
      %swap3A_248 = arith.constant 48 : index
      %swap3A_249 = tpu.vector_load %arg13[%swap3A_247, %swap3A_248] {strides = array<i32>} : memref<128x64xf32, #tpu.memory_space<vmem>>, vector<16xf32>,
      tpu.vector_store %arg13[%swap3A_247, %swap3A_248], %mul3A_246 {strides = array<i32>} : memref<128x64xf32, #tpu.memory_space<vmem>>, vector<16xf32>,
      %add3A_250 = arith.constant 1 : i32
      %add3A_251 = vector.broadcast %add3A_250 : i32 to vector<16xi32>
      %add3A_252 = arith.addi %add3A_218, %add3A_251 : vector<16xi32>
      %scan3A_253 = arith.constant 2 : i32
      %scan3A_254 = arith.addi %scan3A_188, %scan3A_253 : i32
      %gather3A_255 = tpu.vector_load_idx %arg11[%add3A_99, %add3A_252] : memref<8x128xf32, #tpu.memory_space<vmem>>[vector<16xi32>, vector<16xi32>], vector<16xf32>,
      %get3A_256 = arith.index_cast %scan3A_254 : i32 to index
      %get3A_257 = arith.constant 0 : index
      %get3A_258 = tpu.vector_load %arg13[%get3A_256, %get3A_257] {strides = array<i32>} : memref<128x64xf32, #tpu.memory_space<vmem>>, vector<16xf32>,
      %mul3A_259 = arith.mulf %get3A_258, %gather3A_255 : vector<16xf32>
      %swap3A_260 = arith.index_cast %scan3A_254 : i32 to index
      %swap3A_261 = arith.constant 0 : index
      %swap3A_262 = tpu.vector_load %arg13[%swap3A_260, %swap3A_261] {strides = array<i32>} : memref<128x64xf32, #tpu.memory_space<vmem>>, vector<16xf32>,
      tpu.vector_store %arg13[%swap3A_260, %swap3A_261], %mul3A_259 {strides = array<i32>} : memref<128x64xf32, #tpu.memory_space<vmem>>, vector<16xf32>,
      %get3A_263 = arith.index_cast %scan3A_254 : i32 to index
      %get3A_264 = arith.constant 16 : index
      %get3A_265 = tpu.vector_load %arg13[%get3A_263, %get3A_264] {strides = array<i32>} : memref<128x64xf32, #tpu.memory_space<vmem>>, vector<16xf32>,
      %mul3A_266 = arith.mulf %get3A_265, %gather3A_255 : vector<16xf32>
      %swap3A_267 = arith.index_cast %scan3A_254 : i32 to index
      %swap3A_268 = arith.constant 16 : index
      %swap3A_269 = tpu.vector_load %arg13[%swap3A_267, %swap3A_268] {strides = array<i32>} : memref<128x64xf32, #tpu.memory_space<vmem>>, vector<16xf32>,
      tpu.vector_store %arg13[%swap3A_267, %swap3A_268], %mul3A_266 {strides = array<i32>} : memref<128x64xf32, #tpu.memory_space<vmem>>, vector<16xf32>,
      %get3A_270 = arith.index_cast %scan3A_254 : i32 to index
      %get3A_271 = arith.constant 32 : index
      %get3A_272 = tpu.vector_load %arg13[%get3A_270, %get3A_271] {strides = array<i32>} : memref<128x64xf32, #tpu.memory_space<vmem>>, vector<16xf32>,
      %mul3A_273 = arith.mulf %get3A_272, %gather3A_255 : vector<16xf32>
      %swap3A_274 = arith.index_cast %scan3A_254 : i32 to index
      %swap3A_275 = arith.constant 32 : index
      %swap3A_276 = tpu.vector_load %arg13[%swap3A_274, %swap3A_275] {strides = array<i32>} : memref<128x64xf32, #tpu.memory_space<vmem>>, vector<16xf32>,
      tpu.vector_store %arg13[%swap3A_274, %swap3A_275], %mul3A_273 {strides = array<i32>} : memref<128x64xf32, #tpu.memory_space<vmem>>, vector<16xf32>,
      %get3A_277 = arith.index_cast %scan3A_254 : i32 to index
      %get3A_278 = arith.constant 48 : index
      %get3A_279 = tpu.vector_load %arg13[%get3A_277, %get3A_278] {strides = array<i32>} : memref<128x64xf32, #tpu.memory_space<vmem>>, vector<16xf32>,
      %mul3A_280 = arith.mulf %get3A_279, %gather3A_255 : vector<16xf32>
      %swap3A_281 = arith.index_cast %scan3A_254 : i32 to index
      %swap3A_282 = arith.constant 48 : index
      %swap3A_283 = tpu.vector_load %arg13[%swap3A_281, %swap3A_282] {strides = array<i32>} : memref<128x64xf32, #tpu.memory_space<vmem>>, vector<16xf32>,
      tpu.vector_store %arg13[%swap3A_281, %swap3A_282], %mul3A_280 {strides = array<i32>} : memref<128x64xf32, #tpu.memory_space<vmem>>, vector<16xf32>,
      %add3A_284 = arith.constant 1 : i32
      %add3A_285 = vector.broadcast %add3A_284 : i32 to vector<16xi32>
      %add3A_286 = arith.addi %add3A_252, %add3A_285 : vector<16xi32>
      %scan3A_287 = arith.constant 3 : i32
      %scan3A_288 = arith.addi %scan3A_188, %scan3A_287 : i32
      %gather3A_289 = tpu.vector_load_idx %arg11[%add3A_99, %add3A_286] : memref<8x128xf32, #tpu.memory_space<vmem>>[vector<16xi32>, vector<16xi32>], vector<16xf32>,
      %get3A_290 = arith.index_cast %scan3A_288 : i32 to index
      %get3A_291 = arith.constant 0 : index
      %get3A_292 = tpu.vector_load %arg13[%get3A_290, %get3A_291] {strides = array<i32>} : memref<128x64xf32, #tpu.memory_space<vmem>>, vector<16xf32>,
      %mul3A_293 = arith.mulf %get3A_292, %gather3A_289 : vector<16xf32>
      %swap3A_294 = arith.index_cast %scan3A_288 : i32 to index
      %swap3A_295 = arith.constant 0 : index
      %swap3A_296 = tpu.vector_load %arg13[%swap3A_294, %swap3A_295] {strides = array<i32>} : memref<128x64xf32, #tpu.memory_space<vmem>>, vector<16xf32>,
      tpu.vector_store %arg13[%swap3A_294, %swap3A_295], %mul3A_293 {strides = array<i32>} : memref<128x64xf32, #tpu.memory_space<vmem>>, vector<16xf32>,
      %get3A_297 = arith.index_cast %scan3A_288 : i32 to index
      %get3A_298 = arith.constant 16 : index
      %get3A_299 = tpu.vector_load %arg13[%get3A_297, %get3A_298] {strides = array<i32>} : memref<128x64xf32, #tpu.memory_space<vmem>>, vector<16xf32>,
      %mul3A_300 = arith.mulf %get3A_299, %gather3A_289 : vector<16xf32>
      %swap3A_301 = arith.index_cast %scan3A_288 : i32 to index
      %swap3A_302 = arith.constant 16 : index
      %swap3A_303 = tpu.vector_load %arg13[%swap3A_301, %swap3A_302] {strides = array<i32>} : memref<128x64xf32, #tpu.memory_space<vmem>>, vector<16xf32>,
      tpu.vector_store %arg13[%swap3A_301, %swap3A_302], %mul3A_300 {strides = array<i32>} : memref<128x64xf32, #tpu.memory_space<vmem>>, vector<16xf32>,
      %get3A_304 = arith.index_cast %scan3A_288 : i32 to index
      %get3A_305 = arith.constant 32 : index
      %get3A_306 = tpu.vector_load %arg13[%get3A_304, %get3A_305] {strides = array<i32>} : memref<128x64xf32, #tpu.memory_space<vmem>>, vector<16xf32>,
      %mul3A_307 = arith.mulf %get3A_306, %gather3A_289 : vector<16xf32>
      %swap3A_308 = arith.index_cast %scan3A_288 : i32 to index
      %swap3A_309 = arith.constant 32 : index
      %swap3A_310 = tpu.vector_load %arg13[%swap3A_308, %swap3A_309] {strides = array<i32>} : memref<128x64xf32, #tpu.memory_space<vmem>>, vector<16xf32>,
      tpu.vector_store %arg13[%swap3A_308, %swap3A_309], %mul3A_307 {strides = array<i32>} : memref<128x64xf32, #tpu.memory_space<vmem>>, vector<16xf32>,
      %get3A_311 = arith.index_cast %scan3A_288 : i32 to index
      %get3A_312 = arith.constant 48 : index
      %get3A_313 = tpu.vector_load %arg13[%get3A_311, %get3A_312] {strides = array<i32>} : memref<128x64xf32, #tpu.memory_space<vmem>>, vector<16xf32>,
      %mul3A_314 = arith.mulf %get3A_313, %gather3A_289 : vector<16xf32>
      %swap3A_315 = arith.index_cast %scan3A_288 : i32 to index
      %swap3A_316 = arith.constant 48 : index
      %swap3A_317 = tpu.vector_load %arg13[%swap3A_315, %swap3A_316] {strides = array<i32>} : memref<128x64xf32, #tpu.memory_space<vmem>>, vector<16xf32>,
      tpu.vector_store %arg13[%swap3A_315, %swap3A_316], %mul3A_314 {strides = array<i32>} : memref<128x64xf32, #tpu.memory_space<vmem>>, vector<16xf32>,
      %add3A_318 = arith.constant 1 : i32
      %add3A_319 = vector.broadcast %add3A_318 : i32 to vector<16xi32>
      %add3A_320 = arith.addi %add3A_286, %add3A_319 : vector<16xi32>
      scf.yield %add3A_320 : vector<16xi32>
    }
    %scan3A_105 = arith.constant 128 : i32
    %dma_start3A_106 = arith.constant 80 : i32
    %dma_start3A_107 = arith.constant 0 : i32
    %dma_start3A_108 = tpu.memref_slice %arg9[%dma_start3A_106, %dma_start3A_107] : memref<81x128xi32, #tpu.memory_space<vmem>> -> memref<1x128xi32, #tpu.memory_space<vmem>>
    %dma_start3A_109 = tpu.memref_squeeze %dma_start3A_108 : memref<1x128xi32, #tpu.memory_space<vmem>> -> memref<128xi32, #tpu.memory_space<vmem>>
    %dma_start3A_110 = arith.constant 0 : i32
    %dma_start3A_111 = arith.constant 0 : i32
    %dma_start3A_112 = tpu.memref_slice %arg18[%dma_start3A_110, %dma_start3A_111] : memref<10240x64xf32, #tpu.memory_space<vmem_shared>> -> memref<10240x64xf32, #tpu.memory_space<vmem_shared>>
    tpu.enqueue_indirect_dma source(%arg13 : memref<128x64xf32, #tpu.memory_space<vmem>>) target(%dma_start3A_112 : memref<10240x64xf32, #tpu.memory_space<vmem_shared>>) offsets(%dma_start3A_109 : memref<128xi32, #tpu.memory_space<vmem>>) semaphore(%arg25 : memref<!tpu.dma_semaphore, #tpu.memory_space<semaphore_mem>>) {add = true}
    %dma_start3A_113 = arith.constant 0 : i32
    %dma_start3A_114 = arith.constant 80 : i32
    %dma_start3A_115 = arith.constant 0 : i32
    %dma_start3A_116 = tpu.memref_slice %arg11[%dma_start3A_113, %dma_start3A_115] : memref<8x128xf32, #tpu.memory_space<vmem>> -> memref<1x128xf32, #tpu.memory_space<vmem>>
    %dma_start3A_117 = tpu.memref_squeeze %dma_start3A_116 : memref<1x128xf32, #tpu.memory_space<vmem>> -> memref<128xf32, #tpu.memory_space<vmem>>
    %dma_start3A_118 = arith.constant 0 : i32
    %dma_start3A_119 = tpu.memref_slice %arg9[%dma_start3A_114, %dma_start3A_118] : memref<81x128xi32, #tpu.memory_space<vmem>> -> memref<1x128xi32, #tpu.memory_space<vmem>>
    %dma_start3A_120 = tpu.memref_squeeze %dma_start3A_119 : memref<1x128xi32, #tpu.memory_space<vmem>> -> memref<128xi32, #tpu.memory_space<vmem>>
    %dma_start3A_121 = arith.constant 0 : i32
    %dma_start3A_122 = tpu.memref_slice %arg19[%dma_start3A_121] : memref<10240xf32, #tpu.memory_space<vmem_shared>> -> memref<10240xf32, #tpu.memory_space<vmem_shared>>
    tpu.enqueue_indirect_dma source(%dma_start3A_117 : memref<128xf32, #tpu.memory_space<vmem>>) target(%dma_start3A_122 : memref<10240xf32, #tpu.memory_space<vmem_shared>>) offsets(%dma_start3A_120 : memref<128xi32, #tpu.memory_space<vmem>>) semaphore(%arg30 : memref<!tpu.dma_semaphore, #tpu.memory_space<semaphore_mem>>) {add = true}
    %dma_wait3A_123 = arith.constant 4 : i32
    %dma_wait3A_124 = arith.constant 76 : i32
    %dma_wait3A_125 = arith.constant 0 : i32
    %dma_wait3A_126 = tpu.memref_slice %arg11[%dma_wait3A_123, %dma_wait3A_125] : memref<8x128xf32, #tpu.memory_space<vmem>> -> memref<1x128xf32, #tpu.memory_space<vmem>>
    %dma_wait3A_127 = tpu.memref_squeeze %dma_wait3A_126 : memref<1x128xf32, #tpu.memory_space<vmem>> -> memref<128xf32, #tpu.memory_space<vmem>>
    %dma_wait3A_128 = arith.constant 0 : i32
    %dma_wait3A_129 = tpu.memref_slice %arg9[%dma_wait3A_124, %dma_wait3A_128] : memref<81x128xi32, #tpu.memory_space<vmem>> -> memref<1x128xi32, #tpu.memory_space<vmem>>
    %dma_wait3A_130 = tpu.memref_squeeze %dma_wait3A_129 : memref<1x128xi32, #tpu.memory_space<vmem>> -> memref<128xi32, #tpu.memory_space<vmem>>
    %dma_wait3A_131 = arith.constant 0 : i32
    %dma_wait3A_132 = tpu.memref_slice %arg19[%dma_wait3A_131] : memref<10240xf32, #tpu.memory_space<vmem_shared>> -> memref<10240xf32, #tpu.memory_space<vmem_shared>>
    tpu.wait_indirect_dma semaphore(%arg30 : memref<!tpu.dma_semaphore, #tpu.memory_space<semaphore_mem>>) src(%dma_wait3A_127 : memref<128xf32, #tpu.memory_space<vmem>>) dst(%dma_wait3A_132 : memref<10240xf32, #tpu.memory_space<vmem_shared>>)
    %dma_wait3A_133 = arith.constant 79 : i32
    %dma_wait3A_134 = arith.constant 0 : i32
    %dma_wait3A_135 = tpu.memref_slice %arg9[%dma_wait3A_133, %dma_wait3A_134] : memref<81x128xi32, #tpu.memory_space<vmem>> -> memref<1x128xi32, #tpu.memory_space<vmem>>
    %dma_wait3A_136 = tpu.memref_squeeze %dma_wait3A_135 : memref<1x128xi32, #tpu.memory_space<vmem>> -> memref<128xi32, #tpu.memory_space<vmem>>
    %dma_wait3A_137 = arith.constant 0 : i32
    %dma_wait3A_138 = arith.constant 0 : i32
    %dma_wait3A_139 = tpu.memref_slice %arg18[%dma_wait3A_137, %dma_wait3A_138] : memref<10240x64xf32, #tpu.memory_space<vmem_shared>> -> memref<10240x64xf32, #tpu.memory_space<vmem_shared>>
    tpu.wait_indirect_dma semaphore(%arg29 : memref<!tpu.dma_semaphore, #tpu.memory_space<semaphore_mem>>) src(%arg17 : memref<128x64xf32, #tpu.memory_space<vmem>>) dst(%dma_wait3A_139 : memref<10240x64xf32, #tpu.memory_space<vmem_shared>>)
    %dma_wait3A_140 = arith.constant 80 : i32
    %dma_wait3A_141 = arith.constant 0 : i32
    %dma_wait3A_142 = tpu.memref_slice %arg9[%dma_wait3A_140, %dma_wait3A_141] : memref<81x128xi32, #tpu.memory_space<vmem>> -> memref<1x128xi32, #tpu.memory_space<vmem>>
    %dma_wait3A_143 = tpu.memref_squeeze %dma_wait3A_142 : memref<1x128xi32, #tpu.memory_space<vmem>> -> memref<128xi32, #tpu.memory_space<vmem>>
    %dma_wait3A_144 = arith.constant 0 : i32
    %dma_wait3A_145 = arith.constant 0 : i32
    %dma_wait3A_146 = tpu.memref_slice %arg18[%dma_wait3A_144, %dma_wait3A_145] : memref<10240x64xf32, #tpu.memory_space<vmem_shared>> -> memref<10240x64xf32, #tpu.memory_space<vmem_shared>>
    tpu.wait_indirect_dma semaphore(%arg25 : memref<!tpu.dma_semaphore, #tpu.memory_space<semaphore_mem>>) src(%arg13 : memref<128x64xf32, #tpu.memory_space<vmem>>) dst(%dma_wait3A_146 : memref<10240x64xf32, #tpu.memory_space<vmem_shared>>)
    %dma_wait3A_147 = arith.constant 5 : i32
    %dma_wait3A_148 = arith.constant 77 : i32
    %dma_wait3A_149 = arith.constant 0 : i32
    %dma_wait3A_150 = tpu.memref_slice %arg11[%dma_wait3A_147, %dma_wait3A_149] : memref<8x128xf32, #tpu.memory_space<vmem>> -> memref<1x128xf32, #tpu.memory_space<vmem>>
    %dma_wait3A_151 = tpu.memref_squeeze %dma_wait3A_150 : memref<1x128xf32, #tpu.memory_space<vmem>> -> memref<128xf32, #tpu.memory_space<vmem>>
    %dma_wait3A_152 = arith.constant 0 : i32
    %dma_wait3A_153 = tpu.memref_slice %arg9[%dma_wait3A_148, %dma_wait3A_152] : memref<81x128xi32, #tpu.memory_space<vmem>> -> memref<1x128xi32, #tpu.memory_space<vmem>>
    %dma_wait3A_154 = tpu.memref_squeeze %dma_wait3A_153 : memref<1x128xi32, #tpu.memory_space<vmem>> -> memref<128xi32, #tpu.memory_space<vmem>>
    %dma_wait3A_155 = arith.constant 0 : i32
    %dma_wait3A_156 = tpu.memref_slice %arg19[%dma_wait3A_155] : memref<10240xf32, #tpu.memory_space<vmem_shared>> -> memref<10240xf32, #tpu.memory_space<vmem_shared>>
    tpu.wait_indirect_dma semaphore(%arg30 : memref<!tpu.dma_semaphore, #tpu.memory_space<semaphore_mem>>) src(%dma_wait3A_151 : memref<128xf32, #tpu.memory_space<vmem>>) dst(%dma_wait3A_156 : memref<10240xf32, #tpu.memory_space<vmem_shared>>)
    %dma_wait3A_157 = arith.constant 6 : i32
    %dma_wait3A_158 = arith.constant 78 : i32
    %dma_wait3A_159 = arith.constant 0 : i32
    %dma_wait3A_160 = tpu.memref_slice %arg11[%dma_wait3A_157, %dma_wait3A_159] : memref<8x128xf32, #tpu.memory_space<vmem>> -> memref<1x128xf32, #tpu.memory_space<vmem>>
    %dma_wait3A_161 = tpu.memref_squeeze %dma_wait3A_160 : memref<1x128xf32, #tpu.memory_space<vmem>> -> memref<128xf32, #tpu.memory_space<vmem>>
    %dma_wait3A_162 = arith.constant 0 : i32
    %dma_wait3A_163 = tpu.memref_slice %arg9[%dma_wait3A_158, %dma_wait3A_162] : memref<81x128xi32, #tpu.memory_space<vmem>> -> memref<1x128xi32, #tpu.memory_space<vmem>>
    %dma_wait3A_164 = tpu.memref_squeeze %dma_wait3A_163 : memref<1x128xi32, #tpu.memory_space<vmem>> -> memref<128xi32, #tpu.memory_space<vmem>>
    %dma_wait3A_165 = arith.constant 0 : i32
    %dma_wait3A_166 = tpu.memref_slice %arg19[%dma_wait3A_165] : memref<10240xf32, #tpu.memory_space<vmem_shared>> -> memref<10240xf32, #tpu.memory_space<vmem_shared>>
    tpu.wait_indirect_dma semaphore(%arg30 : memref<!tpu.dma_semaphore, #tpu.memory_space<semaphore_mem>>) src(%dma_wait3A_161 : memref<128xf32, #tpu.memory_space<vmem>>) dst(%dma_wait3A_166 : memref<10240xf32, #tpu.memory_space<vmem_shared>>)
    %dma_wait3A_167 = arith.constant 7 : i32
    %dma_wait3A_168 = arith.constant 79 : i32
    %dma_wait3A_169 = arith.constant 0 : i32
    %dma_wait3A_170 = tpu.memref_slice %arg11[%dma_wait3A_167, %dma_wait3A_169] : memref<8x128xf32, #tpu.memory_space<vmem>> -> memref<1x128xf32, #tpu.memory_space<vmem>>
    %dma_wait3A_171 = tpu.memref_squeeze %dma_wait3A_170 : memref<1x128xf32, #tpu.memory_space<vmem>> -> memref<128xf32, #tpu.memory_space<vmem>>
    %dma_wait3A_172 = arith.constant 0 : i32
    %dma_wait3A_173 = tpu.memref_slice %arg9[%dma_wait3A_168, %dma_wait3A_172] : memref<81x128xi32, #tpu.memory_space<vmem>> -> memref<1x128xi32, #tpu.memory_space<vmem>>
    %dma_wait3A_174 = tpu.memref_squeeze %dma_wait3A_173 : memref<1x128xi32, #tpu.memory_space<vmem>> -> memref<128xi32, #tpu.memory_space<vmem>>
    %dma_wait3A_175 = arith.constant 0 : i32
    %dma_wait3A_176 = tpu.memref_slice %arg19[%dma_wait3A_175] : memref<10240xf32, #tpu.memory_space<vmem_shared>> -> memref<10240xf32, #tpu.memory_space<vmem_shared>>
    tpu.wait_indirect_dma semaphore(%arg30 : memref<!tpu.dma_semaphore, #tpu.memory_space<semaphore_mem>>) src(%dma_wait3A_171 : memref<128xf32, #tpu.memory_space<vmem>>) dst(%dma_wait3A_176 : memref<10240xf32, #tpu.memory_space<vmem_shared>>)
    %dma_wait3A_177 = arith.constant 0 : i32
    %dma_wait3A_178 = arith.constant 80 : i32
    %dma_wait3A_179 = arith.constant 0 : i32
    %dma_wait3A_180 = tpu.memref_slice %arg11[%dma_wait3A_177, %dma_wait3A_179] : memref<8x128xf32, #tpu.memory_space<vmem>> -> memref<1x128xf32, #tpu.memory_space<vmem>>
    %dma_wait3A_181 = tpu.memref_squeeze %dma_wait3A_180 : memref<1x128xf32, #tpu.memory_space<vmem>> -> memref<128xf32, #tpu.memory_space<vmem>>
    %dma_wait3A_182 = arith.constant 0 : i32
    %dma_wait3A_183 = tpu.memref_slice %arg9[%dma_wait3A_178, %dma_wait3A_182] : memref<81x128xi32, #tpu.memory_space<vmem>> -> memref<1x128xi32, #tpu.memory_space<vmem>>
    %dma_wait3A_184 = tpu.memref_squeeze %dma_wait3A_183 : memref<1x128xi32, #tpu.memory_space<vmem>> -> memref<128xi32, #tpu.memory_space<vmem>>
    %dma_wait3A_185 = arith.constant 0 : i32
    %dma_wait3A_186 = tpu.memref_slice %arg19[%dma_wait3A_185] : memref<10240xf32, #tpu.memory_space<vmem_shared>> -> memref<10240xf32, #tpu.memory_space<vmem_shared>>
    tpu.wait_indirect_dma semaphore(%arg30 : memref<!tpu.dma_semaphore, #tpu.memory_space<semaphore_mem>>) src(%dma_wait3A_181 : memref<128xf32, #tpu.memory_space<vmem>>) dst(%dma_wait3A_186 : memref<10240xf32, #tpu.memory_space<vmem_shared>>)
    %barrier3A_187 = arith.constant 0 : index
    tpu.barrier barrier_id(%barrier3A_187)
    "tpu.region"() ({
      %run_scoped3A = tpu.sem_alloc : memref<!tpu.dma_semaphore, #tpu.memory_space<semaphore_mem>>
      %dma_start3A_188 = arith.constant 0 : i32
      %dma_start3A_189 = tpu.memref_slice %arg6[%arg0, %mul3A_4, %dma_start3A_188] : memref<2x10240x64xf32, #tpu.memory_space<hbm>> -> memref<1x640x64xf32, #tpu.memory_space<hbm>>
      %dma_start3A_190 = tpu.memref_squeeze %dma_start3A_189 : memref<1x640x64xf32, #tpu.memory_space<hbm>> -> memref<640x64xf32, #tpu.memory_space<hbm>>
      %dma_start3A_191 = arith.constant 0 : i32
      %dma_start3A_192 = tpu.memref_slice %arg18[%mul3A_4, %dma_start3A_191] : memref<10240x64xf32, #tpu.memory_space<vmem_shared>> -> memref<640x64xf32, #tpu.memory_space<vmem_shared>>
      tpu.enqueue_dma source(%dma_start3A_192 : memref<640x64xf32, #tpu.memory_space<vmem_shared>>) target(%dma_start3A_190 : memref<640x64xf32, #tpu.memory_space<hbm>>) target_semaphore(%run_scoped3A : memref<!tpu.dma_semaphore, #tpu.memory_space<semaphore_mem>>)
      %dma_wait3A_193 = arith.constant 0 : i32
      %dma_wait3A_194 = tpu.memref_slice %arg6[%arg0, %mul3A_4, %dma_wait3A_193] : memref<2x10240x64xf32, #tpu.memory_space<hbm>> -> memref<1x640x64xf32, #tpu.memory_space<hbm>>
      %dma_wait3A_195 = tpu.memref_squeeze %dma_wait3A_194 : memref<1x640x64xf32, #tpu.memory_space<hbm>> -> memref<640x64xf32, #tpu.memory_space<hbm>>
      %dma_wait3A_196 = arith.constant 0 : i32
      %dma_wait3A_197 = tpu.memref_slice %arg18[%mul3A_4, %dma_wait3A_196] : memref<10240x64xf32, #tpu.memory_space<vmem_shared>> -> memref<640x64xf32, #tpu.memory_space<vmem_shared>>
      tpu.wait_dma2 semaphore(%run_scoped3A : memref<!tpu.dma_semaphore, #tpu.memory_space<semaphore_mem>>) src(%dma_wait3A_197 : memref<640x64xf32, #tpu.memory_space<vmem_shared>>) dst(%dma_wait3A_195 : memref<640x64xf32, #tpu.memory_space<hbm>>)
      tpu.yield
    }) : () -> ()
    "tpu.region"() ({
      %run_scoped3A = tpu.sem_alloc : memref<!tpu.dma_semaphore, #tpu.memory_space<semaphore_mem>>
      %dma_start3A_188 = tpu.memref_slice %arg7[%arg0, %mul3A_4] : memref<2x10240xf32, #tpu.memory_space<hbm>> -> memref<1x640xf32, #tpu.memory_space<hbm>>
      %dma_start3A_189 = tpu.memref_squeeze %dma_start3A_188 : memref<1x640xf32, #tpu.memory_space<hbm>> -> memref<640xf32, #tpu.memory_space<hbm>>
      %dma_start3A_190 = tpu.memref_slice %arg19[%mul3A_4] : memref<10240xf32, #tpu.memory_space<vmem_shared>> -> memref<640xf32, #tpu.memory_space<vmem_shared>>
      tpu.enqueue_dma source(%dma_start3A_190 : memref<640xf32, #tpu.memory_space<vmem_shared>>) target(%dma_start3A_189 : memref<640xf32, #tpu.memory_space<hbm>>) target_semaphore(%run_scoped3A : memref<!tpu.dma_semaphore, #tpu.memory_space<semaphore_mem>>)
      %dma_wait3A_191 = tpu.memref_slice %arg7[%arg0, %mul3A_4] : memref<2x10240xf32, #tpu.memory_space<hbm>> -> memref<1x640xf32, #tpu.memory_space<hbm>>
      %dma_wait3A_192 = tpu.memref_squeeze %dma_wait3A_191 : memref<1x640xf32, #tpu.memory_space<hbm>> -> memref<640xf32, #tpu.memory_space<hbm>>
      %dma_wait3A_193 = tpu.memref_slice %arg19[%mul3A_4] : memref<10240xf32, #tpu.memory_space<vmem_shared>> -> memref<640xf32, #tpu.memory_space<vmem_shared>>
      tpu.wait_dma2 semaphore(%run_scoped3A : memref<!tpu.dma_semaphore, #tpu.memory_space<semaphore_mem>>) src(%dma_wait3A_193 : memref<640xf32, #tpu.memory_space<vmem_shared>>) dst(%dma_wait3A_192 : memref<640xf32, #tpu.memory_space<hbm>>)
      tpu.yield
    }) : () -> ()
    return
  }
}

module attributes {stable_mosaic.version = 14 : i64} {
  func.func @_pre_body(%arg0: memref<10000x128xf32, #tpu.memory_space<vmem>>, %arg1: memref<128x64xf32, #tpu.memory_space<vmem>>, %arg2: memref<64x2xf32, #tpu.memory_space<vmem>>, %arg3: memref<10000x64xf32, #tpu.memory_space<vmem>>, %arg4: memref<10000x2xf32, #tpu.memory_space<vmem>>) attributes {dimension_semantics = [], scalar_prefetch = 0 : i64, scratch_operands = 0 : i64, tpu.core_type = #tpu.core_type<tc>} {
    %get3A = arith.constant 0 : index
    %get3A_0 = arith.constant 0 : index
    %get3A_1 = vector.load %arg0[%get3A, %get3A_0] : memref<10000x128xf32, #tpu.memory_space<vmem>>, vector<10000x128xf32>
    %get3A_2 = arith.constant 0 : index
    %get3A_3 = arith.constant 0 : index
    %get3A_4 = vector.load %arg1[%get3A_2, %get3A_3] : memref<128x64xf32, #tpu.memory_space<vmem>>, vector<128x64xf32>
    %dot_general3A = arith.constant dense<0.000000e+00> : vector<10000x64xf32>
    %dot_general3A_5 = tpu.matmul %get3A_1, %get3A_4, %dot_general3A {dimension_numbers = #tpu.dot_dimension_numbers<[1], [0], [0], [1], [0, 0, 1, 1], [], []>, transpose_lhs_hint = false} : vector<10000x128xf32>, vector<128x64xf32>, vector<10000x64xf32> -> vector<10000x64xf32>
    %swap3A = arith.constant 0 : index
    %swap3A_6 = arith.constant 0 : index
    %swap3A_7 = vector.load %arg3[%swap3A, %swap3A_6] : memref<10000x64xf32, #tpu.memory_space<vmem>>, vector<10000x64xf32>
    tpu.vector_store %arg3[%swap3A, %swap3A_6], %dot_general3A_5 {strides = array<i32>} : memref<10000x64xf32, #tpu.memory_space<vmem>>, vector<10000x64xf32>,
    %get3A_8 = arith.constant 0 : index
    %get3A_9 = arith.constant 0 : index
    %get3A_10 = vector.load %arg1[%get3A_8, %get3A_9] : memref<128x64xf32, #tpu.memory_space<vmem>>, vector<128x64xf32>
    %get3A_11 = arith.constant 0 : index
    %get3A_12 = arith.constant 0 : index
    %get3A_13 = vector.load %arg2[%get3A_11, %get3A_12] : memref<64x2xf32, #tpu.memory_space<vmem>>, vector<64x2xf32>
    %dot_general3A_14 = arith.constant dense<0.000000e+00> : vector<128x2xf32>
    %dot_general3A_15 = tpu.matmul %get3A_10, %get3A_13, %dot_general3A_14 {dimension_numbers = #tpu.dot_dimension_numbers<[1], [0], [0], [1], [0, 0, 1, 1], [], []>, transpose_lhs_hint = false} : vector<128x64xf32>, vector<64x2xf32>, vector<128x2xf32> -> vector<128x2xf32>
    %get3A_16 = arith.constant 0 : index
    %get3A_17 = arith.constant 0 : index
    %get3A_18 = vector.load %arg0[%get3A_16, %get3A_17] : memref<10000x128xf32, #tpu.memory_space<vmem>>, vector<10000x128xf32>
    %dot_general3A_19 = arith.constant dense<0.000000e+00> : vector<10000x2xf32>
    %dot_general3A_20 = tpu.matmul %get3A_18, %dot_general3A_15, %dot_general3A_19 {dimension_numbers = #tpu.dot_dimension_numbers<[1], [0], [0], [1], [0, 0, 1, 1], [], []>, transpose_lhs_hint = false} : vector<10000x128xf32>, vector<128x2xf32>, vector<10000x2xf32> -> vector<10000x2xf32>
    %swap3A_21 = arith.constant 0 : index
    %swap3A_22 = arith.constant 0 : index
    %swap3A_23 = vector.load %arg4[%swap3A_21, %swap3A_22] : memref<10000x2xf32, #tpu.memory_space<vmem>>, vector<10000x2xf32>
    tpu.vector_store %arg4[%swap3A_21, %swap3A_22], %dot_general3A_20 {strides = array<i32>} : memref<10000x2xf32, #tpu.memory_space<vmem>>, vector<10000x2xf32>,
    return
  }
}

module attributes {stable_mosaic.version = 14 : i64} {
  func.func @_post_body(%arg0: memref<2x10240x64xf32, #tpu.memory_space<vmem>>, %arg1: memref<2x10240xf32, #tpu.memory_space<vmem>>, %arg2: memref<64xf32, #tpu.memory_space<vmem>>, %arg3: memref<10000x64xf32, #tpu.memory_space<vmem>>) attributes {dimension_semantics = [], scalar_prefetch = 0 : i64, scratch_operands = 0 : i64, tpu.core_type = #tpu.core_type<tc>} {
    %get3A = arith.constant 0 : index
    %get3A_0 = arith.constant 0 : index
    %get3A_1 = arith.constant 0 : index
    %get3A_2 = vector.load %arg0[%get3A, %get3A_0, %get3A_1] : memref<2x10240x64xf32, #tpu.memory_space<vmem>>, vector<1x10000x64xf32>
    %get3A_3 = vector.shape_cast %get3A_2 : vector<1x10000x64xf32> to vector<10000x64xf32>
    %get3A_4 = arith.constant 1 : index
    %get3A_5 = arith.constant 0 : index
    %get3A_6 = arith.constant 0 : index
    %get3A_7 = vector.load %arg0[%get3A_4, %get3A_5, %get3A_6] : memref<2x10240x64xf32, #tpu.memory_space<vmem>>, vector<1x10000x64xf32>
    %get3A_8 = vector.shape_cast %get3A_7 : vector<1x10000x64xf32> to vector<10000x64xf32>
    %add3A = arith.addf %get3A_3, %get3A_8 : vector<10000x64xf32>
    %get3A_9 = arith.constant 0 : index
    %get3A_10 = arith.constant 0 : index
    %get3A_11 = vector.load %arg1[%get3A_9, %get3A_10] : memref<2x10240xf32, #tpu.memory_space<vmem>>, vector<1x10000xf32>
    %get3A_12 = vector.shape_cast %get3A_11 : vector<1x10000xf32> to vector<10000xf32>
    %get3A_13 = arith.constant 1 : index
    %get3A_14 = arith.constant 0 : index
    %get3A_15 = vector.load %arg1[%get3A_13, %get3A_14] : memref<2x10240xf32, #tpu.memory_space<vmem>>, vector<1x10000xf32>
    %get3A_16 = vector.shape_cast %get3A_15 : vector<1x10000xf32> to vector<10000xf32>
    %add3A_17 = arith.addf %get3A_12, %get3A_16 : vector<10000xf32>
    %broadcast_in_dim3A = vector.shape_cast %add3A_17 : vector<10000xf32> to vector<10000x1xf32>
    %div3A = vector.broadcast %broadcast_in_dim3A : vector<10000x1xf32> to vector<10000x64xf32>
    %div3A_18 = arith.divf %add3A, %div3A : vector<10000x64xf32>
    %get3A_19 = arith.constant 0 : index
    %get3A_20 = vector.load %arg2[%get3A_19] : memref<64xf32, #tpu.memory_space<vmem>>, vector<64xf32>
    %broadcast_in_dim3A_21 = vector.shape_cast %get3A_20 : vector<64xf32> to vector<1x64xf32>
    %add3A_22 = vector.broadcast %broadcast_in_dim3A_21 : vector<1x64xf32> to vector<10000x64xf32>
    %add3A_23 = arith.addf %div3A_18, %add3A_22 : vector<10000x64xf32>
    %max3A = arith.constant 0.000000e+00 : f32
    %max3A_24 = vector.broadcast %max3A : f32 to vector<10000x64xf32>
    %max3A_25 = arith.maximumf %add3A_23, %max3A_24 : vector<10000x64xf32>
    %swap3A = arith.constant 0 : index
    %swap3A_26 = arith.constant 0 : index
    %swap3A_27 = vector.load %arg3[%swap3A, %swap3A_26] : memref<10000x64xf32, #tpu.memory_space<vmem>>, vector<10000x64xf32>
    tpu.vector_store %arg3[%swap3A, %swap3A_26], %max3A_25 {strides = array<i32>} : memref<10000x64xf32, #tpu.memory_space<vmem>>, vector<10000x64xf32>,
    return
  }
}

</mosaic_0001>

<sc_bundles>
// kernel: kernel.5.cloned.1.call-start
scs
__scs_entry_jumppad:
0x0: {  	(pc) =	sbr.rel $0x88, $3  }
0x1: {  	(tag) =	ssettag $0x0;
	lr =	simm.s32 $0x1  }
0x2: {  	[smem:$0x3F9B] =	sst lr;
	_ =	strace $0xD0000000  }
0x3: {  	_ = 	snop  }
0x4: {  	_ = 	snop  }
0x5: {  	_ = 	snop  }
0x6: {  	_ = 	snop  }
0x7: {  	_ = 	snop  }
__scs_overlays_trampoline_lowered:
0x8: {  	[smem:$0x3FAA] =	sst s0  }
0x9: {  	[smem:$0x3FAB] =	sst s1  }
0xa: {  	[smem:$0x3FAC] =	sst s2  }
0xb: {  	[smem:$0x3FAD] =	sst s3  }
0xc: {  	[smem:$0x3FAE] =	sst s4  }
0xd: {  	[smem:$0x3FAF] =	sst s5  }
0xe: {  	[smem:$0x3FB0] =	sst s6  }
0xf: {  	[smem:$0x3FB1] =	sst s7  }
0x10: {  	[smem:$0x3FB2] =	sst s8  }
0x11: {  	[smem:$0x3FB3] =	sst s9;
	s0 =	simm.s32 @!p0 $0x0  }
0x12: {  	s1 =	sld [smem:$0x3F99];
	s0 =	simm.s32 @p0 $0x1  }
0x13: {  	[smem:$0x3FB4] =	sst s0;
	s0 =	simm.s32 @!p1 $0x0  }
0x14: {  	s2 =	sld [smem:$0x3F98];
	s0 =	simm.s32 @p1 $0x1  }
0x15: {  	[smem:$0x3FB5] =	sst s0;
	s0 =	simm.s32 @!p2 $0x0  }
0x16: {  	s3 =	sld [smem:$0x3FDB];
	s0 =	simm.s32 @p2 $0x1  }
0x17: {  	s4 =	simm.s32 $0x1BF5;
	[smem:$0x3FB7] =	sst s0  }
0x18: {  	s0 =	sld [smem:$0x3F9A];
	_ =	swait.ge [sflag:s4], $0x0  }
0x19: {  	s7 =	sld [smem:$0x3F9B]  }
0x1a: {  	s8 =	sadd.s32 $0xFFFFE003, lr  }
0x1b: {  	s9 =	sadd.s32 $0xFFFFFEF7, lr;
	s5 =	simm.s32 $0xFFFFFFFF;
	p2 =	slt.u32 s8, $0xFFFFF086  }
0x1c: {  	p1 =	slt.u32 s9, $0xF7A;
	s5 =	simm.s32 @!p2 $0x0  }
0x1d: {  	s5 =	simm.s32 @p1 $0x1;
	p0 =	seq.s32 s7, s2  }
0x1e: {  	s7 =	smul.u32 @!p0 $0xF7A, s2;
	p2 =	seq.s32 @!p0 s5, $0x0  }
0x1f: {  	s9 =	smul.u32 $0xF7A, s1;
	s8 =	simm.s32 @!p0 $0x1BF5;
	p2 =	por !p2, p0  }
0x20: {  	[sflag:s8] =	ssyncset.s32 @!p0 $0xFFFFF086;
	s6 =	sadd.s32 @!p0 s3, s7;
	s7 =	simm.s32 @!p0 $0x108  }
0x21: {  	s3 =	sadd.s32 s3, s9;
	s6 =	sadd.s32 @!p0 $0x88, s6;
	s7 =	simm.s32 @p2 $0x1082  }
0x22: {  	[simem:s7], [sflag:s8] =	dma.local @!p0 [hbm:s6], $0xF7A  }
0x23: {  	s9 =	sor.u32 $0xD0000000, s2;
	s6 =	simm.s32 $0x108;
	_ =	swait.ge @!p0 [sflag:s8], $0x0  }
0x24: {  	s3 =	sadd.s32 $0x88, s3;
	s6 =	simm.s32 @!p1 $0x1082;
	[sflag:s4] =	ssyncset.s32 $0xFFFFF086  }
0x25: {  	[simem:s6], [sflag:s4] =	dma.local [hbm:s3], $0xF7A  }
0x26: {  	[smem:$0x3F9B] =	sst s1;
	(tag) =	ssettag s2;
	_ =	strace s9  }
0x27: {  	s1 =	sld [smem:$0x3FAB]  }
0x28: {  	s2 =	sld [smem:$0x3FAC]  }
0x29: {  	s4 =	sld [smem:$0x3FAE]  }
0x2a: {  	p0 =	seq.s32 s5, $0x0;
	s5 =	sld [smem:$0x3FAF]  }
0x2b: {  	s6 =	sld [smem:$0x3FB0]  }
0x2c: {  	s7 =	sld [smem:$0x3FB1]  }
0x2d: {  	s3 =	simm.s32 $0x108;
	s8 =	sld [smem:$0x3FB2]  }
0x2e: {  	s3 =	simm.s32 @!p0 $0x1082;
	s9 =	sld [smem:$0x3FB3]  }
0x2f: {  	lr =	sadd.s32 s0, s3;
	s0 =	sld [smem:$0x3FAA]  }
0x30: {  	s3 =	sld [smem:$0x3FAD]  }
0x31: {  	[smem:$0x3FB6] =	sst s10  }
0x32: {  	s10 =	sld [smem:$0x3FB4];
	_ =	sdelay $0x3  }
0x33: {  	p0 =	seq.s32 s10, $0x1;
	s10 =	sld [smem:$0x3FB6];
	_ =	sdelay $0x3  }
0x34: {  	[smem:$0x3FB6] =	sst s10  }
0x35: {  	s10 =	sld [smem:$0x3FB5];
	_ =	sdelay $0x3  }
0x36: {  	p1 =	seq.s32 s10, $0x1;
	s10 =	sld [smem:$0x3FB6];
	_ =	sdelay $0x3  }
0x37: {  	[smem:$0x3FB6] =	sst s10  }
0x38: {  	s10 =	sld [smem:$0x3FB7]  }
0x39: {  	_ = 	snop;
	(pc) =	sbr.ind lr, $3  }
0x3a: {  	_ = 	snop  }
0x3b: {  	_ = 	snop  }
0x3c: {  	p2 =	seq.s32 s10, $0x1;
	s10 =	sld [smem:$0x3FB6]  }
0x3d: {  	_ =	shalt  }
0x3e: {  	_ =	shalt  }
0x3f: {  	_ =	shalt  }
0x40: {  	_ =	shalt  }
0x41: {  	_ =	shalt  }
0x42: {  	_ =	shalt  }
0x43: {  	_ =	shalt  }
0x44: {  	_ =	shalt  }
0x45: {  	_ =	shalt  }
0x46: {  	_ =	shalt  }
0x47: {  	_ =	shalt  }
0x48: {  	_ =	shalt  }
0x49: {  	_ =	shalt  }
0x4a: {  	_ =	shalt  }
0x4b: {  	_ =	shalt  }
0x4c: {  	_ =	shalt  }
0x4d: {  	_ =	shalt  }
0x4e: {  	_ =	shalt  }
0x4f: {  	_ =	shalt  }
0x50: {  	_ =	shalt  }
0x51: {  	_ =	shalt  }
0x52: {  	_ =	shalt  }
0x53: {  	_ =	shalt  }
0x54: {  	_ =	shalt  }
0x55: {  	_ =	shalt  }
0x56: {  	_ =	shalt  }
0x57: {  	_ =	shalt  }
0x58: {  	_ =	shalt  }
0x59: {  	_ =	shalt  }
0x5a: {  	_ =	shalt  }
0x5b: {  	_ =	shalt  }
0x5c: {  	_ =	shalt  }
0x5d: {  	_ =	shalt  }
0x5e: {  	_ =	shalt  }
0x5f: {  	_ =	shalt  }
0x60: {  	_ =	shalt  }
0x61: {  	_ =	shalt  }
0x62: {  	_ =	shalt  }
0x63: {  	_ =	shalt  }
0x64: {  	_ =	shalt  }
0x65: {  	_ =	shalt  }
0x66: {  	_ =	shalt  }
0x67: {  	_ =	shalt  }
0x68: {  	_ =	shalt  }
0x69: {  	_ =	shalt  }
0x6a: {  	_ =	shalt  }
0x6b: {  	_ =	shalt  }
0x6c: {  	_ =	shalt  }
0x6d: {  	_ =	shalt  }
0x6e: {  	_ =	shalt  }
0x6f: {  	_ =	shalt  }
0x70: {  	_ =	shalt  }
0x71: {  	_ =	shalt  }
0x72: {  	_ =	shalt  }
0x73: {  	_ =	shalt  }
0x74: {  	_ =	shalt  }
0x75: {  	_ =	shalt  }
0x76: {  	_ =	shalt  }
0x77: {  	_ =	shalt  }
0x78: {  	_ =	shalt  }
0x79: {  	_ =	shalt  }
0x7a: {  	_ =	shalt  }
0x7b: {  	_ =	shalt  }
0x7c: {  	_ =	shalt  }
0x7d: {  	_ =	shalt  }
0x7e: {  	_ =	shalt  }
0x7f: {  	_ =	shalt  }
0x80: {  	_ =	shalt  }
0x81: {  	_ =	shalt  }
0x82: {  	_ =	shalt  }
0x83: {  	_ =	shalt  }
0x84: {  	_ =	shalt  }
0x85: {  	_ =	shalt  }
0x86: {  	_ =	shalt  }
0x87: {  	_ =	shalt  }
.Lfunc_end0:
.L_simem_size_0:
called_computation_lowered:
.L_overlay_start_0:
0x88: {  	s2 =	sld [smem:$0x3FD9]  }
0x89: {  	s3 =	sld [smem:$0x3FFE];
	_ =	sdelay $0x1  }
0x8a: {  	s1 =	srdreg.scid  }
0x8b: {  	s0 =	sand.u32 $0x1, s1  }
0x8c: {  	s17 =	sshll.u32 s0, $0xA;
	s2 =	sadd.s32 s3, s2  }
0x8d: {  	s2 =	sadd.s32 s2, s17  }
0x8e: {  	[smem:$0x3FC2] =	sst s2  }
0x8f: {  	_ = 	snop  }
0x90: {  	s2 =	sld [smem:$0x3FD0];
	(tm) =	ssettm $0x1  }
0x91: {  	s18 =	sld [smem:$0x3FFB];
	_ =	sdelay $0x3  }
0x92: {  	_ =	strace s18  }
0x93: {  	s3 =	sld [smem:$0x3FFC];
	_ =	sdelay $0x3  }
0x94: {  	_ =	strace s3  }
0x95: {  	s3 =	sld [smem:$0x3FFD];
	_ =	sdelay $0x3  }
0x96: {  	_ =	strace s3  }
0x97: {  	_ =	strace $0x8FFFFFFF  }
0x98: {  	s19 =	sld [smem:$0x3FDB];
	_ =	sdelay $0x1  }
0x99: {  	s4 =	simm.s32 $_scs_section_size  }
0x9a: {  	s5 =	simm.s32 $_size__tile_overlayer_lowered;
	s6 =	simm.s32 $_tile_overlayer_lowered  }
0x9b: {  	s22 =	simm.s32 $0x1BFF;
	s21 =	sshll.u32 s6, $0x1;
	s3 =	sadd.s32 s4, s19  }
0x9c: {  	s7 =	simm.s32 $0x0;
	s20 =	sshll.u32 s5, $0x1;
	s5 =	sadd.s32 s21, s3  }
0x9d: {  	[timem:s7], [sflag:s22] =	dma.local [hbm:s5], s20  }
0x9e: {  	_ =	swait.ge [sflag:s22], s20  }
0x9f: {  	s4 =	ssub.s32 $0x0, s20;
	[sflag:s22] =	ssyncset.done $0x0  }
0xa0: {  	[sflag:s22] =	ssyncadd.s32 s4;
	_ =	sdelay $0x1  }
0xa1: {  	s23 =	simm.s32 $0x1B8B  }
0xa2: {  	_ =	swait.ge [sflag:s23], $0x1  }
0xa3: {  	[sflag:s23] =	ssyncset.done $0x0  }
0xa4: {  	s25 =	simm.s32 $0x1B8E;
	s24 =	sld [smem:$0x3FFE];
	[sflag:s23] =	ssyncadd.s32 $0xFFFFFFFF  }
0xa5: {  	s26 =	simm.s32 $execute0_lowered;
	[smem:$0x3FD2] =	sst s25  }
0xa6: {  	s5 =	sshll.u32 s26, $0x1;
	_ =	strace $0x80000046;
	[dreg:$0x1] =	wrdreg $0xFFFFFFFF  }
0xa7: {  	s28 =	simm.s32 $_size_execute0_lowered;
	s3 =	sadd.s32 s3, s5;
	[dreg:$0x0] =	wrdreg $0x0  }
0xa8: {  	s5 =	sshll.u32 s28, $0x1;
	[dreg:$0x2] =	wrdreg s3  }
0xa9: {  	[dreg:$0x3] =	wrdreg s5  }
0xaa: {  	[dreg:$0x4] =	wrdreg $0xC0  }
0xab: {  	_ =	task [dreg:s7], $0x5FFFF  }
0xac: {  	[dreg:$0x1] =	wrdreg $0xFFFFFFFF  }
0xad: {  	[dreg:$0x0] =	wrdreg $0x60  }
0xae: {  	[dreg:$0x2] =	wrdreg s24  }
0xaf: {  	[dreg:$0x3] =	wrdreg s2  }
0xb0: {  	[dreg:$0x4] =	wrdreg $0x145A00  }
0xb1: {  	[dreg:$0x5] =	wrdreg $0x1E5A00  }
0xb2: {  	[dreg:$0x6] =	wrdreg $0x9  }
0xb3: {  	_ =	task.clear_ibuf [dreg:s7], $0x7FFFF;
	_ =	strace $0x90000046  }
0xb4: {  	s29 =	simm.s32 $0x9;
	_ =	strace $0x80000048  }
0xb5: {  	_ =	swait.ge [sflag:s29], $0x1  }
0xb6: {  	[sflag:s29] =	ssyncadd.s32 $0xFFFFFFFF  }
0xb7: {  	_ =	strace $0x90000048  }
0xb8: {  	_ =	sfence  }
0xb9: {  	s30 =	sld [smem:$0x0];
	_ =	sdelay $0x2  }
0xba: {  	s31 =	sshll.u32 s1, $0xD;
	s1 =	sshrl.u32 s1, $0x2  }
0xbb: {  	s3 =	sand.u32 $0x4000, s31;
	s1 =	sadd.s32 s1, s30  }
0xbc: {  	s0 =	sor.u32 s3, s0;
	s1 =	sshll.u32 s1, $0x11  }
0xbd: {  	s0 =	sor.u32 s1, s0  }
0xbe: {  	s0 =	sadd.s32 $0x8F2B, s0  }
0xbf: {  	[sflag:s0] =	ssyncadd.remote.s32 $0x1  }
0xc0: {  	_ =	sfence.sel $0xFFFF  }
0xc1: {  	[dreg:$0x0] =	wrdreg $0xFFFFFFFF;
	(pc) =	sbr.abs _section_cstart, $3  }
0xc2: {  	[dreg:$0x1] =	wrdreg $0xFFFFFFFF  }
0xc3: {  	_ =	task.clear_ibuf [dreg:s7], $0x2FFFF;
	_ =	strace $0x9FFFFFFF  }
0xc4: {  	(tm) =	ssettm $0x7FFFFFFF  }
0xc5: {  	_ =	shalt  }
tec
execute0_lowered:
.L_overlay_start_1:
0x0: {  	(tag) =	ssettag $0x1  }
0x1: {  	s0 =	srdreg.scid  }
0x2: {  	s10 =	stileid.u32;
	s1 =	rddreg [dreg:$0x0]  }
0x3: {  	s21 =	rddreg [dreg:$0x1];
	s3 =	smul.u32 $0xA000, s10  }
0x4: {  	s11 =	rddreg [dreg:$0x2];
	s13 =	smul.u32 $0x280, s10  }
0x5: {  	s12 =	rddreg [dreg:$0x3];
	s0 =	sand.u32 $0x1, s0;
	s18 =	smul.u32 $0x5100, s10  }
0x6: {  	s5 =	simm.s32 $0x0;
	s2 =	sshll.u32 s10, $0x1;
	s4 =	smul.u32 $0xA0000, s0  }
0x7: {  	[smem:$0x7FF] =	sst s5;
	s7 =	sadd.s32 $0x14A00, s1;
	s6 =	smul.u32 $0x2800, s0  }
0x8: {  	s2 =	sor.u32 s0, s2;
	s14 =	ssub.s32 $0x2, s0;
	s0 =	smul.u32 $0x2880, s0  }
0x9: {  	_ =	strace $0x80000047;
	[dreg:$0x5] =	wrdreg s7;
	s5 =	sadd.s32 s13, s12  }
0xa: {  	s8 =	sshrl.u32 s14, $0x1;
	s0 =	sadd.s32 s0, s18;
	[dreg:$0xd] =	wrdreg s5  }
0xb: {  	s15 =	ssub.s32 s14, s8;
	s8 =	sadd.s32 s3, s11;
	[dreg:$0x10] =	wrdreg s0  }
0xc: {  	s9 =	smul.u32 $0x28000, s10;
	s24 =	smax.u32 s15, $0x1;
	[dreg:$0x8] =	wrdreg s8  }
0xd: {  	s2 =	smul.u32 $0x2880, s2;
	s25 =	sadd.s32 $0x80, s0;
	[dreg:$0x11] =	wrdreg s24  }
0xe: {  	s17 =	sshrl.u32 s9, $0x2;
	s26 =	sadd.s32 $0x180, s0;
	[dreg:$0x12] =	wrdreg s25  }
0xf: {  	s4 =	sadd.s32 s3, s4;
	s28 =	sadd.s32 $0x200, s0;
	[dreg:$0x14] =	wrdreg s26  }
0x10: {  	s6 =	sadd.s32 s13, s6;
	s30 =	sadd.s32 $0x280, s0;
	[dreg:$0x15] =	wrdreg s28  }
0x11: {  	s2 =	sshrl.u32 s2, $0x3;
	s31 =	sadd.s32 $0x300, s0;
	[dreg:$0x16] =	wrdreg s30  }
0x12: {  	s9 =	sadd.s32 $0x100, s0;
	s0 =	sadd.s32 $0x380, s0;
	[dreg:$0x17] =	wrdreg s31  }
0x13: {  	s4 =	sshrl.u32 s4, $0x3;
	s2 =	sadd.s32 s2, s1;
	[dreg:$0x18] =	wrdreg s0  }
0x14: {  	s6 =	sshrl.u32 s6, $0x3;
	[dreg:$0x13] =	wrdreg s9;
	s16 =	sadd.s32 $0xA800, s2  }
0x15: {  	s4 =	sadd.s32 s4, s1;
	s2 =	sadd.s32 $0x600, s2;
	[dreg:$0x6] =	wrdreg s16  }
0x16: {  	s1 =	sadd.s32 s6, s1;
	s23 =	sadd.s32 $0x15E00, s4;
	[dreg:$0x7] =	wrdreg s2  }
0x17: {  	s1 =	sadd.s32 $0x15400, s1;
	s2 =	sadd.s32 s17, s11;
	[dreg:$0xe] =	wrdreg s23  }
0x18: {  	[dreg:$0xf] =	wrdreg s1;
	s19 =	sadd.s32 $0x2000, s2  }
0x19: {  	s29 =	simm.s32 $0x5100;
	s20 =	sadd.s32 $0x4000, s2;
	[dreg:$0x9] =	wrdreg s19  }
0x1a: {  	s10 =	simm.s32 $0x0;
	s22 =	sadd.s32 $0x6000, s2;
	[dreg:$0xa] =	wrdreg s20  }
0x1b: {  	s7 =	simm.s32 $0x9F20;
	s2 =	sadd.s32 $0x8000, s2;
	[dreg:$0xb] =	wrdreg s22  }
0x1c: {  	v0 =	vimm.f32 $0.0e+00;
	s12 =	simm.s32 $0x80;
	s4 =	simm.s32 $0xC;
	[dreg:$0xc] =	wrdreg s2  }
.LBB2_1:
0x1d: {  	s0 =	simm.s32 $0x0;
	s1 =	rddreg [dreg:$0x6]  }
0x1e: {  	[tilespmem:s0], [sflag:$0xC] =	stream.linear.gather [hbm4b:s1+s0], $0x2880, $0x38;
	[tilespmem:$0x1E820] =	vst v63  }
0x1f: {  	_ =	swait.ge [sflag:s4], $0x2880  }
0x20: {  	[sflag:s4] =	ssyncset.done $0x0  }
0x21: {  	s2 =	simm.s32 $0x2880;
	s30 =	rddreg [dreg:$0x7];
	[sflag:s4] =	ssyncadd.s32 $0xFFFFD780  }
0x22: {  	[tilespmem:s2], [sflag:$0xC] =	stream.linear.gather [hbm4b:s30+s0], $0x2880, $0x38;
	[tilespmem:$0x1E820] =	vst v63  }
0x23: {  	_ =	swait.ge [sflag:s4], $0x2880  }
0x24: {  	[sflag:s4] =	ssyncset.done $0x0  }
0x25: {  	s31 =	rddreg [dreg:$0x5];
	[sflag:s4] =	ssyncadd.s32 $0xFFFFD780  }
0x26: {  	[tilespmem:s29], [sflag:$0xC] =	stream.linear.gather [hbm4b:s31+s0], $0x4E20, $0x38;
	[tilespmem:$0x1E820] =	vst v63  }
0x27: {  	_ =	swait.ge [sflag:s4], $0x4E20  }
0x28: {  	[sflag:s4] =	ssyncset.done $0x0  }
0x29: {  	s2 =	simm.s32 $0x100;
	s0 =	simm.s32 $0x0;
	[sflag:s4] =	ssyncadd.s32 $0xFFFFB1E0  }
.LBB2_2:
0x2a: {  	p0 =	sne.s32 s2, $0x7F00;
	[tilespmem:s0+$0xA5D0] =	vst v0;
	s3 =	smov.u32 s2;
	s2 =	sadd.s32 $0x100, s2  }
.Ltmp0:
0x2b: {  	[tilespmem:s0+$0xA5C0] =	vst v0;
	(pc) =	sbr.rel @p0 .LBB2_2-.Ltmp0, $3  }
0x2c: {  	[tilespmem:s0+$0xA5A0] =	vst v0  }
0x2d: {  	[tilespmem:s0+$0xA5B0] =	vst v0;
	_ =	sdelay $0x1  }
0x2e: {  	s0 =	sshra.s32 s3, $0x2  }
0x2f: {  	[tilespmem:s0+$0xA5D0] =	vst v0  }
0x30: {  	[tilespmem:s0+$0xA5C0] =	vst v0  }
0x31: {  	[tilespmem:s0+$0xA5A0] =	vst v0  }
0x32: {  	[tilespmem:s0+$0xA5B0] =	vst v0  }
0x33: {  	[tilespmem:$0xA320] =	vst v0  }
0x34: {  	[tilespmem:$0xA330] =	vst v0  }
0x35: {  	[tilespmem:$0xA340] =	vst v0  }
0x36: {  	[tilespmem:$0xA350] =	vst v0  }
0x37: {  	[tilespmem:$0xA360] =	vst v0  }
0x38: {  	[tilespmem:$0xA370] =	vst v0  }
0x39: {  	[tilespmem:$0xA380] =	vst v0  }
0x3a: {  	[tilespmem:$0xA390] =	vst v0  }
0x3b: {  	[tilespmem:$0xA3A0] =	vst v0  }
0x3c: {  	[tilespmem:$0xA3B0] =	vst v0  }
0x3d: {  	[tilespmem:$0xA3C0] =	vst v0  }
0x3e: {  	[tilespmem:$0xA3D0] =	vst v0  }
0x3f: {  	[tilespmem:$0xA3E0] =	vst v0  }
0x40: {  	[tilespmem:$0xA3F0] =	vst v0  }
0x41: {  	[tilespmem:$0xA400] =	vst v0  }
0x42: {  	[tilespmem:$0xA410] =	vst v0  }
0x43: {  	[tilespmem:$0xA420] =	vst v0  }
0x44: {  	[tilespmem:$0xA430] =	vst v0  }
0x45: {  	[tilespmem:$0xA440] =	vst v0  }
0x46: {  	[tilespmem:$0xA450] =	vst v0  }
0x47: {  	[tilespmem:$0xA460] =	vst v0  }
0x48: {  	[tilespmem:$0xA470] =	vst v0  }
0x49: {  	[tilespmem:$0xA480] =	vst v0  }
0x4a: {  	[tilespmem:$0xA490] =	vst v0  }
0x4b: {  	[tilespmem:$0xA4A0] =	vst v0  }
0x4c: {  	[tilespmem:$0xA4B0] =	vst v0  }
0x4d: {  	[tilespmem:$0xA4C0] =	vst v0  }
0x4e: {  	[tilespmem:$0xA4D0] =	vst v0  }
0x4f: {  	[tilespmem:$0xA4E0] =	vst v0  }
0x50: {  	[tilespmem:$0xA4F0] =	vst v0  }
0x51: {  	[tilespmem:$0xA500] =	vst v0  }
0x52: {  	[tilespmem:$0xA510] =	vst v0  }
0x53: {  	[tilespmem:$0xA520] =	vst v0  }
0x54: {  	[tilespmem:$0xA530] =	vst v0  }
0x55: {  	[tilespmem:$0xA540] =	vst v0  }
0x56: {  	[tilespmem:$0xA550] =	vst v0  }
0x57: {  	[tilespmem:$0xA560] =	vst v0  }
0x58: {  	[tilespmem:$0xA570] =	vst v0  }
0x59: {  	[tilespmem:$0xA580] =	vst v0  }
0x5a: {  	s1 =	simm.s32 $0xA5A0;
	[tilespmem:$0xA590] =	vst v0  }
0x5b: {  	[spmem:s8] =	stream.linear.scatter [tilespmem:s1], [sflag:$0xC], $0x2000, $0x38;
	[tilespmem:$0x1E820] =	vst v63  }
0x5c: {  	_ =	swait.ge [sflag:s4], $0x2000  }
0x5d: {  	[sflag:s4] =	ssyncset.done $0x0  }
0x5e: {  	s20 =	rddreg [dreg:$0x9];
	[sflag:s4] =	ssyncadd.s32 $0xFFFFE000  }
0x5f: {  	[spmem:s20] =	stream.linear.scatter [tilespmem:s1], [sflag:$0xC], $0x2000, $0x38;
	[tilespmem:$0x1E820] =	vst v63  }
0x60: {  	_ =	swait.ge [sflag:s4], $0x2000  }
0x61: {  	[sflag:s4] =	ssyncset.done $0x0  }
0x62: {  	s22 =	rddreg [dreg:$0xa];
	[sflag:s4] =	ssyncadd.s32 $0xFFFFE000  }
0x63: {  	[spmem:s22] =	stream.linear.scatter [tilespmem:s1], [sflag:$0xC], $0x2000, $0x38;
	[tilespmem:$0x1E820] =	vst v63  }
0x64: {  	_ =	swait.ge [sflag:s4], $0x2000  }
0x65: {  	[sflag:s4] =	ssyncset.done $0x0  }
0x66: {  	s23 =	rddreg [dreg:$0xb];
	[sflag:s4] =	ssyncadd.s32 $0xFFFFE000  }
0x67: {  	[spmem:s23] =	stream.linear.scatter [tilespmem:s1], [sflag:$0xC], $0x2000, $0x38;
	[tilespmem:$0x1E820] =	vst v63  }
0x68: {  	_ =	swait.ge [sflag:s4], $0x2000  }
0x69: {  	[sflag:s4] =	ssyncset.done $0x0  }
0x6a: {  	s24 =	rddreg [dreg:$0xc];
	[sflag:s4] =	ssyncadd.s32 $0xFFFFE000  }
0x6b: {  	[spmem:s24] =	stream.linear.scatter [tilespmem:s1], [sflag:$0xC], $0x2000, $0x38;
	[tilespmem:$0x1E820] =	vst v63  }
0x6c: {  	_ =	swait.ge [sflag:s4], $0x2000  }
0x6d: {  	[sflag:s4] =	ssyncset.done $0x0  }
0x6e: {  	s25 =	simm.s32 $0xA320;
	[sflag:s4] =	ssyncadd.s32 $0xFFFFE000  }
0x6f: {  	[spmem:s5] =	stream.linear.scatter [tilespmem:s25], [sflag:$0xC], $0x280, $0x38;
	[tilespmem:$0x1E820] =	vst v63  }
0x70: {  	_ =	swait.ge [sflag:s4], $0x280  }
0x71: {  	[sflag:s4] =	ssyncset.done $0x0  }
0x72: {  	[sflag:s4] =	ssyncadd.s32 $0xFFFFFD80  }
0x73: {  	s26 =	simm.s32 $0x0;
	[bflag:$0x0] =	sbarrier.arrive $0xFFFF  }
0x74: {  	[tilespmem:s1], [sflag:$0x1] =	stream.indirect.gather [hbm4b:s21+s12], $0x40, s26, s12, $0xb8;
	[tilespmem:$0x1E820] =	vst v63  }
0x75: {  	s28 =	simm.s32 $0xC5A0  }
0x76: {  	[tilespmem:s28], [sflag:$0x2] =	stream.indirect.gather [hbm4b:s21+s12], $0x40, s12, s12, $0xb8;
	[tilespmem:$0x1E820] =	vst v63  }
0x77: {  	s30 =	simm.s32 $0x100;
	s31 =	simm.s32 $0xE5A0;
	s2 =	simm.s32 $0x0  }
0x78: {  	[tilespmem:s31], [sflag:$0x3] =	stream.indirect.gather [hbm4b:s21+s12], $0x40, s30, s12, $0xb8;
	[tilespmem:$0x1E820] =	vst v63  }
0x79: {  	v1 =	vld [tilespmem:s2+$0x2880]  }
0x7a: {  	v2 =	vld [tilespmem:s2+$0x0];
	_ =	sdelay $0x4  }
0x7b: {  	v1 =	vshll.u32 v1, $0x1;
	v2 =	vshll.u32 v2, $0x1  }
0x7c: {  	v1 =	vor.u32 $0x1, v1;
	_ =	sdelay $0x3  }
0x7d: {  	v2 =	vld.idx.msk [tilespmem:v2+s29+$0x0], $0xffff  }
0x7e: {  	v1 =	vld.idx.msk [tilespmem:v1+s29+$0x0], $0xffff;
	_ =	sdelay $0x4  }
0x7f: {  	v1 =	vadd.f32 v1, v2;
	_ =	sdelay $0x1  }
0x80: {  	v2 =	vmul.f32 $2.000000030e-01, v1;
	_ =	sdelay $0x1  }
0x81: {  	v1 =	vmax.f32 v1, v2  }
0x82: {  	v1 =	vmul.f32 $1.442695020e+00, v1;
	_ =	sdelay $0x1  }
0x83: {  	s0 =	simm.s32 $0x10;
	(erf) = vpow2.f32 v1  }
0x84: {  	v1 =	vld [tilespmem:s0+$0x2880];
	_ =	sdelay $0x1  }
0x85: {  	v2 =	vld [tilespmem:s0+$0x0];
	_ =	sdelay $0x2  }
0x86: {  	v1 =	vshll.u32 v1, $0x1  }
0x87: {  	v1 =	vor.u32 $0x1, v1  }
0x88: {  	s4 =	rddreg [dreg:$0x10];
	v2 =	vshll.u32 v2, $0x1  }
0x89: {  	p0 =	slt.u32 s4, $0x50910;
	v3 =	vpop (erf)  }
0x8a: {  	v3 =	vpsel !p0, $0x0, v3  }
0x8b: {  	[tilespmem:s2+$0x9F20] =	vst v3  }
0x8c: {  	v1 =	vld.idx.msk [tilespmem:v1+s29+$0x0], $0xffff  }
0x8d: {  	v2 =	vld.idx.msk [tilespmem:v2+s29+$0x0], $0xffff;
	_ =	sdelay $0x4  }
0x8e: {  	v1 =	vadd.f32 v1, v2;
	_ =	sdelay $0x1  }
0x8f: {  	v2 =	vmul.f32 $2.000000030e-01, v1;
	_ =	sdelay $0x1  }
0x90: {  	v1 =	vmax.f32 v1, v2  }
0x91: {  	v1 =	vmul.f32 $1.442695020e+00, v1;
	_ =	sdelay $0x1  }
0x92: {  	s5 =	simm.s32 $0x20;
	(erf) = vpow2.f32 v1  }
0x93: {  	s6 =	simm.s32 $0xC0;
	s3 =	simm.s32 $0x10;
	v1 =	vld [tilespmem:s5+$0x2880]  }
.LBB2_4:
0x94: {  	p0 =	sne.s32 s6, $0x1C0  }
0x95: {  	v2 =	vld [tilespmem:s5+$0x0];
	_ =	sdelay $0x2  }
0x96: {  	v1 =	vshll.u32 v1, $0x1  }
0x97: {  	v1 =	vor.u32 $0x1, v1  }
0x98: {  	s4 =	sadd.s32 $0x10, s4;
	v2 =	vshll.u32 v2, $0x1  }
0x99: {  	p1 =	slt.u32 s4, $0x50910;
	v3 =	vpop (erf)  }
0x9a: {  	v3 =	vpsel !p1, $0x0, v3  }
0x9b: {  	[tilespmem:s3+$0x9F20] =	vst v3;
	s3 =	smov.u32 s5  }
0x9c: {  	v1 =	vld.idx.msk [tilespmem:v1+s29+$0x0], $0xffff  }
0x9d: {  	v2 =	vld.idx.msk [tilespmem:v2+s29+$0x0], $0xffff;
	_ =	sdelay $0x5  }
0x9e: {  	v1 =	vadd.f32 v1, v2;
	_ =	sdelay $0x1  }
0x9f: {  	v2 =	vmul.f32 $2.000000030e-01, v1;
	_ =	sdelay $0x1  }
.Ltmp1:
0xa0: {  	v1 =	vmax.f32 v1, v2;
	(pc) =	sbr.rel @p0 .LBB2_4-.Ltmp1, $3  }
0xa1: {  	v1 =	vmul.f32 $1.442695020e+00, v1;
	_ =	sdelay $0x1  }
0xa2: {  	s5 =	sshra.s32 s6, $0x2;
	(erf) = vpow2.f32 v1  }
0xa3: {  	s6 =	sadd.s32 $0x40, s6;
	v1 =	vld [tilespmem:s5+$0x2880]  }
0xa4: {  	_ = 	snop  }
0xa5: {  	v2 =	vld [tilespmem:s5+$0x0];
	_ =	sdelay $0x2  }
0xa6: {  	v1 =	vshll.u32 v1, $0x1  }
0xa7: {  	v1 =	vor.u32 $0x1, v1  }
0xa8: {  	s4 =	sadd.s32 $0x10, s4;
	v2 =	vshll.u32 v2, $0x1  }
0xa9: {  	p0 =	slt.u32 s4, $0x50910;
	v3 =	vpop (erf)  }
0xaa: {  	v3 =	vpsel !p0, $0x0, v3  }
0xab: {  	[tilespmem:s3+$0x9F20] =	vst v3  }
0xac: {  	v1 =	vld.idx.msk [tilespmem:v1+s29+$0x0], $0xffff  }
0xad: {  	v2 =	vld.idx.msk [tilespmem:v2+s29+$0x0], $0xffff;
	_ =	sdelay $0x4  }
0xae: {  	v1 =	vadd.f32 v1, v2;
	_ =	sdelay $0x1  }
0xaf: {  	v2 =	vmul.f32 $2.000000030e-01, v1;
	_ =	sdelay $0x1  }
0xb0: {  	v1 =	vmax.f32 v1, v2  }
0xb1: {  	v1 =	vmul.f32 $1.442695020e+00, v1;
	_ =	sdelay $0x1  }
0xb2: {  	(erf) = vpow2.f32 v1;
	_ =	sdelay $0x7  }
0xb3: {  	s31 =	sadd.s32 $0x10, s4  }
0xb4: {  	p5 =	slt.u32 s31, $0x50910;
	v1 =	vpop (erf)  }
0xb5: {  	v1 =	vpsel !p5, $0x0, v1  }
0xb6: {  	[tilespmem:s5+$0x9F20] =	vst v1  }
0xb7: {  	v1 =	vld [tilespmem:s2+$0x2900]  }
0xb8: {  	v2 =	vld [tilespmem:s2+$0x80];
	_ =	sdelay $0x4  }
0xb9: {  	v1 =	vshll.u32 v1, $0x1;
	v2 =	vshll.u32 v2, $0x1  }
0xba: {  	v1 =	vor.u32 $0x1, v1;
	_ =	sdelay $0x3  }
0xbb: {  	v2 =	vld.idx.msk [tilespmem:v2+s29+$0x0], $0xffff  }
0xbc: {  	v1 =	vld.idx.msk [tilespmem:v1+s29+$0x0], $0xffff;
	_ =	sdelay $0x4  }
0xbd: {  	v1 =	vadd.f32 v1, v2;
	_ =	sdelay $0x1  }
0xbe: {  	v2 =	vmul.f32 $2.000000030e-01, v1;
	_ =	sdelay $0x1  }
0xbf: {  	v1 =	vmax.f32 v1, v2  }
0xc0: {  	v1 =	vmul.f32 $1.442695020e+00, v1;
	_ =	sdelay $0x1  }
0xc1: {  	(erf) = vpow2.f32 v1  }
0xc2: {  	v1 =	vld [tilespmem:s0+$0x2900];
	_ =	sdelay $0x1  }
0xc3: {  	v2 =	vld [tilespmem:s0+$0x80];
	_ =	sdelay $0x2  }
0xc4: {  	v1 =	vshll.u32 v1, $0x1  }
0xc5: {  	v1 =	vor.u32 $0x1, v1  }
0xc6: {  	s1 =	rddreg [dreg:$0x12];
	v2 =	vshll.u32 v2, $0x1  }
0xc7: {  	p6 =	slt.u32 s1, $0x50910;
	v3 =	vpop (erf)  }
0xc8: {  	v3 =	vpsel !p6, $0x0, v3  }
0xc9: {  	[tilespmem:s2+$0x9FA0] =	vst v3  }
0xca: {  	v1 =	vld.idx.msk [tilespmem:v1+s29+$0x0], $0xffff  }
0xcb: {  	v2 =	vld.idx.msk [tilespmem:v2+s29+$0x0], $0xffff;
	_ =	sdelay $0x4  }
0xcc: {  	v1 =	vadd.f32 v1, v2;
	_ =	sdelay $0x1  }
0xcd: {  	v2 =	vmul.f32 $2.000000030e-01, v1;
	_ =	sdelay $0x1  }
0xce: {  	v1 =	vmax.f32 v1, v2  }
0xcf: {  	v1 =	vmul.f32 $1.442695020e+00, v1;
	_ =	sdelay $0x1  }
0xd0: {  	s3 =	simm.s32 $0x20;
	(erf) = vpow2.f32 v1  }
0xd1: {  	s4 =	simm.s32 $0xC0;
	s2 =	smov.u32 s1;
	v1 =	vld [tilespmem:s3+$0x2900]  }
.LBB2_6:
0xd2: {  	p0 =	sne.s32 s4, $0x1C0  }
0xd3: {  	v2 =	vld [tilespmem:s3+$0x80];
	_ =	sdelay $0x2  }
0xd4: {  	v1 =	vshll.u32 v1, $0x1  }
0xd5: {  	v1 =	vor.u32 $0x1, v1  }
0xd6: {  	s2 =	sadd.s32 $0x10, s2;
	v2 =	vshll.u32 v2, $0x1  }
0xd7: {  	p1 =	slt.u32 s2, $0x50910;
	v3 =	vpop (erf)  }
0xd8: {  	v3 =	vpsel !p1, $0x0, v3  }
0xd9: {  	[tilespmem:s0+$0x9FA0] =	vst v3;
	s0 =	smov.u32 s3  }
0xda: {  	v1 =	vld.idx.msk [tilespmem:v1+s29+$0x0], $0xffff  }
0xdb: {  	v2 =	vld.idx.msk [tilespmem:v2+s29+$0x0], $0xffff;
	_ =	sdelay $0x5  }
0xdc: {  	v1 =	vadd.f32 v1, v2;
	_ =	sdelay $0x1  }
0xdd: {  	v2 =	vmul.f32 $2.000000030e-01, v1;
	_ =	sdelay $0x1  }
.Ltmp2:
0xde: {  	v1 =	vmax.f32 v1, v2;
	(pc) =	sbr.rel @p0 .LBB2_6-.Ltmp2, $3  }
0xdf: {  	v1 =	vmul.f32 $1.442695020e+00, v1;
	_ =	sdelay $0x1  }
0xe0: {  	s3 =	sshra.s32 s4, $0x2;
	(erf) = vpow2.f32 v1  }
0xe1: {  	s4 =	sadd.s32 $0x40, s4;
	v1 =	vld [tilespmem:s3+$0x2900]  }
0xe2: {  	_ = 	snop  }
0xe3: {  	v2 =	vld [tilespmem:s3+$0x80];
	_ =	sdelay $0x2  }
0xe4: {  	v1 =	vshll.u32 v1, $0x1  }
0xe5: {  	v1 =	vor.u32 $0x1, v1  }
0xe6: {  	s2 =	sadd.s32 $0x10, s2;
	v2 =	vshll.u32 v2, $0x1  }
0xe7: {  	p0 =	slt.u32 s2, $0x50910;
	v3 =	vpop (erf)  }
0xe8: {  	v3 =	vpsel !p0, $0x0, v3  }
0xe9: {  	[tilespmem:s0+$0x9FA0] =	vst v3  }
0xea: {  	v1 =	vld.idx.msk [tilespmem:v1+s29+$0x0], $0xffff  }
0xeb: {  	v2 =	vld.idx.msk [tilespmem:v2+s29+$0x0], $0xffff;
	_ =	sdelay $0x4  }
0xec: {  	v1 =	vadd.f32 v1, v2;
	_ =	sdelay $0x1  }
0xed: {  	v2 =	vmul.f32 $2.000000030e-01, v1;
	_ =	sdelay $0x1  }
0xee: {  	v1 =	vmax.f32 v1, v2  }
0xef: {  	v1 =	vmul.f32 $1.442695020e+00, v1;
	_ =	sdelay $0x1  }
0xf0: {  	(erf) = vpow2.f32 v1;
	_ =	sdelay $0x6  }
0xf1: {  	p2 =	por $0x1, $0x1  }
.Ltmp3:
0xf2: {  	s31 =	sadd.s32 $0x10, s2;
	(pc) =	sbr.rel @!p2 .LBB2_8-.Ltmp3, $4  }
0xf3: {  	p6 =	slt.u32 s31, $0x50910;
	v1 =	vpop (erf)  }
0xf4: {  	v1 =	vpsel !p6, $0x0, v1  }
0xf5: {  	s4 =	simm.s32 $0x0;
	s25 =	simm.s32 $0x0;
	[tilespmem:s3+$0x9FA0] =	vst v1  }
0xf6: {  	p1 =	por $0x0, $0x0;
	[dreg:$0x19] =	wrdreg s10;
	p0 =	por $0x0, $0x0;
	v1 =	vld [tilespmem:s4+$0x2980]  }
0xf7: {  	_ = 	snop  }
0xf8: {  	v2 =	vld [tilespmem:s4+$0x100];
	_ =	sdelay $0x2  }
0xf9: {  	v1 =	vshll.u32 v1, $0x1  }
0xfa: {  	v1 =	vor.u32 $0x1, v1  }
0xfb: {  	v2 =	vshll.u32 v2, $0x1;
	_ =	sdelay $0x3  }
0xfc: {  	v1 =	vld.idx.msk [tilespmem:v1+s29+$0x0], $0xffff  }
0xfd: {  	v2 =	vld.idx.msk [tilespmem:v2+s29+$0x0], $0xffff;
	_ =	sdelay $0x4  }
0xfe: {  	v1 =	vadd.f32 v1, v2;
	_ =	sdelay $0x1  }
0xff: {  	p2 =	por $0x1, $0x1;
	v2 =	vmul.f32 $2.000000030e-01, v1  }
.Ltmp4:
0x100: {  	_ = 	snop;
	(pc) =	sbr.rel @!p2 .LBB2_10-.Ltmp4, $4  }
0x101: {  	v1 =	vmax.f32 v1, v2  }
0x102: {  	v1 =	vmul.f32 $1.442695020e+00, v1  }
0x103: {  	s2 =	simm.s32 $0x10  }
0x104: {  	p0 =	por $0x1, $0x1;
	(erf) = vpow2.f32 v1;
	v1 =	vld [tilespmem:s2+$0x2980]  }
0x105: {  	_ =	sdelay $0x1  }
0x106: {  	v2 =	vld [tilespmem:s2+$0x100];
	_ =	sdelay $0x2  }
0x107: {  	v1 =	vshll.u32 v1, $0x1  }
0x108: {  	v1 =	vor.u32 $0x1, v1  }
0x109: {  	v2 =	vshll.u32 v2, $0x1  }
0x10a: {  	p1 =	slt.u32 s9, $0x50910;
	v3 =	vpop (erf)  }
0x10b: {  	v3 =	vpsel !p1, $0x0, v3  }
0x10c: {  	[tilespmem:s4+$0xA020] =	vst v3  }
0x10d: {  	v1 =	vld.idx.msk [tilespmem:v1+s29+$0x0], $0xffff  }
0x10e: {  	v2 =	vld.idx.msk [tilespmem:v2+s29+$0x0], $0xffff;
	_ =	sdelay $0x4  }
0x10f: {  	v1 =	vadd.f32 v1, v2;
	_ =	sdelay $0x1  }
0x110: {  	v2 =	vmul.f32 $2.000000030e-01, v1  }
0x111: {  	p2 =	por $0x1, $0x1  }
.Ltmp5:
0x112: {  	v1 =	vmax.f32 v1, v2;
	(pc) =	sbr.rel @!p2 .LBB2_12-.Ltmp5, $3  }
0x113: {  	v1 =	vmul.f32 $1.442695020e+00, v1;
	_ =	sdelay $0x1  }
0x114: {  	s0 =	simm.s32 $0x20;
	(erf) = vpow2.f32 v1  }
0x115: {  	s3 =	smov.u32 s9;
	p1 =	por $0x1, $0x1;
	s4 =	simm.s32 $0xC0;
	v1 =	vld [tilespmem:s0+$0x2980]  }
.LBB2_13:
0x116: {  	p2 =	sne.s32 s4, $0x1C0  }
0x117: {  	v2 =	vld [tilespmem:s0+$0x100];
	_ =	sdelay $0x2  }
0x118: {  	v1 =	vshll.u32 v1, $0x1  }
0x119: {  	v1 =	vor.u32 $0x1, v1  }
0x11a: {  	s3 =	sadd.s32 $0x10, s3;
	v2 =	vshll.u32 v2, $0x1  }
0x11b: {  	p3 =	slt.u32 s3, $0x50910;
	v3 =	vpop (erf)  }
0x11c: {  	v3 =	vpsel !p3, $0x0, v3  }
0x11d: {  	[tilespmem:s2+$0xA020] =	vst v3;
	s2 =	smov.u32 s0  }
0x11e: {  	v1 =	vld.idx.msk [tilespmem:v1+s29+$0x0], $0xffff  }
0x11f: {  	v2 =	vld.idx.msk [tilespmem:v2+s29+$0x0], $0xffff;
	_ =	sdelay $0x5  }
0x120: {  	v1 =	vadd.f32 v1, v2;
	_ =	sdelay $0x1  }
0x121: {  	v2 =	vmul.f32 $2.000000030e-01, v1;
	_ =	sdelay $0x1  }
.Ltmp6:
0x122: {  	v1 =	vmax.f32 v1, v2;
	(pc) =	sbr.rel @p2 .LBB2_13-.Ltmp6, $3  }
0x123: {  	v1 =	vmul.f32 $1.442695020e+00, v1;
	_ =	sdelay $0x1  }
0x124: {  	s0 =	sshra.s32 s4, $0x2;
	(erf) = vpow2.f32 v1  }
0x125: {  	s4 =	sadd.s32 $0x40, s4;
	v1 =	vld [tilespmem:s0+$0x2980]  }
0x126: {  	s4 =	smov.u32 s2  }
.LBB2_15:
0x127: {  	v2 =	vld [tilespmem:s0+$0x100];
	_ =	sdelay $0x2  }
0x128: {  	s2 =	sadd.s32 @p1 $0x10, s3;
	s3 =	smov.u32 s9;
	v1 =	vshll.u32 v1, $0x1  }
0x129: {  	s3 =	smov.u32 @p1 s2;
	v1 =	vor.u32 $0x1, v1  }
0x12a: {  	p1 =	slt.u32 @p0 s3, $0x50910;
	v2 =	vshll.u32 v2, $0x1  }
0x12b: {  	p1 =	por !p1, !p0;
	v3 =	vpop @p0 (erf)  }
0x12c: {  	v3 =	vpsel p1, $0x0, v3  }
0x12d: {  	[tilespmem:s4+$0xA020] =	vst @p0 v3  }
0x12e: {  	v1 =	vld.idx.msk [tilespmem:v1+s29+$0x0], $0xffff  }
0x12f: {  	v2 =	vld.idx.msk [tilespmem:v2+s29+$0x0], $0xffff;
	_ =	sdelay $0x4  }
0x130: {  	v1 =	vadd.f32 v1, v2;
	_ =	sdelay $0x1  }
0x131: {  	v2 =	vmul.f32 $2.000000030e-01, v1;
	_ =	sdelay $0x1  }
0x132: {  	v1 =	vmax.f32 v1, v2  }
0x133: {  	v1 =	vmul.f32 $1.442695020e+00, v1;
	_ =	sdelay $0x1  }
0x134: {  	(erf) = vpow2.f32 v1;
	_ =	sdelay $0x3  }
0x135: {  	s5 =	simm.s32 $0x2A00;
	s22 =	simm.s32 $0x180;
	s23 =	simm.s32 $0x3  }
0x136: {  	s14 =	simm.s32 $0x200;
	s19 =	simm.s32 $0x4;
	s17 =	simm.s32 $0x2B00  }
0x137: {  	s20 =	simm.s32 $0x280;
	s24 =	simm.s32 $0x5;
	s26 =	simm.s32 $0x2B80  }
0x138: {  	s8 =	rddreg [dreg:$0x18];
	s2 =	sadd.s32 @p0 $0x10, s3;
	s3 =	smov.u32 s9  }
0x139: {  	s28 =	simm.s32 $0x300;
	s11 =	rddreg [dreg:$0x17];
	s3 =	smov.u32 @p0 s2  }
0x13a: {  	s31 =	simm.s32 $0x6;
	s13 =	rddreg [dreg:$0x16];
	p0 =	slt.u32 s3, $0x50910;
	v1 =	vpop (erf)  }
0x13b: {  	s6 =	simm.s32 $0x2C00;
	s10 =	simm.s32 $0x380;
	s15 =	rddreg [dreg:$0x15];
	v1 =	vpsel !p0, $0x0, v1  }
0x13c: {  	s30 =	simm.s32 $0x7;
	s16 =	rddreg [dreg:$0x14];
	s9 =	simm.s32 $0x2A80;
	[tilespmem:s0+$0xA020] =	vst v1  }
.LBB2_16:
0x13d: {  	s0 =	simm.s32 $0x1  }
0x13e: {  	_ =	swait.ge [sflag:s0], $0x2000  }
0x13f: {  	p0 =	seq.s32 s25, $0x0;
	[sflag:s0] =	ssyncset.done $0x0  }
0x140: {  	s4 =	smul.u32 $0x5, s25;
	[sflag:s0] =	ssyncadd.s32 $0xFFFFE000;
	s0 =	simm.s32 @!p0 $0x9  }
0x141: {  	v1 =	vmov s22;
	_ =	swait.ge @!p0 [sflag:s0], $0x2000  }
0x142: {  	v2 =	vmov s5;
	s1 =	sadd.s32 $0x3, s4;
	[sflag:s0] =	ssyncset.done @!p0 $0x0  }
0x143: {  	s3 =	simm.s32 $0x105A0;
	s2 =	sshll.u32 s1, $0x7;
	[sflag:s0] =	ssyncadd.s32 @!p0 $0xFFFFE000  }
0x144: {  	[tilespmem:s3], [sflag:$0x4] =	stream.indirect.gather [hbm4b:s21+s12], $0x40, s2, s12, $0xb8;
	[tilespmem:$0x1E820] =	vst v63  }
0x145: {  	[dreg:$0x1b] =	wrdreg s2;
	s2 =	simm.s32 $0x0  }
0x146: {  	v3 =	vld.idx.msk [tilespmem:v1+s2+$0x0 ss:$0x1], $0xffff  }
0x147: {  	v4 =	vld.idx.msk [tilespmem:v2+s2+$0x0 ss:$0x1], $0xffff;
	_ =	sdelay $0x4  }
0x148: {  	v3 =	vshll.u32 v3, $0x1;
	v4 =	vshll.u32 v4, $0x1  }
0x149: {  	v4 =	vor.u32 $0x1, v4;
	_ =	sdelay $0x3  }
0x14a: {  	v3 =	vld.idx.msk [tilespmem:v3+s29+$0x0], $0xffff  }
0x14b: {  	v4 =	vld.idx.msk [tilespmem:v4+s29+$0x0], $0xffff;
	_ =	sdelay $0x4  }
0x14c: {  	v3 =	vadd.f32 v4, v3;
	_ =	sdelay $0x1  }
0x14d: {  	v4 =	vmul.f32 $2.000000030e-01, v3;
	_ =	sdelay $0x1  }
0x14e: {  	v3 =	vmax.f32 v3, v4  }
0x14f: {  	v3 =	vmul.f32 $1.442695020e+00, v3;
	_ =	sdelay $0x1  }
0x150: {  	(erf) = vpow2.f32 v3;
	_ =	sdelay $0x2  }
0x151: {  	s18 =	sand.u32 $0x7, s23  }
0x152: {  	s0 =	sshll.u32 s18, $0x7  }
0x153: {  	s0 =	sadd.s32 $0x9F20, s0  }
0x154: {  	p1 =	slt.u32 s16, $0x50910;
	[dreg:$0x1d] =	wrdreg s1;
	s1 =	smov.u32 s21;
	v3 =	vmov s0  }
0x155: {  	s18 =	sand.u32 $0x7, s19;
	s21 =	sand.u32 $0x7, s30;
	s3 =	sand.u32 $0x7, s31  }
0x156: {  	s12 =	sand.u32 $0x7, s24;
	s18 =	sshll.u32 s18, $0x7;
	s0 =	sshll.u32 s21, $0x7  }
0x157: {  	s3 =	sshll.u32 s3, $0x7;
	s18 =	sadd.s32 $0x9F20, s18;
	s0 =	sadd.s32 $0x9F20, s0;
	v4 =	vpop (erf)  }
0x158: {  	s21 =	sshll.u32 s12, $0x7;
	[dreg:$0x1a] =	wrdreg s0;
	s0 =	sadd.s32 $0x9F20, s3;
	v4 =	vpsel !p1, $0x0, v4  }
0x159: {  	s21 =	sadd.s32 $0x9F20, s21;
	[dreg:$0x1f] =	wrdreg s0;
	s0 =	simm.s32 $0x10;
	[tilespmem:v3+s2+$0x0 ss:$0x1] =	vst.idx.msk $0xffff, v4  }
0x15a: {  	s12 =	smov.u32 s16;
	[smem:$0x7FD] =	sst s21;
	s2 =	simm.s32 $0x80;
	v4 =	vld.idx.msk [tilespmem:v1+s0+$0x0 ss:$0x1], $0xffff  }
.LBB2_17:
0x15b: {  	p1 =	sne.s32 s2, $0x1C0;
	v5 =	vld.idx.msk [tilespmem:v2+s0+$0x0 ss:$0x1], $0xffff;
	_ =	sdelay $0x5  }
0x15c: {  	v4 =	vshll.u32 v4, $0x1;
	v5 =	vshll.u32 v5, $0x1  }
0x15d: {  	v5 =	vor.u32 $0x1, v5;
	_ =	sdelay $0x3  }
0x15e: {  	v4 =	vld.idx.msk [tilespmem:v4+s29+$0x0], $0xffff  }
0x15f: {  	v5 =	vld.idx.msk [tilespmem:v5+s29+$0x0], $0xffff;
	_ =	sdelay $0x5  }
0x160: {  	v4 =	vadd.f32 v5, v4;
	_ =	sdelay $0x1  }
0x161: {  	v5 =	vmul.f32 $2.000000030e-01, v4;
	_ =	sdelay $0x1  }
0x162: {  	v4 =	vmax.f32 v4, v5  }
0x163: {  	v4 =	vmul.f32 $1.442695020e+00, v4;
	_ =	sdelay $0x1  }
0x164: {  	(erf) = vpow2.f32 v4;
	_ =	sdelay $0x7  }
.Ltmp7:
0x165: {  	s12 =	sadd.s32 $0x10, s12;
	(pc) =	sbr.rel @p1 .LBB2_17-.Ltmp7, $4  }
0x166: {  	p2 =	slt.u32 s12, $0x50910;
	v4 =	vpop (erf)  }
0x167: {  	v4 =	vpsel !p2, $0x0, v4  }
0x168: {  	[tilespmem:v3+s0+$0x0 ss:$0x1] =	vst.idx.msk $0xffff, v4;
	s0 =	sshra.s32 s2, $0x2  }
0x169: {  	s2 =	sadd.s32 $0x40, s2;
	v4 =	vld.idx.msk [tilespmem:v1+s0+$0x0 ss:$0x1], $0xffff  }
0x16a: {  	_ =	sdelay $0x3  }
0x16b: {  	v1 =	vld.idx.msk [tilespmem:v2+s0+$0x0 ss:$0x1], $0xffff;
	_ =	sdelay $0x4  }
0x16c: {  	v2 =	vshll.u32 v4, $0x1;
	v1 =	vshll.u32 v1, $0x1  }
0x16d: {  	v1 =	vor.u32 $0x1, v1;
	_ =	sdelay $0x3  }
0x16e: {  	v2 =	vld.idx.msk [tilespmem:v2+s29+$0x0], $0xffff  }
0x16f: {  	v1 =	vld.idx.msk [tilespmem:v1+s29+$0x0], $0xffff;
	_ =	sdelay $0x4  }
0x170: {  	v1 =	vadd.f32 v1, v2;
	_ =	sdelay $0x1  }
0x171: {  	v2 =	vmul.f32 $2.000000030e-01, v1;
	_ =	sdelay $0x1  }
0x172: {  	v1 =	vmax.f32 v1, v2  }
0x173: {  	v1 =	vmul.f32 $1.442695020e+00, v1;
	_ =	sdelay $0x1  }
0x174: {  	(erf) = vpow2.f32 v1;
	_ =	sdelay $0x2  }
0x175: {  	s2 =	sand.u32 $0x7, s4  }
0x176: {  	s2 =	sshll.u32 s2, $0x7;
	v1 =	vimm.s32 $0x0  }
0x177: {  	v2 =	vmov s2;
	v4 =	vand.u32 $0xFFFFFFF8, v1  }
0x178: {  	v5 =	vand.u32 $0x4, v1;
	v4 =	vadd.s32 v2, v4  }
0x179: {  	v6 =	vor.u32 v5, v4  }
0x17a: {  	s12 =	sadd.s32 $0x10, s12  }
0x17b: {  	p1 =	slt.u32 s12, $0x50910;
	v4 =	vpop (erf)  }
0x17c: {  	v4 =	vpsel !p1, $0x0, v4  }
0x17d: {  	[tilespmem:v3+s0+$0x0 ss:$0x1] =	vst.idx.msk $0xffff, v4  }
0x17e: {  	s0 =	simm.s32 $0xA620;
	v3 =	vld.idx.msk [tilespmem:v6+s7+$0x0], $0xffff  }
0x17f: {  	v4 =	vld [tilespmem:s0+$0xFFFFFF80]  }
0x180: {  	v5 =	vld [tilespmem:s0+$0xFFFFFFB0]  }
0x181: {  	v7 =	vld [tilespmem:s0+$0xFFFFFF90]  }
0x182: {  	v8 =	vld [tilespmem:s0+$0xFFFFFFA0];
	_ =	sdelay $0x1  }
0x183: {  	v4 =	vmul.f32 v4, v3  }
0x184: {  	v9 =	vor.u32 $0x1, v6;
	v5 =	vmul.f32 v5, v3  }
0x185: {  	[tilespmem:s0+$0xFFFFFF80] =	vst v4;
	v4 =	vmul.f32 v7, v3  }
0x186: {  	v3 =	vmul.f32 v8, v3;
	[tilespmem:s0+$0xFFFFFFB0] =	vst v5  }
0x187: {  	[tilespmem:s0+$0xFFFFFF90] =	vst v4  }
0x188: {  	[tilespmem:s0+$0xFFFFFFA0] =	vst v3;
	v4 =	vld [tilespmem:s0+$0xFFFFFFC0]  }
0x189: {  	v3 =	vld.idx.msk [tilespmem:v9+s7+$0x0], $0xffff;
	_ =	sdelay $0x1  }
0x18a: {  	v5 =	vld [tilespmem:s0+$0xFFFFFFD0]  }
0x18b: {  	v7 =	vld [tilespmem:s0+$0xFFFFFFF0]  }
0x18c: {  	v61 =	vld [tilespmem:s0+$0xFFFFFFE0]  }
0x18d: {  	v4 =	vmul.f32 v4, v3;
	_ =	sdelay $0x1  }
0x18e: {  	v5 =	vmul.f32 v5, v3;
	[tilespmem:s0+$0xFFFFFFC0] =	vst v4;
	v4 =	vor.u32 $0x2, v6  }
0x18f: {  	v7 =	vmul.f32 v7, v3  }
0x190: {  	v3 =	vmul.f32 v61, v3;
	[tilespmem:s0+$0xFFFFFFD0] =	vst v5  }
0x191: {  	[tilespmem:s0+$0xFFFFFFF0] =	vst v7  }
0x192: {  	[tilespmem:s0+$0xFFFFFFE0] =	vst v3;
	v3 =	vld [tilespmem:s0+$0x0]  }
0x193: {  	v4 =	vld.idx.msk [tilespmem:v4+s7+$0x0], $0xffff;
	_ =	sdelay $0x1  }
0x194: {  	v5 =	vld [tilespmem:s0+$0x30]  }
0x195: {  	v7 =	vld [tilespmem:s0+$0x10]  }
0x196: {  	v62 =	vld [tilespmem:s0+$0x20]  }
0x197: {  	v3 =	vmul.f32 v3, v4;
	_ =	sdelay $0x1  }
0x198: {  	v63 =	vmul.f32 v5, v4;
	[tilespmem:s0+$0x0] =	vst v3;
	v3 =	vor.u32 $0x3, v6  }
0x199: {  	v5 =	vmul.f32 v7, v4  }
0x19a: {  	s21 =	simm.s32 $0xA620;
	s12 =	simm.s32 $0x0;
	v4 =	vmul.f32 v62, v4;
	[tilespmem:s0+$0x30] =	vst v63  }
.LBB2_19:
0x19b: {  	s12 =	sadd.s32 $0x4, s12;
	[tilespmem:s0+$0x10] =	vst v5;
	v5 =	vld [tilespmem:s0+$0x70];
	v1 =	vadd.s32 $0x4, v1;
	s21 =	sadd.s32 $0x100, s21  }
0x19c: {  	p1 =	slt.u32 s12, $0x7C;
	[tilespmem:s0+$0x20] =	vst v4;
	v4 =	vld [tilespmem:s0+$0x40]  }
0x19d: {  	v3 =	vld.idx.msk [tilespmem:v3+s7+$0x0], $0xffff  }
0x19e: {  	v6 =	vld [tilespmem:s0+$0x50]  }
0x19f: {  	v7 =	vld [tilespmem:s0+$0x60];
	_ =	sdelay $0x1  }
0x1a0: {  	v8 =	vand.u32 $0xFFFFFFF8, v1  }
0x1a1: {  	v9 =	vand.u32 $0x4, v1;
	v8 =	vadd.s32 v2, v8  }
0x1a2: {  	v8 =	vor.u32 v9, v8;
	v4 =	vmul.f32 v4, v3;
	v6 =	vmul.f32 v6, v3  }
0x1a3: {  	v7 =	vmul.f32 v7, v3;
	v3 =	vmul.f32 v5, v3  }
0x1a4: {  	[tilespmem:s0+$0x40] =	vst v4  }
0x1a5: {  	[tilespmem:s0+$0x60] =	vst v7  }
0x1a6: {  	v4 =	vld [tilespmem:s21+$0xFFFFFFB0];
	[tilespmem:s0+$0x70] =	vst v3  }
0x1a7: {  	v3 =	vld [tilespmem:s21+$0xFFFFFFA0];
	[tilespmem:s0+$0x50] =	vst v6;
	s0 =	smov.u32 s21  }
0x1a8: {  	v5 =	vld.idx.msk [tilespmem:v8+s7+$0x0], $0xffff  }
0x1a9: {  	v6 =	vld [tilespmem:s21+$0xFFFFFF80]  }
0x1aa: {  	v7 =	vld [tilespmem:s21+$0xFFFFFF90];
	_ =	sdelay $0x3  }
0x1ab: {  	v3 =	vmul.f32 v3, v5;
	v6 =	vmul.f32 v6, v5  }
0x1ac: {  	v4 =	vmul.f32 v4, v5;
	v7 =	vmul.f32 v7, v5;
	v5 =	vor.u32 $0x1, v8  }
0x1ad: {  	[tilespmem:s21+$0xFFFFFF80] =	vst v6  }
0x1ae: {  	[tilespmem:s21+$0xFFFFFFB0] =	vst v4  }
0x1af: {  	[tilespmem:s21+$0xFFFFFF90] =	vst v7;
	v4 =	vld [tilespmem:s21+$0xFFFFFFF0]  }
0x1b0: {  	[tilespmem:s21+$0xFFFFFFA0] =	vst v3;
	v3 =	vld [tilespmem:s21+$0xFFFFFFD0]  }
0x1b1: {  	v5 =	vld.idx.msk [tilespmem:v5+s7+$0x0], $0xffff  }
0x1b2: {  	v6 =	vld [tilespmem:s21+$0xFFFFFFC0]  }
0x1b3: {  	v7 =	vld [tilespmem:s21+$0xFFFFFFE0];
	_ =	sdelay $0x3  }
0x1b4: {  	v3 =	vmul.f32 v3, v5;
	v6 =	vmul.f32 v6, v5  }
0x1b5: {  	v4 =	vmul.f32 v4, v5;
	v7 =	vmul.f32 v7, v5;
	v5 =	vor.u32 $0x2, v8  }
0x1b6: {  	[tilespmem:s21+$0xFFFFFFC0] =	vst v6  }
0x1b7: {  	[tilespmem:s21+$0xFFFFFFD0] =	vst v3  }
0x1b8: {  	[tilespmem:s21+$0xFFFFFFF0] =	vst v4;
	v3 =	vld [tilespmem:s21+$0x30]  }
0x1b9: {  	[tilespmem:s21+$0xFFFFFFE0] =	vst v7;
	v4 =	vld [tilespmem:s21+$0x0]  }
0x1ba: {  	v6 =	vld.idx.msk [tilespmem:v5+s7+$0x0], $0xffff  }
0x1bb: {  	v5 =	vld [tilespmem:s21+$0x10]  }
0x1bc: {  	v7 =	vld [tilespmem:s21+$0x20];
	_ =	sdelay $0x2  }
.Ltmp8:
0x1bd: {  	(pc) =	sbr.rel @p1 .LBB2_19-.Ltmp8, $4  }
0x1be: {  	v9 =	vmul.f32 v4, v6;
	v5 =	vmul.f32 v5, v6  }
0x1bf: {  	v4 =	vmul.f32 v7, v6;
	v6 =	vmul.f32 v3, v6;
	v3 =	vor.u32 $0x3, v8  }
0x1c0: {  	[tilespmem:s21+$0x0] =	vst v9  }
0x1c1: {  	[tilespmem:s21+$0x30] =	vst v6  }
0x1c2: {  	_ =	sdelay $0x1  }
0x1c3: {  	[tilespmem:s0+$0x10] =	vst v5  }
0x1c4: {  	[tilespmem:s0+$0x20] =	vst v4;
	v1 =	vld [tilespmem:s0+$0x40]  }
0x1c5: {  	v2 =	vld.idx.msk [tilespmem:v3+s7+$0x0], $0xffff  }
0x1c6: {  	v3 =	vld [tilespmem:s0+$0x60]  }
0x1c7: {  	v4 =	vld [tilespmem:s0+$0x70]  }
0x1c8: {  	v5 =	vld [tilespmem:s0+$0x50];
	_ =	sdelay $0x1  }
0x1c9: {  	v1 =	vmul.f32 v1, v2  }
0x1ca: {  	v3 =	vmul.f32 v3, v2  }
0x1cb: {  	s12 =	smul.u32 $0xA00, s25;
	v4 =	vmul.f32 v4, v2;
	[tilespmem:s0+$0x40] =	vst v1  }
0x1cc: {  	v1 =	vmul.f32 v5, v2;
	[tilespmem:s0+$0x60] =	vst v3  }
0x1cd: {  	s21 =	simm.s32 $0xA5A0;
	s12 =	sshra.s32 s12, $0x2;
	[tilespmem:s0+$0x70] =	vst v4  }
0x1ce: {  	s3 =	simm.s32 $0x80;
	[tilespmem:s0+$0x50] =	vst v1;
	s0 =	sadd.s32 $0x2880, s12;
	s12 =	rddreg [dreg:$0x2]  }
0x1cf: {  	[spmem:s12] =	stream.indirect.scatter.add.f32 [tilespmem:s21], [sflag:$0x6], $0x40, s0, s3, $0xb8;
	[tilespmem:$0x1E820] =	vst v63  }
0x1d0: {  	s2 =	sadd.s32 $0x9F20, s2;
	s21 =	rddreg [dreg:$0x3]  }
0x1d1: {  	[spmem:s21] =	stream.indirect.scatter.add.f32 [tilespmem:s2], [sflag:$0xB], $0x1, s0, s3, $0xb8;
	[tilespmem:$0x1E820] =	vst v63  }
0x1d2: {  	s0 =	simm.s32 @!p0 $0xB  }
0x1d3: {  	_ =	swait.ge @!p0 [sflag:s0], $0x80  }
0x1d4: {  	[sflag:s0] =	ssyncset.done @!p0 $0x0  }
0x1d5: {  	s12 =	simm.s32 $0x2;
	[sflag:s0] =	ssyncadd.s32 @!p0 $0xFFFFFF80  }
0x1d6: {  	_ =	swait.ge [sflag:s12], $0x2000  }
0x1d7: {  	[sflag:s12] =	ssyncset.done $0x0  }
0x1d8: {  	v1 =	vmov s14;
	s0 =	simm.s32 @!p0 $0xA;
	[sflag:s12] =	ssyncadd.s32 $0xFFFFE000  }
0x1d9: {  	v2 =	vmov s9;
	s21 =	sadd.s32 $0x4, s4;
	_ =	swait.ge @!p0 [sflag:s0], $0x2000  }
0x1da: {  	s2 =	sshll.u32 s21, $0x7;
	s12 =	simm.s32 $0x125A0;
	[sflag:s0] =	ssyncset.done @!p0 $0x0  }
0x1db: {  	[dreg:$0x1e] =	wrdreg s21;
	s21 =	simm.s32 $0x0;
	[sflag:s0] =	ssyncadd.s32 @!p0 $0xFFFFE000  }
0x1dc: {  	[tilespmem:s12], [sflag:$0x5] =	stream.indirect.gather [hbm4b:s1+s3], $0x40, s2, s3, $0xb8;
	[tilespmem:$0x1E820] =	vst v63  }
0x1dd: {  	v3 =	vld.idx.msk [tilespmem:v1+s21+$0x0 ss:$0x1], $0xffff  }
0x1de: {  	v4 =	vld.idx.msk [tilespmem:v2+s21+$0x0 ss:$0x1], $0xffff;
	_ =	sdelay $0x4  }
0x1df: {  	v3 =	vshll.u32 v3, $0x1;
	v4 =	vshll.u32 v4, $0x1  }
0x1e0: {  	v4 =	vor.u32 $0x1, v4;
	_ =	sdelay $0x3  }
0x1e1: {  	v3 =	vld.idx.msk [tilespmem:v3+s29+$0x0], $0xffff  }
0x1e2: {  	v4 =	vld.idx.msk [tilespmem:v4+s29+$0x0], $0xffff;
	_ =	sdelay $0x4  }
0x1e3: {  	v3 =	vadd.f32 v4, v3;
	_ =	sdelay $0x1  }
0x1e4: {  	v4 =	vmul.f32 $2.000000030e-01, v3;
	_ =	sdelay $0x1  }
0x1e5: {  	v3 =	vmax.f32 v3, v4  }
0x1e6: {  	v3 =	vmul.f32 $1.442695020e+00, v3;
	_ =	sdelay $0x1  }
0x1e7: {  	(erf) = vpow2.f32 v3;
	_ =	sdelay $0x5  }
0x1e8: {  	v3 =	vmov s18;
	_ =	sdelay $0x2  }
0x1e9: {  	p1 =	slt.u32 s15, $0x50910;
	v4 =	vpop (erf)  }
0x1ea: {  	v4 =	vpsel !p1, $0x0, v4  }
0x1eb: {  	[dreg:$0x1c] =	wrdreg s2;
	s2 =	simm.s32 $0x10;
	[tilespmem:v3+s21+$0x0 ss:$0x1] =	vst.idx.msk $0xffff, v4  }
0x1ec: {  	s0 =	simm.s32 $0x80;
	s12 =	smov.u32 s15;
	s18 =	sadd.s32 $0x1, s4;
	v4 =	vld.idx.msk [tilespmem:v1+s2+$0x0 ss:$0x1], $0xffff  }
.LBB2_21:
0x1ed: {  	p1 =	sne.s32 s0, $0x1C0;
	v5 =	vld.idx.msk [tilespmem:v2+s2+$0x0 ss:$0x1], $0xffff;
	_ =	sdelay $0x5  }
0x1ee: {  	v4 =	vshll.u32 v4, $0x1;
	v5 =	vshll.u32 v5, $0x1  }
0x1ef: {  	v5 =	vor.u32 $0x1, v5;
	_ =	sdelay $0x3  }
0x1f0: {  	v4 =	vld.idx.msk [tilespmem:v4+s29+$0x0], $0xffff  }
0x1f1: {  	v5 =	vld.idx.msk [tilespmem:v5+s29+$0x0], $0xffff;
	_ =	sdelay $0x5  }
0x1f2: {  	v4 =	vadd.f32 v5, v4;
	_ =	sdelay $0x1  }
0x1f3: {  	v5 =	vmul.f32 $2.000000030e-01, v4;
	_ =	sdelay $0x1  }
0x1f4: {  	v4 =	vmax.f32 v4, v5  }
0x1f5: {  	v4 =	vmul.f32 $1.442695020e+00, v4;
	_ =	sdelay $0x1  }
0x1f6: {  	(erf) = vpow2.f32 v4;
	_ =	sdelay $0x7  }
.Ltmp9:
0x1f7: {  	s12 =	sadd.s32 $0x10, s12;
	(pc) =	sbr.rel @p1 .LBB2_21-.Ltmp9, $4  }
0x1f8: {  	p2 =	slt.u32 s12, $0x50910;
	v4 =	vpop (erf)  }
0x1f9: {  	v4 =	vpsel !p2, $0x0, v4  }
0x1fa: {  	[tilespmem:v3+s2+$0x0 ss:$0x1] =	vst.idx.msk $0xffff, v4;
	s2 =	sshra.s32 s0, $0x2  }
0x1fb: {  	s0 =	sadd.s32 $0x40, s0;
	v4 =	vld.idx.msk [tilespmem:v1+s2+$0x0 ss:$0x1], $0xffff  }
0x1fc: {  	_ =	sdelay $0x3  }
0x1fd: {  	v1 =	vld.idx.msk [tilespmem:v2+s2+$0x0 ss:$0x1], $0xffff;
	_ =	sdelay $0x4  }
0x1fe: {  	v2 =	vshll.u32 v4, $0x1;
	v1 =	vshll.u32 v1, $0x1  }
0x1ff: {  	v1 =	vor.u32 $0x1, v1;
	_ =	sdelay $0x3  }
0x200: {  	v2 =	vld.idx.msk [tilespmem:v2+s29+$0x0], $0xffff  }
0x201: {  	v1 =	vld.idx.msk [tilespmem:v1+s29+$0x0], $0xffff;
	_ =	sdelay $0x4  }
0x202: {  	v1 =	vadd.f32 v1, v2;
	_ =	sdelay $0x1  }
0x203: {  	v2 =	vmul.f32 $2.000000030e-01, v1;
	_ =	sdelay $0x1  }
0x204: {  	v1 =	vmax.f32 v1, v2  }
0x205: {  	v1 =	vmul.f32 $1.442695020e+00, v1;
	_ =	sdelay $0x1  }
0x206: {  	(erf) = vpow2.f32 v1;
	_ =	sdelay $0x2  }
0x207: {  	s0 =	sand.u32 $0x7, s18  }
0x208: {  	s0 =	sshll.u32 s0, $0x7;
	v1 =	vimm.s32 $0x0  }
0x209: {  	v2 =	vmov s0;
	v4 =	vand.u32 $0xFFFFFFF8, v1  }
0x20a: {  	v5 =	vand.u32 $0x4, v1;
	v4 =	vadd.s32 v2, v4  }
0x20b: {  	v6 =	vor.u32 v5, v4  }
0x20c: {  	s12 =	sadd.s32 $0x10, s12  }
0x20d: {  	p1 =	slt.u32 s12, $0x50910;
	v4 =	vpop (erf)  }
0x20e: {  	v4 =	vpsel !p1, $0x0, v4  }
0x20f: {  	[tilespmem:v3+s2+$0x0 ss:$0x1] =	vst.idx.msk $0xffff, v4  }
0x210: {  	s12 =	simm.s32 $0xC620;
	v3 =	vld.idx.msk [tilespmem:v6+s7+$0x0], $0xffff  }
0x211: {  	v4 =	vld [tilespmem:s12+$0xFFFFFF80]  }
0x212: {  	v5 =	vld [tilespmem:s12+$0xFFFFFFB0]  }
0x213: {  	v7 =	vld [tilespmem:s12+$0xFFFFFF90]  }
0x214: {  	v8 =	vld [tilespmem:s12+$0xFFFFFFA0];
	_ =	sdelay $0x1  }
0x215: {  	v4 =	vmul.f32 v4, v3  }
0x216: {  	v9 =	vor.u32 $0x1, v6;
	v5 =	vmul.f32 v5, v3  }
0x217: {  	[tilespmem:s12+$0xFFFFFF80] =	vst v4;
	v4 =	vmul.f32 v7, v3  }
0x218: {  	v3 =	vmul.f32 v8, v3;
	[tilespmem:s12+$0xFFFFFFB0] =	vst v5  }
0x219: {  	[tilespmem:s12+$0xFFFFFF90] =	vst v4  }
0x21a: {  	[tilespmem:s12+$0xFFFFFFA0] =	vst v3;
	v4 =	vld [tilespmem:s12+$0xFFFFFFC0]  }
0x21b: {  	v3 =	vld.idx.msk [tilespmem:v9+s7+$0x0], $0xffff;
	_ =	sdelay $0x1  }
0x21c: {  	v5 =	vld [tilespmem:s12+$0xFFFFFFD0]  }
0x21d: {  	v7 =	vld [tilespmem:s12+$0xFFFFFFF0]  }
0x21e: {  	v61 =	vld [tilespmem:s12+$0xFFFFFFE0]  }
0x21f: {  	v4 =	vmul.f32 v4, v3;
	_ =	sdelay $0x1  }
0x220: {  	v5 =	vmul.f32 v5, v3;
	[tilespmem:s12+$0xFFFFFFC0] =	vst v4;
	v4 =	vor.u32 $0x2, v6  }
0x221: {  	v7 =	vmul.f32 v7, v3  }
0x222: {  	v3 =	vmul.f32 v61, v3;
	[tilespmem:s12+$0xFFFFFFD0] =	vst v5  }
0x223: {  	[tilespmem:s12+$0xFFFFFFF0] =	vst v7  }
0x224: {  	[tilespmem:s12+$0xFFFFFFE0] =	vst v3;
	v3 =	vld [tilespmem:s12+$0x0]  }
0x225: {  	v4 =	vld.idx.msk [tilespmem:v4+s7+$0x0], $0xffff;
	_ =	sdelay $0x1  }
0x226: {  	v5 =	vld [tilespmem:s12+$0x30]  }
0x227: {  	v7 =	vld [tilespmem:s12+$0x10]  }
0x228: {  	v62 =	vld [tilespmem:s12+$0x20]  }
0x229: {  	v3 =	vmul.f32 v3, v4;
	_ =	sdelay $0x1  }
0x22a: {  	v63 =	vmul.f32 v5, v4;
	[tilespmem:s12+$0x0] =	vst v3;
	v3 =	vor.u32 $0x3, v6  }
0x22b: {  	v5 =	vmul.f32 v7, v4  }
0x22c: {  	s21 =	simm.s32 $0x0;
	s2 =	simm.s32 $0xC620;
	v4 =	vmul.f32 v62, v4;
	[tilespmem:s12+$0x30] =	vst v63  }
.LBB2_23:
0x22d: {  	s21 =	sadd.s32 $0x4, s21;
	[tilespmem:s12+$0x10] =	vst v5;
	v5 =	vld [tilespmem:s12+$0x70];
	v1 =	vadd.s32 $0x4, v1;
	s2 =	sadd.s32 $0x100, s2  }
0x22e: {  	p1 =	slt.u32 s21, $0x7C;
	[tilespmem:s12+$0x20] =	vst v4;
	v4 =	vld [tilespmem:s12+$0x40]  }
0x22f: {  	v3 =	vld.idx.msk [tilespmem:v3+s7+$0x0], $0xffff  }
0x230: {  	v6 =	vld [tilespmem:s12+$0x50]  }
0x231: {  	v7 =	vld [tilespmem:s12+$0x60];
	_ =	sdelay $0x1  }
0x232: {  	v8 =	vand.u32 $0xFFFFFFF8, v1  }
0x233: {  	v9 =	vand.u32 $0x4, v1;
	v8 =	vadd.s32 v2, v8  }
0x234: {  	v8 =	vor.u32 v9, v8;
	v4 =	vmul.f32 v4, v3;
	v6 =	vmul.f32 v6, v3  }
0x235: {  	v7 =	vmul.f32 v7, v3;
	v3 =	vmul.f32 v5, v3  }
0x236: {  	[tilespmem:s12+$0x40] =	vst v4  }
0x237: {  	[tilespmem:s12+$0x60] =	vst v7  }
0x238: {  	v4 =	vld [tilespmem:s2+$0xFFFFFFB0];
	[tilespmem:s12+$0x70] =	vst v3  }
0x239: {  	v3 =	vld [tilespmem:s2+$0xFFFFFFA0];
	[tilespmem:s12+$0x50] =	vst v6;
	s12 =	smov.u32 s2  }
0x23a: {  	v5 =	vld.idx.msk [tilespmem:v8+s7+$0x0], $0xffff  }
0x23b: {  	v6 =	vld [tilespmem:s2+$0xFFFFFF80]  }
0x23c: {  	v7 =	vld [tilespmem:s2+$0xFFFFFF90];
	_ =	sdelay $0x3  }
0x23d: {  	v3 =	vmul.f32 v3, v5;
	v6 =	vmul.f32 v6, v5  }
0x23e: {  	v4 =	vmul.f32 v4, v5;
	v7 =	vmul.f32 v7, v5;
	v5 =	vor.u32 $0x1, v8  }
0x23f: {  	[tilespmem:s2+$0xFFFFFF80] =	vst v6  }
0x240: {  	[tilespmem:s2+$0xFFFFFFB0] =	vst v4  }
0x241: {  	[tilespmem:s2+$0xFFFFFF90] =	vst v7;
	v4 =	vld [tilespmem:s2+$0xFFFFFFF0]  }
0x242: {  	[tilespmem:s2+$0xFFFFFFA0] =	vst v3;
	v3 =	vld [tilespmem:s2+$0xFFFFFFD0]  }
0x243: {  	v5 =	vld.idx.msk [tilespmem:v5+s7+$0x0], $0xffff  }
0x244: {  	v6 =	vld [tilespmem:s2+$0xFFFFFFC0]  }
0x245: {  	v7 =	vld [tilespmem:s2+$0xFFFFFFE0];
	_ =	sdelay $0x3  }
0x246: {  	v3 =	vmul.f32 v3, v5;
	v6 =	vmul.f32 v6, v5  }
0x247: {  	v4 =	vmul.f32 v4, v5;
	v7 =	vmul.f32 v7, v5;
	v5 =	vor.u32 $0x2, v8  }
0x248: {  	[tilespmem:s2+$0xFFFFFFC0] =	vst v6  }
0x249: {  	[tilespmem:s2+$0xFFFFFFD0] =	vst v3  }
0x24a: {  	[tilespmem:s2+$0xFFFFFFF0] =	vst v4;
	v3 =	vld [tilespmem:s2+$0x30]  }
0x24b: {  	[tilespmem:s2+$0xFFFFFFE0] =	vst v7;
	v4 =	vld [tilespmem:s2+$0x0]  }
0x24c: {  	v6 =	vld.idx.msk [tilespmem:v5+s7+$0x0], $0xffff  }
0x24d: {  	v5 =	vld [tilespmem:s2+$0x10]  }
0x24e: {  	v7 =	vld [tilespmem:s2+$0x20];
	_ =	sdelay $0x2  }
.Ltmp10:
0x24f: {  	(pc) =	sbr.rel @p1 .LBB2_23-.Ltmp10, $4  }
0x250: {  	v9 =	vmul.f32 v4, v6;
	v5 =	vmul.f32 v5, v6  }
0x251: {  	v4 =	vmul.f32 v7, v6;
	v6 =	vmul.f32 v3, v6;
	v3 =	vor.u32 $0x3, v8  }
0x252: {  	[tilespmem:s2+$0x0] =	vst v9  }
0x253: {  	[tilespmem:s2+$0x30] =	vst v6  }
0x254: {  	_ =	sdelay $0x1  }
0x255: {  	[tilespmem:s12+$0x10] =	vst v5  }
0x256: {  	[tilespmem:s12+$0x20] =	vst v4;
	v1 =	vld [tilespmem:s12+$0x40]  }
0x257: {  	v2 =	vld.idx.msk [tilespmem:v3+s7+$0x0], $0xffff  }
0x258: {  	v3 =	vld [tilespmem:s12+$0x60]  }
0x259: {  	v4 =	vld [tilespmem:s12+$0x70]  }
0x25a: {  	v5 =	vld [tilespmem:s12+$0x50];
	_ =	sdelay $0x1  }
0x25b: {  	v1 =	vmul.f32 v1, v2  }
0x25c: {  	v3 =	vmul.f32 v3, v2  }
0x25d: {  	v4 =	vmul.f32 v4, v2;
	[tilespmem:s12+$0x40] =	vst v1  }
0x25e: {  	s2 =	sshll.u32 s18, $0x7;
	v1 =	vmul.f32 v5, v2;
	[tilespmem:s12+$0x60] =	vst v3  }
0x25f: {  	s18 =	rddreg [dreg:$0x2];
	s2 =	sand.u32 $0x3FFFFF80, s2;
	[tilespmem:s12+$0x70] =	vst v4  }
0x260: {  	s3 =	simm.s32 $0x80;
	s21 =	simm.s32 $0xC5A0;
	s2 =	sadd.s32 $0x2880, s2;
	[tilespmem:s12+$0x50] =	vst v1  }
0x261: {  	[spmem:s18] =	stream.indirect.scatter.add.f32 [tilespmem:s21], [sflag:$0x7], $0x40, s2, s3, $0xb8;
	[tilespmem:$0x1E820] =	vst v63  }
0x262: {  	s0 =	sadd.s32 $0x9F20, s0;
	s18 =	rddreg [dreg:$0x3]  }
0x263: {  	[spmem:s18] =	stream.indirect.scatter.add.f32 [tilespmem:s0], [sflag:$0xB], $0x1, s2, s3, $0xb8;
	[tilespmem:$0x1E820] =	vst v63  }
0x264: {  	s0 =	simm.s32 @!p0 $0xB  }
0x265: {  	_ =	swait.ge @!p0 [sflag:s0], $0x80  }
0x266: {  	[sflag:s0] =	ssyncset.done @!p0 $0x0  }
0x267: {  	s21 =	simm.s32 $0x3;
	[sflag:s0] =	ssyncadd.s32 @!p0 $0xFFFFFF80  }
0x268: {  	_ =	swait.ge [sflag:s21], $0x2000  }
0x269: {  	[sflag:s21] =	ssyncset.done $0x0  }
0x26a: {  	s2 =	simm.s32 $0x6;
	s18 =	smul.u32 $0x280, s25;
	[sflag:s21] =	ssyncadd.s32 $0xFFFFE000  }
0x26b: {  	v1 =	vmov s20;
	_ =	swait.ge [sflag:s2], $0x2000  }
0x26c: {  	v2 =	vmov s17;
	s12 =	sadd.s32 $0x280, s18;
	[sflag:s2] =	ssyncset.done $0x0  }
0x26d: {  	s21 =	smov.u32 s1;
	[sflag:s2] =	ssyncadd.s32 $0xFFFFE000;
	s2 =	simm.s32 $0xA5A0  }
0x26e: {  	[tilespmem:s2], [sflag:$0x1] =	stream.indirect.gather [hbm4b:s21+s3], $0x40, s12, s3, $0xb8;
	[tilespmem:$0x1E820] =	vst v63  }
0x26f: {  	s3 =	simm.s32 $0x0  }
0x270: {  	v3 =	vld.idx.msk [tilespmem:v1+s3+$0x0 ss:$0x1], $0xffff  }
0x271: {  	v4 =	vld.idx.msk [tilespmem:v2+s3+$0x0 ss:$0x1], $0xffff;
	_ =	sdelay $0x4  }
0x272: {  	v3 =	vshll.u32 v3, $0x1;
	v4 =	vshll.u32 v4, $0x1  }
0x273: {  	v4 =	vor.u32 $0x1, v4;
	_ =	sdelay $0x3  }
0x274: {  	v3 =	vld.idx.msk [tilespmem:v3+s29+$0x0], $0xffff  }
0x275: {  	v4 =	vld.idx.msk [tilespmem:v4+s29+$0x0], $0xffff;
	_ =	sdelay $0x4  }
0x276: {  	v3 =	vadd.f32 v4, v3;
	_ =	sdelay $0x1  }
0x277: {  	v4 =	vmul.f32 $2.000000030e-01, v3;
	_ =	sdelay $0x1  }
0x278: {  	v3 =	vmax.f32 v3, v4  }
0x279: {  	v3 =	vmul.f32 $1.442695020e+00, v3;
	_ =	sdelay $0x1  }
0x27a: {  	(erf) = vpow2.f32 v3;
	_ =	sdelay $0x2  }
0x27b: {  	s12 =	sld [smem:$0x7FD];
	_ =	sdelay $0x2  }
0x27c: {  	v3 =	vmov s12;
	_ =	sdelay $0x2  }
0x27d: {  	p1 =	slt.u32 s13, $0x50910;
	v4 =	vpop (erf)  }
0x27e: {  	v4 =	vpsel !p1, $0x0, v4  }
0x27f: {  	s2 =	simm.s32 $0x10;
	[tilespmem:v3+s3+$0x0 ss:$0x1] =	vst.idx.msk $0xffff, v4  }
0x280: {  	s0 =	simm.s32 $0x80;
	s12 =	smov.u32 s13;
	v4 =	vld.idx.msk [tilespmem:v1+s2+$0x0 ss:$0x1], $0xffff  }
.LBB2_25:
0x281: {  	p1 =	sne.s32 s0, $0x1C0;
	v5 =	vld.idx.msk [tilespmem:v2+s2+$0x0 ss:$0x1], $0xffff;
	_ =	sdelay $0x5  }
0x282: {  	v4 =	vshll.u32 v4, $0x1;
	v5 =	vshll.u32 v5, $0x1  }
0x283: {  	v5 =	vor.u32 $0x1, v5;
	_ =	sdelay $0x3  }
0x284: {  	v4 =	vld.idx.msk [tilespmem:v4+s29+$0x0], $0xffff  }
0x285: {  	v5 =	vld.idx.msk [tilespmem:v5+s29+$0x0], $0xffff;
	_ =	sdelay $0x5  }
0x286: {  	v4 =	vadd.f32 v5, v4;
	_ =	sdelay $0x1  }
0x287: {  	v5 =	vmul.f32 $2.000000030e-01, v4;
	_ =	sdelay $0x1  }
0x288: {  	v4 =	vmax.f32 v4, v5  }
0x289: {  	v4 =	vmul.f32 $1.442695020e+00, v4;
	_ =	sdelay $0x1  }
0x28a: {  	(erf) = vpow2.f32 v4;
	_ =	sdelay $0x7  }
.Ltmp11:
0x28b: {  	s12 =	sadd.s32 $0x10, s12;
	(pc) =	sbr.rel @p1 .LBB2_25-.Ltmp11, $4  }
0x28c: {  	p2 =	slt.u32 s12, $0x50910;
	v4 =	vpop (erf)  }
0x28d: {  	v4 =	vpsel !p2, $0x0, v4  }
0x28e: {  	[tilespmem:v3+s2+$0x0 ss:$0x1] =	vst.idx.msk $0xffff, v4;
	s2 =	sshra.s32 s0, $0x2  }
0x28f: {  	s0 =	sadd.s32 $0x40, s0;
	v4 =	vld.idx.msk [tilespmem:v1+s2+$0x0 ss:$0x1], $0xffff  }
0x290: {  	_ =	sdelay $0x3  }
0x291: {  	v1 =	vld.idx.msk [tilespmem:v2+s2+$0x0 ss:$0x1], $0xffff;
	_ =	sdelay $0x4  }
0x292: {  	v2 =	vshll.u32 v4, $0x1;
	v1 =	vshll.u32 v1, $0x1  }
0x293: {  	v1 =	vor.u32 $0x1, v1;
	_ =	sdelay $0x3  }
0x294: {  	v2 =	vld.idx.msk [tilespmem:v2+s29+$0x0], $0xffff  }
0x295: {  	v1 =	vld.idx.msk [tilespmem:v1+s29+$0x0], $0xffff;
	_ =	sdelay $0x4  }
0x296: {  	v1 =	vadd.f32 v1, v2;
	_ =	sdelay $0x1  }
0x297: {  	v2 =	vmul.f32 $2.000000030e-01, v1;
	_ =	sdelay $0x1  }
0x298: {  	v1 =	vmax.f32 v1, v2  }
0x299: {  	v1 =	vmul.f32 $1.442695020e+00, v1;
	_ =	sdelay $0x1  }
0x29a: {  	(erf) = vpow2.f32 v1;
	_ =	sdelay $0x1  }
0x29b: {  	s3 =	sadd.s32 $0x2, s4  }
0x29c: {  	s0 =	sand.u32 $0x7, s3  }
0x29d: {  	s0 =	sshll.u32 s0, $0x7;
	v1 =	vimm.s32 $0x0  }
0x29e: {  	v2 =	vmov s0;
	v4 =	vand.u32 $0xFFFFFFF8, v1  }
0x29f: {  	v5 =	vand.u32 $0x4, v1;
	v4 =	vadd.s32 v2, v4  }
0x2a0: {  	v6 =	vor.u32 v5, v4  }
0x2a1: {  	s12 =	sadd.s32 $0x10, s12  }
0x2a2: {  	p1 =	slt.u32 s12, $0x50910;
	v4 =	vpop (erf)  }
0x2a3: {  	v4 =	vpsel !p1, $0x0, v4  }
0x2a4: {  	[tilespmem:v3+s2+$0x0 ss:$0x1] =	vst.idx.msk $0xffff, v4  }
0x2a5: {  	s4 =	simm.s32 $0xE620;
	v3 =	vld.idx.msk [tilespmem:v6+s7+$0x0], $0xffff  }
0x2a6: {  	v4 =	vld [tilespmem:s4+$0xFFFFFF80]  }
0x2a7: {  	v5 =	vld [tilespmem:s4+$0xFFFFFFB0]  }
0x2a8: {  	v7 =	vld [tilespmem:s4+$0xFFFFFF90]  }
0x2a9: {  	v8 =	vld [tilespmem:s4+$0xFFFFFFA0];
	_ =	sdelay $0x1  }
0x2aa: {  	v4 =	vmul.f32 v4, v3  }
0x2ab: {  	v9 =	vor.u32 $0x1, v6;
	v5 =	vmul.f32 v5, v3  }
0x2ac: {  	[tilespmem:s4+$0xFFFFFF80] =	vst v4;
	v4 =	vmul.f32 v7, v3  }
0x2ad: {  	v3 =	vmul.f32 v8, v3;
	[tilespmem:s4+$0xFFFFFFB0] =	vst v5  }
0x2ae: {  	[tilespmem:s4+$0xFFFFFF90] =	vst v4  }
0x2af: {  	[tilespmem:s4+$0xFFFFFFA0] =	vst v3;
	v4 =	vld [tilespmem:s4+$0xFFFFFFC0]  }
0x2b0: {  	v3 =	vld.idx.msk [tilespmem:v9+s7+$0x0], $0xffff;
	_ =	sdelay $0x1  }
0x2b1: {  	v5 =	vld [tilespmem:s4+$0xFFFFFFD0]  }
0x2b2: {  	v7 =	vld [tilespmem:s4+$0xFFFFFFF0]  }
0x2b3: {  	v61 =	vld [tilespmem:s4+$0xFFFFFFE0]  }
0x2b4: {  	v4 =	vmul.f32 v4, v3;
	_ =	sdelay $0x1  }
0x2b5: {  	v5 =	vmul.f32 v5, v3;
	[tilespmem:s4+$0xFFFFFFC0] =	vst v4;
	v4 =	vor.u32 $0x2, v6  }
0x2b6: {  	v7 =	vmul.f32 v7, v3  }
0x2b7: {  	v3 =	vmul.f32 v61, v3;
	[tilespmem:s4+$0xFFFFFFD0] =	vst v5  }
0x2b8: {  	[tilespmem:s4+$0xFFFFFFF0] =	vst v7  }
0x2b9: {  	[tilespmem:s4+$0xFFFFFFE0] =	vst v3;
	v3 =	vld [tilespmem:s4+$0x0]  }
0x2ba: {  	v4 =	vld.idx.msk [tilespmem:v4+s7+$0x0], $0xffff;
	_ =	sdelay $0x1  }
0x2bb: {  	v5 =	vld [tilespmem:s4+$0x30]  }
0x2bc: {  	v7 =	vld [tilespmem:s4+$0x10]  }
0x2bd: {  	v62 =	vld [tilespmem:s4+$0x20]  }
0x2be: {  	v3 =	vmul.f32 v3, v4;
	_ =	sdelay $0x1  }
0x2bf: {  	v63 =	vmul.f32 v5, v4;
	[tilespmem:s4+$0x0] =	vst v3;
	v3 =	vor.u32 $0x3, v6  }
0x2c0: {  	v5 =	vmul.f32 v7, v4  }
0x2c1: {  	s12 =	simm.s32 $0x0;
	s2 =	simm.s32 $0xE620;
	v4 =	vmul.f32 v62, v4;
	[tilespmem:s4+$0x30] =	vst v63  }
.LBB2_27:
0x2c2: {  	s12 =	sadd.s32 $0x4, s12;
	[tilespmem:s4+$0x10] =	vst v5;
	v5 =	vld [tilespmem:s4+$0x70];
	v1 =	vadd.s32 $0x4, v1;
	s2 =	sadd.s32 $0x100, s2  }
0x2c3: {  	p1 =	slt.u32 s12, $0x7C;
	[tilespmem:s4+$0x20] =	vst v4;
	v4 =	vld [tilespmem:s4+$0x40]  }
0x2c4: {  	v3 =	vld.idx.msk [tilespmem:v3+s7+$0x0], $0xffff  }
0x2c5: {  	v6 =	vld [tilespmem:s4+$0x50]  }
0x2c6: {  	v7 =	vld [tilespmem:s4+$0x60];
	_ =	sdelay $0x1  }
0x2c7: {  	v8 =	vand.u32 $0xFFFFFFF8, v1  }
0x2c8: {  	v9 =	vand.u32 $0x4, v1;
	v8 =	vadd.s32 v2, v8  }
0x2c9: {  	v8 =	vor.u32 v9, v8;
	v4 =	vmul.f32 v4, v3;
	v6 =	vmul.f32 v6, v3  }
0x2ca: {  	v7 =	vmul.f32 v7, v3;
	v3 =	vmul.f32 v5, v3  }
0x2cb: {  	[tilespmem:s4+$0x40] =	vst v4  }
0x2cc: {  	[tilespmem:s4+$0x60] =	vst v7  }
0x2cd: {  	v4 =	vld [tilespmem:s2+$0xFFFFFFB0];
	[tilespmem:s4+$0x70] =	vst v3  }
0x2ce: {  	v3 =	vld [tilespmem:s2+$0xFFFFFFA0];
	[tilespmem:s4+$0x50] =	vst v6;
	s4 =	smov.u32 s2  }
0x2cf: {  	v5 =	vld.idx.msk [tilespmem:v8+s7+$0x0], $0xffff  }
0x2d0: {  	v6 =	vld [tilespmem:s2+$0xFFFFFF80]  }
0x2d1: {  	v7 =	vld [tilespmem:s2+$0xFFFFFF90];
	_ =	sdelay $0x3  }
0x2d2: {  	v3 =	vmul.f32 v3, v5;
	v6 =	vmul.f32 v6, v5  }
0x2d3: {  	v4 =	vmul.f32 v4, v5;
	v7 =	vmul.f32 v7, v5;
	v5 =	vor.u32 $0x1, v8  }
0x2d4: {  	[tilespmem:s2+$0xFFFFFF80] =	vst v6  }
0x2d5: {  	[tilespmem:s2+$0xFFFFFFB0] =	vst v4  }
0x2d6: {  	[tilespmem:s2+$0xFFFFFF90] =	vst v7;
	v4 =	vld [tilespmem:s2+$0xFFFFFFF0]  }
0x2d7: {  	[tilespmem:s2+$0xFFFFFFA0] =	vst v3;
	v3 =	vld [tilespmem:s2+$0xFFFFFFD0]  }
0x2d8: {  	v5 =	vld.idx.msk [tilespmem:v5+s7+$0x0], $0xffff  }
0x2d9: {  	v6 =	vld [tilespmem:s2+$0xFFFFFFC0]  }
0x2da: {  	v7 =	vld [tilespmem:s2+$0xFFFFFFE0];
	_ =	sdelay $0x3  }
0x2db: {  	v3 =	vmul.f32 v3, v5;
	v6 =	vmul.f32 v6, v5  }
0x2dc: {  	v4 =	vmul.f32 v4, v5;
	v7 =	vmul.f32 v7, v5;
	v5 =	vor.u32 $0x2, v8  }
0x2dd: {  	[tilespmem:s2+$0xFFFFFFC0] =	vst v6  }
0x2de: {  	[tilespmem:s2+$0xFFFFFFD0] =	vst v3  }
0x2df: {  	[tilespmem:s2+$0xFFFFFFF0] =	vst v4;
	v3 =	vld [tilespmem:s2+$0x30]  }
0x2e0: {  	[tilespmem:s2+$0xFFFFFFE0] =	vst v7;
	v4 =	vld [tilespmem:s2+$0x0]  }
0x2e1: {  	v6 =	vld.idx.msk [tilespmem:v5+s7+$0x0], $0xffff  }
0x2e2: {  	v5 =	vld [tilespmem:s2+$0x10]  }
0x2e3: {  	v7 =	vld [tilespmem:s2+$0x20];
	_ =	sdelay $0x2  }
.Ltmp12:
0x2e4: {  	(pc) =	sbr.rel @p1 .LBB2_27-.Ltmp12, $4  }
0x2e5: {  	v9 =	vmul.f32 v4, v6;
	v5 =	vmul.f32 v5, v6  }
0x2e6: {  	v4 =	vmul.f32 v7, v6;
	v6 =	vmul.f32 v3, v6;
	v3 =	vor.u32 $0x3, v8  }
0x2e7: {  	[tilespmem:s2+$0x0] =	vst v9  }
0x2e8: {  	[tilespmem:s2+$0x30] =	vst v6  }
0x2e9: {  	_ =	sdelay $0x1  }
0x2ea: {  	[tilespmem:s4+$0x10] =	vst v5  }
0x2eb: {  	[tilespmem:s4+$0x20] =	vst v4;
	v1 =	vld [tilespmem:s4+$0x40]  }
0x2ec: {  	v2 =	vld.idx.msk [tilespmem:v3+s7+$0x0], $0xffff  }
0x2ed: {  	v3 =	vld [tilespmem:s4+$0x60]  }
0x2ee: {  	v62 =	vld [tilespmem:s4+$0x70]  }
0x2ef: {  	v63 =	vld [tilespmem:s4+$0x50];
	_ =	sdelay $0x1  }
0x2f0: {  	v1 =	vmul.f32 v1, v2  }
0x2f1: {  	v3 =	vmul.f32 v3, v2  }
0x2f2: {  	v4 =	vmul.f32 v62, v2;
	[tilespmem:s4+$0x40] =	vst v1  }
0x2f3: {  	s2 =	sshll.u32 s3, $0x7;
	v1 =	vmul.f32 v63, v2;
	[tilespmem:s4+$0x60] =	vst v3  }
0x2f4: {  	s1 =	rddreg [dreg:$0x2];
	s2 =	sand.u32 $0x3FFFFF80, s2;
	[tilespmem:s4+$0x70] =	vst v4  }
0x2f5: {  	s12 =	simm.s32 $0x80;
	s2 =	sadd.s32 $0x2880, s2;
	[tilespmem:s4+$0x50] =	vst v1;
	s4 =	simm.s32 $0xE5A0  }
0x2f6: {  	[spmem:s1] =	stream.indirect.scatter.add.f32 [tilespmem:s4], [sflag:$0x8], $0x40, s2, s12, $0xb8;
	[tilespmem:$0x1E820] =	vst v63  }
0x2f7: {  	s0 =	sadd.s32 $0x9F20, s0;
	s4 =	rddreg [dreg:$0x3]  }
0x2f8: {  	[spmem:s4] =	stream.indirect.scatter.add.f32 [tilespmem:s0], [sflag:$0xB], $0x1, s2, s12, $0xb8;
	[tilespmem:$0x1E820] =	vst v63  }
0x2f9: {  	s0 =	simm.s32 @!p0 $0xB  }
0x2fa: {  	_ =	swait.ge @!p0 [sflag:s0], $0x80  }
0x2fb: {  	[sflag:s0] =	ssyncset.done @!p0 $0x0  }
0x2fc: {  	s3 =	simm.s32 $0x4;
	[sflag:s0] =	ssyncadd.s32 @!p0 $0xFFFFFF80  }
0x2fd: {  	p1 =	seq.s32 s25, $0xF;
	_ =	swait.ge [sflag:s3], $0x2000  }
.Ltmp13:
0x2fe: {  	[sflag:s3] =	ssyncset.done $0x0;
	(pc) =	sbr.rel @p1 .LBB2_32-.Ltmp13, $4  }
0x2ff: {  	s4 =	simm.s32 $0x7;
	[sflag:s3] =	ssyncadd.s32 $0xFFFFE000  }
0x300: {  	_ =	swait.ge [sflag:s4], $0x2000  }
0x301: {  	[sflag:s4] =	ssyncset.done $0x0  }
0x302: {  	[sflag:s4] =	ssyncadd.s32 $0xFFFFE000  }
0x303: {  	v2 =	vmov s28  }
0x304: {  	v1 =	vmov s26;
	_ =	sdelay $0x1  }
0x305: {  	s0 =	sadd.s32 $0x300, s18;
	s1 =	simm.s32 $0xC5A0;
	s2 =	simm.s32 $0x0  }
0x306: {  	[tilespmem:s1], [sflag:$0x2] =	stream.indirect.gather [hbm4b:s21+s12], $0x40, s0, s12, $0xb8;
	[tilespmem:$0x1E820] =	vst v63  }
0x307: {  	v3 =	vld.idx.msk [tilespmem:v2+s2+$0x0 ss:$0x1], $0xffff  }
0x308: {  	v4 =	vld.idx.msk [tilespmem:v1+s2+$0x0 ss:$0x1], $0xffff;
	_ =	sdelay $0x4  }
0x309: {  	v3 =	vshll.u32 v3, $0x1;
	v4 =	vshll.u32 v4, $0x1  }
0x30a: {  	v4 =	vor.u32 $0x1, v4;
	_ =	sdelay $0x3  }
0x30b: {  	v3 =	vld.idx.msk [tilespmem:v3+s29+$0x0], $0xffff  }
0x30c: {  	v4 =	vld.idx.msk [tilespmem:v4+s29+$0x0], $0xffff;
	_ =	sdelay $0x4  }
0x30d: {  	v3 =	vadd.f32 v4, v3;
	_ =	sdelay $0x1  }
0x30e: {  	v4 =	vmul.f32 $2.000000030e-01, v3;
	_ =	sdelay $0x1  }
0x30f: {  	v3 =	vmax.f32 v3, v4  }
0x310: {  	v3 =	vmul.f32 $1.442695020e+00, v3;
	_ =	sdelay $0x1  }
0x311: {  	(erf) = vpow2.f32 v3;
	_ =	sdelay $0x4  }
0x312: {  	s4 =	rddreg [dreg:$0x1f]  }
0x313: {  	v3 =	vmov s4;
	_ =	sdelay $0x2  }
0x314: {  	p2 =	slt.u32 s11, $0x50910;
	v4 =	vpop (erf)  }
0x315: {  	v4 =	vpsel !p2, $0x0, v4  }
0x316: {  	s0 =	simm.s32 $0x10;
	[tilespmem:v3+s2+$0x0 ss:$0x1] =	vst.idx.msk $0xffff, v4  }
0x317: {  	s3 =	simm.s32 $0x80;
	s2 =	smov.u32 s11;
	v4 =	vld.idx.msk [tilespmem:v2+s0+$0x0 ss:$0x1], $0xffff  }
.LBB2_30:
0x318: {  	p2 =	sne.s32 s3, $0x1C0;
	v5 =	vld.idx.msk [tilespmem:v1+s0+$0x0 ss:$0x1], $0xffff;
	_ =	sdelay $0x5  }
0x319: {  	v4 =	vshll.u32 v4, $0x1;
	v5 =	vshll.u32 v5, $0x1  }
0x31a: {  	v5 =	vor.u32 $0x1, v5;
	_ =	sdelay $0x3  }
0x31b: {  	v4 =	vld.idx.msk [tilespmem:v4+s29+$0x0], $0xffff  }
0x31c: {  	v5 =	vld.idx.msk [tilespmem:v5+s29+$0x0], $0xffff;
	_ =	sdelay $0x5  }
0x31d: {  	v4 =	vadd.f32 v5, v4;
	_ =	sdelay $0x1  }
0x31e: {  	v5 =	vmul.f32 $2.000000030e-01, v4;
	_ =	sdelay $0x1  }
0x31f: {  	v4 =	vmax.f32 v4, v5  }
0x320: {  	v4 =	vmul.f32 $1.442695020e+00, v4;
	_ =	sdelay $0x1  }
0x321: {  	(erf) = vpow2.f32 v4;
	_ =	sdelay $0x7  }
.Ltmp14:
0x322: {  	s2 =	sadd.s32 $0x10, s2;
	(pc) =	sbr.rel @p2 .LBB2_30-.Ltmp14, $4  }
0x323: {  	p3 =	slt.u32 s2, $0x50910;
	v4 =	vpop (erf)  }
0x324: {  	v4 =	vpsel !p3, $0x0, v4  }
0x325: {  	[tilespmem:v3+s0+$0x0 ss:$0x1] =	vst.idx.msk $0xffff, v4;
	s0 =	sshra.s32 s3, $0x2  }
0x326: {  	s3 =	sadd.s32 $0x40, s3;
	v4 =	vld.idx.msk [tilespmem:v2+s0+$0x0 ss:$0x1], $0xffff  }
0x327: {  	_ =	sdelay $0x3  }
0x328: {  	v1 =	vld.idx.msk [tilespmem:v1+s0+$0x0 ss:$0x1], $0xffff;
	_ =	sdelay $0x4  }
0x329: {  	v2 =	vshll.u32 v4, $0x1;
	v1 =	vshll.u32 v1, $0x1  }
0x32a: {  	v1 =	vor.u32 $0x1, v1;
	_ =	sdelay $0x3  }
0x32b: {  	v2 =	vld.idx.msk [tilespmem:v2+s29+$0x0], $0xffff  }
0x32c: {  	v1 =	vld.idx.msk [tilespmem:v1+s29+$0x0], $0xffff;
	_ =	sdelay $0x4  }
0x32d: {  	v1 =	vadd.f32 v1, v2;
	_ =	sdelay $0x1  }
0x32e: {  	v2 =	vmul.f32 $2.000000030e-01, v1;
	_ =	sdelay $0x1  }
0x32f: {  	v1 =	vmax.f32 v1, v2  }
0x330: {  	v1 =	vmul.f32 $1.442695020e+00, v1;
	_ =	sdelay $0x1  }
0x331: {  	(erf) = vpow2.f32 v1;
	_ =	sdelay $0x7  }
0x332: {  	s2 =	sadd.s32 $0x10, s2  }
0x333: {  	p2 =	slt.u32 s2, $0x50910;
	v1 =	vpop (erf)  }
0x334: {  	v1 =	vpsel !p2, $0x0, v1  }
0x335: {  	[tilespmem:v3+s0+$0x0 ss:$0x1] =	vst.idx.msk $0xffff, v1  }
.LBB2_32:
0x336: {  	s0 =	rddreg [dreg:$0x1d]  }
0x337: {  	s0 =	sand.u32 $0x7, s0  }
0x338: {  	v1 =	vimm.s32 $0x0;
	s0 =	sshll.u32 s0, $0x7  }
0x339: {  	v3 =	vand.u32 $0xFFFFFFF8, v1;
	v2 =	vmov s0  }
0x33a: {  	v4 =	vand.u32 $0x4, v1;
	v3 =	vadd.s32 v2, v3  }
0x33b: {  	v3 =	vor.u32 v4, v3;
	_ =	sdelay $0x2  }
0x33c: {  	s3 =	simm.s32 $0x10620  }
0x33d: {  	v5 =	vld [tilespmem:s3+$0xFFFFFF80]  }
0x33e: {  	v4 =	vld.idx.msk [tilespmem:v3+s7+$0x0], $0xffff  }
0x33f: {  	v6 =	vld [tilespmem:s3+$0xFFFFFFB0]  }
0x340: {  	v7 =	vld [tilespmem:s3+$0xFFFFFF90]  }
0x341: {  	v8 =	vld [tilespmem:s3+$0xFFFFFFA0];
	_ =	sdelay $0x1  }
0x342: {  	v5 =	vmul.f32 v5, v4  }
0x343: {  	v9 =	vor.u32 $0x1, v3;
	v6 =	vmul.f32 v6, v4  }
0x344: {  	[tilespmem:s3+$0xFFFFFF80] =	vst v5;
	v5 =	vmul.f32 v7, v4  }
0x345: {  	v4 =	vmul.f32 v8, v4;
	[tilespmem:s3+$0xFFFFFFB0] =	vst v6  }
0x346: {  	[tilespmem:s3+$0xFFFFFF90] =	vst v5  }
0x347: {  	[tilespmem:s3+$0xFFFFFFA0] =	vst v4;
	v5 =	vld [tilespmem:s3+$0xFFFFFFC0]  }
0x348: {  	v4 =	vld.idx.msk [tilespmem:v9+s7+$0x0], $0xffff;
	_ =	sdelay $0x1  }
0x349: {  	v6 =	vld [tilespmem:s3+$0xFFFFFFD0]  }
0x34a: {  	v7 =	vld [tilespmem:s3+$0xFFFFFFF0]  }
0x34b: {  	v61 =	vld [tilespmem:s3+$0xFFFFFFE0]  }
0x34c: {  	v5 =	vmul.f32 v5, v4;
	_ =	sdelay $0x1  }
0x34d: {  	v6 =	vmul.f32 v6, v4;
	[tilespmem:s3+$0xFFFFFFC0] =	vst v5;
	v5 =	vor.u32 $0x2, v3  }
0x34e: {  	v7 =	vmul.f32 v7, v4  }
0x34f: {  	v4 =	vmul.f32 v61, v4;
	[tilespmem:s3+$0xFFFFFFD0] =	vst v6  }
0x350: {  	[tilespmem:s3+$0xFFFFFFF0] =	vst v7  }
0x351: {  	[tilespmem:s3+$0xFFFFFFE0] =	vst v4;
	v4 =	vld [tilespmem:s3+$0x0]  }
0x352: {  	v6 =	vld.idx.msk [tilespmem:v5+s7+$0x0], $0xffff  }
0x353: {  	v5 =	vld [tilespmem:s3+$0x30]  }
0x354: {  	v7 =	vld [tilespmem:s3+$0x10]  }
0x355: {  	v62 =	vld [tilespmem:s3+$0x20];
	_ =	sdelay $0x1  }
0x356: {  	v4 =	vmul.f32 v4, v6  }
0x357: {  	v3 =	vor.u32 $0x3, v3;
	v63 =	vmul.f32 v5, v6  }
0x358: {  	v5 =	vmul.f32 v7, v6;
	[tilespmem:s3+$0x0] =	vst v4  }
0x359: {  	s4 =	simm.s32 $0x0;
	s2 =	simm.s32 $0x10620;
	v4 =	vmul.f32 v62, v6;
	[tilespmem:s3+$0x30] =	vst v63  }
.LBB2_33:
0x35a: {  	s4 =	sadd.s32 $0x4, s4;
	[tilespmem:s3+$0x10] =	vst v5;
	v5 =	vld [tilespmem:s3+$0x70];
	v1 =	vadd.s32 $0x4, v1;
	s2 =	sadd.s32 $0x100, s2  }
0x35b: {  	p2 =	slt.u32 s4, $0x7C;
	[tilespmem:s3+$0x20] =	vst v4;
	v4 =	vld [tilespmem:s3+$0x40]  }
0x35c: {  	v3 =	vld.idx.msk [tilespmem:v3+s7+$0x0], $0xffff  }
0x35d: {  	v6 =	vld [tilespmem:s3+$0x50]  }
0x35e: {  	v7 =	vld [tilespmem:s3+$0x60];
	_ =	sdelay $0x1  }
0x35f: {  	v8 =	vand.u32 $0xFFFFFFF8, v1  }
0x360: {  	v9 =	vand.u32 $0x4, v1;
	v8 =	vadd.s32 v2, v8  }
0x361: {  	v8 =	vor.u32 v9, v8;
	v4 =	vmul.f32 v4, v3;
	v6 =	vmul.f32 v6, v3  }
0x362: {  	v7 =	vmul.f32 v7, v3;
	v3 =	vmul.f32 v5, v3  }
0x363: {  	[tilespmem:s3+$0x40] =	vst v4  }
0x364: {  	[tilespmem:s3+$0x60] =	vst v7  }
0x365: {  	v4 =	vld [tilespmem:s2+$0xFFFFFFB0];
	[tilespmem:s3+$0x70] =	vst v3  }
0x366: {  	v3 =	vld [tilespmem:s2+$0xFFFFFFA0];
	[tilespmem:s3+$0x50] =	vst v6;
	s3 =	smov.u32 s2  }
0x367: {  	v5 =	vld.idx.msk [tilespmem:v8+s7+$0x0], $0xffff  }
0x368: {  	v6 =	vld [tilespmem:s2+$0xFFFFFF80]  }
0x369: {  	v7 =	vld [tilespmem:s2+$0xFFFFFF90];
	_ =	sdelay $0x3  }
0x36a: {  	v3 =	vmul.f32 v3, v5;
	v6 =	vmul.f32 v6, v5  }
0x36b: {  	v4 =	vmul.f32 v4, v5;
	v7 =	vmul.f32 v7, v5;
	v5 =	vor.u32 $0x1, v8  }
0x36c: {  	[tilespmem:s2+$0xFFFFFF80] =	vst v6  }
0x36d: {  	[tilespmem:s2+$0xFFFFFFB0] =	vst v4  }
0x36e: {  	[tilespmem:s2+$0xFFFFFF90] =	vst v7;
	v4 =	vld [tilespmem:s2+$0xFFFFFFF0]  }
0x36f: {  	[tilespmem:s2+$0xFFFFFFA0] =	vst v3;
	v3 =	vld [tilespmem:s2+$0xFFFFFFD0]  }
0x370: {  	v5 =	vld.idx.msk [tilespmem:v5+s7+$0x0], $0xffff  }
0x371: {  	v6 =	vld [tilespmem:s2+$0xFFFFFFC0]  }
0x372: {  	v7 =	vld [tilespmem:s2+$0xFFFFFFE0];
	_ =	sdelay $0x3  }
0x373: {  	v3 =	vmul.f32 v3, v5;
	v6 =	vmul.f32 v6, v5  }
0x374: {  	v4 =	vmul.f32 v4, v5;
	v7 =	vmul.f32 v7, v5;
	v5 =	vor.u32 $0x2, v8  }
0x375: {  	[tilespmem:s2+$0xFFFFFFC0] =	vst v6  }
0x376: {  	[tilespmem:s2+$0xFFFFFFD0] =	vst v3  }
0x377: {  	[tilespmem:s2+$0xFFFFFFF0] =	vst v4;
	v3 =	vld [tilespmem:s2+$0x30]  }
0x378: {  	[tilespmem:s2+$0xFFFFFFE0] =	vst v7;
	v4 =	vld [tilespmem:s2+$0x0]  }
0x379: {  	v6 =	vld.idx.msk [tilespmem:v5+s7+$0x0], $0xffff  }
0x37a: {  	v5 =	vld [tilespmem:s2+$0x10]  }
0x37b: {  	v7 =	vld [tilespmem:s2+$0x20];
	_ =	sdelay $0x2  }
.Ltmp15:
0x37c: {  	(pc) =	sbr.rel @p2 .LBB2_33-.Ltmp15, $4  }
0x37d: {  	v9 =	vmul.f32 v4, v6;
	v5 =	vmul.f32 v5, v6  }
0x37e: {  	v4 =	vmul.f32 v7, v6;
	v6 =	vmul.f32 v3, v6;
	v3 =	vor.u32 $0x3, v8  }
0x37f: {  	[tilespmem:s2+$0x0] =	vst v9  }
0x380: {  	[tilespmem:s2+$0x30] =	vst v6  }
0x381: {  	_ =	sdelay $0x1  }
0x382: {  	[tilespmem:s3+$0x10] =	vst v5  }
0x383: {  	[tilespmem:s3+$0x20] =	vst v4;
	v1 =	vld [tilespmem:s3+$0x40]  }
0x384: {  	v2 =	vld.idx.msk [tilespmem:v3+s7+$0x0], $0xffff  }
0x385: {  	v3 =	vld [tilespmem:s3+$0x60]  }
0x386: {  	v62 =	vld [tilespmem:s3+$0x70]  }
0x387: {  	v63 =	vld [tilespmem:s3+$0x50];
	_ =	sdelay $0x1  }
0x388: {  	v1 =	vmul.f32 v1, v2  }
0x389: {  	v3 =	vmul.f32 v3, v2  }
0x38a: {  	v4 =	vmul.f32 v62, v2;
	[tilespmem:s3+$0x40] =	vst v1  }
0x38b: {  	s1 =	rddreg [dreg:$0x1b];
	v1 =	vmul.f32 v63, v2;
	[tilespmem:s3+$0x60] =	vst v3  }
0x38c: {  	s2 =	sand.u32 $0x3FFFFF80, s1;
	[tilespmem:s3+$0x70] =	vst v4  }
0x38d: {  	s4 =	simm.s32 $0x105A0;
	s2 =	sadd.s32 $0x2880, s2;
	[tilespmem:s3+$0x50] =	vst v1;
	s3 =	rddreg [dreg:$0x2]  }
0x38e: {  	[spmem:s3] =	stream.indirect.scatter.add.f32 [tilespmem:s4], [sflag:$0x9], $0x40, s2, s12, $0xb8;
	[tilespmem:$0x1E820] =	vst v63  }
0x38f: {  	s0 =	sadd.s32 $0x9F20, s0;
	s4 =	rddreg [dreg:$0x3]  }
0x390: {  	[spmem:s4] =	stream.indirect.scatter.add.f32 [tilespmem:s0], [sflag:$0xB], $0x1, s2, s12, $0xb8;
	[tilespmem:$0x1E820] =	vst v63  }
0x391: {  	s0 =	simm.s32 @!p0 $0xB  }
0x392: {  	_ =	swait.ge @!p0 [sflag:s0], $0x80  }
0x393: {  	[sflag:s0] =	ssyncset.done @!p0 $0x0  }
0x394: {  	s3 =	simm.s32 $0x5;
	[sflag:s0] =	ssyncadd.s32 @!p0 $0xFFFFFF80  }
0x395: {  	_ =	swait.ge [sflag:s3], $0x2000  }
.Ltmp16:
0x396: {  	[sflag:s3] =	ssyncset.done $0x0;
	(pc) =	sbr.rel @p1 .LBB2_38-.Ltmp16, $4  }
0x397: {  	s4 =	simm.s32 $0x8;
	[sflag:s3] =	ssyncadd.s32 $0xFFFFE000  }
0x398: {  	_ =	swait.ge [sflag:s4], $0x2000  }
0x399: {  	[sflag:s4] =	ssyncset.done $0x0  }
0x39a: {  	[sflag:s4] =	ssyncadd.s32 $0xFFFFE000  }
0x39b: {  	v2 =	vmov s10  }
0x39c: {  	v1 =	vmov s6;
	_ =	sdelay $0x1  }
0x39d: {  	s0 =	sadd.s32 $0x380, s18;
	s1 =	simm.s32 $0xE5A0;
	s2 =	simm.s32 $0x0  }
0x39e: {  	[tilespmem:s1], [sflag:$0x3] =	stream.indirect.gather [hbm4b:s21+s12], $0x40, s0, s12, $0xb8;
	[tilespmem:$0x1E820] =	vst v63  }
0x39f: {  	v3 =	vld.idx.msk [tilespmem:v2+s2+$0x0 ss:$0x1], $0xffff  }
0x3a0: {  	v4 =	vld.idx.msk [tilespmem:v1+s2+$0x0 ss:$0x1], $0xffff;
	_ =	sdelay $0x4  }
0x3a1: {  	v3 =	vshll.u32 v3, $0x1;
	v4 =	vshll.u32 v4, $0x1  }
0x3a2: {  	v4 =	vor.u32 $0x1, v4;
	_ =	sdelay $0x3  }
0x3a3: {  	v3 =	vld.idx.msk [tilespmem:v3+s29+$0x0], $0xffff  }
0x3a4: {  	v4 =	vld.idx.msk [tilespmem:v4+s29+$0x0], $0xffff;
	_ =	sdelay $0x4  }
0x3a5: {  	v3 =	vadd.f32 v4, v3;
	_ =	sdelay $0x1  }
0x3a6: {  	v4 =	vmul.f32 $2.000000030e-01, v3;
	_ =	sdelay $0x1  }
0x3a7: {  	v3 =	vmax.f32 v3, v4  }
0x3a8: {  	v3 =	vmul.f32 $1.442695020e+00, v3;
	_ =	sdelay $0x1  }
0x3a9: {  	(erf) = vpow2.f32 v3;
	_ =	sdelay $0x4  }
0x3aa: {  	s18 =	rddreg [dreg:$0x1a]  }
0x3ab: {  	v3 =	vmov s18;
	_ =	sdelay $0x2  }
0x3ac: {  	p0 =	slt.u32 s8, $0x50910;
	v4 =	vpop (erf)  }
0x3ad: {  	v4 =	vpsel !p0, $0x0, v4  }
0x3ae: {  	s0 =	simm.s32 $0x10;
	[tilespmem:v3+s2+$0x0 ss:$0x1] =	vst.idx.msk $0xffff, v4  }
0x3af: {  	s3 =	simm.s32 $0x80;
	s2 =	smov.u32 s8;
	v4 =	vld.idx.msk [tilespmem:v2+s0+$0x0 ss:$0x1], $0xffff  }
.LBB2_36:
0x3b0: {  	p0 =	sne.s32 s3, $0x1C0;
	v5 =	vld.idx.msk [tilespmem:v1+s0+$0x0 ss:$0x1], $0xffff;
	_ =	sdelay $0x5  }
0x3b1: {  	v4 =	vshll.u32 v4, $0x1;
	v5 =	vshll.u32 v5, $0x1  }
0x3b2: {  	v5 =	vor.u32 $0x1, v5;
	_ =	sdelay $0x3  }
0x3b3: {  	v4 =	vld.idx.msk [tilespmem:v4+s29+$0x0], $0xffff  }
0x3b4: {  	v5 =	vld.idx.msk [tilespmem:v5+s29+$0x0], $0xffff;
	_ =	sdelay $0x5  }
0x3b5: {  	v4 =	vadd.f32 v5, v4;
	_ =	sdelay $0x1  }
0x3b6: {  	v5 =	vmul.f32 $2.000000030e-01, v4;
	_ =	sdelay $0x1  }
0x3b7: {  	v4 =	vmax.f32 v4, v5  }
0x3b8: {  	v4 =	vmul.f32 $1.442695020e+00, v4;
	_ =	sdelay $0x1  }
0x3b9: {  	(erf) = vpow2.f32 v4;
	_ =	sdelay $0x7  }
.Ltmp17:
0x3ba: {  	s2 =	sadd.s32 $0x10, s2;
	(pc) =	sbr.rel @p0 .LBB2_36-.Ltmp17, $4  }
0x3bb: {  	p1 =	slt.u32 s2, $0x50910;
	v4 =	vpop (erf)  }
0x3bc: {  	v4 =	vpsel !p1, $0x0, v4  }
0x3bd: {  	[tilespmem:v3+s0+$0x0 ss:$0x1] =	vst.idx.msk $0xffff, v4;
	s0 =	sshra.s32 s3, $0x2  }
0x3be: {  	s3 =	sadd.s32 $0x40, s3;
	v4 =	vld.idx.msk [tilespmem:v2+s0+$0x0 ss:$0x1], $0xffff  }
0x3bf: {  	_ =	sdelay $0x3  }
0x3c0: {  	v1 =	vld.idx.msk [tilespmem:v1+s0+$0x0 ss:$0x1], $0xffff;
	_ =	sdelay $0x4  }
0x3c1: {  	v2 =	vshll.u32 v4, $0x1;
	v1 =	vshll.u32 v1, $0x1  }
0x3c2: {  	v1 =	vor.u32 $0x1, v1;
	_ =	sdelay $0x3  }
0x3c3: {  	v2 =	vld.idx.msk [tilespmem:v2+s29+$0x0], $0xffff  }
0x3c4: {  	v1 =	vld.idx.msk [tilespmem:v1+s29+$0x0], $0xffff;
	_ =	sdelay $0x4  }
0x3c5: {  	v1 =	vadd.f32 v1, v2;
	_ =	sdelay $0x1  }
0x3c6: {  	v2 =	vmul.f32 $2.000000030e-01, v1;
	_ =	sdelay $0x1  }
0x3c7: {  	v1 =	vmax.f32 v1, v2  }
0x3c8: {  	v1 =	vmul.f32 $1.442695020e+00, v1;
	_ =	sdelay $0x1  }
0x3c9: {  	(erf) = vpow2.f32 v1;
	_ =	sdelay $0x7  }
0x3ca: {  	s2 =	sadd.s32 $0x10, s2  }
0x3cb: {  	p0 =	slt.u32 s2, $0x50910;
	v1 =	vpop (erf)  }
0x3cc: {  	v1 =	vpsel !p0, $0x0, v1  }
0x3cd: {  	[tilespmem:v3+s0+$0x0 ss:$0x1] =	vst.idx.msk $0xffff, v1  }
.LBB2_38:
0x3ce: {  	s0 =	rddreg [dreg:$0x1e]  }
0x3cf: {  	s0 =	sand.u32 $0x7, s0  }
0x3d0: {  	v1 =	vimm.s32 $0x0;
	s0 =	sshll.u32 s0, $0x7  }
0x3d1: {  	v3 =	vand.u32 $0xFFFFFFF8, v1;
	v2 =	vmov s0  }
0x3d2: {  	v4 =	vand.u32 $0x4, v1;
	v3 =	vadd.s32 v2, v3  }
0x3d3: {  	v3 =	vor.u32 v4, v3;
	_ =	sdelay $0x2  }
0x3d4: {  	s2 =	simm.s32 $0x12620  }
0x3d5: {  	v5 =	vld [tilespmem:s2+$0xFFFFFF80]  }
0x3d6: {  	v4 =	vld.idx.msk [tilespmem:v3+s7+$0x0], $0xffff  }
0x3d7: {  	v6 =	vld [tilespmem:s2+$0xFFFFFFB0]  }
0x3d8: {  	v7 =	vld [tilespmem:s2+$0xFFFFFF90]  }
0x3d9: {  	v8 =	vld [tilespmem:s2+$0xFFFFFFA0];
	_ =	sdelay $0x1  }
0x3da: {  	v5 =	vmul.f32 v5, v4  }
0x3db: {  	v9 =	vor.u32 $0x1, v3;
	v6 =	vmul.f32 v6, v4  }
0x3dc: {  	[tilespmem:s2+$0xFFFFFF80] =	vst v5;
	v5 =	vmul.f32 v7, v4  }
0x3dd: {  	v4 =	vmul.f32 v8, v4;
	[tilespmem:s2+$0xFFFFFFB0] =	vst v6  }
0x3de: {  	[tilespmem:s2+$0xFFFFFF90] =	vst v5  }
0x3df: {  	[tilespmem:s2+$0xFFFFFFA0] =	vst v4;
	v5 =	vld [tilespmem:s2+$0xFFFFFFC0]  }
0x3e0: {  	v4 =	vld.idx.msk [tilespmem:v9+s7+$0x0], $0xffff;
	_ =	sdelay $0x1  }
0x3e1: {  	v6 =	vld [tilespmem:s2+$0xFFFFFFD0]  }
0x3e2: {  	v7 =	vld [tilespmem:s2+$0xFFFFFFF0]  }
0x3e3: {  	v61 =	vld [tilespmem:s2+$0xFFFFFFE0]  }
0x3e4: {  	v5 =	vmul.f32 v5, v4;
	_ =	sdelay $0x1  }
0x3e5: {  	v6 =	vmul.f32 v6, v4;
	[tilespmem:s2+$0xFFFFFFC0] =	vst v5;
	v5 =	vor.u32 $0x2, v3  }
0x3e6: {  	v7 =	vmul.f32 v7, v4  }
0x3e7: {  	v4 =	vmul.f32 v61, v4;
	[tilespmem:s2+$0xFFFFFFD0] =	vst v6  }
0x3e8: {  	[tilespmem:s2+$0xFFFFFFF0] =	vst v7  }
0x3e9: {  	[tilespmem:s2+$0xFFFFFFE0] =	vst v4;
	v4 =	vld [tilespmem:s2+$0x0]  }
0x3ea: {  	v6 =	vld.idx.msk [tilespmem:v5+s7+$0x0], $0xffff  }
0x3eb: {  	v5 =	vld [tilespmem:s2+$0x30]  }
0x3ec: {  	v7 =	vld [tilespmem:s2+$0x10]  }
0x3ed: {  	v62 =	vld [tilespmem:s2+$0x20];
	_ =	sdelay $0x1  }
0x3ee: {  	v4 =	vmul.f32 v4, v6  }
0x3ef: {  	v3 =	vor.u32 $0x3, v3;
	v63 =	vmul.f32 v5, v6  }
0x3f0: {  	v5 =	vmul.f32 v7, v6;
	[tilespmem:s2+$0x0] =	vst v4  }
0x3f1: {  	s3 =	simm.s32 $0x0;
	s4 =	simm.s32 $0x12620;
	v4 =	vmul.f32 v62, v6;
	[tilespmem:s2+$0x30] =	vst v63  }
.LBB2_39:
0x3f2: {  	s3 =	sadd.s32 $0x4, s3;
	[tilespmem:s2+$0x10] =	vst v5;
	v5 =	vld [tilespmem:s2+$0x70];
	v1 =	vadd.s32 $0x4, v1;
	s4 =	sadd.s32 $0x100, s4  }
0x3f3: {  	p0 =	slt.u32 s3, $0x7C;
	[tilespmem:s2+$0x20] =	vst v4;
	v4 =	vld [tilespmem:s2+$0x40]  }
0x3f4: {  	v3 =	vld.idx.msk [tilespmem:v3+s7+$0x0], $0xffff  }
0x3f5: {  	v6 =	vld [tilespmem:s2+$0x50]  }
0x3f6: {  	v7 =	vld [tilespmem:s2+$0x60];
	_ =	sdelay $0x1  }
0x3f7: {  	v8 =	vand.u32 $0xFFFFFFF8, v1  }
0x3f8: {  	v9 =	vand.u32 $0x4, v1;
	v8 =	vadd.s32 v2, v8  }
0x3f9: {  	v8 =	vor.u32 v9, v8;
	v4 =	vmul.f32 v4, v3;
	v6 =	vmul.f32 v6, v3  }
0x3fa: {  	v7 =	vmul.f32 v7, v3;
	v3 =	vmul.f32 v5, v3  }
0x3fb: {  	[tilespmem:s2+$0x40] =	vst v4  }
0x3fc: {  	[tilespmem:s2+$0x60] =	vst v7  }
0x3fd: {  	v4 =	vld [tilespmem:s4+$0xFFFFFFB0];
	[tilespmem:s2+$0x70] =	vst v3  }
0x3fe: {  	v3 =	vld [tilespmem:s4+$0xFFFFFFA0];
	[tilespmem:s2+$0x50] =	vst v6;
	s2 =	smov.u32 s4  }
0x3ff: {  	v5 =	vld.idx.msk [tilespmem:v8+s7+$0x0], $0xffff  }
0x400: {  	v6 =	vld [tilespmem:s4+$0xFFFFFF80]  }
0x401: {  	v7 =	vld [tilespmem:s4+$0xFFFFFF90];
	_ =	sdelay $0x3  }
0x402: {  	v3 =	vmul.f32 v3, v5;
	v6 =	vmul.f32 v6, v5  }
0x403: {  	v4 =	vmul.f32 v4, v5;
	v7 =	vmul.f32 v7, v5;
	v5 =	vor.u32 $0x1, v8  }
0x404: {  	[tilespmem:s4+$0xFFFFFF80] =	vst v6  }
0x405: {  	[tilespmem:s4+$0xFFFFFFB0] =	vst v4  }
0x406: {  	[tilespmem:s4+$0xFFFFFF90] =	vst v7;
	v4 =	vld [tilespmem:s4+$0xFFFFFFF0]  }
0x407: {  	[tilespmem:s4+$0xFFFFFFA0] =	vst v3;
	v3 =	vld [tilespmem:s4+$0xFFFFFFD0]  }
0x408: {  	v5 =	vld.idx.msk [tilespmem:v5+s7+$0x0], $0xffff  }
0x409: {  	v6 =	vld [tilespmem:s4+$0xFFFFFFC0]  }
0x40a: {  	v7 =	vld [tilespmem:s4+$0xFFFFFFE0];
	_ =	sdelay $0x3  }
0x40b: {  	v3 =	vmul.f32 v3, v5;
	v6 =	vmul.f32 v6, v5  }
0x40c: {  	v4 =	vmul.f32 v4, v5;
	v7 =	vmul.f32 v7, v5;
	v5 =	vor.u32 $0x2, v8  }
0x40d: {  	[tilespmem:s4+$0xFFFFFFC0] =	vst v6  }
0x40e: {  	[tilespmem:s4+$0xFFFFFFD0] =	vst v3  }
0x40f: {  	[tilespmem:s4+$0xFFFFFFF0] =	vst v4;
	v3 =	vld [tilespmem:s4+$0x30]  }
0x410: {  	[tilespmem:s4+$0xFFFFFFE0] =	vst v7;
	v4 =	vld [tilespmem:s4+$0x0]  }
0x411: {  	v6 =	vld.idx.msk [tilespmem:v5+s7+$0x0], $0xffff  }
0x412: {  	v5 =	vld [tilespmem:s4+$0x10]  }
0x413: {  	v7 =	vld [tilespmem:s4+$0x20];
	_ =	sdelay $0x2  }
.Ltmp18:
0x414: {  	(pc) =	sbr.rel @p0 .LBB2_39-.Ltmp18, $4  }
0x415: {  	v9 =	vmul.f32 v4, v6;
	v5 =	vmul.f32 v5, v6  }
0x416: {  	v4 =	vmul.f32 v7, v6;
	v6 =	vmul.f32 v3, v6;
	v3 =	vor.u32 $0x3, v8  }
0x417: {  	[tilespmem:s4+$0x0] =	vst v9  }
0x418: {  	[tilespmem:s4+$0x30] =	vst v6  }
0x419: {  	_ =	sdelay $0x1  }
0x41a: {  	[tilespmem:s2+$0x10] =	vst v5  }
0x41b: {  	[tilespmem:s2+$0x20] =	vst v4;
	v1 =	vld [tilespmem:s2+$0x40]  }
0x41c: {  	v2 =	vld.idx.msk [tilespmem:v3+s7+$0x0], $0xffff  }
0x41d: {  	v3 =	vld [tilespmem:s2+$0x60]  }
0x41e: {  	v62 =	vld [tilespmem:s2+$0x70]  }
0x41f: {  	v63 =	vld [tilespmem:s2+$0x50];
	s1 =	rddreg [dreg:$0x1c]  }
0x420: {  	s4 =	rddreg [dreg:$0x2];
	s18 =	simm.s32 $0x125A0;
	s0 =	sadd.s32 $0x9F20, s0  }
0x421: {  	s25 =	sadd.s32 $0x1, s25;
	s16 =	sadd.s32 $0x280, s16;
	s5 =	sadd.s32 $0x280, s5;
	v1 =	vmul.f32 v1, v2  }
0x422: {  	s22 =	sadd.s32 $0x280, s22;
	s23 =	sadd.s32 $0x5, s23;
	s15 =	sadd.s32 $0x280, s15;
	v3 =	vmul.f32 v3, v2  }
0x423: {  	s9 =	sadd.s32 $0x280, s9;
	s14 =	sadd.s32 $0x280, s14;
	s19 =	sadd.s32 $0x5, s19;
	v4 =	vmul.f32 v62, v2;
	[tilespmem:s2+$0x40] =	vst v1  }
0x424: {  	s13 =	sadd.s32 $0x280, s13;
	s17 =	sadd.s32 $0x280, s17;
	s20 =	sadd.s32 $0x280, s20;
	v1 =	vmul.f32 v63, v2;
	[tilespmem:s2+$0x60] =	vst v3  }
0x425: {  	s24 =	sadd.s32 $0x5, s24;
	s11 =	sadd.s32 $0x280, s11;
	s3 =	sand.u32 $0x3FFFFF80, s1;
	[tilespmem:s2+$0x70] =	vst v4  }
0x426: {  	s26 =	sadd.s32 $0x280, s26;
	p0 =	sne.s32 s25, $0x10;
	[tilespmem:s2+$0x50] =	vst v1;
	s2 =	sadd.s32 $0x2880, s3  }
0x427: {  	[spmem:s4] =	stream.indirect.scatter.add.f32 [tilespmem:s18], [sflag:$0xA], $0x40, s2, s12, $0xb8;
	[tilespmem:$0x1E820] =	vst v63  }
.Ltmp19:
0x428: {  	s4 =	rddreg [dreg:$0x3];
	s18 =	simm.s32 $0xB;
	(pc) =	sbr.rel @p0 .LBB2_16-.Ltmp19, $4  }
0x429: {  	[spmem:s4] =	stream.indirect.scatter.add.f32 [tilespmem:s0], [sflag:$0xB], $0x1, s2, s12, $0xb8;
	[tilespmem:$0x1E820] =	vst v63  }
0x42a: {  	s28 =	sadd.s32 $0x280, s28;
	s31 =	sadd.s32 $0x5, s31;
	_ =	swait.ge [sflag:s18], $0x80  }
0x42b: {  	s8 =	sadd.s32 $0x280, s8;
	s6 =	sadd.s32 $0x280, s6;
	[sflag:s18] =	ssyncset.done $0x0  }
0x42c: {  	s10 =	sadd.s32 $0x280, s10;
	s30 =	sadd.s32 $0x5, s30;
	[sflag:s18] =	ssyncadd.s32 $0xFFFFFF80  }
0x42d: {  	s0 =	simm.s32 $0x1  }
0x42e: {  	_ =	swait.ge [sflag:s0], $0x2000  }
0x42f: {  	[sflag:s0] =	ssyncset.done $0x0  }
0x430: {  	v1 =	vimm.s32 $0x0;
	s31 =	simm.s32 $0x9;
	[sflag:s0] =	ssyncadd.s32 $0xFFFFE000  }
0x431: {  	_ =	swait.ge [sflag:s31], $0x2000  }
0x432: {  	[sflag:s31] =	ssyncset.done $0x0  }
0x433: {  	s0 =	simm.s32 $0xA620;
	[sflag:s31] =	ssyncadd.s32 $0xFFFFE000  }
0x434: {  	v2 =	vld [tilespmem:s0+$0xFFFFFFB0]  }
0x435: {  	v3 =	vld.idx.msk [tilespmem:v1+s7+$0x0], $0xffff  }
0x436: {  	v4 =	vld [tilespmem:s0+$0xFFFFFF80]  }
0x437: {  	v5 =	vld [tilespmem:s0+$0xFFFFFF90]  }
0x438: {  	v6 =	vld [tilespmem:s0+$0xFFFFFFA0];
	_ =	sdelay $0x1  }
0x439: {  	v2 =	vmul.f32 v2, v3  }
0x43a: {  	v7 =	vor.u32 $0x1, v1;
	v4 =	vmul.f32 v4, v3  }
0x43b: {  	[tilespmem:s0+$0xFFFFFFB0] =	vst v2;
	v2 =	vmul.f32 v5, v3  }
0x43c: {  	v3 =	vmul.f32 v6, v3;
	[tilespmem:s0+$0xFFFFFF80] =	vst v4  }
0x43d: {  	[tilespmem:s0+$0xFFFFFF90] =	vst v2  }
0x43e: {  	[tilespmem:s0+$0xFFFFFFA0] =	vst v3;
	v3 =	vld [tilespmem:s0+$0xFFFFFFC0]  }
0x43f: {  	v2 =	vld.idx.msk [tilespmem:v7+s7+$0x0], $0xffff;
	_ =	sdelay $0x1  }
0x440: {  	v4 =	vld [tilespmem:s0+$0xFFFFFFD0]  }
0x441: {  	v5 =	vld [tilespmem:s0+$0xFFFFFFF0]  }
0x442: {  	v6 =	vld [tilespmem:s0+$0xFFFFFFE0]  }
0x443: {  	v3 =	vmul.f32 v3, v2;
	_ =	sdelay $0x1  }
0x444: {  	v4 =	vmul.f32 v4, v2;
	[tilespmem:s0+$0xFFFFFFC0] =	vst v3;
	v3 =	vor.u32 $0x2, v1  }
0x445: {  	v5 =	vmul.f32 v5, v2  }
0x446: {  	v2 =	vmul.f32 v6, v2;
	[tilespmem:s0+$0xFFFFFFD0] =	vst v4  }
0x447: {  	v6 =	vld [tilespmem:s0+$0x10];
	[tilespmem:s0+$0xFFFFFFF0] =	vst v5  }
0x448: {  	[tilespmem:s0+$0xFFFFFFE0] =	vst v2;
	v4 =	vld [tilespmem:s0+$0x30]  }
0x449: {  	v3 =	vld.idx.msk [tilespmem:v3+s7+$0x0], $0xffff  }
0x44a: {  	v2 =	vld [tilespmem:s0+$0x0]  }
0x44b: {  	v5 =	vld [tilespmem:s0+$0x20];
	_ =	sdelay $0x2  }
0x44c: {  	v4 =	vmul.f32 v4, v3  }
0x44d: {  	v2 =	vmul.f32 v2, v3  }
0x44e: {  	v5 =	vmul.f32 v5, v3;
	[tilespmem:s0+$0x30] =	vst v4;
	v4 =	vmul.f32 v6, v3;
	v3 =	vor.u32 $0x3, v1;
	_ =	sdelay $0x1  }
0x44f: {  	[tilespmem:s0+$0x0] =	vst v2  }
0x450: {  	s2 =	simm.s32 $0x0;
	s3 =	simm.s32 $0xA620;
	[tilespmem:s0+$0x20] =	vst v5;
	v2 =	vld [tilespmem:s0+$0x40]  }
.LBB2_42:
0x451: {  	s2 =	sadd.s32 $0x4, s2;
	[tilespmem:s0+$0x10] =	vst v4;
	v4 =	vld [tilespmem:s0+$0x70];
	v1 =	vadd.s32 $0x4, v1;
	s3 =	sadd.s32 $0x100, s3  }
0x452: {  	p0 =	slt.u32 s2, $0x7C;
	v3 =	vld.idx.msk [tilespmem:v3+s7+$0x0], $0xffff  }
0x453: {  	v5 =	vld [tilespmem:s0+$0x50]  }
0x454: {  	v6 =	vld [tilespmem:s0+$0x60];
	_ =	sdelay $0x3  }
0x455: {  	v2 =	vmul.f32 v2, v3;
	v5 =	vmul.f32 v5, v3  }
0x456: {  	v6 =	vmul.f32 v6, v3;
	v3 =	vmul.f32 v4, v3  }
0x457: {  	[tilespmem:s0+$0x40] =	vst v2  }
0x458: {  	[tilespmem:s0+$0x50] =	vst v5  }
0x459: {  	v2 =	vld [tilespmem:s3+$0xFFFFFFA0];
	[tilespmem:s0+$0x70] =	vst v3  }
0x45a: {  	v3 =	vld [tilespmem:s3+$0xFFFFFFB0];
	[tilespmem:s0+$0x60] =	vst v6;
	s0 =	smov.u32 s3  }
0x45b: {  	v4 =	vld.idx.msk [tilespmem:v1+s7+$0x0], $0xffff  }
0x45c: {  	v5 =	vld [tilespmem:s3+$0xFFFFFF80]  }
0x45d: {  	v6 =	vld [tilespmem:s3+$0xFFFFFF90];
	_ =	sdelay $0x3  }
0x45e: {  	v3 =	vmul.f32 v3, v4;
	v5 =	vmul.f32 v5, v4  }
0x45f: {  	v2 =	vmul.f32 v2, v4;
	v6 =	vmul.f32 v6, v4;
	v4 =	vor.u32 $0x1, v1  }
0x460: {  	[tilespmem:s3+$0xFFFFFFB0] =	vst v3  }
0x461: {  	[tilespmem:s3+$0xFFFFFF80] =	vst v5  }
0x462: {  	[tilespmem:s3+$0xFFFFFF90] =	vst v6;
	v3 =	vld [tilespmem:s3+$0xFFFFFFF0]  }
0x463: {  	[tilespmem:s3+$0xFFFFFFA0] =	vst v2;
	v2 =	vld [tilespmem:s3+$0xFFFFFFD0]  }
0x464: {  	v4 =	vld.idx.msk [tilespmem:v4+s7+$0x0], $0xffff  }
0x465: {  	v5 =	vld [tilespmem:s3+$0xFFFFFFC0]  }
0x466: {  	v6 =	vld [tilespmem:s3+$0xFFFFFFE0];
	_ =	sdelay $0x3  }
0x467: {  	v2 =	vmul.f32 v2, v4;
	v5 =	vmul.f32 v5, v4  }
0x468: {  	v3 =	vmul.f32 v3, v4;
	v6 =	vmul.f32 v6, v4;
	v4 =	vor.u32 $0x2, v1  }
0x469: {  	[tilespmem:s3+$0xFFFFFFC0] =	vst v5  }
0x46a: {  	[tilespmem:s3+$0xFFFFFFD0] =	vst v2  }
0x46b: {  	[tilespmem:s3+$0xFFFFFFF0] =	vst v3;
	v2 =	vld [tilespmem:s3+$0x30]  }
0x46c: {  	[tilespmem:s3+$0xFFFFFFE0] =	vst v6;
	v3 =	vld [tilespmem:s3+$0x0]  }
0x46d: {  	v5 =	vld.idx.msk [tilespmem:v4+s7+$0x0], $0xffff  }
0x46e: {  	v4 =	vld [tilespmem:s3+$0x10]  }
0x46f: {  	v6 =	vld [tilespmem:s3+$0x20];
	_ =	sdelay $0x3  }
.Ltmp20:
0x470: {  	v7 =	vmul.f32 v3, v5;
	v4 =	vmul.f32 v4, v5;
	(pc) =	sbr.rel @p0 .LBB2_42-.Ltmp20, $4  }
0x471: {  	v2 =	vmul.f32 v2, v5;
	v3 =	vor.u32 $0x3, v1;
	v6 =	vmul.f32 v6, v5  }
0x472: {  	[tilespmem:s3+$0x0] =	vst v7  }
0x473: {  	[tilespmem:s3+$0x30] =	vst v2  }
0x474: {  	[tilespmem:s3+$0x20] =	vst v6;
	v2 =	vld [tilespmem:s3+$0x40]  }
0x475: {  	_ =	sdelay $0x2  }
0x476: {  	[tilespmem:s0+$0x10] =	vst v4  }
0x477: {  	v1 =	vld.idx.msk [tilespmem:v3+s7+$0x0], $0xffff  }
0x478: {  	v3 =	vld [tilespmem:s0+$0x50]  }
0x479: {  	v63 =	vld [tilespmem:s0+$0x70]  }
0x47a: {  	v5 =	vld [tilespmem:s0+$0x60];
	_ =	sdelay $0x1  }
0x47b: {  	v2 =	vmul.f32 v2, v1  }
0x47c: {  	v3 =	vmul.f32 v3, v1  }
0x47d: {  	v4 =	vmul.f32 v63, v1;
	[tilespmem:s0+$0x40] =	vst v2  }
0x47e: {  	v1 =	vmul.f32 v5, v1;
	[tilespmem:s0+$0x50] =	vst v3  }
0x47f: {  	[tilespmem:s0+$0x70] =	vst v4  }
0x480: {  	s18 =	rddreg [dreg:$0x2];
	s1 =	simm.s32 $0xA5A0;
	s2 =	simm.s32 $0x5080;
	[tilespmem:s0+$0x60] =	vst v1  }
0x481: {  	[spmem:s18] =	stream.indirect.scatter.add.f32 [tilespmem:s1], [sflag:$0x6], $0x40, s2, s12, $0xb8;
	[tilespmem:$0x1E820] =	vst v63  }
0x482: {  	s19 =	rddreg [dreg:$0x3];
	s20 =	simm.s32 $0xB  }
0x483: {  	[spmem:s19] =	stream.indirect.scatter.add.f32 [tilespmem:s7], [sflag:$0xB], $0x1, s2, s12, $0xb8;
	[tilespmem:$0x1E820] =	vst v63  }
0x484: {  	_ =	swait.ge [sflag:s20], $0x80  }
0x485: {  	[sflag:s20] =	ssyncset.done $0x0  }
0x486: {  	s22 =	simm.s32 $0xA;
	[sflag:s20] =	ssyncadd.s32 $0xFFFFFF80  }
0x487: {  	_ =	swait.ge [sflag:s22], $0x2000  }
0x488: {  	[sflag:s22] =	ssyncset.done $0x0  }
0x489: {  	s23 =	simm.s32 $0x6;
	[sflag:s22] =	ssyncadd.s32 $0xFFFFE000  }
0x48a: {  	_ =	swait.ge [sflag:s23], $0x2000  }
0x48b: {  	[sflag:s23] =	ssyncset.done $0x0  }
0x48c: {  	[sflag:s23] =	ssyncadd.s32 $0xFFFFE000  }
0x48d: {  	_ =	swait.ge [sflag:s20], $0x80  }
0x48e: {  	[sflag:s20] =	ssyncset.done $0x0  }
0x48f: {  	[sflag:s20] =	ssyncadd.s32 $0xFFFFFF80  }
0x490: {  	_ =	swait.ge [sflag:s20], $0x80  }
0x491: {  	[sflag:s20] =	ssyncset.done $0x0  }
0x492: {  	[sflag:s20] =	ssyncadd.s32 $0xFFFFFF80  }
0x493: {  	_ =	swait.ge [sflag:s20], $0x80  }
0x494: {  	[sflag:s20] =	ssyncset.done $0x0  }
0x495: {  	[sflag:s20] =	ssyncadd.s32 $0xFFFFFF80  }
0x496: {  	_ =	swait.ge [sflag:s20], $0x80  }
0x497: {  	[sflag:s20] =	ssyncset.done $0x0  }
0x498: {  	[sflag:s20] =	ssyncadd.s32 $0xFFFFFF80  }
0x499: {  	s24 =	stileid.u32;
	[bflag:$0x0] =	sbarrier.arrive $0xFFFF  }
0x49a: {  	s4 =	simm.s32 $0xC;
	s0 =	sshll.u32 s24, $0x6;
	s8 =	rddreg [dreg:$0x8]  }
0x49b: {  	s0 =	sor.u32 $0x1C0C, s0;
	s26 =	rddreg [dreg:$0xe];
	s25 =	sshrl.u32 s8, $0x3  }
0x49c: {  	[hbm:s26], [sflag:s0] =	dma.local [spmem:s25], $0x1400  }
0x49d: {  	_ =	swait.ge [sflag:s4], $0x1400  }
0x49e: {  	[sflag:s4] =	ssyncset.done $0x0;
	s5 =	rddreg [dreg:$0xd]  }
0x49f: {  	s30 =	rddreg [dreg:$0xf];
	[sflag:s4] =	ssyncadd.s32 $0xFFFFEC00;
	s28 =	sshrl.u32 s5, $0x3  }
0x4a0: {  	[hbm:s30], [sflag:s0] =	dma.local [spmem:s28], $0x50  }
0x4a1: {  	_ =	swait.ge [sflag:s4], $0x50  }
0x4a2: {  	s10 =	rddreg [dreg:$0x19]  }
0x4a3: {  	s31 =	rddreg [dreg:$0x11];
	s10 =	sadd.s32 $0x1, s10  }
0x4a4: {  	p0 =	sne.s32 s10, s31  }
.Ltmp21:
0x4a5: {  	_ = 	snop;
	(pc) =	sbr.rel @p0 .LBB2_1-.Ltmp21, $4  }
.Ltmp22:
0x4a6: {  	_ = 	snop;
	(pc) =	sbr.rel @!p0 .LBB2_44-.Ltmp22, $4  }
0x4a7: {  	_ = 	snop  }
0x4a8: {  	[sflag:s4] =	ssyncset.done $0x0  }
0x4a9: {  	s9 =	rddreg [dreg:$0x13];
	[sflag:s4] =	ssyncadd.s32 $0xFFFFFFB0  }
0x4aa: {  	_ = 	snop  }
.LBB2_8:
.Ltmp23:
0x4ab: {  	(pc) =	sbr.rel .LBB2_15-.Ltmp23, $2  }
0x4ac: {  	_ =	sdelay $0x2  }
0x4ad: {  	s0 =	simm.s32 $0x0;
	s3 =	smov.u32 s9  }
.LBB2_10:
.Ltmp24:
0x4ae: {  	(pc) =	sbr.rel .LBB2_15-.Ltmp24, $2  }
0x4af: {  	_ =	sdelay $0x2  }
0x4b0: {  	s0 =	simm.s32 $0x10;
	s3 =	smov.u32 s9  }
.LBB2_12:
.Ltmp25:
0x4b1: {  	(pc) =	sbr.rel .LBB2_15-.Ltmp25, $2  }
0x4b2: {  	_ =	sdelay $0x2  }
0x4b3: {  	s3 =	smov.u32 s9;
	s4 =	simm.s32 $0x10  }
.LBB2_44:
0x4b4: {  	_ =	sfence.sel $0x180000  }
0x4b5: {  	[bflag:$0x0] =	sbarrier.arrive $0xFFFF  }
0x4b6: {  	_ =	strace $0x90000047  }
0x4b7: {  	s0 =	stileid.u32;
	[bflag:$0x2] =	sbarrier.arrive $0xFFFF  }
0x4b8: {  	p0 =	sne.s32 s0, $0x0;
	s0 =	rddreg [dreg:$0x4]  }
0x4b9: {  	s0 =	sadd.s32 @!p0 $0x100000, s0  }
0x4ba: {  	[sflag:s0] =	ssyncadd.tile.s32 @!p0 $0x1;
	_ =	shalt  }
.Lfunc_end2:
_tile_overlayer_lowered:
.L_overlay_start_2:
0x4bb: {  	(tag) =	ssettag $0x2  }
0x4bc: {  	s0 =	rddreg [dreg:$0x0];
	s2 =	stileid.u32  }
0x4bd: {  	s1 =	rddreg [dreg:$0x1];
	p0 =	sne.s32 s2, $0x0  }
0x4be: {  	s3 =	rddreg [dreg:$0x2];
	[bflag:$0x3] =	sbarrier.arrive $0xFFFF;
	s2 =	simm.s32 @!p0 $0x1C0C  }
0x4bf: {  	[timem:s3], [sflag:s2] =	dma.local @!p0 [hbm:s0], s1  }
0x4c0: {  	s0 =	simm.s32 @!p0 $0xC  }
0x4c1: {  	_ =	swait.ge @!p0 [sflag:s0], s1  }
0x4c2: {  	s1 =	ssub.s32 @!p0 $0x0, s1;
	[sflag:s0] =	ssyncset.done @!p0 $0x0  }
0x4c3: {  	[sflag:s0] =	ssyncadd.s32 @!p0 s1  }
0x4c4: {  	[bflag:$0x3] =	sbarrier.arrive $0xFFFF  }
0x4c5: {  	_ =	shalt  }

</sc_bundles>
